<compile_context>
chip_gen: v7x
topology: tpu7x:2x2x1
jax: 0.10.2.dev20260603
libtpu: 0.0.44.dev20260713+nightly
codegen_flags: <defaults>
</compile_context>

<pallas_src>
import functools

import jax
import jax.numpy as jnp
from jax import lax
from jax.experimental import pallas as pl
from jax.experimental.pallas import tpu as pltpu
from jax.experimental.pallas import tpu_sc as plsc

N = 10000
D = 128
E = 320000
G = 16
C = 10

NC, NS, L = 2, 16, 16
CH = 128
TCHUNK = 160
CAP = TCHUNK * CH
EP = NS * CAP
CAPF = (TCHUNK + 3) * CH
DUMP = N
HALF_N = 5120
ACC_R = HALF_N + CH
NACB = ACC_R // CH
DEG_COLS = 10240
DEG_CHUNK = DEG_COLS // NS
HPASS = 4
HSZ = DEG_COLS // HPASS
RB = 400
NRB = N // RB

_mesh = plsc.VectorSubcoreMesh(
    core_axis_name="c", subcore_axis_name="s", num_cores=NC, num_subcores=NS)
_sc_params = pltpu.CompilerParams(needs_layout_passes=False)


@functools.partial(
    pl.kernel,
    out_type=(
        jax.ShapeDtypeStruct((NC, DEG_COLS), jnp.float32),
        jax.ShapeDtypeStruct((NC, NS, CAPF), jnp.int32),
        jax.ShapeDtypeStruct((NC, NS, CAPF), jnp.int32),
        jax.ShapeDtypeStruct((NC, NS, L), jnp.int32),
    ),
    mesh=_mesh,
    scratch_types=[
        pltpu.VMEM((CAPF,), jnp.int32),
        pltpu.VMEM((CAPF,), jnp.int32),
        pltpu.VMEM((DEG_COLS,), jnp.float32),
        pltpu.VMEM((L, HSZ), jnp.float32),
        pltpu.VMEM((NS, DEG_CHUNK), jnp.float32),
        pltpu.VMEM((DEG_CHUNK,), jnp.float32),
        pltpu.VMEM((L,), jnp.int32),
        pltpu.VMEM_SHARED((NS, DEG_COLS), jnp.float32),
    ],
    compiler_params=_sc_params,
)
def _prep_kernel(src_hbm, dst_hbm, deg_out, srcc_out, dstc_out, cnt_out,
                 src_v, dst_v, hist, hist2, rbuf, sum_v, cnt_v, shared):
    c = lax.axis_index("c")
    s = lax.axis_index("s")
    pltpu.sync_copy(src_hbm.at[s], src_v.at[pl.ds(0, CAP)])
    pltpu.sync_copy(dst_hbm.at[s], dst_v.at[pl.ds(0, CAP)])
    zero16 = jnp.zeros((L,), jnp.float32)
    ones16 = jnp.ones((L,), jnp.float32)
    lanes = lax.iota(jnp.int32, L)

    ebase = c * (CAP // 2)
    for p in range(HPASS):
        def zbody(j, _):
            for r in range(L):
                hist2[r, pl.ds(j * L, L)] = zero16
            return 0
        lax.fori_loop(0, HSZ // L, zbody, 0)

        base = p * HSZ

        def ebody(j, _):
            idx = dst_v[pl.ds(ebase + j * L, L)]
            loc = idx - base
            msk = (loc >= 0) & (loc < HSZ)
            locc = jnp.clip(loc, 0, HSZ - 1)
            plsc.addupdate_scatter(hist2, [lanes, locc], ones16, mask=msk)
            return 0
        lax.fori_loop(0, CAP // 2 // L, ebody, 0)

        def lred(j, _):
            acc = hist2[0, pl.ds(j * L, L)]
            for r in range(1, L):
                acc = acc + hist2[r, pl.ds(j * L, L)]
            hist[pl.ds(base + j * L, L)] = acc
            return 0
        lax.fori_loop(0, HSZ // L, lred, 0)

    pltpu.sync_copy(hist, shared.at[s])
    plsc.subcore_barrier()
    for r in range(NS):
        pltpu.sync_copy(shared.at[r, pl.ds(s * DEG_CHUNK, DEG_CHUNK)],
                        rbuf.at[r])

    def sbody(j, _):
        acc = rbuf[0, pl.ds(j * L, L)]
        for r in range(1, NS):
            acc = acc + rbuf[r, pl.ds(j * L, L)]
        sum_v[pl.ds(j * L, L)] = acc
        return 0
    lax.fori_loop(0, DEG_CHUNK // L, sbody, 0)
    pltpu.sync_copy(sum_v, deg_out.at[c, pl.ds(s * DEG_CHUNK, DEG_CHUNK)])

    nbase = c * HALF_N

    def cbody(i, ptr):
        idx = dst_v[pl.ds(i * L, L)]
        sv = src_v[pl.ds(i * L, L)]
        loc = idx - nbase
        msk = (loc >= 0) & (loc < HALF_N) & (idx < N)
        plsc.store_compressed(dst_v.at[pl.ds(ptr, L)], loc, mask=msk)
        plsc.store_compressed(src_v.at[pl.ds(ptr, L)], sv, mask=msk)
        return ptr + jnp.sum(msk.astype(jnp.int32))
    count = lax.fori_loop(0, CAP // L, cbody, 0)

    zero16i = jnp.zeros((L,), jnp.int32)
    for t in range(17):
        dump16 = HALF_N + lanes + (t % 8) * L
        dst_v[pl.ds(count + t * L, L)] = dump16
        src_v[pl.ds(count + t * L, L)] = zero16i
    nch = (count + CH - 1) // CH
    nch2 = jnp.maximum(nch + (nch & 1), 2)

    pltpu.sync_copy(src_v, srcc_out.at[c, s])
    pltpu.sync_copy(dst_v, dstc_out.at[c, s])
    cnt_v[pl.ds(0, L)] = jnp.full((L,), nch2, jnp.int32)
    pltpu.sync_copy(cnt_v, cnt_out.at[c, s])


NCHC = CAPF // CH
OUT_R = NC * HALF_N + NC * CH


@functools.partial(
    pl.kernel,
    out_type=jax.ShapeDtypeStruct((OUT_R, D), jnp.float32),
    mesh=_mesh,
    scratch_types=[
        pltpu.VMEM((NCHC, CH), jnp.int32),
        pltpu.VMEM((NCHC, CH), jnp.int32),
        pltpu.VMEM((L,), jnp.int32),
        pltpu.VMEM((CH, D), jnp.float32),
        pltpu.VMEM((CH, D), jnp.float32),
        pltpu.VMEM_SHARED((ACC_R, D), jnp.float32),
        pltpu.SemaphoreType.DMA,
        pltpu.SemaphoreType.DMA,
    ],
    compiler_params=_sc_params,
)
def _scatter_kernel(rows_hbm, srcc_hbm, dstc_hbm, cnt_hbm, acc_out,
                    src_v, dst_v, cnt_v, buf0, buf1, acc, sem0, sem1):
    c = lax.axis_index("c")
    s = lax.axis_index("s")
    pltpu.sync_copy(srcc_hbm.at[c, s], src_v)
    pltpu.sync_copy(dstc_hbm.at[c, s], dst_v)
    pltpu.sync_copy(cnt_hbm.at[c, s], cnt_v)
    nch2 = cnt_v[pl.ds(0, L)][0]

    zero16 = jnp.zeros((L,), jnp.float32)

    def zb(i, _):
        for l in range(D // L):
            buf0[i, pl.ds(l * L, L)] = zero16
        return 0
    lax.fori_loop(0, CH, zb, 0)

    def za(k, _):
        blk = s + NS * k
        @pl.when(blk < NACB)
        def _():
            pltpu.sync_copy(buf0, acc.at[pl.ds(blk * CH, CH)])
        return 0
    lax.fori_loop(0, (NACB + NS - 1) // NS, za, 0)
    plsc.subcore_barrier()

    pltpu.async_copy(rows_hbm.at[src_v.at[0]], buf0, sem0)
    pltpu.async_copy(rows_hbm.at[src_v.at[1]], buf1, sem1)
    half = nch2 // 2

    def mbody(g, _):
        j0 = 2 * g
        j1 = 2 * g + 1
        pltpu.make_async_copy(rows_hbm.at[src_v.at[j0]], buf0, sem0).wait()
        pltpu.sync_copy(buf0, acc.at[dst_v.at[j0]], add=True)

        @pl.when(g < half - 1)
        def _():
            pltpu.async_copy(rows_hbm.at[src_v.at[j0 + 2]], buf0, sem0)

        pltpu.make_async_copy(rows_hbm.at[src_v.at[j1]], buf1, sem1).wait()
        pltpu.sync_copy(buf1, acc.at[dst_v.at[j1]], add=True)

        @pl.when(g < half - 1)
        def _():
            pltpu.async_copy(rows_hbm.at[src_v.at[j1 + 2]], buf1, sem1)
        return 0
    lax.fori_loop(0, half, mbody, 0)
    plsc.subcore_barrier()

    def wb(k, _):
        blk = s + NS * k
        @pl.when(blk < NACB)
        def _():
            off = jnp.where(blk < NACB - 1, c * HALF_N + blk * CH,
                            NC * HALF_N + c * CH)
            pltpu.sync_copy(acc.at[pl.ds(blk * CH, CH)],
                            acc_out.at[pl.ds(off, CH)])
        return 0
    lax.fori_loop(0, (NACB + NS - 1) // NS, wb, 0)


def _mm1_body(x_ref, deg_ref, w_ref, o_ref):
    degs = deg_ref[..., 0] + deg_ref[..., 1] + 1.0
    dinv = lax.rsqrt(degs)
    hw = jnp.dot(x_ref[...], w_ref[...], preferred_element_type=jnp.float32)
    o_ref[...] = hw * dinv[:, None]


def _layer2_body(p_ref, hwp_ref, deg_ref, b_ref, w_ref, o_ref):
    degs = deg_ref[..., 0] + deg_ref[..., 1] + 1.0
    dinv = lax.rsqrt(degs)
    h = (p_ref[...] + hwp_ref[...]) * dinv[:, None] + b_ref[...]
    h = jnp.maximum(h, 0.0)
    hw = jnp.dot(h, w_ref[...], preferred_element_type=jnp.float32)
    o_ref[...] = hw * dinv[:, None]


def _pool_body(q_ref, hwp_ref, deg_ref, b_ref, batch_ref,
               wlin_ref, blin_ref, o_ref, pooled, cnts):
    i = pl.program_id(0)

    @pl.when(i == 0)
    def _():
        pooled[...] = jnp.zeros_like(pooled)
        cnts[...] = jnp.zeros_like(cnts)

    degs = deg_ref[..., 0] + deg_ref[..., 1] + 1.0
    dinv = lax.rsqrt(degs)
    h = (q_ref[...] + hwp_ref[...]) * dinv[:, None] + b_ref[...]
    h = jnp.maximum(h, 0.0)
    b = batch_ref[0, 0, :]
    oh = (lax.broadcasted_iota(jnp.int32, (G, RB), 0) == b[None, :])
    oh = oh.astype(jnp.float32)
    pooled[...] += jnp.dot(oh, h, preferred_element_type=jnp.float32)
    cnts[...] += jnp.dot(oh, jnp.ones((RB, D), jnp.float32),
                         preferred_element_type=jnp.float32)

    @pl.when(i == NRB - 1)
    def _():
        pm = pooled[...] / jnp.maximum(cnts[...], 1.0)
        o_ref[...] = (jnp.dot(pm, wlin_ref[...],
                              preferred_element_type=jnp.float32)
                      + blin_ref[...])


def _mm_scale(x, deg2, W1):
    return pl.pallas_call(
        _mm1_body,
        grid=(NRB,),
        in_specs=[
            pl.BlockSpec((RB, D), lambda i: (i, 0)),
            pl.BlockSpec((RB, 2), lambda i: (i, 0)),
            pl.BlockSpec((D, D), lambda i: (0, 0)),
        ],
        out_specs=pl.BlockSpec((RB, D), lambda i: (i, 0)),
        out_shape=jax.ShapeDtypeStruct((N, D), jnp.float32),
    )(x, deg2, W1)


def _layer2(p, hwp, deg2, b1r, W2):
    return pl.pallas_call(
        _layer2_body,
        grid=(NRB,),
        in_specs=[
            pl.BlockSpec((RB, D), lambda i: (i, 0)),
            pl.BlockSpec((RB, D), lambda i: (i, 0)),
            pl.BlockSpec((RB, 2), lambda i: (i, 0)),
            pl.BlockSpec((1, D), lambda i: (0, 0)),
            pl.BlockSpec((D, D), lambda i: (0, 0)),
        ],
        out_specs=pl.BlockSpec((RB, D), lambda i: (i, 0)),
        out_shape=jax.ShapeDtypeStruct((N, D), jnp.float32),
    )(p, hwp, deg2, b1r, W2)


def _pool(q, hwp, deg2, b2r, batch, Wlin, blinr):
    return pl.pallas_call(
        _pool_body,
        grid=(NRB,),
        in_specs=[
            pl.BlockSpec((RB, D), lambda i: (i, 0)),
            pl.BlockSpec((RB, D), lambda i: (i, 0)),
            pl.BlockSpec((RB, 2), lambda i: (i, 0)),
            pl.BlockSpec((1, D), lambda i: (0, 0)),
            pl.BlockSpec((1, 1, RB), lambda i: (i, 0, 0)),
            pl.BlockSpec((D, C), lambda i: (0, 0)),
            pl.BlockSpec((1, C), lambda i: (0, 0)),
        ],
        out_specs=pl.BlockSpec((G, C), lambda i: (0, 0)),
        out_shape=jax.ShapeDtypeStruct((G, C), jnp.float32),
        scratch_shapes=[
            pltpu.VMEM((G, D), jnp.float32),
            pltpu.VMEM((G, D), jnp.float32),
        ],
    )(q, hwp, deg2, b2r, batch, Wlin, blinr)


def kernel(x, edge_index, batch, W1, b1, W2, b2, Wlin, blin):
    src = edge_index[0]
    dst = edge_index[1]
    pad = EP - E
    srcp = jnp.concatenate(
        [src, jnp.zeros((pad,), jnp.int32)]).reshape(NS, CAP)
    dstp = jnp.concatenate(
        [dst, jnp.full((pad,), DUMP, jnp.int32)]).reshape(NS, CAP)

    degp, srcc, dstc, cnt = _prep_kernel(srcp, dstp)
    deg2 = degp[:, :N].T
    srcc = srcc.reshape(NC, NS, NCHC, CH)
    dstc = dstc.reshape(NC, NS, NCHC, CH)

    hw1 = _mm_scale(x, deg2, W1)
    acc1 = _scatter_kernel(hw1, srcc, dstc, cnt)
    hw2 = _layer2(acc1, hw1, deg2, b1.reshape(1, D), W2)
    acc2 = _scatter_kernel(hw2, srcc, dstc, cnt)
    return _pool(acc2, hw2, deg2, b2.reshape(1, D),
                 batch.reshape(NRB, 1, RB), Wlin, blin.reshape(1, C))

# --- scband reference (transcript-rebuilt; emitter-appended) ---
"""Pipeline reference for scband-simple-gnn-63239098466369 (READ-ONLY COPY).

The authoritative reference and input builder live on the scoring server;
editing this copy changes nothing except your own understanding.
"""

import jax, jax.numpy as jnp
import numpy as np

N = 10000
E = 320000
D = 128
H = 128
O = 128
C = 10
G = 16


def gcn_conv(h, src, dst, W, b, num_nodes):
    # GCNConv: add self-loops, symmetric normalization, linear transform, scatter-add
    loops = jnp.arange(num_nodes, dtype=src.dtype)
    s = jnp.concatenate([src, loops])
    d = jnp.concatenate([dst, loops])
    deg = jnp.zeros((num_nodes,), dtype=jnp.float32).at[d].add(1.0)
    dinv = 1.0 / jnp.sqrt(jnp.clip(deg, 1.0))
    norm = dinv[s] * dinv[d]
    hw = h @ W
    msg = hw[s] * norm[:, None]
    out = jnp.zeros((num_nodes, W.shape[1]), dtype=hw.dtype).at[d].add(msg)
    return out + b


def setup_inputs(seed: int = 0) -> dict:
    key = jax.random.key(seed)
    ks = jax.random.split(key, 8)
    x = jax.random.normal(ks[0], (N, D), dtype=jnp.float32)
    edge_index = jax.random.randint(ks[1], (2, E), 0, N, dtype=jnp.int32)
    batch = jnp.sort(jax.random.randint(ks[2], (N,), 0, G, dtype=jnp.int32))
    W1 = jax.random.normal(ks[3], (D, H), dtype=jnp.float32) * (1.0 / np.sqrt(D))
    b1 = jnp.zeros((H,), dtype=jnp.float32)
    W2 = jax.random.normal(ks[4], (H, O), dtype=jnp.float32) * (1.0 / np.sqrt(H))
    b2 = jnp.zeros((O,), dtype=jnp.float32)
    Wlin = jax.random.normal(ks[5], (O, C), dtype=jnp.float32) * (1.0 / np.sqrt(O))
    blin = jnp.zeros((C,), dtype=jnp.float32)
    return {"x": x, "edge_index": edge_index, "batch": batch,
            "W1": W1, "b1": b1, "W2": W2, "b2": b2, "Wlin": Wlin, "blin": blin}


def reference(x, edge_index, batch, W1, b1, W2, b2, Wlin, blin):
    src, dst = edge_index[0], edge_index[1]
    h = gcn_conv(x, src, dst, W1, b1, N)
    h = jax.nn.relu(h)
    # dropout p=0.5 is identity in eval mode
    h = gcn_conv(h, src, dst, W2, b2, N)
    h = jax.nn.relu(h)
    # global_mean_pool over batch assignment
    sums = jax.ops.segment_sum(h, batch, num_segments=G)
    counts = jax.ops.segment_sum(jnp.ones((N,), dtype=jnp.float32), batch, num_segments=G)
    pooled = sums / jnp.clip(counts, 1.0)[:, None]
    return pooled @ Wlin + blin

if __name__ == "__main__":
    import jax
    _d = setup_inputs()
    print(jax.jit(kernel)(*tuple(_d.values())))

</pallas_src>

<mosaic_0001>
#map = affine_map<(d0, d1) -> (0, 0)>
#map1 = affine_map<(d0, d1) -> (0, 0, 0, 0)>
#map2 = affine_map<(d0, d1) -> (0, 0, 0)>
module attributes {stable_mosaic.version = 14 : i64} {
  func.func @_scatter_kernel(%arg0: i32, %arg1: i32, %arg2: memref<10000x128xf32, #tpu.memory_space<hbm>>, %arg3: memref<2x16x163x128xi32, #tpu.memory_space<hbm>>, %arg4: memref<2x16x163x128xi32, #tpu.memory_space<hbm>>, %arg5: memref<2x16x16xi32, #tpu.memory_space<hbm>>, %arg6: memref<10496x128xf32, #tpu.memory_space<hbm>>, %arg7: memref<163x128xi32, #tpu.memory_space<vmem>>, %arg8: memref<163x128xi32, #tpu.memory_space<vmem>>, %arg9: memref<16xi32, #tpu.memory_space<vmem>>, %arg10: memref<128x128xf32, #tpu.memory_space<vmem>>, %arg11: memref<128x128xf32, #tpu.memory_space<vmem>>, %arg12: memref<5248x128xf32, #tpu.memory_space<vmem_shared>>, %arg13: memref<!tpu.dma_semaphore, #tpu.memory_space<semaphore_mem>>, %arg14: memref<!tpu.dma_semaphore, #tpu.memory_space<semaphore_mem>>) attributes {dimension_semantics = [#tpu.dimension_semantics<core_parallel>, #tpu.dimension_semantics<subcore_parallel>], iteration_bounds = array<i64: 2, 16>, scalar_prefetch = 0 : i64, scratch_operands = 8 : i64, tpu.core_type = #tpu.core_type<sc_vector_subcore>, window_params = [{transform_indices = #map}, {transform_indices = #map1}, {transform_indices = #map1}, {transform_indices = #map2}, {transform_indices = #map}]} {
    "tpu.region"() ({
      %run_scoped3A = tpu.sem_alloc : memref<!tpu.dma_semaphore, #tpu.memory_space<semaphore_mem>>
      %dma_start3A_63 = arith.constant 0 : i32
      %dma_start3A_64 = arith.constant 0 : i32
      %dma_start3A_65 = tpu.memref_slice %arg3[%arg0, %arg1, %dma_start3A_63, %dma_start3A_64] : memref<2x16x163x128xi32, #tpu.memory_space<hbm>> -> memref<1x1x163x128xi32, #tpu.memory_space<hbm>>
      %dma_start3A_66 = tpu.memref_squeeze %dma_start3A_65 : memref<1x1x163x128xi32, #tpu.memory_space<hbm>> -> memref<163x128xi32, #tpu.memory_space<hbm>>
      %dma_start3A_67 = arith.constant 0 : i32
      %dma_start3A_68 = arith.constant 0 : i32
      %dma_start3A_69 = tpu.memref_slice %arg3[%arg0, %arg1, %dma_start3A_67, %dma_start3A_68] : memref<2x16x163x128xi32, #tpu.memory_space<hbm>> -> memref<1x1x163x128xi32, #tpu.memory_space<hbm>>
      %dma_start3A_70 = tpu.memref_squeeze %dma_start3A_69 : memref<1x1x163x128xi32, #tpu.memory_space<hbm>> -> memref<163x128xi32, #tpu.memory_space<hbm>>
      tpu.enqueue_dma source(%dma_start3A_70 : memref<163x128xi32, #tpu.memory_space<hbm>>) target(%arg7 : memref<163x128xi32, #tpu.memory_space<vmem>>) target_semaphore(%run_scoped3A : memref<!tpu.dma_semaphore, #tpu.memory_space<semaphore_mem>>)
      %dma_wait3A = arith.constant 0 : i32
      %dma_wait3A_71 = arith.constant 0 : i32
      %dma_wait3A_72 = tpu.memref_slice %arg3[%arg0, %arg1, %dma_wait3A, %dma_wait3A_71] : memref<2x16x163x128xi32, #tpu.memory_space<hbm>> -> memref<1x1x163x128xi32, #tpu.memory_space<hbm>>
      %dma_wait3A_73 = tpu.memref_squeeze %dma_wait3A_72 : memref<1x1x163x128xi32, #tpu.memory_space<hbm>> -> memref<163x128xi32, #tpu.memory_space<hbm>>
      %dma_wait3A_74 = arith.constant 0 : i32
      %dma_wait3A_75 = arith.constant 0 : i32
      %dma_wait3A_76 = tpu.memref_slice %arg3[%arg0, %arg1, %dma_wait3A_74, %dma_wait3A_75] : memref<2x16x163x128xi32, #tpu.memory_space<hbm>> -> memref<1x1x163x128xi32, #tpu.memory_space<hbm>>
      %dma_wait3A_77 = tpu.memref_squeeze %dma_wait3A_76 : memref<1x1x163x128xi32, #tpu.memory_space<hbm>> -> memref<163x128xi32, #tpu.memory_space<hbm>>
      tpu.wait_dma2 semaphore(%run_scoped3A : memref<!tpu.dma_semaphore, #tpu.memory_space<semaphore_mem>>) src(%dma_wait3A_77 : memref<163x128xi32, #tpu.memory_space<hbm>>) dst(%arg7 : memref<163x128xi32, #tpu.memory_space<vmem>>)
      tpu.yield
    }) : () -> ()
    "tpu.region"() ({
      %run_scoped3A = tpu.sem_alloc : memref<!tpu.dma_semaphore, #tpu.memory_space<semaphore_mem>>
      %dma_start3A_63 = arith.constant 0 : i32
      %dma_start3A_64 = arith.constant 0 : i32
      %dma_start3A_65 = tpu.memref_slice %arg4[%arg0, %arg1, %dma_start3A_63, %dma_start3A_64] : memref<2x16x163x128xi32, #tpu.memory_space<hbm>> -> memref<1x1x163x128xi32, #tpu.memory_space<hbm>>
      %dma_start3A_66 = tpu.memref_squeeze %dma_start3A_65 : memref<1x1x163x128xi32, #tpu.memory_space<hbm>> -> memref<163x128xi32, #tpu.memory_space<hbm>>
      %dma_start3A_67 = arith.constant 0 : i32
      %dma_start3A_68 = arith.constant 0 : i32
      %dma_start3A_69 = tpu.memref_slice %arg4[%arg0, %arg1, %dma_start3A_67, %dma_start3A_68] : memref<2x16x163x128xi32, #tpu.memory_space<hbm>> -> memref<1x1x163x128xi32, #tpu.memory_space<hbm>>
      %dma_start3A_70 = tpu.memref_squeeze %dma_start3A_69 : memref<1x1x163x128xi32, #tpu.memory_space<hbm>> -> memref<163x128xi32, #tpu.memory_space<hbm>>
      tpu.enqueue_dma source(%dma_start3A_70 : memref<163x128xi32, #tpu.memory_space<hbm>>) target(%arg8 : memref<163x128xi32, #tpu.memory_space<vmem>>) target_semaphore(%run_scoped3A : memref<!tpu.dma_semaphore, #tpu.memory_space<semaphore_mem>>)
      %dma_wait3A = arith.constant 0 : i32
      %dma_wait3A_71 = arith.constant 0 : i32
      %dma_wait3A_72 = tpu.memref_slice %arg4[%arg0, %arg1, %dma_wait3A, %dma_wait3A_71] : memref<2x16x163x128xi32, #tpu.memory_space<hbm>> -> memref<1x1x163x128xi32, #tpu.memory_space<hbm>>
      %dma_wait3A_73 = tpu.memref_squeeze %dma_wait3A_72 : memref<1x1x163x128xi32, #tpu.memory_space<hbm>> -> memref<163x128xi32, #tpu.memory_space<hbm>>
      %dma_wait3A_74 = arith.constant 0 : i32
      %dma_wait3A_75 = arith.constant 0 : i32
      %dma_wait3A_76 = tpu.memref_slice %arg4[%arg0, %arg1, %dma_wait3A_74, %dma_wait3A_75] : memref<2x16x163x128xi32, #tpu.memory_space<hbm>> -> memref<1x1x163x128xi32, #tpu.memory_space<hbm>>
      %dma_wait3A_77 = tpu.memref_squeeze %dma_wait3A_76 : memref<1x1x163x128xi32, #tpu.memory_space<hbm>> -> memref<163x128xi32, #tpu.memory_space<hbm>>
      tpu.wait_dma2 semaphore(%run_scoped3A : memref<!tpu.dma_semaphore, #tpu.memory_space<semaphore_mem>>) src(%dma_wait3A_77 : memref<163x128xi32, #tpu.memory_space<hbm>>) dst(%arg8 : memref<163x128xi32, #tpu.memory_space<vmem>>)
      tpu.yield
    }) : () -> ()
    "tpu.region"() ({
      %run_scoped3A = tpu.sem_alloc : memref<!tpu.dma_semaphore, #tpu.memory_space<semaphore_mem>>
      %dma_start3A_63 = arith.constant 0 : i32
      %dma_start3A_64 = tpu.memref_slice %arg5[%arg0, %arg1, %dma_start3A_63] : memref<2x16x16xi32, #tpu.memory_space<hbm>> -> memref<1x1x16xi32, #tpu.memory_space<hbm>>
      %dma_start3A_65 = tpu.memref_squeeze %dma_start3A_64 : memref<1x1x16xi32, #tpu.memory_space<hbm>> -> memref<16xi32, #tpu.memory_space<hbm>>
      %dma_start3A_66 = arith.constant 0 : i32
      %dma_start3A_67 = tpu.memref_slice %arg5[%arg0, %arg1, %dma_start3A_66] : memref<2x16x16xi32, #tpu.memory_space<hbm>> -> memref<1x1x16xi32, #tpu.memory_space<hbm>>
      %dma_start3A_68 = tpu.memref_squeeze %dma_start3A_67 : memref<1x1x16xi32, #tpu.memory_space<hbm>> -> memref<16xi32, #tpu.memory_space<hbm>>
      tpu.enqueue_dma source(%dma_start3A_68 : memref<16xi32, #tpu.memory_space<hbm>>) target(%arg9 : memref<16xi32, #tpu.memory_space<vmem>>) target_semaphore(%run_scoped3A : memref<!tpu.dma_semaphore, #tpu.memory_space<semaphore_mem>>)
      %dma_wait3A = arith.constant 0 : i32
      %dma_wait3A_69 = tpu.memref_slice %arg5[%arg0, %arg1, %dma_wait3A] : memref<2x16x16xi32, #tpu.memory_space<hbm>> -> memref<1x1x16xi32, #tpu.memory_space<hbm>>
      %dma_wait3A_70 = tpu.memref_squeeze %dma_wait3A_69 : memref<1x1x16xi32, #tpu.memory_space<hbm>> -> memref<16xi32, #tpu.memory_space<hbm>>
      %dma_wait3A_71 = arith.constant 0 : i32
      %dma_wait3A_72 = tpu.memref_slice %arg5[%arg0, %arg1, %dma_wait3A_71] : memref<2x16x16xi32, #tpu.memory_space<hbm>> -> memref<1x1x16xi32, #tpu.memory_space<hbm>>
      %dma_wait3A_73 = tpu.memref_squeeze %dma_wait3A_72 : memref<1x1x16xi32, #tpu.memory_space<hbm>> -> memref<16xi32, #tpu.memory_space<hbm>>
      tpu.wait_dma2 semaphore(%run_scoped3A : memref<!tpu.dma_semaphore, #tpu.memory_space<semaphore_mem>>) src(%dma_wait3A_73 : memref<16xi32, #tpu.memory_space<hbm>>) dst(%arg9 : memref<16xi32, #tpu.memory_space<vmem>>)
      tpu.yield
    }) : () -> ()
    %get3A = arith.constant 0 : index
    %get3A_0 = tpu.vector_load %arg9[%get3A] {strides = array<i32>} : memref<16xi32, #tpu.memory_space<vmem>>, vector<16xi32>,
    %slice3A = vector.extract_strided_slice %get3A_0 {offsets = [0], sizes = [1], strides = [1]} : vector<16xi32> to vector<1xi32>
    %squeeze3A = vector.extract %slice3A[0] : i32 from vector<1xi32>
    %broadcast_in_dim3A = arith.constant 0.000000e+00 : f32
    %broadcast_in_dim3A_1 = vector.broadcast %broadcast_in_dim3A : f32 to vector<16xf32>
    %scan3A = arith.constant 0 : i32
    %scan3A_2 = arith.constant 0 : i32
    %scan3A_3 = arith.constant 128 : i32
    %scan3A_4 = arith.addi %scan3A_2, %scan3A_3 : i32
    %scan3A_5 = arith.constant 1 : i32
    %scan3A_6 = scf.for %scan3A_63 = %scan3A_2 to %scan3A_4 step %scan3A_5 iter_args(%scan3A_64 = %scan3A) -> (i32)  : i32 {
      %swap3A = arith.index_cast %scan3A_63 : i32 to index
      %swap3A_65 = arith.constant 0 : index
      %swap3A_66 = tpu.vector_load %arg10[%swap3A, %swap3A_65] {strides = array<i32>} : memref<128x128xf32, #tpu.memory_space<vmem>>, vector<16xf32>,
      tpu.vector_store %arg10[%swap3A, %swap3A_65], %broadcast_in_dim3A_1 {strides = array<i32>} : memref<128x128xf32, #tpu.memory_space<vmem>>, vector<16xf32>,
      %swap3A_67 = arith.index_cast %scan3A_63 : i32 to index
      %swap3A_68 = arith.constant 16 : index
      %swap3A_69 = tpu.vector_load %arg10[%swap3A_67, %swap3A_68] {strides = array<i32>} : memref<128x128xf32, #tpu.memory_space<vmem>>, vector<16xf32>,
      tpu.vector_store %arg10[%swap3A_67, %swap3A_68], %broadcast_in_dim3A_1 {strides = array<i32>} : memref<128x128xf32, #tpu.memory_space<vmem>>, vector<16xf32>,
      %swap3A_70 = arith.index_cast %scan3A_63 : i32 to index
      %swap3A_71 = arith.constant 32 : index
      %swap3A_72 = tpu.vector_load %arg10[%swap3A_70, %swap3A_71] {strides = array<i32>} : memref<128x128xf32, #tpu.memory_space<vmem>>, vector<16xf32>,
      tpu.vector_store %arg10[%swap3A_70, %swap3A_71], %broadcast_in_dim3A_1 {strides = array<i32>} : memref<128x128xf32, #tpu.memory_space<vmem>>, vector<16xf32>,
      %swap3A_73 = arith.index_cast %scan3A_63 : i32 to index
      %swap3A_74 = arith.constant 48 : index
      %swap3A_75 = tpu.vector_load %arg10[%swap3A_73, %swap3A_74] {strides = array<i32>} : memref<128x128xf32, #tpu.memory_space<vmem>>, vector<16xf32>,
      tpu.vector_store %arg10[%swap3A_73, %swap3A_74], %broadcast_in_dim3A_1 {strides = array<i32>} : memref<128x128xf32, #tpu.memory_space<vmem>>, vector<16xf32>,
      %swap3A_76 = arith.index_cast %scan3A_63 : i32 to index
      %swap3A_77 = arith.constant 64 : index
      %swap3A_78 = tpu.vector_load %arg10[%swap3A_76, %swap3A_77] {strides = array<i32>} : memref<128x128xf32, #tpu.memory_space<vmem>>, vector<16xf32>,
      tpu.vector_store %arg10[%swap3A_76, %swap3A_77], %broadcast_in_dim3A_1 {strides = array<i32>} : memref<128x128xf32, #tpu.memory_space<vmem>>, vector<16xf32>,
      %swap3A_79 = arith.index_cast %scan3A_63 : i32 to index
      %swap3A_80 = arith.constant 80 : index
      %swap3A_81 = tpu.vector_load %arg10[%swap3A_79, %swap3A_80] {strides = array<i32>} : memref<128x128xf32, #tpu.memory_space<vmem>>, vector<16xf32>,
      tpu.vector_store %arg10[%swap3A_79, %swap3A_80], %broadcast_in_dim3A_1 {strides = array<i32>} : memref<128x128xf32, #tpu.memory_space<vmem>>, vector<16xf32>,
      %swap3A_82 = arith.index_cast %scan3A_63 : i32 to index
      %swap3A_83 = arith.constant 96 : index
      %swap3A_84 = tpu.vector_load %arg10[%swap3A_82, %swap3A_83] {strides = array<i32>} : memref<128x128xf32, #tpu.memory_space<vmem>>, vector<16xf32>,
      tpu.vector_store %arg10[%swap3A_82, %swap3A_83], %broadcast_in_dim3A_1 {strides = array<i32>} : memref<128x128xf32, #tpu.memory_space<vmem>>, vector<16xf32>,
      %swap3A_85 = arith.index_cast %scan3A_63 : i32 to index
      %swap3A_86 = arith.constant 112 : index
      %swap3A_87 = tpu.vector_load %arg10[%swap3A_85, %swap3A_86] {strides = array<i32>} : memref<128x128xf32, #tpu.memory_space<vmem>>, vector<16xf32>,
      tpu.vector_store %arg10[%swap3A_85, %swap3A_86], %broadcast_in_dim3A_1 {strides = array<i32>} : memref<128x128xf32, #tpu.memory_space<vmem>>, vector<16xf32>,
      %scan3A_88 = arith.constant 0 : i32
      scf.yield %scan3A_88 : i32
    }
    %scan3A_7 = arith.constant 128 : i32
    %scan3A_8 = arith.constant 0 : i32
    %scan3A_9 = arith.constant 0 : i32
    %scan3A_10 = arith.constant 3 : i32
    %scan3A_11 = arith.addi %scan3A_9, %scan3A_10 : i32
    %scan3A_12 = arith.constant 1 : i32
    %scan3A_13 = scf.for %scan3A_63 = %scan3A_9 to %scan3A_11 step %scan3A_12 iter_args(%scan3A_64 = %scan3A_8) -> (i32)  : i32 {
      %mul3A = arith.constant 16 : i32
      %mul3A_65 = arith.muli %mul3A, %scan3A_63 : i32
      %add3A = arith.addi %arg1, %mul3A_65 : i32
      %lt3A = arith.constant 41 : i32
      %lt3A_66 = arith.cmpi slt, %add3A, %lt3A : i32
      %convert_element_type3A = arith.extui %lt3A_66 : i1 to i32
      %cond3A = arith.constant 0 : i32
      %cond3A_67 = arith.cmpi ne, %convert_element_type3A, %cond3A : i32
      scf.if %cond3A_67 {
        %mul3A_69 = arith.constant 128 : i32
        %mul3A_70 = arith.muli %add3A, %mul3A_69 : i32
        "tpu.region"() ({
          %run_scoped3A = tpu.sem_alloc : memref<!tpu.dma_semaphore, #tpu.memory_space<semaphore_mem>>
          %dma_start3A_71 = arith.constant 0 : i32
          %dma_start3A_72 = tpu.memref_slice %arg12[%mul3A_70, %dma_start3A_71] : memref<5248x128xf32, #tpu.memory_space<vmem_shared>> -> memref<128x128xf32, #tpu.memory_space<vmem_shared>>
          %dma_start3A_73 = arith.constant 0 : i32
          %dma_start3A_74 = tpu.memref_slice %arg12[%mul3A_70, %dma_start3A_73] : memref<5248x128xf32, #tpu.memory_space<vmem_shared>> -> memref<128x128xf32, #tpu.memory_space<vmem_shared>>
          tpu.enqueue_dma source(%arg10 : memref<128x128xf32, #tpu.memory_space<vmem>>) target(%dma_start3A_74 : memref<128x128xf32, #tpu.memory_space<vmem_shared>>) target_semaphore(%run_scoped3A : memref<!tpu.dma_semaphore, #tpu.memory_space<semaphore_mem>>)
          %dma_wait3A = arith.constant 0 : i32
          %dma_wait3A_75 = tpu.memref_slice %arg12[%mul3A_70, %dma_wait3A] : memref<5248x128xf32, #tpu.memory_space<vmem_shared>> -> memref<128x128xf32, #tpu.memory_space<vmem_shared>>
          %dma_wait3A_76 = arith.constant 0 : i32
          %dma_wait3A_77 = tpu.memref_slice %arg12[%mul3A_70, %dma_wait3A_76] : memref<5248x128xf32, #tpu.memory_space<vmem_shared>> -> memref<128x128xf32, #tpu.memory_space<vmem_shared>>
          tpu.wait_dma2 semaphore(%run_scoped3A : memref<!tpu.dma_semaphore, #tpu.memory_space<semaphore_mem>>) src(%arg10 : memref<128x128xf32, #tpu.memory_space<vmem>>) dst(%dma_wait3A_77 : memref<128x128xf32, #tpu.memory_space<vmem_shared>>)
          tpu.yield
        }) : () -> ()
      } else {
      }
      %scan3A_68 = arith.constant 0 : i32
      scf.yield %scan3A_68 : i32
    }
    %scan3A_14 = arith.constant 3 : i32
    %barrier3A = arith.constant 0 : index
    tpu.barrier barrier_id(%barrier3A)
    %dma_start3A = arith.constant 0 : i32
    %dma_start3A_15 = arith.constant 0 : i32
    %dma_start3A_16 = tpu.memref_slice %arg7[%dma_start3A, %dma_start3A_15] : memref<163x128xi32, #tpu.memory_space<vmem>> -> memref<1x128xi32, #tpu.memory_space<vmem>>
    %dma_start3A_17 = tpu.memref_squeeze %dma_start3A_16 : memref<1x128xi32, #tpu.memory_space<vmem>> -> memref<128xi32, #tpu.memory_space<vmem>>
    %dma_start3A_18 = arith.constant 0 : i32
    %dma_start3A_19 = arith.constant 0 : i32
    %dma_start3A_20 = tpu.memref_slice %arg2[%dma_start3A_18, %dma_start3A_19] : memref<10000x128xf32, #tpu.memory_space<hbm>> -> memref<10000x128xf32, #tpu.memory_space<hbm>>
    tpu.enqueue_indirect_dma source(%dma_start3A_20 : memref<10000x128xf32, #tpu.memory_space<hbm>>) target(%arg10 : memref<128x128xf32, #tpu.memory_space<vmem>>) offsets(%dma_start3A_17 : memref<128xi32, #tpu.memory_space<vmem>>) semaphore(%arg13 : memref<!tpu.dma_semaphore, #tpu.memory_space<semaphore_mem>>)
    %dma_start3A_21 = arith.constant 1 : i32
    %dma_start3A_22 = arith.constant 0 : i32
    %dma_start3A_23 = tpu.memref_slice %arg7[%dma_start3A_21, %dma_start3A_22] : memref<163x128xi32, #tpu.memory_space<vmem>> -> memref<1x128xi32, #tpu.memory_space<vmem>>
    %dma_start3A_24 = tpu.memref_squeeze %dma_start3A_23 : memref<1x128xi32, #tpu.memory_space<vmem>> -> memref<128xi32, #tpu.memory_space<vmem>>
    %dma_start3A_25 = arith.constant 0 : i32
    %dma_start3A_26 = arith.constant 0 : i32
    %dma_start3A_27 = tpu.memref_slice %arg2[%dma_start3A_25, %dma_start3A_26] : memref<10000x128xf32, #tpu.memory_space<hbm>> -> memref<10000x128xf32, #tpu.memory_space<hbm>>
    tpu.enqueue_indirect_dma source(%dma_start3A_27 : memref<10000x128xf32, #tpu.memory_space<hbm>>) target(%arg11 : memref<128x128xf32, #tpu.memory_space<vmem>>) offsets(%dma_start3A_24 : memref<128xi32, #tpu.memory_space<vmem>>) semaphore(%arg14 : memref<!tpu.dma_semaphore, #tpu.memory_space<semaphore_mem>>)
    %jit3A = arith.constant 2 : i32
    %div3A = arith.divsi %squeeze3A, %jit3A : i32
    %sign3A = arith.constant 0 : i32
    %sign3A_28 = arith.cmpi sgt, %squeeze3A, %sign3A : i32
    %sign3A_29 = arith.extui %sign3A_28 : i1 to i32
    %sign3A_30 = arith.constant 0 : i32
    %sign3A_31 = arith.cmpi slt, %squeeze3A, %sign3A_30 : i32
    %sign3A_32 = arith.extui %sign3A_31 : i1 to i32
    %sign3A_33 = arith.subi %sign3A_29, %sign3A_32 : i32
    %sign3A_34 = arith.constant 0 : i32
    %sign3A_35 = arith.cmpi sgt, %jit3A, %sign3A_34 : i32
    %sign3A_36 = arith.extui %sign3A_35 : i1 to i32
    %sign3A_37 = arith.constant 0 : i32
    %sign3A_38 = arith.cmpi slt, %jit3A, %sign3A_37 : i32
    %sign3A_39 = arith.extui %sign3A_38 : i1 to i32
    %sign3A_40 = arith.subi %sign3A_36, %sign3A_39 : i32
    %ne3A = arith.cmpi ne, %sign3A_33, %sign3A_40 : i32
    %rem3A = arith.remsi %squeeze3A, %jit3A : i32
    %ne3A_41 = arith.constant 0 : i32
    %ne3A_42 = arith.cmpi ne, %rem3A, %ne3A_41 : i32
    %and3A = arith.andi %ne3A, %ne3A_42 : i1
    %sub3A = arith.constant 1 : i32
    %sub3A_43 = arith.subi %div3A, %sub3A : i32
    %select_n3A = arith.select %and3A, %sub3A_43, %div3A : i32
    %while3A = arith.constant 0 : i32
    %while3A_44 = arith.constant 0 : i32
    %while3A_45 = arith.subi %select_n3A, %while3A : i32
    %while3A_46 = arith.addi %while3A, %while3A_45 : i32
    %while3A_47 = arith.constant 1 : i32
    %while3A_48 = arith.divsi %while3A_45, %while3A_47 : i32
    %while3A_49 = arith.muli %while3A_48, %while3A_47 : i32
    %while3A_50 = arith.addi %while3A, %while3A_49 : i32
    %while3A_51 = arith.constant 1 : i32
    %while3A_52 = scf.for %while3A_63 = %while3A to %while3A_50 step %while3A_51 iter_args(%while3A_64 = %while3A_44) -> (i32)  : i32 {
      %mul3A = arith.constant 2 : i32
      %mul3A_65 = arith.muli %mul3A, %while3A_63 : i32
      %mul3A_66 = arith.constant 2 : i32
      %mul3A_67 = arith.muli %mul3A_66, %while3A_63 : i32
      %add3A = arith.constant 1 : i32
      %add3A_68 = arith.addi %mul3A_67, %add3A : i32
      %dma_wait3A = arith.constant 0 : i32
      %dma_wait3A_69 = tpu.memref_slice %arg7[%mul3A_65, %dma_wait3A] : memref<163x128xi32, #tpu.memory_space<vmem>> -> memref<1x128xi32, #tpu.memory_space<vmem>>
      %dma_wait3A_70 = tpu.memref_squeeze %dma_wait3A_69 : memref<1x128xi32, #tpu.memory_space<vmem>> -> memref<128xi32, #tpu.memory_space<vmem>>
      %dma_wait3A_71 = arith.constant 0 : i32
      %dma_wait3A_72 = arith.constant 0 : i32
      %dma_wait3A_73 = tpu.memref_slice %arg2[%dma_wait3A_71, %dma_wait3A_72] : memref<10000x128xf32, #tpu.memory_space<hbm>> -> memref<10000x128xf32, #tpu.memory_space<hbm>>
      tpu.wait_indirect_dma semaphore(%arg13 : memref<!tpu.dma_semaphore, #tpu.memory_space<semaphore_mem>>) src(%dma_wait3A_73 : memref<10000x128xf32, #tpu.memory_space<hbm>>) dst(%arg10 : memref<128x128xf32, #tpu.memory_space<vmem>>)
      "tpu.region"() ({
        %run_scoped3A = tpu.sem_alloc : memref<!tpu.dma_semaphore, #tpu.memory_space<semaphore_mem>>
        %dma_start3A_90 = arith.constant 0 : i32
        %dma_start3A_91 = tpu.memref_slice %arg8[%mul3A_65, %dma_start3A_90] : memref<163x128xi32, #tpu.memory_space<vmem>> -> memref<1x128xi32, #tpu.memory_space<vmem>>
        %dma_start3A_92 = tpu.memref_squeeze %dma_start3A_91 : memref<1x128xi32, #tpu.memory_space<vmem>> -> memref<128xi32, #tpu.memory_space<vmem>>
        %dma_start3A_93 = arith.constant 0 : i32
        %dma_start3A_94 = arith.constant 0 : i32
        %dma_start3A_95 = tpu.memref_slice %arg12[%dma_start3A_93, %dma_start3A_94] : memref<5248x128xf32, #tpu.memory_space<vmem_shared>> -> memref<5248x128xf32, #tpu.memory_space<vmem_shared>>
        tpu.enqueue_indirect_dma source(%arg10 : memref<128x128xf32, #tpu.memory_space<vmem>>) target(%dma_start3A_95 : memref<5248x128xf32, #tpu.memory_space<vmem_shared>>) offsets(%dma_start3A_92 : memref<128xi32, #tpu.memory_space<vmem>>) semaphore(%run_scoped3A : memref<!tpu.dma_semaphore, #tpu.memory_space<semaphore_mem>>) {add = true}
        %dma_wait3A_96 = arith.constant 0 : i32
        %dma_wait3A_97 = tpu.memref_slice %arg8[%mul3A_65, %dma_wait3A_96] : memref<163x128xi32, #tpu.memory_space<vmem>> -> memref<1x128xi32, #tpu.memory_space<vmem>>
        %dma_wait3A_98 = tpu.memref_squeeze %dma_wait3A_97 : memref<1x128xi32, #tpu.memory_space<vmem>> -> memref<128xi32, #tpu.memory_space<vmem>>
        %dma_wait3A_99 = arith.constant 0 : i32
        %dma_wait3A_100 = arith.constant 0 : i32
        %dma_wait3A_101 = tpu.memref_slice %arg12[%dma_wait3A_99, %dma_wait3A_100] : memref<5248x128xf32, #tpu.memory_space<vmem_shared>> -> memref<5248x128xf32, #tpu.memory_space<vmem_shared>>
        tpu.wait_indirect_dma semaphore(%run_scoped3A : memref<!tpu.dma_semaphore, #tpu.memory_space<semaphore_mem>>) src(%arg10 : memref<128x128xf32, #tpu.memory_space<vmem>>) dst(%dma_wait3A_101 : memref<5248x128xf32, #tpu.memory_space<vmem_shared>>)
        tpu.yield
      }) : () -> ()
      %sub3A_74 = arith.constant 1 : i32
      %sub3A_75 = arith.subi %select_n3A, %sub3A_74 : i32
      %lt3A = arith.cmpi slt, %while3A_63, %sub3A_75 : i32
      %convert_element_type3A = arith.extui %lt3A : i1 to i32
      %cond3A = arith.constant 0 : i32
      %cond3A_76 = arith.cmpi ne, %convert_element_type3A, %cond3A : i32
      scf.if %cond3A_76 {
        %add3A_90 = arith.constant 2 : i32
        %add3A_91 = arith.addi %mul3A_65, %add3A_90 : i32
        %dma_start3A_92 = arith.constant 0 : i32
        %dma_start3A_93 = tpu.memref_slice %arg7[%add3A_91, %dma_start3A_92] : memref<163x128xi32, #tpu.memory_space<vmem>> -> memref<1x128xi32, #tpu.memory_space<vmem>>
        %dma_start3A_94 = tpu.memref_squeeze %dma_start3A_93 : memref<1x128xi32, #tpu.memory_space<vmem>> -> memref<128xi32, #tpu.memory_space<vmem>>
        %dma_start3A_95 = arith.constant 0 : i32
        %dma_start3A_96 = arith.constant 0 : i32
        %dma_start3A_97 = tpu.memref_slice %arg2[%dma_start3A_95, %dma_start3A_96] : memref<10000x128xf32, #tpu.memory_space<hbm>> -> memref<10000x128xf32, #tpu.memory_space<hbm>>
        tpu.enqueue_indirect_dma source(%dma_start3A_97 : memref<10000x128xf32, #tpu.memory_space<hbm>>) target(%arg10 : memref<128x128xf32, #tpu.memory_space<vmem>>) offsets(%dma_start3A_94 : memref<128xi32, #tpu.memory_space<vmem>>) semaphore(%arg13 : memref<!tpu.dma_semaphore, #tpu.memory_space<semaphore_mem>>)
      } else {
      }
      %dma_wait3A_77 = arith.constant 0 : i32
      %dma_wait3A_78 = tpu.memref_slice %arg7[%add3A_68, %dma_wait3A_77] : memref<163x128xi32, #tpu.memory_space<vmem>> -> memref<1x128xi32, #tpu.memory_space<vmem>>
      %dma_wait3A_79 = tpu.memref_squeeze %dma_wait3A_78 : memref<1x128xi32, #tpu.memory_space<vmem>> -> memref<128xi32, #tpu.memory_space<vmem>>
      %dma_wait3A_80 = arith.constant 0 : i32
      %dma_wait3A_81 = arith.constant 0 : i32
      %dma_wait3A_82 = tpu.memref_slice %arg2[%dma_wait3A_80, %dma_wait3A_81] : memref<10000x128xf32, #tpu.memory_space<hbm>> -> memref<10000x128xf32, #tpu.memory_space<hbm>>
      tpu.wait_indirect_dma semaphore(%arg14 : memref<!tpu.dma_semaphore, #tpu.memory_space<semaphore_mem>>) src(%dma_wait3A_82 : memref<10000x128xf32, #tpu.memory_space<hbm>>) dst(%arg11 : memref<128x128xf32, #tpu.memory_space<vmem>>)
      "tpu.region"() ({
        %run_scoped3A = tpu.sem_alloc : memref<!tpu.dma_semaphore, #tpu.memory_space<semaphore_mem>>
        %dma_start3A_90 = arith.constant 0 : i32
        %dma_start3A_91 = tpu.memref_slice %arg8[%add3A_68, %dma_start3A_90] : memref<163x128xi32, #tpu.memory_space<vmem>> -> memref<1x128xi32, #tpu.memory_space<vmem>>
        %dma_start3A_92 = tpu.memref_squeeze %dma_start3A_91 : memref<1x128xi32, #tpu.memory_space<vmem>> -> memref<128xi32, #tpu.memory_space<vmem>>
        %dma_start3A_93 = arith.constant 0 : i32
        %dma_start3A_94 = arith.constant 0 : i32
        %dma_start3A_95 = tpu.memref_slice %arg12[%dma_start3A_93, %dma_start3A_94] : memref<5248x128xf32, #tpu.memory_space<vmem_shared>> -> memref<5248x128xf32, #tpu.memory_space<vmem_shared>>
        tpu.enqueue_indirect_dma source(%arg11 : memref<128x128xf32, #tpu.memory_space<vmem>>) target(%dma_start3A_95 : memref<5248x128xf32, #tpu.memory_space<vmem_shared>>) offsets(%dma_start3A_92 : memref<128xi32, #tpu.memory_space<vmem>>) semaphore(%run_scoped3A : memref<!tpu.dma_semaphore, #tpu.memory_space<semaphore_mem>>) {add = true}
        %dma_wait3A_96 = arith.constant 0 : i32
        %dma_wait3A_97 = tpu.memref_slice %arg8[%add3A_68, %dma_wait3A_96] : memref<163x128xi32, #tpu.memory_space<vmem>> -> memref<1x128xi32, #tpu.memory_space<vmem>>
        %dma_wait3A_98 = tpu.memref_squeeze %dma_wait3A_97 : memref<1x128xi32, #tpu.memory_space<vmem>> -> memref<128xi32, #tpu.memory_space<vmem>>
        %dma_wait3A_99 = arith.constant 0 : i32
        %dma_wait3A_100 = arith.constant 0 : i32
        %dma_wait3A_101 = tpu.memref_slice %arg12[%dma_wait3A_99, %dma_wait3A_100] : memref<5248x128xf32, #tpu.memory_space<vmem_shared>> -> memref<5248x128xf32, #tpu.memory_space<vmem_shared>>
        tpu.wait_indirect_dma semaphore(%run_scoped3A : memref<!tpu.dma_semaphore, #tpu.memory_space<semaphore_mem>>) src(%arg11 : memref<128x128xf32, #tpu.memory_space<vmem>>) dst(%dma_wait3A_101 : memref<5248x128xf32, #tpu.memory_space<vmem_shared>>)
        tpu.yield
      }) : () -> ()
      %sub3A_83 = arith.constant 1 : i32
      %sub3A_84 = arith.subi %select_n3A, %sub3A_83 : i32
      %lt3A_85 = arith.cmpi slt, %while3A_63, %sub3A_84 : i32
      %convert_element_type3A_86 = arith.extui %lt3A_85 : i1 to i32
      %cond3A_87 = arith.constant 0 : i32
      %cond3A_88 = arith.cmpi ne, %convert_element_type3A_86, %cond3A_87 : i32
      scf.if %cond3A_88 {
        %add3A_90 = arith.constant 2 : i32
        %add3A_91 = arith.addi %add3A_68, %add3A_90 : i32
        %dma_start3A_92 = arith.constant 0 : i32
        %dma_start3A_93 = tpu.memref_slice %arg7[%add3A_91, %dma_start3A_92] : memref<163x128xi32, #tpu.memory_space<vmem>> -> memref<1x128xi32, #tpu.memory_space<vmem>>
        %dma_start3A_94 = tpu.memref_squeeze %dma_start3A_93 : memref<1x128xi32, #tpu.memory_space<vmem>> -> memref<128xi32, #tpu.memory_space<vmem>>
        %dma_start3A_95 = arith.constant 0 : i32
        %dma_start3A_96 = arith.constant 0 : i32
        %dma_start3A_97 = tpu.memref_slice %arg2[%dma_start3A_95, %dma_start3A_96] : memref<10000x128xf32, #tpu.memory_space<hbm>> -> memref<10000x128xf32, #tpu.memory_space<hbm>>
        tpu.enqueue_indirect_dma source(%dma_start3A_97 : memref<10000x128xf32, #tpu.memory_space<hbm>>) target(%arg11 : memref<128x128xf32, #tpu.memory_space<vmem>>) offsets(%dma_start3A_94 : memref<128xi32, #tpu.memory_space<vmem>>) semaphore(%arg14 : memref<!tpu.dma_semaphore, #tpu.memory_space<semaphore_mem>>)
      } else {
      }
      %while3A_89 = arith.constant 0 : i32
      scf.yield %while3A_89 : i32
    }
    %while3A_53 = arith.constant 1 : i32
    %while3A_54 = scf.for %while3A_63 = %while3A_50 to %while3A_46 step %while3A_53 iter_args(%while3A_64 = %while3A_52) -> (i32)  : i32 {
      %mul3A = arith.constant 2 : i32
      %mul3A_65 = arith.muli %mul3A, %while3A_63 : i32
      %mul3A_66 = arith.constant 2 : i32
      %mul3A_67 = arith.muli %mul3A_66, %while3A_63 : i32
      %add3A = arith.constant 1 : i32
      %add3A_68 = arith.addi %mul3A_67, %add3A : i32
      %dma_wait3A = arith.constant 0 : i32
      %dma_wait3A_69 = tpu.memref_slice %arg7[%mul3A_65, %dma_wait3A] : memref<163x128xi32, #tpu.memory_space<vmem>> -> memref<1x128xi32, #tpu.memory_space<vmem>>
      %dma_wait3A_70 = tpu.memref_squeeze %dma_wait3A_69 : memref<1x128xi32, #tpu.memory_space<vmem>> -> memref<128xi32, #tpu.memory_space<vmem>>
      %dma_wait3A_71 = arith.constant 0 : i32
      %dma_wait3A_72 = arith.constant 0 : i32
      %dma_wait3A_73 = tpu.memref_slice %arg2[%dma_wait3A_71, %dma_wait3A_72] : memref<10000x128xf32, #tpu.memory_space<hbm>> -> memref<10000x128xf32, #tpu.memory_space<hbm>>
      tpu.wait_indirect_dma semaphore(%arg13 : memref<!tpu.dma_semaphore, #tpu.memory_space<semaphore_mem>>) src(%dma_wait3A_73 : memref<10000x128xf32, #tpu.memory_space<hbm>>) dst(%arg10 : memref<128x128xf32, #tpu.memory_space<vmem>>)
      "tpu.region"() ({
        %run_scoped3A = tpu.sem_alloc : memref<!tpu.dma_semaphore, #tpu.memory_space<semaphore_mem>>
        %dma_start3A_90 = arith.constant 0 : i32
        %dma_start3A_91 = tpu.memref_slice %arg8[%mul3A_65, %dma_start3A_90] : memref<163x128xi32, #tpu.memory_space<vmem>> -> memref<1x128xi32, #tpu.memory_space<vmem>>
        %dma_start3A_92 = tpu.memref_squeeze %dma_start3A_91 : memref<1x128xi32, #tpu.memory_space<vmem>> -> memref<128xi32, #tpu.memory_space<vmem>>
        %dma_start3A_93 = arith.constant 0 : i32
        %dma_start3A_94 = arith.constant 0 : i32
        %dma_start3A_95 = tpu.memref_slice %arg12[%dma_start3A_93, %dma_start3A_94] : memref<5248x128xf32, #tpu.memory_space<vmem_shared>> -> memref<5248x128xf32, #tpu.memory_space<vmem_shared>>
        tpu.enqueue_indirect_dma source(%arg10 : memref<128x128xf32, #tpu.memory_space<vmem>>) target(%dma_start3A_95 : memref<5248x128xf32, #tpu.memory_space<vmem_shared>>) offsets(%dma_start3A_92 : memref<128xi32, #tpu.memory_space<vmem>>) semaphore(%run_scoped3A : memref<!tpu.dma_semaphore, #tpu.memory_space<semaphore_mem>>) {add = true}
        %dma_wait3A_96 = arith.constant 0 : i32
        %dma_wait3A_97 = tpu.memref_slice %arg8[%mul3A_65, %dma_wait3A_96] : memref<163x128xi32, #tpu.memory_space<vmem>> -> memref<1x128xi32, #tpu.memory_space<vmem>>
        %dma_wait3A_98 = tpu.memref_squeeze %dma_wait3A_97 : memref<1x128xi32, #tpu.memory_space<vmem>> -> memref<128xi32, #tpu.memory_space<vmem>>
        %dma_wait3A_99 = arith.constant 0 : i32
        %dma_wait3A_100 = arith.constant 0 : i32
        %dma_wait3A_101 = tpu.memref_slice %arg12[%dma_wait3A_99, %dma_wait3A_100] : memref<5248x128xf32, #tpu.memory_space<vmem_shared>> -> memref<5248x128xf32, #tpu.memory_space<vmem_shared>>
        tpu.wait_indirect_dma semaphore(%run_scoped3A : memref<!tpu.dma_semaphore, #tpu.memory_space<semaphore_mem>>) src(%arg10 : memref<128x128xf32, #tpu.memory_space<vmem>>) dst(%dma_wait3A_101 : memref<5248x128xf32, #tpu.memory_space<vmem_shared>>)
        tpu.yield
      }) : () -> ()
      %sub3A_74 = arith.constant 1 : i32
      %sub3A_75 = arith.subi %select_n3A, %sub3A_74 : i32
      %lt3A = arith.cmpi slt, %while3A_63, %sub3A_75 : i32
      %convert_element_type3A = arith.extui %lt3A : i1 to i32
      %cond3A = arith.constant 0 : i32
      %cond3A_76 = arith.cmpi ne, %convert_element_type3A, %cond3A : i32
      scf.if %cond3A_76 {
        %add3A_90 = arith.constant 2 : i32
        %add3A_91 = arith.addi %mul3A_65, %add3A_90 : i32
        %dma_start3A_92 = arith.constant 0 : i32
        %dma_start3A_93 = tpu.memref_slice %arg7[%add3A_91, %dma_start3A_92] : memref<163x128xi32, #tpu.memory_space<vmem>> -> memref<1x128xi32, #tpu.memory_space<vmem>>
        %dma_start3A_94 = tpu.memref_squeeze %dma_start3A_93 : memref<1x128xi32, #tpu.memory_space<vmem>> -> memref<128xi32, #tpu.memory_space<vmem>>
        %dma_start3A_95 = arith.constant 0 : i32
        %dma_start3A_96 = arith.constant 0 : i32
        %dma_start3A_97 = tpu.memref_slice %arg2[%dma_start3A_95, %dma_start3A_96] : memref<10000x128xf32, #tpu.memory_space<hbm>> -> memref<10000x128xf32, #tpu.memory_space<hbm>>
        tpu.enqueue_indirect_dma source(%dma_start3A_97 : memref<10000x128xf32, #tpu.memory_space<hbm>>) target(%arg10 : memref<128x128xf32, #tpu.memory_space<vmem>>) offsets(%dma_start3A_94 : memref<128xi32, #tpu.memory_space<vmem>>) semaphore(%arg13 : memref<!tpu.dma_semaphore, #tpu.memory_space<semaphore_mem>>)
      } else {
      }
      %dma_wait3A_77 = arith.constant 0 : i32
      %dma_wait3A_78 = tpu.memref_slice %arg7[%add3A_68, %dma_wait3A_77] : memref<163x128xi32, #tpu.memory_space<vmem>> -> memref<1x128xi32, #tpu.memory_space<vmem>>
      %dma_wait3A_79 = tpu.memref_squeeze %dma_wait3A_78 : memref<1x128xi32, #tpu.memory_space<vmem>> -> memref<128xi32, #tpu.memory_space<vmem>>
      %dma_wait3A_80 = arith.constant 0 : i32
      %dma_wait3A_81 = arith.constant 0 : i32
      %dma_wait3A_82 = tpu.memref_slice %arg2[%dma_wait3A_80, %dma_wait3A_81] : memref<10000x128xf32, #tpu.memory_space<hbm>> -> memref<10000x128xf32, #tpu.memory_space<hbm>>
      tpu.wait_indirect_dma semaphore(%arg14 : memref<!tpu.dma_semaphore, #tpu.memory_space<semaphore_mem>>) src(%dma_wait3A_82 : memref<10000x128xf32, #tpu.memory_space<hbm>>) dst(%arg11 : memref<128x128xf32, #tpu.memory_space<vmem>>)
      "tpu.region"() ({
        %run_scoped3A = tpu.sem_alloc : memref<!tpu.dma_semaphore, #tpu.memory_space<semaphore_mem>>
        %dma_start3A_90 = arith.constant 0 : i32
        %dma_start3A_91 = tpu.memref_slice %arg8[%add3A_68, %dma_start3A_90] : memref<163x128xi32, #tpu.memory_space<vmem>> -> memref<1x128xi32, #tpu.memory_space<vmem>>
        %dma_start3A_92 = tpu.memref_squeeze %dma_start3A_91 : memref<1x128xi32, #tpu.memory_space<vmem>> -> memref<128xi32, #tpu.memory_space<vmem>>
        %dma_start3A_93 = arith.constant 0 : i32
        %dma_start3A_94 = arith.constant 0 : i32
        %dma_start3A_95 = tpu.memref_slice %arg12[%dma_start3A_93, %dma_start3A_94] : memref<5248x128xf32, #tpu.memory_space<vmem_shared>> -> memref<5248x128xf32, #tpu.memory_space<vmem_shared>>
        tpu.enqueue_indirect_dma source(%arg11 : memref<128x128xf32, #tpu.memory_space<vmem>>) target(%dma_start3A_95 : memref<5248x128xf32, #tpu.memory_space<vmem_shared>>) offsets(%dma_start3A_92 : memref<128xi32, #tpu.memory_space<vmem>>) semaphore(%run_scoped3A : memref<!tpu.dma_semaphore, #tpu.memory_space<semaphore_mem>>) {add = true}
        %dma_wait3A_96 = arith.constant 0 : i32
        %dma_wait3A_97 = tpu.memref_slice %arg8[%add3A_68, %dma_wait3A_96] : memref<163x128xi32, #tpu.memory_space<vmem>> -> memref<1x128xi32, #tpu.memory_space<vmem>>
        %dma_wait3A_98 = tpu.memref_squeeze %dma_wait3A_97 : memref<1x128xi32, #tpu.memory_space<vmem>> -> memref<128xi32, #tpu.memory_space<vmem>>
        %dma_wait3A_99 = arith.constant 0 : i32
        %dma_wait3A_100 = arith.constant 0 : i32
        %dma_wait3A_101 = tpu.memref_slice %arg12[%dma_wait3A_99, %dma_wait3A_100] : memref<5248x128xf32, #tpu.memory_space<vmem_shared>> -> memref<5248x128xf32, #tpu.memory_space<vmem_shared>>
        tpu.wait_indirect_dma semaphore(%run_scoped3A : memref<!tpu.dma_semaphore, #tpu.memory_space<semaphore_mem>>) src(%arg11 : memref<128x128xf32, #tpu.memory_space<vmem>>) dst(%dma_wait3A_101 : memref<5248x128xf32, #tpu.memory_space<vmem_shared>>)
        tpu.yield
      }) : () -> ()
      %sub3A_83 = arith.constant 1 : i32
      %sub3A_84 = arith.subi %select_n3A, %sub3A_83 : i32
      %lt3A_85 = arith.cmpi slt, %while3A_63, %sub3A_84 : i32
      %convert_element_type3A_86 = arith.extui %lt3A_85 : i1 to i32
      %cond3A_87 = arith.constant 0 : i32
      %cond3A_88 = arith.cmpi ne, %convert_element_type3A_86, %cond3A_87 : i32
      scf.if %cond3A_88 {
        %add3A_90 = arith.constant 2 : i32
        %add3A_91 = arith.addi %add3A_68, %add3A_90 : i32
        %dma_start3A_92 = arith.constant 0 : i32
        %dma_start3A_93 = tpu.memref_slice %arg7[%add3A_91, %dma_start3A_92] : memref<163x128xi32, #tpu.memory_space<vmem>> -> memref<1x128xi32, #tpu.memory_space<vmem>>
        %dma_start3A_94 = tpu.memref_squeeze %dma_start3A_93 : memref<1x128xi32, #tpu.memory_space<vmem>> -> memref<128xi32, #tpu.memory_space<vmem>>
        %dma_start3A_95 = arith.constant 0 : i32
        %dma_start3A_96 = arith.constant 0 : i32
        %dma_start3A_97 = tpu.memref_slice %arg2[%dma_start3A_95, %dma_start3A_96] : memref<10000x128xf32, #tpu.memory_space<hbm>> -> memref<10000x128xf32, #tpu.memory_space<hbm>>
        tpu.enqueue_indirect_dma source(%dma_start3A_97 : memref<10000x128xf32, #tpu.memory_space<hbm>>) target(%arg11 : memref<128x128xf32, #tpu.memory_space<vmem>>) offsets(%dma_start3A_94 : memref<128xi32, #tpu.memory_space<vmem>>) semaphore(%arg14 : memref<!tpu.dma_semaphore, #tpu.memory_space<semaphore_mem>>)
      } else {
      }
      %while3A_89 = arith.constant 0 : i32
      scf.yield %while3A_89 : i32
    }
    %barrier3A_55 = arith.constant 0 : index
    tpu.barrier barrier_id(%barrier3A_55)
    %scan3A_56 = arith.constant 0 : i32
    %scan3A_57 = arith.constant 0 : i32
    %scan3A_58 = arith.constant 3 : i32
    %scan3A_59 = arith.addi %scan3A_57, %scan3A_58 : i32
    %scan3A_60 = arith.constant 1 : i32
    %scan3A_61 = scf.for %scan3A_63 = %scan3A_57 to %scan3A_59 step %scan3A_60 iter_args(%scan3A_64 = %scan3A_56) -> (i32)  : i32 {
      %mul3A = arith.constant 16 : i32
      %mul3A_65 = arith.muli %mul3A, %scan3A_63 : i32
      %add3A = arith.addi %arg1, %mul3A_65 : i32
      %lt3A = arith.constant 41 : i32
      %lt3A_66 = arith.cmpi slt, %add3A, %lt3A : i32
      %convert_element_type3A = arith.extui %lt3A_66 : i1 to i32
      %cond3A = arith.constant 0 : i32
      %cond3A_67 = arith.cmpi ne, %convert_element_type3A, %cond3A : i32
      scf.if %cond3A_67 {
        %lt3A_69 = arith.constant 40 : i32
        %lt3A_70 = arith.cmpi slt, %add3A, %lt3A_69 : i32
        %mul3A_71 = arith.constant 5120 : i32
        %mul3A_72 = arith.muli %arg0, %mul3A_71 : i32
        %mul3A_73 = arith.constant 128 : i32
        %mul3A_74 = arith.muli %add3A, %mul3A_73 : i32
        %add3A_75 = arith.addi %mul3A_72, %mul3A_74 : i32
        %mul3A_76 = arith.constant 128 : i32
        %mul3A_77 = arith.muli %arg0, %mul3A_76 : i32
        %add3A_78 = arith.constant 10240 : i32
        %add3A_79 = arith.addi %add3A_78, %mul3A_77 : i32
        %select_n3A_80 = arith.select %lt3A_70, %add3A_75, %add3A_79 : i32
        %mul3A_81 = arith.constant 128 : i32
        %mul3A_82 = arith.muli %add3A, %mul3A_81 : i32
        "tpu.region"() ({
          %run_scoped3A = tpu.sem_alloc : memref<!tpu.dma_semaphore, #tpu.memory_space<semaphore_mem>>
          %dma_start3A_83 = arith.constant 0 : i32
          %dma_start3A_84 = tpu.memref_slice %arg6[%select_n3A_80, %dma_start3A_83] : memref<10496x128xf32, #tpu.memory_space<hbm>> -> memref<128x128xf32, #tpu.memory_space<hbm>>
          %dma_start3A_85 = arith.constant 0 : i32
          %dma_start3A_86 = tpu.memref_slice %arg12[%mul3A_82, %dma_start3A_85] : memref<5248x128xf32, #tpu.memory_space<vmem_shared>> -> memref<128x128xf32, #tpu.memory_space<vmem_shared>>
          tpu.enqueue_dma source(%dma_start3A_86 : memref<128x128xf32, #tpu.memory_space<vmem_shared>>) target(%dma_start3A_84 : memref<128x128xf32, #tpu.memory_space<hbm>>) target_semaphore(%run_scoped3A : memref<!tpu.dma_semaphore, #tpu.memory_space<semaphore_mem>>)
          %dma_wait3A = arith.constant 0 : i32
          %dma_wait3A_87 = tpu.memref_slice %arg6[%select_n3A_80, %dma_wait3A] : memref<10496x128xf32, #tpu.memory_space<hbm>> -> memref<128x128xf32, #tpu.memory_space<hbm>>
          %dma_wait3A_88 = arith.constant 0 : i32
          %dma_wait3A_89 = tpu.memref_slice %arg12[%mul3A_82, %dma_wait3A_88] : memref<5248x128xf32, #tpu.memory_space<vmem_shared>> -> memref<128x128xf32, #tpu.memory_space<vmem_shared>>
          tpu.wait_dma2 semaphore(%run_scoped3A : memref<!tpu.dma_semaphore, #tpu.memory_space<semaphore_mem>>) src(%dma_wait3A_89 : memref<128x128xf32, #tpu.memory_space<vmem_shared>>) dst(%dma_wait3A_87 : memref<128x128xf32, #tpu.memory_space<hbm>>)
          tpu.yield
        }) : () -> ()
      } else {
      }
      %scan3A_68 = arith.constant 0 : i32
      scf.yield %scan3A_68 : i32
    }
    %scan3A_62 = arith.constant 3 : i32
    return
  }
}

#map = affine_map<(d0, d1) -> (0, 0)>
#map1 = affine_map<(d0, d1) -> (0, 0, 0)>
module attributes {stable_mosaic.version = 14 : i64} {
  func.func @_prep_kernel(%arg0: i32, %arg1: i32, %arg2: memref<16x20480xi32, #tpu.memory_space<hbm>>, %arg3: memref<16x20480xi32, #tpu.memory_space<hbm>>, %arg4: memref<2x10240xf32, #tpu.memory_space<hbm>>, %arg5: memref<2x16x20864xi32, #tpu.memory_space<hbm>>, %arg6: memref<2x16x20864xi32, #tpu.memory_space<hbm>>, %arg7: memref<2x16x16xi32, #tpu.memory_space<hbm>>, %arg8: memref<20864xi32, #tpu.memory_space<vmem>>, %arg9: memref<20864xi32, #tpu.memory_space<vmem>>, %arg10: memref<10240xf32, #tpu.memory_space<vmem>>, %arg11: memref<16x2560xf32, #tpu.memory_space<vmem>>, %arg12: memref<16x640xf32, #tpu.memory_space<vmem>>, %arg13: memref<640xf32, #tpu.memory_space<vmem>>, %arg14: memref<16xi32, #tpu.memory_space<vmem>>, %arg15: memref<16x10240xf32, #tpu.memory_space<vmem_shared>>) attributes {dimension_semantics = [#tpu.dimension_semantics<core_parallel>, #tpu.dimension_semantics<subcore_parallel>], iteration_bounds = array<i64: 2, 16>, scalar_prefetch = 0 : i64, scratch_operands = 8 : i64, tpu.core_type = #tpu.core_type<sc_vector_subcore>, window_params = [{transform_indices = #map}, {transform_indices = #map}, {transform_indices = #map}, {transform_indices = #map1}, {transform_indices = #map1}, {transform_indices = #map1}]} {
    "tpu.region"() ({
      %run_scoped3A_433 = tpu.sem_alloc : memref<!tpu.dma_semaphore, #tpu.memory_space<semaphore_mem>>
      %dma_start3A = arith.constant 0 : i32
      %dma_start3A_434 = tpu.memref_slice %arg8[%dma_start3A] : memref<20864xi32, #tpu.memory_space<vmem>> -> memref<20480xi32, #tpu.memory_space<vmem>>
      %dma_start3A_435 = arith.constant 0 : i32
      %dma_start3A_436 = tpu.memref_slice %arg2[%arg1, %dma_start3A_435] : memref<16x20480xi32, #tpu.memory_space<hbm>> -> memref<1x20480xi32, #tpu.memory_space<hbm>>
      %dma_start3A_437 = tpu.memref_squeeze %dma_start3A_436 : memref<1x20480xi32, #tpu.memory_space<hbm>> -> memref<20480xi32, #tpu.memory_space<hbm>>
      %dma_start3A_438 = arith.constant 0 : i32
      %dma_start3A_439 = tpu.memref_slice %arg8[%dma_start3A_438] : memref<20864xi32, #tpu.memory_space<vmem>> -> memref<20480xi32, #tpu.memory_space<vmem>>
      %dma_start3A_440 = arith.constant 0 : i32
      %dma_start3A_441 = tpu.memref_slice %arg2[%arg1, %dma_start3A_440] : memref<16x20480xi32, #tpu.memory_space<hbm>> -> memref<1x20480xi32, #tpu.memory_space<hbm>>
      %dma_start3A_442 = tpu.memref_squeeze %dma_start3A_441 : memref<1x20480xi32, #tpu.memory_space<hbm>> -> memref<20480xi32, #tpu.memory_space<hbm>>
      tpu.enqueue_dma source(%dma_start3A_442 : memref<20480xi32, #tpu.memory_space<hbm>>) target(%dma_start3A_439 : memref<20480xi32, #tpu.memory_space<vmem>>) target_semaphore(%run_scoped3A_433 : memref<!tpu.dma_semaphore, #tpu.memory_space<semaphore_mem>>)
      %dma_wait3A = arith.constant 0 : i32
      %dma_wait3A_443 = tpu.memref_slice %arg8[%dma_wait3A] : memref<20864xi32, #tpu.memory_space<vmem>> -> memref<20480xi32, #tpu.memory_space<vmem>>
      %dma_wait3A_444 = arith.constant 0 : i32
      %dma_wait3A_445 = tpu.memref_slice %arg2[%arg1, %dma_wait3A_444] : memref<16x20480xi32, #tpu.memory_space<hbm>> -> memref<1x20480xi32, #tpu.memory_space<hbm>>
      %dma_wait3A_446 = tpu.memref_squeeze %dma_wait3A_445 : memref<1x20480xi32, #tpu.memory_space<hbm>> -> memref<20480xi32, #tpu.memory_space<hbm>>
      %dma_wait3A_447 = arith.constant 0 : i32
      %dma_wait3A_448 = tpu.memref_slice %arg8[%dma_wait3A_447] : memref<20864xi32, #tpu.memory_space<vmem>> -> memref<20480xi32, #tpu.memory_space<vmem>>
      %dma_wait3A_449 = arith.constant 0 : i32
      %dma_wait3A_450 = tpu.memref_slice %arg2[%arg1, %dma_wait3A_449] : memref<16x20480xi32, #tpu.memory_space<hbm>> -> memref<1x20480xi32, #tpu.memory_space<hbm>>
      %dma_wait3A_451 = tpu.memref_squeeze %dma_wait3A_450 : memref<1x20480xi32, #tpu.memory_space<hbm>> -> memref<20480xi32, #tpu.memory_space<hbm>>
      tpu.wait_dma2 semaphore(%run_scoped3A_433 : memref<!tpu.dma_semaphore, #tpu.memory_space<semaphore_mem>>) src(%dma_wait3A_451 : memref<20480xi32, #tpu.memory_space<hbm>>) dst(%dma_wait3A_448 : memref<20480xi32, #tpu.memory_space<vmem>>)
      tpu.yield
    }) : () -> ()
    "tpu.region"() ({
      %run_scoped3A_433 = tpu.sem_alloc : memref<!tpu.dma_semaphore, #tpu.memory_space<semaphore_mem>>
      %dma_start3A = arith.constant 0 : i32
      %dma_start3A_434 = tpu.memref_slice %arg9[%dma_start3A] : memref<20864xi32, #tpu.memory_space<vmem>> -> memref<20480xi32, #tpu.memory_space<vmem>>
      %dma_start3A_435 = arith.constant 0 : i32
      %dma_start3A_436 = tpu.memref_slice %arg3[%arg1, %dma_start3A_435] : memref<16x20480xi32, #tpu.memory_space<hbm>> -> memref<1x20480xi32, #tpu.memory_space<hbm>>
      %dma_start3A_437 = tpu.memref_squeeze %dma_start3A_436 : memref<1x20480xi32, #tpu.memory_space<hbm>> -> memref<20480xi32, #tpu.memory_space<hbm>>
      %dma_start3A_438 = arith.constant 0 : i32
      %dma_start3A_439 = tpu.memref_slice %arg9[%dma_start3A_438] : memref<20864xi32, #tpu.memory_space<vmem>> -> memref<20480xi32, #tpu.memory_space<vmem>>
      %dma_start3A_440 = arith.constant 0 : i32
      %dma_start3A_441 = tpu.memref_slice %arg3[%arg1, %dma_start3A_440] : memref<16x20480xi32, #tpu.memory_space<hbm>> -> memref<1x20480xi32, #tpu.memory_space<hbm>>
      %dma_start3A_442 = tpu.memref_squeeze %dma_start3A_441 : memref<1x20480xi32, #tpu.memory_space<hbm>> -> memref<20480xi32, #tpu.memory_space<hbm>>
      tpu.enqueue_dma source(%dma_start3A_442 : memref<20480xi32, #tpu.memory_space<hbm>>) target(%dma_start3A_439 : memref<20480xi32, #tpu.memory_space<vmem>>) target_semaphore(%run_scoped3A_433 : memref<!tpu.dma_semaphore, #tpu.memory_space<semaphore_mem>>)
      %dma_wait3A = arith.constant 0 : i32
      %dma_wait3A_443 = tpu.memref_slice %arg9[%dma_wait3A] : memref<20864xi32, #tpu.memory_space<vmem>> -> memref<20480xi32, #tpu.memory_space<vmem>>
      %dma_wait3A_444 = arith.constant 0 : i32
      %dma_wait3A_445 = tpu.memref_slice %arg3[%arg1, %dma_wait3A_444] : memref<16x20480xi32, #tpu.memory_space<hbm>> -> memref<1x20480xi32, #tpu.memory_space<hbm>>
      %dma_wait3A_446 = tpu.memref_squeeze %dma_wait3A_445 : memref<1x20480xi32, #tpu.memory_space<hbm>> -> memref<20480xi32, #tpu.memory_space<hbm>>
      %dma_wait3A_447 = arith.constant 0 : i32
      %dma_wait3A_448 = tpu.memref_slice %arg9[%dma_wait3A_447] : memref<20864xi32, #tpu.memory_space<vmem>> -> memref<20480xi32, #tpu.memory_space<vmem>>
      %dma_wait3A_449 = arith.constant 0 : i32
      %dma_wait3A_450 = tpu.memref_slice %arg3[%arg1, %dma_wait3A_449] : memref<16x20480xi32, #tpu.memory_space<hbm>> -> memref<1x20480xi32, #tpu.memory_space<hbm>>
      %dma_wait3A_451 = tpu.memref_squeeze %dma_wait3A_450 : memref<1x20480xi32, #tpu.memory_space<hbm>> -> memref<20480xi32, #tpu.memory_space<hbm>>
      tpu.wait_dma2 semaphore(%run_scoped3A_433 : memref<!tpu.dma_semaphore, #tpu.memory_space<semaphore_mem>>) src(%dma_wait3A_451 : memref<20480xi32, #tpu.memory_space<hbm>>) dst(%dma_wait3A_448 : memref<20480xi32, #tpu.memory_space<vmem>>)
      tpu.yield
    }) : () -> ()
    %broadcast_in_dim3A = arith.constant 0.000000e+00 : f32
    %broadcast_in_dim3A_0 = vector.broadcast %broadcast_in_dim3A : f32 to vector<16xf32>
    %broadcast_in_dim3A_1 = arith.constant 1.000000e+00 : f32
    %broadcast_in_dim3A_2 = vector.broadcast %broadcast_in_dim3A_1 : f32 to vector<16xf32>
    %iota3A = tpu.iota {dimensions = array<i32: 0>} : vector<16xi32>
    %mul3A = arith.constant 10240 : i32
    %mul3A_3 = arith.muli %arg0, %mul3A : i32
    %scan3A = arith.constant 0 : i32
    %scan3A_4 = arith.constant 0 : i32
    %scan3A_5 = arith.constant 160 : i32
    %scan3A_6 = arith.addi %scan3A_4, %scan3A_5 : i32
    %scan3A_7 = arith.constant 1 : i32
    %scan3A_8 = scf.for %scan3A_433 = %scan3A_4 to %scan3A_6 step %scan3A_7 iter_args(%scan3A_434 = %scan3A) -> (i32)  : i32 {
      %mul3A_435 = arith.constant 16 : i32
      %mul3A_436 = arith.muli %scan3A_433, %mul3A_435 : i32
      %swap3A_437 = arith.constant 0 : i32
      %swap3A_438 = arith.index_cast %swap3A_437 : i32 to index
      %swap3A_439 = arith.index_cast %mul3A_436 : i32 to index
      %swap3A_440 = tpu.vector_load %arg11[%swap3A_438, %swap3A_439] {strides = array<i32>} : memref<16x2560xf32, #tpu.memory_space<vmem>>, vector<16xf32>,
      tpu.vector_store %arg11[%swap3A_438, %swap3A_439], %broadcast_in_dim3A_0 {strides = array<i32>} : memref<16x2560xf32, #tpu.memory_space<vmem>>, vector<16xf32>,
      %mul3A_441 = arith.constant 16 : i32
      %mul3A_442 = arith.muli %scan3A_433, %mul3A_441 : i32
      %swap3A_443 = arith.constant 1 : i32
      %swap3A_444 = arith.index_cast %swap3A_443 : i32 to index
      %swap3A_445 = arith.index_cast %mul3A_442 : i32 to index
      %swap3A_446 = tpu.vector_load %arg11[%swap3A_444, %swap3A_445] {strides = array<i32>} : memref<16x2560xf32, #tpu.memory_space<vmem>>, vector<16xf32>,
      tpu.vector_store %arg11[%swap3A_444, %swap3A_445], %broadcast_in_dim3A_0 {strides = array<i32>} : memref<16x2560xf32, #tpu.memory_space<vmem>>, vector<16xf32>,
      %mul3A_447 = arith.constant 16 : i32
      %mul3A_448 = arith.muli %scan3A_433, %mul3A_447 : i32
      %swap3A_449 = arith.constant 2 : i32
      %swap3A_450 = arith.index_cast %swap3A_449 : i32 to index
      %swap3A_451 = arith.index_cast %mul3A_448 : i32 to index
      %swap3A_452 = tpu.vector_load %arg11[%swap3A_450, %swap3A_451] {strides = array<i32>} : memref<16x2560xf32, #tpu.memory_space<vmem>>, vector<16xf32>,
      tpu.vector_store %arg11[%swap3A_450, %swap3A_451], %broadcast_in_dim3A_0 {strides = array<i32>} : memref<16x2560xf32, #tpu.memory_space<vmem>>, vector<16xf32>,
      %mul3A_453 = arith.constant 16 : i32
      %mul3A_454 = arith.muli %scan3A_433, %mul3A_453 : i32
      %swap3A_455 = arith.constant 3 : i32
      %swap3A_456 = arith.index_cast %swap3A_455 : i32 to index
      %swap3A_457 = arith.index_cast %mul3A_454 : i32 to index
      %swap3A_458 = tpu.vector_load %arg11[%swap3A_456, %swap3A_457] {strides = array<i32>} : memref<16x2560xf32, #tpu.memory_space<vmem>>, vector<16xf32>,
      tpu.vector_store %arg11[%swap3A_456, %swap3A_457], %broadcast_in_dim3A_0 {strides = array<i32>} : memref<16x2560xf32, #tpu.memory_space<vmem>>, vector<16xf32>,
      %mul3A_459 = arith.constant 16 : i32
      %mul3A_460 = arith.muli %scan3A_433, %mul3A_459 : i32
      %swap3A_461 = arith.constant 4 : i32
      %swap3A_462 = arith.index_cast %swap3A_461 : i32 to index
      %swap3A_463 = arith.index_cast %mul3A_460 : i32 to index
      %swap3A_464 = tpu.vector_load %arg11[%swap3A_462, %swap3A_463] {strides = array<i32>} : memref<16x2560xf32, #tpu.memory_space<vmem>>, vector<16xf32>,
      tpu.vector_store %arg11[%swap3A_462, %swap3A_463], %broadcast_in_dim3A_0 {strides = array<i32>} : memref<16x2560xf32, #tpu.memory_space<vmem>>, vector<16xf32>,
      %mul3A_465 = arith.constant 16 : i32
      %mul3A_466 = arith.muli %scan3A_433, %mul3A_465 : i32
      %swap3A_467 = arith.constant 5 : i32
      %swap3A_468 = arith.index_cast %swap3A_467 : i32 to index
      %swap3A_469 = arith.index_cast %mul3A_466 : i32 to index
      %swap3A_470 = tpu.vector_load %arg11[%swap3A_468, %swap3A_469] {strides = array<i32>} : memref<16x2560xf32, #tpu.memory_space<vmem>>, vector<16xf32>,
      tpu.vector_store %arg11[%swap3A_468, %swap3A_469], %broadcast_in_dim3A_0 {strides = array<i32>} : memref<16x2560xf32, #tpu.memory_space<vmem>>, vector<16xf32>,
      %mul3A_471 = arith.constant 16 : i32
      %mul3A_472 = arith.muli %scan3A_433, %mul3A_471 : i32
      %swap3A_473 = arith.constant 6 : i32
      %swap3A_474 = arith.index_cast %swap3A_473 : i32 to index
      %swap3A_475 = arith.index_cast %mul3A_472 : i32 to index
      %swap3A_476 = tpu.vector_load %arg11[%swap3A_474, %swap3A_475] {strides = array<i32>} : memref<16x2560xf32, #tpu.memory_space<vmem>>, vector<16xf32>,
      tpu.vector_store %arg11[%swap3A_474, %swap3A_475], %broadcast_in_dim3A_0 {strides = array<i32>} : memref<16x2560xf32, #tpu.memory_space<vmem>>, vector<16xf32>,
      %mul3A_477 = arith.constant 16 : i32
      %mul3A_478 = arith.muli %scan3A_433, %mul3A_477 : i32
      %swap3A_479 = arith.constant 7 : i32
      %swap3A_480 = arith.index_cast %swap3A_479 : i32 to index
      %swap3A_481 = arith.index_cast %mul3A_478 : i32 to index
      %swap3A_482 = tpu.vector_load %arg11[%swap3A_480, %swap3A_481] {strides = array<i32>} : memref<16x2560xf32, #tpu.memory_space<vmem>>, vector<16xf32>,
      tpu.vector_store %arg11[%swap3A_480, %swap3A_481], %broadcast_in_dim3A_0 {strides = array<i32>} : memref<16x2560xf32, #tpu.memory_space<vmem>>, vector<16xf32>,
      %mul3A_483 = arith.constant 16 : i32
      %mul3A_484 = arith.muli %scan3A_433, %mul3A_483 : i32
      %swap3A_485 = arith.constant 8 : i32
      %swap3A_486 = arith.index_cast %swap3A_485 : i32 to index
      %swap3A_487 = arith.index_cast %mul3A_484 : i32 to index
      %swap3A_488 = tpu.vector_load %arg11[%swap3A_486, %swap3A_487] {strides = array<i32>} : memref<16x2560xf32, #tpu.memory_space<vmem>>, vector<16xf32>,
      tpu.vector_store %arg11[%swap3A_486, %swap3A_487], %broadcast_in_dim3A_0 {strides = array<i32>} : memref<16x2560xf32, #tpu.memory_space<vmem>>, vector<16xf32>,
      %mul3A_489 = arith.constant 16 : i32
      %mul3A_490 = arith.muli %scan3A_433, %mul3A_489 : i32
      %swap3A_491 = arith.constant 9 : i32
      %swap3A_492 = arith.index_cast %swap3A_491 : i32 to index
      %swap3A_493 = arith.index_cast %mul3A_490 : i32 to index
      %swap3A_494 = tpu.vector_load %arg11[%swap3A_492, %swap3A_493] {strides = array<i32>} : memref<16x2560xf32, #tpu.memory_space<vmem>>, vector<16xf32>,
      tpu.vector_store %arg11[%swap3A_492, %swap3A_493], %broadcast_in_dim3A_0 {strides = array<i32>} : memref<16x2560xf32, #tpu.memory_space<vmem>>, vector<16xf32>,
      %mul3A_495 = arith.constant 16 : i32
      %mul3A_496 = arith.muli %scan3A_433, %mul3A_495 : i32
      %swap3A_497 = arith.constant 10 : i32
      %swap3A_498 = arith.index_cast %swap3A_497 : i32 to index
      %swap3A_499 = arith.index_cast %mul3A_496 : i32 to index
      %swap3A_500 = tpu.vector_load %arg11[%swap3A_498, %swap3A_499] {strides = array<i32>} : memref<16x2560xf32, #tpu.memory_space<vmem>>, vector<16xf32>,
      tpu.vector_store %arg11[%swap3A_498, %swap3A_499], %broadcast_in_dim3A_0 {strides = array<i32>} : memref<16x2560xf32, #tpu.memory_space<vmem>>, vector<16xf32>,
      %mul3A_501 = arith.constant 16 : i32
      %mul3A_502 = arith.muli %scan3A_433, %mul3A_501 : i32
      %swap3A_503 = arith.constant 11 : i32
      %swap3A_504 = arith.index_cast %swap3A_503 : i32 to index
      %swap3A_505 = arith.index_cast %mul3A_502 : i32 to index
      %swap3A_506 = tpu.vector_load %arg11[%swap3A_504, %swap3A_505] {strides = array<i32>} : memref<16x2560xf32, #tpu.memory_space<vmem>>, vector<16xf32>,
      tpu.vector_store %arg11[%swap3A_504, %swap3A_505], %broadcast_in_dim3A_0 {strides = array<i32>} : memref<16x2560xf32, #tpu.memory_space<vmem>>, vector<16xf32>,
      %mul3A_507 = arith.constant 16 : i32
      %mul3A_508 = arith.muli %scan3A_433, %mul3A_507 : i32
      %swap3A_509 = arith.constant 12 : i32
      %swap3A_510 = arith.index_cast %swap3A_509 : i32 to index
      %swap3A_511 = arith.index_cast %mul3A_508 : i32 to index
      %swap3A_512 = tpu.vector_load %arg11[%swap3A_510, %swap3A_511] {strides = array<i32>} : memref<16x2560xf32, #tpu.memory_space<vmem>>, vector<16xf32>,
      tpu.vector_store %arg11[%swap3A_510, %swap3A_511], %broadcast_in_dim3A_0 {strides = array<i32>} : memref<16x2560xf32, #tpu.memory_space<vmem>>, vector<16xf32>,
      %mul3A_513 = arith.constant 16 : i32
      %mul3A_514 = arith.muli %scan3A_433, %mul3A_513 : i32
      %swap3A_515 = arith.constant 13 : i32
      %swap3A_516 = arith.index_cast %swap3A_515 : i32 to index
      %swap3A_517 = arith.index_cast %mul3A_514 : i32 to index
      %swap3A_518 = tpu.vector_load %arg11[%swap3A_516, %swap3A_517] {strides = array<i32>} : memref<16x2560xf32, #tpu.memory_space<vmem>>, vector<16xf32>,
      tpu.vector_store %arg11[%swap3A_516, %swap3A_517], %broadcast_in_dim3A_0 {strides = array<i32>} : memref<16x2560xf32, #tpu.memory_space<vmem>>, vector<16xf32>,
      %mul3A_519 = arith.constant 16 : i32
      %mul3A_520 = arith.muli %scan3A_433, %mul3A_519 : i32
      %swap3A_521 = arith.constant 14 : i32
      %swap3A_522 = arith.index_cast %swap3A_521 : i32 to index
      %swap3A_523 = arith.index_cast %mul3A_520 : i32 to index
      %swap3A_524 = tpu.vector_load %arg11[%swap3A_522, %swap3A_523] {strides = array<i32>} : memref<16x2560xf32, #tpu.memory_space<vmem>>, vector<16xf32>,
      tpu.vector_store %arg11[%swap3A_522, %swap3A_523], %broadcast_in_dim3A_0 {strides = array<i32>} : memref<16x2560xf32, #tpu.memory_space<vmem>>, vector<16xf32>,
      %mul3A_525 = arith.constant 16 : i32
      %mul3A_526 = arith.muli %scan3A_433, %mul3A_525 : i32
      %swap3A_527 = arith.constant 15 : i32
      %swap3A_528 = arith.index_cast %swap3A_527 : i32 to index
      %swap3A_529 = arith.index_cast %mul3A_526 : i32 to index
      %swap3A_530 = tpu.vector_load %arg11[%swap3A_528, %swap3A_529] {strides = array<i32>} : memref<16x2560xf32, #tpu.memory_space<vmem>>, vector<16xf32>,
      tpu.vector_store %arg11[%swap3A_528, %swap3A_529], %broadcast_in_dim3A_0 {strides = array<i32>} : memref<16x2560xf32, #tpu.memory_space<vmem>>, vector<16xf32>,
      %scan3A_531 = arith.constant 0 : i32
      scf.yield %scan3A_531 : i32
    }
    %scan3A_9 = arith.constant 160 : i32
    %scan3A_10 = arith.constant 0 : i32
    %scan3A_11 = arith.constant 0 : i32
    %scan3A_12 = arith.constant 640 : i32
    %scan3A_13 = arith.addi %scan3A_11, %scan3A_12 : i32
    %scan3A_14 = arith.constant 1 : i32
    %scan3A_15 = scf.for %scan3A_433 = %scan3A_11 to %scan3A_13 step %scan3A_14 iter_args(%scan3A_434 = %scan3A_10) -> (i32)  : i32 {
      %mul3A_435 = arith.constant 16 : i32
      %mul3A_436 = arith.muli %scan3A_433, %mul3A_435 : i32
      %add3A_437 = arith.addi %mul3A_3, %mul3A_436 : i32
      %get3A = arith.index_cast %add3A_437 : i32 to index
      %get3A_438 = tpu.vector_load %arg9[%get3A] {strides = array<i32>} : memref<20864xi32, #tpu.memory_space<vmem>>, vector<16xi32>,
      %sub3A_439 = arith.constant 0 : i32
      %sub3A_440 = vector.broadcast %sub3A_439 : i32 to vector<16xi32>
      %sub3A_441 = arith.subi %get3A_438, %sub3A_440 : vector<16xi32>
      %ge3A = arith.constant 0 : i32
      %ge3A_442 = vector.broadcast %ge3A : i32 to vector<16xi32>
      %ge3A_443 = arith.cmpi sge, %sub3A_441, %ge3A_442 : vector<16xi32>
      %lt3A = arith.constant 2560 : i32
      %lt3A_444 = vector.broadcast %lt3A : i32 to vector<16xi32>
      %lt3A_445 = arith.cmpi slt, %sub3A_441, %lt3A_444 : vector<16xi32>
      %and3A_446 = arith.andi %ge3A_443, %lt3A_445 : vector<16xi1>
      %jit3A_447 = arith.constant 0 : i32
      %jit3A_448 = arith.constant 2559 : i32
      %max3A_449 = vector.broadcast %jit3A_447 : i32 to vector<16xi32>
      %max3A_450 = arith.maxsi %max3A_449, %sub3A_441 : vector<16xi32>
      %min3A = vector.broadcast %jit3A_448 : i32 to vector<16xi32>
      %min3A_451 = arith.minsi %min3A, %max3A_450 : vector<16xi32>
      tpu.vector_store_idx %arg11[%iota3A, %min3A_451], %broadcast_in_dim3A_2 masked %and3A_446 {add = true} : memref<16x2560xf32, #tpu.memory_space<vmem>>[vector<16xi32>, vector<16xi32>], vector<16xf32>, vector<16xi1>
      %scan3A_452 = arith.constant 0 : i32
      scf.yield %scan3A_452 : i32
    }
    %scan3A_16 = arith.constant 640 : i32
    %scan3A_17 = arith.constant 0 : i32
    %scan3A_18 = arith.constant 0 : i32
    %scan3A_19 = arith.constant 160 : i32
    %scan3A_20 = arith.addi %scan3A_18, %scan3A_19 : i32
    %scan3A_21 = arith.constant 1 : i32
    %scan3A_22 = scf.for %scan3A_433 = %scan3A_18 to %scan3A_20 step %scan3A_21 iter_args(%scan3A_434 = %scan3A_17) -> (i32)  : i32 {
      %mul3A_435 = arith.constant 16 : i32
      %mul3A_436 = arith.muli %scan3A_433, %mul3A_435 : i32
      %get3A = arith.constant 0 : i32
      %get3A_437 = arith.index_cast %get3A : i32 to index
      %get3A_438 = arith.index_cast %mul3A_436 : i32 to index
      %get3A_439 = tpu.vector_load %arg11[%get3A_437, %get3A_438] {strides = array<i32>} : memref<16x2560xf32, #tpu.memory_space<vmem>>, vector<16xf32>,
      %mul3A_440 = arith.constant 16 : i32
      %mul3A_441 = arith.muli %scan3A_433, %mul3A_440 : i32
      %get3A_442 = arith.constant 1 : i32
      %get3A_443 = arith.index_cast %get3A_442 : i32 to index
      %get3A_444 = arith.index_cast %mul3A_441 : i32 to index
      %get3A_445 = tpu.vector_load %arg11[%get3A_443, %get3A_444] {strides = array<i32>} : memref<16x2560xf32, #tpu.memory_space<vmem>>, vector<16xf32>,
      %add3A_446 = arith.addf %get3A_439, %get3A_445 : vector<16xf32>
      %mul3A_447 = arith.constant 16 : i32
      %mul3A_448 = arith.muli %scan3A_433, %mul3A_447 : i32
      %get3A_449 = arith.constant 2 : i32
      %get3A_450 = arith.index_cast %get3A_449 : i32 to index
      %get3A_451 = arith.index_cast %mul3A_448 : i32 to index
      %get3A_452 = tpu.vector_load %arg11[%get3A_450, %get3A_451] {strides = array<i32>} : memref<16x2560xf32, #tpu.memory_space<vmem>>, vector<16xf32>,
      %add3A_453 = arith.addf %add3A_446, %get3A_452 : vector<16xf32>
      %mul3A_454 = arith.constant 16 : i32
      %mul3A_455 = arith.muli %scan3A_433, %mul3A_454 : i32
      %get3A_456 = arith.constant 3 : i32
      %get3A_457 = arith.index_cast %get3A_456 : i32 to index
      %get3A_458 = arith.index_cast %mul3A_455 : i32 to index
      %get3A_459 = tpu.vector_load %arg11[%get3A_457, %get3A_458] {strides = array<i32>} : memref<16x2560xf32, #tpu.memory_space<vmem>>, vector<16xf32>,
      %add3A_460 = arith.addf %add3A_453, %get3A_459 : vector<16xf32>
      %mul3A_461 = arith.constant 16 : i32
      %mul3A_462 = arith.muli %scan3A_433, %mul3A_461 : i32
      %get3A_463 = arith.constant 4 : i32
      %get3A_464 = arith.index_cast %get3A_463 : i32 to index
      %get3A_465 = arith.index_cast %mul3A_462 : i32 to index
      %get3A_466 = tpu.vector_load %arg11[%get3A_464, %get3A_465] {strides = array<i32>} : memref<16x2560xf32, #tpu.memory_space<vmem>>, vector<16xf32>,
      %add3A_467 = arith.addf %add3A_460, %get3A_466 : vector<16xf32>
      %mul3A_468 = arith.constant 16 : i32
      %mul3A_469 = arith.muli %scan3A_433, %mul3A_468 : i32
      %get3A_470 = arith.constant 5 : i32
      %get3A_471 = arith.index_cast %get3A_470 : i32 to index
      %get3A_472 = arith.index_cast %mul3A_469 : i32 to index
      %get3A_473 = tpu.vector_load %arg11[%get3A_471, %get3A_472] {strides = array<i32>} : memref<16x2560xf32, #tpu.memory_space<vmem>>, vector<16xf32>,
      %add3A_474 = arith.addf %add3A_467, %get3A_473 : vector<16xf32>
      %mul3A_475 = arith.constant 16 : i32
      %mul3A_476 = arith.muli %scan3A_433, %mul3A_475 : i32
      %get3A_477 = arith.constant 6 : i32
      %get3A_478 = arith.index_cast %get3A_477 : i32 to index
      %get3A_479 = arith.index_cast %mul3A_476 : i32 to index
      %get3A_480 = tpu.vector_load %arg11[%get3A_478, %get3A_479] {strides = array<i32>} : memref<16x2560xf32, #tpu.memory_space<vmem>>, vector<16xf32>,
      %add3A_481 = arith.addf %add3A_474, %get3A_480 : vector<16xf32>
      %mul3A_482 = arith.constant 16 : i32
      %mul3A_483 = arith.muli %scan3A_433, %mul3A_482 : i32
      %get3A_484 = arith.constant 7 : i32
      %get3A_485 = arith.index_cast %get3A_484 : i32 to index
      %get3A_486 = arith.index_cast %mul3A_483 : i32 to index
      %get3A_487 = tpu.vector_load %arg11[%get3A_485, %get3A_486] {strides = array<i32>} : memref<16x2560xf32, #tpu.memory_space<vmem>>, vector<16xf32>,
      %add3A_488 = arith.addf %add3A_481, %get3A_487 : vector<16xf32>
      %mul3A_489 = arith.constant 16 : i32
      %mul3A_490 = arith.muli %scan3A_433, %mul3A_489 : i32
      %get3A_491 = arith.constant 8 : i32
      %get3A_492 = arith.index_cast %get3A_491 : i32 to index
      %get3A_493 = arith.index_cast %mul3A_490 : i32 to index
      %get3A_494 = tpu.vector_load %arg11[%get3A_492, %get3A_493] {strides = array<i32>} : memref<16x2560xf32, #tpu.memory_space<vmem>>, vector<16xf32>,
      %add3A_495 = arith.addf %add3A_488, %get3A_494 : vector<16xf32>
      %mul3A_496 = arith.constant 16 : i32
      %mul3A_497 = arith.muli %scan3A_433, %mul3A_496 : i32
      %get3A_498 = arith.constant 9 : i32
      %get3A_499 = arith.index_cast %get3A_498 : i32 to index
      %get3A_500 = arith.index_cast %mul3A_497 : i32 to index
      %get3A_501 = tpu.vector_load %arg11[%get3A_499, %get3A_500] {strides = array<i32>} : memref<16x2560xf32, #tpu.memory_space<vmem>>, vector<16xf32>,
      %add3A_502 = arith.addf %add3A_495, %get3A_501 : vector<16xf32>
      %mul3A_503 = arith.constant 16 : i32
      %mul3A_504 = arith.muli %scan3A_433, %mul3A_503 : i32
      %get3A_505 = arith.constant 10 : i32
      %get3A_506 = arith.index_cast %get3A_505 : i32 to index
      %get3A_507 = arith.index_cast %mul3A_504 : i32 to index
      %get3A_508 = tpu.vector_load %arg11[%get3A_506, %get3A_507] {strides = array<i32>} : memref<16x2560xf32, #tpu.memory_space<vmem>>, vector<16xf32>,
      %add3A_509 = arith.addf %add3A_502, %get3A_508 : vector<16xf32>
      %mul3A_510 = arith.constant 16 : i32
      %mul3A_511 = arith.muli %scan3A_433, %mul3A_510 : i32
      %get3A_512 = arith.constant 11 : i32
      %get3A_513 = arith.index_cast %get3A_512 : i32 to index
      %get3A_514 = arith.index_cast %mul3A_511 : i32 to index
      %get3A_515 = tpu.vector_load %arg11[%get3A_513, %get3A_514] {strides = array<i32>} : memref<16x2560xf32, #tpu.memory_space<vmem>>, vector<16xf32>,
      %add3A_516 = arith.addf %add3A_509, %get3A_515 : vector<16xf32>
      %mul3A_517 = arith.constant 16 : i32
      %mul3A_518 = arith.muli %scan3A_433, %mul3A_517 : i32
      %get3A_519 = arith.constant 12 : i32
      %get3A_520 = arith.index_cast %get3A_519 : i32 to index
      %get3A_521 = arith.index_cast %mul3A_518 : i32 to index
      %get3A_522 = tpu.vector_load %arg11[%get3A_520, %get3A_521] {strides = array<i32>} : memref<16x2560xf32, #tpu.memory_space<vmem>>, vector<16xf32>,
      %add3A_523 = arith.addf %add3A_516, %get3A_522 : vector<16xf32>
      %mul3A_524 = arith.constant 16 : i32
      %mul3A_525 = arith.muli %scan3A_433, %mul3A_524 : i32
      %get3A_526 = arith.constant 13 : i32
      %get3A_527 = arith.index_cast %get3A_526 : i32 to index
      %get3A_528 = arith.index_cast %mul3A_525 : i32 to index
      %get3A_529 = tpu.vector_load %arg11[%get3A_527, %get3A_528] {strides = array<i32>} : memref<16x2560xf32, #tpu.memory_space<vmem>>, vector<16xf32>,
      %add3A_530 = arith.addf %add3A_523, %get3A_529 : vector<16xf32>
      %mul3A_531 = arith.constant 16 : i32
      %mul3A_532 = arith.muli %scan3A_433, %mul3A_531 : i32
      %get3A_533 = arith.constant 14 : i32
      %get3A_534 = arith.index_cast %get3A_533 : i32 to index
      %get3A_535 = arith.index_cast %mul3A_532 : i32 to index
      %get3A_536 = tpu.vector_load %arg11[%get3A_534, %get3A_535] {strides = array<i32>} : memref<16x2560xf32, #tpu.memory_space<vmem>>, vector<16xf32>,
      %add3A_537 = arith.addf %add3A_530, %get3A_536 : vector<16xf32>
      %mul3A_538 = arith.constant 16 : i32
      %mul3A_539 = arith.muli %scan3A_433, %mul3A_538 : i32
      %get3A_540 = arith.constant 15 : i32
      %get3A_541 = arith.index_cast %get3A_540 : i32 to index
      %get3A_542 = arith.index_cast %mul3A_539 : i32 to index
      %get3A_543 = tpu.vector_load %arg11[%get3A_541, %get3A_542] {strides = array<i32>} : memref<16x2560xf32, #tpu.memory_space<vmem>>, vector<16xf32>,
      %add3A_544 = arith.addf %add3A_537, %get3A_543 : vector<16xf32>
      %mul3A_545 = arith.constant 16 : i32
      %mul3A_546 = arith.muli %scan3A_433, %mul3A_545 : i32
      %add3A_547 = arith.constant 0 : i32
      %add3A_548 = arith.addi %add3A_547, %mul3A_546 : i32
      %swap3A_549 = arith.index_cast %add3A_548 : i32 to index
      %swap3A_550 = tpu.vector_load %arg10[%swap3A_549] {strides = array<i32>} : memref<10240xf32, #tpu.memory_space<vmem>>, vector<16xf32>,
      tpu.vector_store %arg10[%swap3A_549], %add3A_544 {strides = array<i32>} : memref<10240xf32, #tpu.memory_space<vmem>>, vector<16xf32>,
      %scan3A_551 = arith.constant 0 : i32
      scf.yield %scan3A_551 : i32
    }
    %scan3A_23 = arith.constant 160 : i32
    %scan3A_24 = arith.constant 0 : i32
    %scan3A_25 = arith.constant 0 : i32
    %scan3A_26 = arith.constant 160 : i32
    %scan3A_27 = arith.addi %scan3A_25, %scan3A_26 : i32
    %scan3A_28 = arith.constant 1 : i32
    %scan3A_29 = scf.for %scan3A_433 = %scan3A_25 to %scan3A_27 step %scan3A_28 iter_args(%scan3A_434 = %scan3A_24) -> (i32)  : i32 {
      %mul3A_435 = arith.constant 16 : i32
      %mul3A_436 = arith.muli %scan3A_433, %mul3A_435 : i32
      %swap3A_437 = arith.constant 0 : i32
      %swap3A_438 = arith.index_cast %swap3A_437 : i32 to index
      %swap3A_439 = arith.index_cast %mul3A_436 : i32 to index
      %swap3A_440 = tpu.vector_load %arg11[%swap3A_438, %swap3A_439] {strides = array<i32>} : memref<16x2560xf32, #tpu.memory_space<vmem>>, vector<16xf32>,
      tpu.vector_store %arg11[%swap3A_438, %swap3A_439], %broadcast_in_dim3A_0 {strides = array<i32>} : memref<16x2560xf32, #tpu.memory_space<vmem>>, vector<16xf32>,
      %mul3A_441 = arith.constant 16 : i32
      %mul3A_442 = arith.muli %scan3A_433, %mul3A_441 : i32
      %swap3A_443 = arith.constant 1 : i32
      %swap3A_444 = arith.index_cast %swap3A_443 : i32 to index
      %swap3A_445 = arith.index_cast %mul3A_442 : i32 to index
      %swap3A_446 = tpu.vector_load %arg11[%swap3A_444, %swap3A_445] {strides = array<i32>} : memref<16x2560xf32, #tpu.memory_space<vmem>>, vector<16xf32>,
      tpu.vector_store %arg11[%swap3A_444, %swap3A_445], %broadcast_in_dim3A_0 {strides = array<i32>} : memref<16x2560xf32, #tpu.memory_space<vmem>>, vector<16xf32>,
      %mul3A_447 = arith.constant 16 : i32
      %mul3A_448 = arith.muli %scan3A_433, %mul3A_447 : i32
      %swap3A_449 = arith.constant 2 : i32
      %swap3A_450 = arith.index_cast %swap3A_449 : i32 to index
      %swap3A_451 = arith.index_cast %mul3A_448 : i32 to index
      %swap3A_452 = tpu.vector_load %arg11[%swap3A_450, %swap3A_451] {strides = array<i32>} : memref<16x2560xf32, #tpu.memory_space<vmem>>, vector<16xf32>,
      tpu.vector_store %arg11[%swap3A_450, %swap3A_451], %broadcast_in_dim3A_0 {strides = array<i32>} : memref<16x2560xf32, #tpu.memory_space<vmem>>, vector<16xf32>,
      %mul3A_453 = arith.constant 16 : i32
      %mul3A_454 = arith.muli %scan3A_433, %mul3A_453 : i32
      %swap3A_455 = arith.constant 3 : i32
      %swap3A_456 = arith.index_cast %swap3A_455 : i32 to index
      %swap3A_457 = arith.index_cast %mul3A_454 : i32 to index
      %swap3A_458 = tpu.vector_load %arg11[%swap3A_456, %swap3A_457] {strides = array<i32>} : memref<16x2560xf32, #tpu.memory_space<vmem>>, vector<16xf32>,
      tpu.vector_store %arg11[%swap3A_456, %swap3A_457], %broadcast_in_dim3A_0 {strides = array<i32>} : memref<16x2560xf32, #tpu.memory_space<vmem>>, vector<16xf32>,
      %mul3A_459 = arith.constant 16 : i32
      %mul3A_460 = arith.muli %scan3A_433, %mul3A_459 : i32
      %swap3A_461 = arith.constant 4 : i32
      %swap3A_462 = arith.index_cast %swap3A_461 : i32 to index
      %swap3A_463 = arith.index_cast %mul3A_460 : i32 to index
      %swap3A_464 = tpu.vector_load %arg11[%swap3A_462, %swap3A_463] {strides = array<i32>} : memref<16x2560xf32, #tpu.memory_space<vmem>>, vector<16xf32>,
      tpu.vector_store %arg11[%swap3A_462, %swap3A_463], %broadcast_in_dim3A_0 {strides = array<i32>} : memref<16x2560xf32, #tpu.memory_space<vmem>>, vector<16xf32>,
      %mul3A_465 = arith.constant 16 : i32
      %mul3A_466 = arith.muli %scan3A_433, %mul3A_465 : i32
      %swap3A_467 = arith.constant 5 : i32
      %swap3A_468 = arith.index_cast %swap3A_467 : i32 to index
      %swap3A_469 = arith.index_cast %mul3A_466 : i32 to index
      %swap3A_470 = tpu.vector_load %arg11[%swap3A_468, %swap3A_469] {strides = array<i32>} : memref<16x2560xf32, #tpu.memory_space<vmem>>, vector<16xf32>,
      tpu.vector_store %arg11[%swap3A_468, %swap3A_469], %broadcast_in_dim3A_0 {strides = array<i32>} : memref<16x2560xf32, #tpu.memory_space<vmem>>, vector<16xf32>,
      %mul3A_471 = arith.constant 16 : i32
      %mul3A_472 = arith.muli %scan3A_433, %mul3A_471 : i32
      %swap3A_473 = arith.constant 6 : i32
      %swap3A_474 = arith.index_cast %swap3A_473 : i32 to index
      %swap3A_475 = arith.index_cast %mul3A_472 : i32 to index
      %swap3A_476 = tpu.vector_load %arg11[%swap3A_474, %swap3A_475] {strides = array<i32>} : memref<16x2560xf32, #tpu.memory_space<vmem>>, vector<16xf32>,
      tpu.vector_store %arg11[%swap3A_474, %swap3A_475], %broadcast_in_dim3A_0 {strides = array<i32>} : memref<16x2560xf32, #tpu.memory_space<vmem>>, vector<16xf32>,
      %mul3A_477 = arith.constant 16 : i32
      %mul3A_478 = arith.muli %scan3A_433, %mul3A_477 : i32
      %swap3A_479 = arith.constant 7 : i32
      %swap3A_480 = arith.index_cast %swap3A_479 : i32 to index
      %swap3A_481 = arith.index_cast %mul3A_478 : i32 to index
      %swap3A_482 = tpu.vector_load %arg11[%swap3A_480, %swap3A_481] {strides = array<i32>} : memref<16x2560xf32, #tpu.memory_space<vmem>>, vector<16xf32>,
      tpu.vector_store %arg11[%swap3A_480, %swap3A_481], %broadcast_in_dim3A_0 {strides = array<i32>} : memref<16x2560xf32, #tpu.memory_space<vmem>>, vector<16xf32>,
      %mul3A_483 = arith.constant 16 : i32
      %mul3A_484 = arith.muli %scan3A_433, %mul3A_483 : i32
      %swap3A_485 = arith.constant 8 : i32
      %swap3A_486 = arith.index_cast %swap3A_485 : i32 to index
      %swap3A_487 = arith.index_cast %mul3A_484 : i32 to index
      %swap3A_488 = tpu.vector_load %arg11[%swap3A_486, %swap3A_487] {strides = array<i32>} : memref<16x2560xf32, #tpu.memory_space<vmem>>, vector<16xf32>,
      tpu.vector_store %arg11[%swap3A_486, %swap3A_487], %broadcast_in_dim3A_0 {strides = array<i32>} : memref<16x2560xf32, #tpu.memory_space<vmem>>, vector<16xf32>,
      %mul3A_489 = arith.constant 16 : i32
      %mul3A_490 = arith.muli %scan3A_433, %mul3A_489 : i32
      %swap3A_491 = arith.constant 9 : i32
      %swap3A_492 = arith.index_cast %swap3A_491 : i32 to index
      %swap3A_493 = arith.index_cast %mul3A_490 : i32 to index
      %swap3A_494 = tpu.vector_load %arg11[%swap3A_492, %swap3A_493] {strides = array<i32>} : memref<16x2560xf32, #tpu.memory_space<vmem>>, vector<16xf32>,
      tpu.vector_store %arg11[%swap3A_492, %swap3A_493], %broadcast_in_dim3A_0 {strides = array<i32>} : memref<16x2560xf32, #tpu.memory_space<vmem>>, vector<16xf32>,
      %mul3A_495 = arith.constant 16 : i32
      %mul3A_496 = arith.muli %scan3A_433, %mul3A_495 : i32
      %swap3A_497 = arith.constant 10 : i32
      %swap3A_498 = arith.index_cast %swap3A_497 : i32 to index
      %swap3A_499 = arith.index_cast %mul3A_496 : i32 to index
      %swap3A_500 = tpu.vector_load %arg11[%swap3A_498, %swap3A_499] {strides = array<i32>} : memref<16x2560xf32, #tpu.memory_space<vmem>>, vector<16xf32>,
      tpu.vector_store %arg11[%swap3A_498, %swap3A_499], %broadcast_in_dim3A_0 {strides = array<i32>} : memref<16x2560xf32, #tpu.memory_space<vmem>>, vector<16xf32>,
      %mul3A_501 = arith.constant 16 : i32
      %mul3A_502 = arith.muli %scan3A_433, %mul3A_501 : i32
      %swap3A_503 = arith.constant 11 : i32
      %swap3A_504 = arith.index_cast %swap3A_503 : i32 to index
      %swap3A_505 = arith.index_cast %mul3A_502 : i32 to index
      %swap3A_506 = tpu.vector_load %arg11[%swap3A_504, %swap3A_505] {strides = array<i32>} : memref<16x2560xf32, #tpu.memory_space<vmem>>, vector<16xf32>,
      tpu.vector_store %arg11[%swap3A_504, %swap3A_505], %broadcast_in_dim3A_0 {strides = array<i32>} : memref<16x2560xf32, #tpu.memory_space<vmem>>, vector<16xf32>,
      %mul3A_507 = arith.constant 16 : i32
      %mul3A_508 = arith.muli %scan3A_433, %mul3A_507 : i32
      %swap3A_509 = arith.constant 12 : i32
      %swap3A_510 = arith.index_cast %swap3A_509 : i32 to index
      %swap3A_511 = arith.index_cast %mul3A_508 : i32 to index
      %swap3A_512 = tpu.vector_load %arg11[%swap3A_510, %swap3A_511] {strides = array<i32>} : memref<16x2560xf32, #tpu.memory_space<vmem>>, vector<16xf32>,
      tpu.vector_store %arg11[%swap3A_510, %swap3A_511], %broadcast_in_dim3A_0 {strides = array<i32>} : memref<16x2560xf32, #tpu.memory_space<vmem>>, vector<16xf32>,
      %mul3A_513 = arith.constant 16 : i32
      %mul3A_514 = arith.muli %scan3A_433, %mul3A_513 : i32
      %swap3A_515 = arith.constant 13 : i32
      %swap3A_516 = arith.index_cast %swap3A_515 : i32 to index
      %swap3A_517 = arith.index_cast %mul3A_514 : i32 to index
      %swap3A_518 = tpu.vector_load %arg11[%swap3A_516, %swap3A_517] {strides = array<i32>} : memref<16x2560xf32, #tpu.memory_space<vmem>>, vector<16xf32>,
      tpu.vector_store %arg11[%swap3A_516, %swap3A_517], %broadcast_in_dim3A_0 {strides = array<i32>} : memref<16x2560xf32, #tpu.memory_space<vmem>>, vector<16xf32>,
      %mul3A_519 = arith.constant 16 : i32
      %mul3A_520 = arith.muli %scan3A_433, %mul3A_519 : i32
      %swap3A_521 = arith.constant 14 : i32
      %swap3A_522 = arith.index_cast %swap3A_521 : i32 to index
      %swap3A_523 = arith.index_cast %mul3A_520 : i32 to index
      %swap3A_524 = tpu.vector_load %arg11[%swap3A_522, %swap3A_523] {strides = array<i32>} : memref<16x2560xf32, #tpu.memory_space<vmem>>, vector<16xf32>,
      tpu.vector_store %arg11[%swap3A_522, %swap3A_523], %broadcast_in_dim3A_0 {strides = array<i32>} : memref<16x2560xf32, #tpu.memory_space<vmem>>, vector<16xf32>,
      %mul3A_525 = arith.constant 16 : i32
      %mul3A_526 = arith.muli %scan3A_433, %mul3A_525 : i32
      %swap3A_527 = arith.constant 15 : i32
      %swap3A_528 = arith.index_cast %swap3A_527 : i32 to index
      %swap3A_529 = arith.index_cast %mul3A_526 : i32 to index
      %swap3A_530 = tpu.vector_load %arg11[%swap3A_528, %swap3A_529] {strides = array<i32>} : memref<16x2560xf32, #tpu.memory_space<vmem>>, vector<16xf32>,
      tpu.vector_store %arg11[%swap3A_528, %swap3A_529], %broadcast_in_dim3A_0 {strides = array<i32>} : memref<16x2560xf32, #tpu.memory_space<vmem>>, vector<16xf32>,
      %scan3A_531 = arith.constant 0 : i32
      scf.yield %scan3A_531 : i32
    }
    %scan3A_30 = arith.constant 160 : i32
    %scan3A_31 = arith.constant 0 : i32
    %scan3A_32 = arith.constant 0 : i32
    %scan3A_33 = arith.constant 640 : i32
    %scan3A_34 = arith.addi %scan3A_32, %scan3A_33 : i32
    %scan3A_35 = arith.constant 1 : i32
    %scan3A_36 = scf.for %scan3A_433 = %scan3A_32 to %scan3A_34 step %scan3A_35 iter_args(%scan3A_434 = %scan3A_31) -> (i32)  : i32 {
      %mul3A_435 = arith.constant 16 : i32
      %mul3A_436 = arith.muli %scan3A_433, %mul3A_435 : i32
      %add3A_437 = arith.addi %mul3A_3, %mul3A_436 : i32
      %get3A = arith.index_cast %add3A_437 : i32 to index
      %get3A_438 = tpu.vector_load %arg9[%get3A] {strides = array<i32>} : memref<20864xi32, #tpu.memory_space<vmem>>, vector<16xi32>,
      %sub3A_439 = arith.constant 2560 : i32
      %sub3A_440 = vector.broadcast %sub3A_439 : i32 to vector<16xi32>
      %sub3A_441 = arith.subi %get3A_438, %sub3A_440 : vector<16xi32>
      %ge3A = arith.constant 0 : i32
      %ge3A_442 = vector.broadcast %ge3A : i32 to vector<16xi32>
      %ge3A_443 = arith.cmpi sge, %sub3A_441, %ge3A_442 : vector<16xi32>
      %lt3A = arith.constant 2560 : i32
      %lt3A_444 = vector.broadcast %lt3A : i32 to vector<16xi32>
      %lt3A_445 = arith.cmpi slt, %sub3A_441, %lt3A_444 : vector<16xi32>
      %and3A_446 = arith.andi %ge3A_443, %lt3A_445 : vector<16xi1>
      %jit3A_447 = arith.constant 0 : i32
      %jit3A_448 = arith.constant 2559 : i32
      %max3A_449 = vector.broadcast %jit3A_447 : i32 to vector<16xi32>
      %max3A_450 = arith.maxsi %max3A_449, %sub3A_441 : vector<16xi32>
      %min3A = vector.broadcast %jit3A_448 : i32 to vector<16xi32>
      %min3A_451 = arith.minsi %min3A, %max3A_450 : vector<16xi32>
      tpu.vector_store_idx %arg11[%iota3A, %min3A_451], %broadcast_in_dim3A_2 masked %and3A_446 {add = true} : memref<16x2560xf32, #tpu.memory_space<vmem>>[vector<16xi32>, vector<16xi32>], vector<16xf32>, vector<16xi1>
      %scan3A_452 = arith.constant 0 : i32
      scf.yield %scan3A_452 : i32
    }
    %scan3A_37 = arith.constant 640 : i32
    %scan3A_38 = arith.constant 0 : i32
    %scan3A_39 = arith.constant 0 : i32
    %scan3A_40 = arith.constant 160 : i32
    %scan3A_41 = arith.addi %scan3A_39, %scan3A_40 : i32
    %scan3A_42 = arith.constant 1 : i32
    %scan3A_43 = scf.for %scan3A_433 = %scan3A_39 to %scan3A_41 step %scan3A_42 iter_args(%scan3A_434 = %scan3A_38) -> (i32)  : i32 {
      %mul3A_435 = arith.constant 16 : i32
      %mul3A_436 = arith.muli %scan3A_433, %mul3A_435 : i32
      %get3A = arith.constant 0 : i32
      %get3A_437 = arith.index_cast %get3A : i32 to index
      %get3A_438 = arith.index_cast %mul3A_436 : i32 to index
      %get3A_439 = tpu.vector_load %arg11[%get3A_437, %get3A_438] {strides = array<i32>} : memref<16x2560xf32, #tpu.memory_space<vmem>>, vector<16xf32>,
      %mul3A_440 = arith.constant 16 : i32
      %mul3A_441 = arith.muli %scan3A_433, %mul3A_440 : i32
      %get3A_442 = arith.constant 1 : i32
      %get3A_443 = arith.index_cast %get3A_442 : i32 to index
      %get3A_444 = arith.index_cast %mul3A_441 : i32 to index
      %get3A_445 = tpu.vector_load %arg11[%get3A_443, %get3A_444] {strides = array<i32>} : memref<16x2560xf32, #tpu.memory_space<vmem>>, vector<16xf32>,
      %add3A_446 = arith.addf %get3A_439, %get3A_445 : vector<16xf32>
      %mul3A_447 = arith.constant 16 : i32
      %mul3A_448 = arith.muli %scan3A_433, %mul3A_447 : i32
      %get3A_449 = arith.constant 2 : i32
      %get3A_450 = arith.index_cast %get3A_449 : i32 to index
      %get3A_451 = arith.index_cast %mul3A_448 : i32 to index
      %get3A_452 = tpu.vector_load %arg11[%get3A_450, %get3A_451] {strides = array<i32>} : memref<16x2560xf32, #tpu.memory_space<vmem>>, vector<16xf32>,
      %add3A_453 = arith.addf %add3A_446, %get3A_452 : vector<16xf32>
      %mul3A_454 = arith.constant 16 : i32
      %mul3A_455 = arith.muli %scan3A_433, %mul3A_454 : i32
      %get3A_456 = arith.constant 3 : i32
      %get3A_457 = arith.index_cast %get3A_456 : i32 to index
      %get3A_458 = arith.index_cast %mul3A_455 : i32 to index
      %get3A_459 = tpu.vector_load %arg11[%get3A_457, %get3A_458] {strides = array<i32>} : memref<16x2560xf32, #tpu.memory_space<vmem>>, vector<16xf32>,
      %add3A_460 = arith.addf %add3A_453, %get3A_459 : vector<16xf32>
      %mul3A_461 = arith.constant 16 : i32
      %mul3A_462 = arith.muli %scan3A_433, %mul3A_461 : i32
      %get3A_463 = arith.constant 4 : i32
      %get3A_464 = arith.index_cast %get3A_463 : i32 to index
      %get3A_465 = arith.index_cast %mul3A_462 : i32 to index
      %get3A_466 = tpu.vector_load %arg11[%get3A_464, %get3A_465] {strides = array<i32>} : memref<16x2560xf32, #tpu.memory_space<vmem>>, vector<16xf32>,
      %add3A_467 = arith.addf %add3A_460, %get3A_466 : vector<16xf32>
      %mul3A_468 = arith.constant 16 : i32
      %mul3A_469 = arith.muli %scan3A_433, %mul3A_468 : i32
      %get3A_470 = arith.constant 5 : i32
      %get3A_471 = arith.index_cast %get3A_470 : i32 to index
      %get3A_472 = arith.index_cast %mul3A_469 : i32 to index
      %get3A_473 = tpu.vector_load %arg11[%get3A_471, %get3A_472] {strides = array<i32>} : memref<16x2560xf32, #tpu.memory_space<vmem>>, vector<16xf32>,
      %add3A_474 = arith.addf %add3A_467, %get3A_473 : vector<16xf32>
      %mul3A_475 = arith.constant 16 : i32
      %mul3A_476 = arith.muli %scan3A_433, %mul3A_475 : i32
      %get3A_477 = arith.constant 6 : i32
      %get3A_478 = arith.index_cast %get3A_477 : i32 to index
      %get3A_479 = arith.index_cast %mul3A_476 : i32 to index
      %get3A_480 = tpu.vector_load %arg11[%get3A_478, %get3A_479] {strides = array<i32>} : memref<16x2560xf32, #tpu.memory_space<vmem>>, vector<16xf32>,
      %add3A_481 = arith.addf %add3A_474, %get3A_480 : vector<16xf32>
      %mul3A_482 = arith.constant 16 : i32
      %mul3A_483 = arith.muli %scan3A_433, %mul3A_482 : i32
      %get3A_484 = arith.constant 7 : i32
      %get3A_485 = arith.index_cast %get3A_484 : i32 to index
      %get3A_486 = arith.index_cast %mul3A_483 : i32 to index
      %get3A_487 = tpu.vector_load %arg11[%get3A_485, %get3A_486] {strides = array<i32>} : memref<16x2560xf32, #tpu.memory_space<vmem>>, vector<16xf32>,
      %add3A_488 = arith.addf %add3A_481, %get3A_487 : vector<16xf32>
      %mul3A_489 = arith.constant 16 : i32
      %mul3A_490 = arith.muli %scan3A_433, %mul3A_489 : i32
      %get3A_491 = arith.constant 8 : i32
      %get3A_492 = arith.index_cast %get3A_491 : i32 to index
      %get3A_493 = arith.index_cast %mul3A_490 : i32 to index
      %get3A_494 = tpu.vector_load %arg11[%get3A_492, %get3A_493] {strides = array<i32>} : memref<16x2560xf32, #tpu.memory_space<vmem>>, vector<16xf32>,
      %add3A_495 = arith.addf %add3A_488, %get3A_494 : vector<16xf32>
      %mul3A_496 = arith.constant 16 : i32
      %mul3A_497 = arith.muli %scan3A_433, %mul3A_496 : i32
      %get3A_498 = arith.constant 9 : i32
      %get3A_499 = arith.index_cast %get3A_498 : i32 to index
      %get3A_500 = arith.index_cast %mul3A_497 : i32 to index
      %get3A_501 = tpu.vector_load %arg11[%get3A_499, %get3A_500] {strides = array<i32>} : memref<16x2560xf32, #tpu.memory_space<vmem>>, vector<16xf32>,
      %add3A_502 = arith.addf %add3A_495, %get3A_501 : vector<16xf32>
      %mul3A_503 = arith.constant 16 : i32
      %mul3A_504 = arith.muli %scan3A_433, %mul3A_503 : i32
      %get3A_505 = arith.constant 10 : i32
      %get3A_506 = arith.index_cast %get3A_505 : i32 to index
      %get3A_507 = arith.index_cast %mul3A_504 : i32 to index
      %get3A_508 = tpu.vector_load %arg11[%get3A_506, %get3A_507] {strides = array<i32>} : memref<16x2560xf32, #tpu.memory_space<vmem>>, vector<16xf32>,
      %add3A_509 = arith.addf %add3A_502, %get3A_508 : vector<16xf32>
      %mul3A_510 = arith.constant 16 : i32
      %mul3A_511 = arith.muli %scan3A_433, %mul3A_510 : i32
      %get3A_512 = arith.constant 11 : i32
      %get3A_513 = arith.index_cast %get3A_512 : i32 to index
      %get3A_514 = arith.index_cast %mul3A_511 : i32 to index
      %get3A_515 = tpu.vector_load %arg11[%get3A_513, %get3A_514] {strides = array<i32>} : memref<16x2560xf32, #tpu.memory_space<vmem>>, vector<16xf32>,
      %add3A_516 = arith.addf %add3A_509, %get3A_515 : vector<16xf32>
      %mul3A_517 = arith.constant 16 : i32
      %mul3A_518 = arith.muli %scan3A_433, %mul3A_517 : i32
      %get3A_519 = arith.constant 12 : i32
      %get3A_520 = arith.index_cast %get3A_519 : i32 to index
      %get3A_521 = arith.index_cast %mul3A_518 : i32 to index
      %get3A_522 = tpu.vector_load %arg11[%get3A_520, %get3A_521] {strides = array<i32>} : memref<16x2560xf32, #tpu.memory_space<vmem>>, vector<16xf32>,
      %add3A_523 = arith.addf %add3A_516, %get3A_522 : vector<16xf32>
      %mul3A_524 = arith.constant 16 : i32
      %mul3A_525 = arith.muli %scan3A_433, %mul3A_524 : i32
      %get3A_526 = arith.constant 13 : i32
      %get3A_527 = arith.index_cast %get3A_526 : i32 to index
      %get3A_528 = arith.index_cast %mul3A_525 : i32 to index
      %get3A_529 = tpu.vector_load %arg11[%get3A_527, %get3A_528] {strides = array<i32>} : memref<16x2560xf32, #tpu.memory_space<vmem>>, vector<16xf32>,
      %add3A_530 = arith.addf %add3A_523, %get3A_529 : vector<16xf32>
      %mul3A_531 = arith.constant 16 : i32
      %mul3A_532 = arith.muli %scan3A_433, %mul3A_531 : i32
      %get3A_533 = arith.constant 14 : i32
      %get3A_534 = arith.index_cast %get3A_533 : i32 to index
      %get3A_535 = arith.index_cast %mul3A_532 : i32 to index
      %get3A_536 = tpu.vector_load %arg11[%get3A_534, %get3A_535] {strides = array<i32>} : memref<16x2560xf32, #tpu.memory_space<vmem>>, vector<16xf32>,
      %add3A_537 = arith.addf %add3A_530, %get3A_536 : vector<16xf32>
      %mul3A_538 = arith.constant 16 : i32
      %mul3A_539 = arith.muli %scan3A_433, %mul3A_538 : i32
      %get3A_540 = arith.constant 15 : i32
      %get3A_541 = arith.index_cast %get3A_540 : i32 to index
      %get3A_542 = arith.index_cast %mul3A_539 : i32 to index
      %get3A_543 = tpu.vector_load %arg11[%get3A_541, %get3A_542] {strides = array<i32>} : memref<16x2560xf32, #tpu.memory_space<vmem>>, vector<16xf32>,
      %add3A_544 = arith.addf %add3A_537, %get3A_543 : vector<16xf32>
      %mul3A_545 = arith.constant 16 : i32
      %mul3A_546 = arith.muli %scan3A_433, %mul3A_545 : i32
      %add3A_547 = arith.constant 2560 : i32
      %add3A_548 = arith.addi %add3A_547, %mul3A_546 : i32
      %swap3A_549 = arith.index_cast %add3A_548 : i32 to index
      %swap3A_550 = tpu.vector_load %arg10[%swap3A_549] {strides = array<i32>} : memref<10240xf32, #tpu.memory_space<vmem>>, vector<16xf32>,
      tpu.vector_store %arg10[%swap3A_549], %add3A_544 {strides = array<i32>} : memref<10240xf32, #tpu.memory_space<vmem>>, vector<16xf32>,
      %scan3A_551 = arith.constant 0 : i32
      scf.yield %scan3A_551 : i32
    }
    %scan3A_44 = arith.constant 160 : i32
    %scan3A_45 = arith.constant 0 : i32
    %scan3A_46 = arith.constant 0 : i32
    %scan3A_47 = arith.constant 160 : i32
    %scan3A_48 = arith.addi %scan3A_46, %scan3A_47 : i32
    %scan3A_49 = arith.constant 1 : i32
    %scan3A_50 = scf.for %scan3A_433 = %scan3A_46 to %scan3A_48 step %scan3A_49 iter_args(%scan3A_434 = %scan3A_45) -> (i32)  : i32 {
      %mul3A_435 = arith.constant 16 : i32
      %mul3A_436 = arith.muli %scan3A_433, %mul3A_435 : i32
      %swap3A_437 = arith.constant 0 : i32
      %swap3A_438 = arith.index_cast %swap3A_437 : i32 to index
      %swap3A_439 = arith.index_cast %mul3A_436 : i32 to index
      %swap3A_440 = tpu.vector_load %arg11[%swap3A_438, %swap3A_439] {strides = array<i32>} : memref<16x2560xf32, #tpu.memory_space<vmem>>, vector<16xf32>,
      tpu.vector_store %arg11[%swap3A_438, %swap3A_439], %broadcast_in_dim3A_0 {strides = array<i32>} : memref<16x2560xf32, #tpu.memory_space<vmem>>, vector<16xf32>,
      %mul3A_441 = arith.constant 16 : i32
      %mul3A_442 = arith.muli %scan3A_433, %mul3A_441 : i32
      %swap3A_443 = arith.constant 1 : i32
      %swap3A_444 = arith.index_cast %swap3A_443 : i32 to index
      %swap3A_445 = arith.index_cast %mul3A_442 : i32 to index
      %swap3A_446 = tpu.vector_load %arg11[%swap3A_444, %swap3A_445] {strides = array<i32>} : memref<16x2560xf32, #tpu.memory_space<vmem>>, vector<16xf32>,
      tpu.vector_store %arg11[%swap3A_444, %swap3A_445], %broadcast_in_dim3A_0 {strides = array<i32>} : memref<16x2560xf32, #tpu.memory_space<vmem>>, vector<16xf32>,
      %mul3A_447 = arith.constant 16 : i32
      %mul3A_448 = arith.muli %scan3A_433, %mul3A_447 : i32
      %swap3A_449 = arith.constant 2 : i32
      %swap3A_450 = arith.index_cast %swap3A_449 : i32 to index
      %swap3A_451 = arith.index_cast %mul3A_448 : i32 to index
      %swap3A_452 = tpu.vector_load %arg11[%swap3A_450, %swap3A_451] {strides = array<i32>} : memref<16x2560xf32, #tpu.memory_space<vmem>>, vector<16xf32>,
      tpu.vector_store %arg11[%swap3A_450, %swap3A_451], %broadcast_in_dim3A_0 {strides = array<i32>} : memref<16x2560xf32, #tpu.memory_space<vmem>>, vector<16xf32>,
      %mul3A_453 = arith.constant 16 : i32
      %mul3A_454 = arith.muli %scan3A_433, %mul3A_453 : i32
      %swap3A_455 = arith.constant 3 : i32
      %swap3A_456 = arith.index_cast %swap3A_455 : i32 to index
      %swap3A_457 = arith.index_cast %mul3A_454 : i32 to index
      %swap3A_458 = tpu.vector_load %arg11[%swap3A_456, %swap3A_457] {strides = array<i32>} : memref<16x2560xf32, #tpu.memory_space<vmem>>, vector<16xf32>,
      tpu.vector_store %arg11[%swap3A_456, %swap3A_457], %broadcast_in_dim3A_0 {strides = array<i32>} : memref<16x2560xf32, #tpu.memory_space<vmem>>, vector<16xf32>,
      %mul3A_459 = arith.constant 16 : i32
      %mul3A_460 = arith.muli %scan3A_433, %mul3A_459 : i32
      %swap3A_461 = arith.constant 4 : i32
      %swap3A_462 = arith.index_cast %swap3A_461 : i32 to index
      %swap3A_463 = arith.index_cast %mul3A_460 : i32 to index
      %swap3A_464 = tpu.vector_load %arg11[%swap3A_462, %swap3A_463] {strides = array<i32>} : memref<16x2560xf32, #tpu.memory_space<vmem>>, vector<16xf32>,
      tpu.vector_store %arg11[%swap3A_462, %swap3A_463], %broadcast_in_dim3A_0 {strides = array<i32>} : memref<16x2560xf32, #tpu.memory_space<vmem>>, vector<16xf32>,
      %mul3A_465 = arith.constant 16 : i32
      %mul3A_466 = arith.muli %scan3A_433, %mul3A_465 : i32
      %swap3A_467 = arith.constant 5 : i32
      %swap3A_468 = arith.index_cast %swap3A_467 : i32 to index
      %swap3A_469 = arith.index_cast %mul3A_466 : i32 to index
      %swap3A_470 = tpu.vector_load %arg11[%swap3A_468, %swap3A_469] {strides = array<i32>} : memref<16x2560xf32, #tpu.memory_space<vmem>>, vector<16xf32>,
      tpu.vector_store %arg11[%swap3A_468, %swap3A_469], %broadcast_in_dim3A_0 {strides = array<i32>} : memref<16x2560xf32, #tpu.memory_space<vmem>>, vector<16xf32>,
      %mul3A_471 = arith.constant 16 : i32
      %mul3A_472 = arith.muli %scan3A_433, %mul3A_471 : i32
      %swap3A_473 = arith.constant 6 : i32
      %swap3A_474 = arith.index_cast %swap3A_473 : i32 to index
      %swap3A_475 = arith.index_cast %mul3A_472 : i32 to index
      %swap3A_476 = tpu.vector_load %arg11[%swap3A_474, %swap3A_475] {strides = array<i32>} : memref<16x2560xf32, #tpu.memory_space<vmem>>, vector<16xf32>,
      tpu.vector_store %arg11[%swap3A_474, %swap3A_475], %broadcast_in_dim3A_0 {strides = array<i32>} : memref<16x2560xf32, #tpu.memory_space<vmem>>, vector<16xf32>,
      %mul3A_477 = arith.constant 16 : i32
      %mul3A_478 = arith.muli %scan3A_433, %mul3A_477 : i32
      %swap3A_479 = arith.constant 7 : i32
      %swap3A_480 = arith.index_cast %swap3A_479 : i32 to index
      %swap3A_481 = arith.index_cast %mul3A_478 : i32 to index
      %swap3A_482 = tpu.vector_load %arg11[%swap3A_480, %swap3A_481] {strides = array<i32>} : memref<16x2560xf32, #tpu.memory_space<vmem>>, vector<16xf32>,
      tpu.vector_store %arg11[%swap3A_480, %swap3A_481], %broadcast_in_dim3A_0 {strides = array<i32>} : memref<16x2560xf32, #tpu.memory_space<vmem>>, vector<16xf32>,
      %mul3A_483 = arith.constant 16 : i32
      %mul3A_484 = arith.muli %scan3A_433, %mul3A_483 : i32
      %swap3A_485 = arith.constant 8 : i32
      %swap3A_486 = arith.index_cast %swap3A_485 : i32 to index
      %swap3A_487 = arith.index_cast %mul3A_484 : i32 to index
      %swap3A_488 = tpu.vector_load %arg11[%swap3A_486, %swap3A_487] {strides = array<i32>} : memref<16x2560xf32, #tpu.memory_space<vmem>>, vector<16xf32>,
      tpu.vector_store %arg11[%swap3A_486, %swap3A_487], %broadcast_in_dim3A_0 {strides = array<i32>} : memref<16x2560xf32, #tpu.memory_space<vmem>>, vector<16xf32>,
      %mul3A_489 = arith.constant 16 : i32
      %mul3A_490 = arith.muli %scan3A_433, %mul3A_489 : i32
      %swap3A_491 = arith.constant 9 : i32
      %swap3A_492 = arith.index_cast %swap3A_491 : i32 to index
      %swap3A_493 = arith.index_cast %mul3A_490 : i32 to index
      %swap3A_494 = tpu.vector_load %arg11[%swap3A_492, %swap3A_493] {strides = array<i32>} : memref<16x2560xf32, #tpu.memory_space<vmem>>, vector<16xf32>,
      tpu.vector_store %arg11[%swap3A_492, %swap3A_493], %broadcast_in_dim3A_0 {strides = array<i32>} : memref<16x2560xf32, #tpu.memory_space<vmem>>, vector<16xf32>,
      %mul3A_495 = arith.constant 16 : i32
      %mul3A_496 = arith.muli %scan3A_433, %mul3A_495 : i32
      %swap3A_497 = arith.constant 10 : i32
      %swap3A_498 = arith.index_cast %swap3A_497 : i32 to index
      %swap3A_499 = arith.index_cast %mul3A_496 : i32 to index
      %swap3A_500 = tpu.vector_load %arg11[%swap3A_498, %swap3A_499] {strides = array<i32>} : memref<16x2560xf32, #tpu.memory_space<vmem>>, vector<16xf32>,
      tpu.vector_store %arg11[%swap3A_498, %swap3A_499], %broadcast_in_dim3A_0 {strides = array<i32>} : memref<16x2560xf32, #tpu.memory_space<vmem>>, vector<16xf32>,
      %mul3A_501 = arith.constant 16 : i32
      %mul3A_502 = arith.muli %scan3A_433, %mul3A_501 : i32
      %swap3A_503 = arith.constant 11 : i32
      %swap3A_504 = arith.index_cast %swap3A_503 : i32 to index
      %swap3A_505 = arith.index_cast %mul3A_502 : i32 to index
      %swap3A_506 = tpu.vector_load %arg11[%swap3A_504, %swap3A_505] {strides = array<i32>} : memref<16x2560xf32, #tpu.memory_space<vmem>>, vector<16xf32>,
      tpu.vector_store %arg11[%swap3A_504, %swap3A_505], %broadcast_in_dim3A_0 {strides = array<i32>} : memref<16x2560xf32, #tpu.memory_space<vmem>>, vector<16xf32>,
      %mul3A_507 = arith.constant 16 : i32
      %mul3A_508 = arith.muli %scan3A_433, %mul3A_507 : i32
      %swap3A_509 = arith.constant 12 : i32
      %swap3A_510 = arith.index_cast %swap3A_509 : i32 to index
      %swap3A_511 = arith.index_cast %mul3A_508 : i32 to index
      %swap3A_512 = tpu.vector_load %arg11[%swap3A_510, %swap3A_511] {strides = array<i32>} : memref<16x2560xf32, #tpu.memory_space<vmem>>, vector<16xf32>,
      tpu.vector_store %arg11[%swap3A_510, %swap3A_511], %broadcast_in_dim3A_0 {strides = array<i32>} : memref<16x2560xf32, #tpu.memory_space<vmem>>, vector<16xf32>,
      %mul3A_513 = arith.constant 16 : i32
      %mul3A_514 = arith.muli %scan3A_433, %mul3A_513 : i32
      %swap3A_515 = arith.constant 13 : i32
      %swap3A_516 = arith.index_cast %swap3A_515 : i32 to index
      %swap3A_517 = arith.index_cast %mul3A_514 : i32 to index
      %swap3A_518 = tpu.vector_load %arg11[%swap3A_516, %swap3A_517] {strides = array<i32>} : memref<16x2560xf32, #tpu.memory_space<vmem>>, vector<16xf32>,
      tpu.vector_store %arg11[%swap3A_516, %swap3A_517], %broadcast_in_dim3A_0 {strides = array<i32>} : memref<16x2560xf32, #tpu.memory_space<vmem>>, vector<16xf32>,
      %mul3A_519 = arith.constant 16 : i32
      %mul3A_520 = arith.muli %scan3A_433, %mul3A_519 : i32
      %swap3A_521 = arith.constant 14 : i32
      %swap3A_522 = arith.index_cast %swap3A_521 : i32 to index
      %swap3A_523 = arith.index_cast %mul3A_520 : i32 to index
      %swap3A_524 = tpu.vector_load %arg11[%swap3A_522, %swap3A_523] {strides = array<i32>} : memref<16x2560xf32, #tpu.memory_space<vmem>>, vector<16xf32>,
      tpu.vector_store %arg11[%swap3A_522, %swap3A_523], %broadcast_in_dim3A_0 {strides = array<i32>} : memref<16x2560xf32, #tpu.memory_space<vmem>>, vector<16xf32>,
      %mul3A_525 = arith.constant 16 : i32
      %mul3A_526 = arith.muli %scan3A_433, %mul3A_525 : i32
      %swap3A_527 = arith.constant 15 : i32
      %swap3A_528 = arith.index_cast %swap3A_527 : i32 to index
      %swap3A_529 = arith.index_cast %mul3A_526 : i32 to index
      %swap3A_530 = tpu.vector_load %arg11[%swap3A_528, %swap3A_529] {strides = array<i32>} : memref<16x2560xf32, #tpu.memory_space<vmem>>, vector<16xf32>,
      tpu.vector_store %arg11[%swap3A_528, %swap3A_529], %broadcast_in_dim3A_0 {strides = array<i32>} : memref<16x2560xf32, #tpu.memory_space<vmem>>, vector<16xf32>,
      %scan3A_531 = arith.constant 0 : i32
      scf.yield %scan3A_531 : i32
    }
    %scan3A_51 = arith.constant 160 : i32
    %scan3A_52 = arith.constant 0 : i32
    %scan3A_53 = arith.constant 0 : i32
    %scan3A_54 = arith.constant 640 : i32
    %scan3A_55 = arith.addi %scan3A_53, %scan3A_54 : i32
    %scan3A_56 = arith.constant 1 : i32
    %scan3A_57 = scf.for %scan3A_433 = %scan3A_53 to %scan3A_55 step %scan3A_56 iter_args(%scan3A_434 = %scan3A_52) -> (i32)  : i32 {
      %mul3A_435 = arith.constant 16 : i32
      %mul3A_436 = arith.muli %scan3A_433, %mul3A_435 : i32
      %add3A_437 = arith.addi %mul3A_3, %mul3A_436 : i32
      %get3A = arith.index_cast %add3A_437 : i32 to index
      %get3A_438 = tpu.vector_load %arg9[%get3A] {strides = array<i32>} : memref<20864xi32, #tpu.memory_space<vmem>>, vector<16xi32>,
      %sub3A_439 = arith.constant 5120 : i32
      %sub3A_440 = vector.broadcast %sub3A_439 : i32 to vector<16xi32>
      %sub3A_441 = arith.subi %get3A_438, %sub3A_440 : vector<16xi32>
      %ge3A = arith.constant 0 : i32
      %ge3A_442 = vector.broadcast %ge3A : i32 to vector<16xi32>
      %ge3A_443 = arith.cmpi sge, %sub3A_441, %ge3A_442 : vector<16xi32>
      %lt3A = arith.constant 2560 : i32
      %lt3A_444 = vector.broadcast %lt3A : i32 to vector<16xi32>
      %lt3A_445 = arith.cmpi slt, %sub3A_441, %lt3A_444 : vector<16xi32>
      %and3A_446 = arith.andi %ge3A_443, %lt3A_445 : vector<16xi1>
      %jit3A_447 = arith.constant 0 : i32
      %jit3A_448 = arith.constant 2559 : i32
      %max3A_449 = vector.broadcast %jit3A_447 : i32 to vector<16xi32>
      %max3A_450 = arith.maxsi %max3A_449, %sub3A_441 : vector<16xi32>
      %min3A = vector.broadcast %jit3A_448 : i32 to vector<16xi32>
      %min3A_451 = arith.minsi %min3A, %max3A_450 : vector<16xi32>
      tpu.vector_store_idx %arg11[%iota3A, %min3A_451], %broadcast_in_dim3A_2 masked %and3A_446 {add = true} : memref<16x2560xf32, #tpu.memory_space<vmem>>[vector<16xi32>, vector<16xi32>], vector<16xf32>, vector<16xi1>
      %scan3A_452 = arith.constant 0 : i32
      scf.yield %scan3A_452 : i32
    }
    %scan3A_58 = arith.constant 640 : i32
    %scan3A_59 = arith.constant 0 : i32
    %scan3A_60 = arith.constant 0 : i32
    %scan3A_61 = arith.constant 160 : i32
    %scan3A_62 = arith.addi %scan3A_60, %scan3A_61 : i32
    %scan3A_63 = arith.constant 1 : i32
    %scan3A_64 = scf.for %scan3A_433 = %scan3A_60 to %scan3A_62 step %scan3A_63 iter_args(%scan3A_434 = %scan3A_59) -> (i32)  : i32 {
      %mul3A_435 = arith.constant 16 : i32
      %mul3A_436 = arith.muli %scan3A_433, %mul3A_435 : i32
      %get3A = arith.constant 0 : i32
      %get3A_437 = arith.index_cast %get3A : i32 to index
      %get3A_438 = arith.index_cast %mul3A_436 : i32 to index
      %get3A_439 = tpu.vector_load %arg11[%get3A_437, %get3A_438] {strides = array<i32>} : memref<16x2560xf32, #tpu.memory_space<vmem>>, vector<16xf32>,
      %mul3A_440 = arith.constant 16 : i32
      %mul3A_441 = arith.muli %scan3A_433, %mul3A_440 : i32
      %get3A_442 = arith.constant 1 : i32
      %get3A_443 = arith.index_cast %get3A_442 : i32 to index
      %get3A_444 = arith.index_cast %mul3A_441 : i32 to index
      %get3A_445 = tpu.vector_load %arg11[%get3A_443, %get3A_444] {strides = array<i32>} : memref<16x2560xf32, #tpu.memory_space<vmem>>, vector<16xf32>,
      %add3A_446 = arith.addf %get3A_439, %get3A_445 : vector<16xf32>
      %mul3A_447 = arith.constant 16 : i32
      %mul3A_448 = arith.muli %scan3A_433, %mul3A_447 : i32
      %get3A_449 = arith.constant 2 : i32
      %get3A_450 = arith.index_cast %get3A_449 : i32 to index
      %get3A_451 = arith.index_cast %mul3A_448 : i32 to index
      %get3A_452 = tpu.vector_load %arg11[%get3A_450, %get3A_451] {strides = array<i32>} : memref<16x2560xf32, #tpu.memory_space<vmem>>, vector<16xf32>,
      %add3A_453 = arith.addf %add3A_446, %get3A_452 : vector<16xf32>
      %mul3A_454 = arith.constant 16 : i32
      %mul3A_455 = arith.muli %scan3A_433, %mul3A_454 : i32
      %get3A_456 = arith.constant 3 : i32
      %get3A_457 = arith.index_cast %get3A_456 : i32 to index
      %get3A_458 = arith.index_cast %mul3A_455 : i32 to index
      %get3A_459 = tpu.vector_load %arg11[%get3A_457, %get3A_458] {strides = array<i32>} : memref<16x2560xf32, #tpu.memory_space<vmem>>, vector<16xf32>,
      %add3A_460 = arith.addf %add3A_453, %get3A_459 : vector<16xf32>
      %mul3A_461 = arith.constant 16 : i32
      %mul3A_462 = arith.muli %scan3A_433, %mul3A_461 : i32
      %get3A_463 = arith.constant 4 : i32
      %get3A_464 = arith.index_cast %get3A_463 : i32 to index
      %get3A_465 = arith.index_cast %mul3A_462 : i32 to index
      %get3A_466 = tpu.vector_load %arg11[%get3A_464, %get3A_465] {strides = array<i32>} : memref<16x2560xf32, #tpu.memory_space<vmem>>, vector<16xf32>,
      %add3A_467 = arith.addf %add3A_460, %get3A_466 : vector<16xf32>
      %mul3A_468 = arith.constant 16 : i32
      %mul3A_469 = arith.muli %scan3A_433, %mul3A_468 : i32
      %get3A_470 = arith.constant 5 : i32
      %get3A_471 = arith.index_cast %get3A_470 : i32 to index
      %get3A_472 = arith.index_cast %mul3A_469 : i32 to index
      %get3A_473 = tpu.vector_load %arg11[%get3A_471, %get3A_472] {strides = array<i32>} : memref<16x2560xf32, #tpu.memory_space<vmem>>, vector<16xf32>,
      %add3A_474 = arith.addf %add3A_467, %get3A_473 : vector<16xf32>
      %mul3A_475 = arith.constant 16 : i32
      %mul3A_476 = arith.muli %scan3A_433, %mul3A_475 : i32
      %get3A_477 = arith.constant 6 : i32
      %get3A_478 = arith.index_cast %get3A_477 : i32 to index
      %get3A_479 = arith.index_cast %mul3A_476 : i32 to index
      %get3A_480 = tpu.vector_load %arg11[%get3A_478, %get3A_479] {strides = array<i32>} : memref<16x2560xf32, #tpu.memory_space<vmem>>, vector<16xf32>,
      %add3A_481 = arith.addf %add3A_474, %get3A_480 : vector<16xf32>
      %mul3A_482 = arith.constant 16 : i32
      %mul3A_483 = arith.muli %scan3A_433, %mul3A_482 : i32
      %get3A_484 = arith.constant 7 : i32
      %get3A_485 = arith.index_cast %get3A_484 : i32 to index
      %get3A_486 = arith.index_cast %mul3A_483 : i32 to index
      %get3A_487 = tpu.vector_load %arg11[%get3A_485, %get3A_486] {strides = array<i32>} : memref<16x2560xf32, #tpu.memory_space<vmem>>, vector<16xf32>,
      %add3A_488 = arith.addf %add3A_481, %get3A_487 : vector<16xf32>
      %mul3A_489 = arith.constant 16 : i32
      %mul3A_490 = arith.muli %scan3A_433, %mul3A_489 : i32
      %get3A_491 = arith.constant 8 : i32
      %get3A_492 = arith.index_cast %get3A_491 : i32 to index
      %get3A_493 = arith.index_cast %mul3A_490 : i32 to index
      %get3A_494 = tpu.vector_load %arg11[%get3A_492, %get3A_493] {strides = array<i32>} : memref<16x2560xf32, #tpu.memory_space<vmem>>, vector<16xf32>,
      %add3A_495 = arith.addf %add3A_488, %get3A_494 : vector<16xf32>
      %mul3A_496 = arith.constant 16 : i32
      %mul3A_497 = arith.muli %scan3A_433, %mul3A_496 : i32
      %get3A_498 = arith.constant 9 : i32
      %get3A_499 = arith.index_cast %get3A_498 : i32 to index
      %get3A_500 = arith.index_cast %mul3A_497 : i32 to index
      %get3A_501 = tpu.vector_load %arg11[%get3A_499, %get3A_500] {strides = array<i32>} : memref<16x2560xf32, #tpu.memory_space<vmem>>, vector<16xf32>,
      %add3A_502 = arith.addf %add3A_495, %get3A_501 : vector<16xf32>
      %mul3A_503 = arith.constant 16 : i32
      %mul3A_504 = arith.muli %scan3A_433, %mul3A_503 : i32
      %get3A_505 = arith.constant 10 : i32
      %get3A_506 = arith.index_cast %get3A_505 : i32 to index
      %get3A_507 = arith.index_cast %mul3A_504 : i32 to index
      %get3A_508 = tpu.vector_load %arg11[%get3A_506, %get3A_507] {strides = array<i32>} : memref<16x2560xf32, #tpu.memory_space<vmem>>, vector<16xf32>,
      %add3A_509 = arith.addf %add3A_502, %get3A_508 : vector<16xf32>
      %mul3A_510 = arith.constant 16 : i32
      %mul3A_511 = arith.muli %scan3A_433, %mul3A_510 : i32
      %get3A_512 = arith.constant 11 : i32
      %get3A_513 = arith.index_cast %get3A_512 : i32 to index
      %get3A_514 = arith.index_cast %mul3A_511 : i32 to index
      %get3A_515 = tpu.vector_load %arg11[%get3A_513, %get3A_514] {strides = array<i32>} : memref<16x2560xf32, #tpu.memory_space<vmem>>, vector<16xf32>,
      %add3A_516 = arith.addf %add3A_509, %get3A_515 : vector<16xf32>
      %mul3A_517 = arith.constant 16 : i32
      %mul3A_518 = arith.muli %scan3A_433, %mul3A_517 : i32
      %get3A_519 = arith.constant 12 : i32
      %get3A_520 = arith.index_cast %get3A_519 : i32 to index
      %get3A_521 = arith.index_cast %mul3A_518 : i32 to index
      %get3A_522 = tpu.vector_load %arg11[%get3A_520, %get3A_521] {strides = array<i32>} : memref<16x2560xf32, #tpu.memory_space<vmem>>, vector<16xf32>,
      %add3A_523 = arith.addf %add3A_516, %get3A_522 : vector<16xf32>
      %mul3A_524 = arith.constant 16 : i32
      %mul3A_525 = arith.muli %scan3A_433, %mul3A_524 : i32
      %get3A_526 = arith.constant 13 : i32
      %get3A_527 = arith.index_cast %get3A_526 : i32 to index
      %get3A_528 = arith.index_cast %mul3A_525 : i32 to index
      %get3A_529 = tpu.vector_load %arg11[%get3A_527, %get3A_528] {strides = array<i32>} : memref<16x2560xf32, #tpu.memory_space<vmem>>, vector<16xf32>,
      %add3A_530 = arith.addf %add3A_523, %get3A_529 : vector<16xf32>
      %mul3A_531 = arith.constant 16 : i32
      %mul3A_532 = arith.muli %scan3A_433, %mul3A_531 : i32
      %get3A_533 = arith.constant 14 : i32
      %get3A_534 = arith.index_cast %get3A_533 : i32 to index
      %get3A_535 = arith.index_cast %mul3A_532 : i32 to index
      %get3A_536 = tpu.vector_load %arg11[%get3A_534, %get3A_535] {strides = array<i32>} : memref<16x2560xf32, #tpu.memory_space<vmem>>, vector<16xf32>,
      %add3A_537 = arith.addf %add3A_530, %get3A_536 : vector<16xf32>
      %mul3A_538 = arith.constant 16 : i32
      %mul3A_539 = arith.muli %scan3A_433, %mul3A_538 : i32
      %get3A_540 = arith.constant 15 : i32
      %get3A_541 = arith.index_cast %get3A_540 : i32 to index
      %get3A_542 = arith.index_cast %mul3A_539 : i32 to index
      %get3A_543 = tpu.vector_load %arg11[%get3A_541, %get3A_542] {strides = array<i32>} : memref<16x2560xf32, #tpu.memory_space<vmem>>, vector<16xf32>,
      %add3A_544 = arith.addf %add3A_537, %get3A_543 : vector<16xf32>
      %mul3A_545 = arith.constant 16 : i32
      %mul3A_546 = arith.muli %scan3A_433, %mul3A_545 : i32
      %add3A_547 = arith.constant 5120 : i32
      %add3A_548 = arith.addi %add3A_547, %mul3A_546 : i32
      %swap3A_549 = arith.index_cast %add3A_548 : i32 to index
      %swap3A_550 = tpu.vector_load %arg10[%swap3A_549] {strides = array<i32>} : memref<10240xf32, #tpu.memory_space<vmem>>, vector<16xf32>,
      tpu.vector_store %arg10[%swap3A_549], %add3A_544 {strides = array<i32>} : memref<10240xf32, #tpu.memory_space<vmem>>, vector<16xf32>,
      %scan3A_551 = arith.constant 0 : i32
      scf.yield %scan3A_551 : i32
    }
    %scan3A_65 = arith.constant 160 : i32
    %scan3A_66 = arith.constant 0 : i32
    %scan3A_67 = arith.constant 0 : i32
    %scan3A_68 = arith.constant 160 : i32
    %scan3A_69 = arith.addi %scan3A_67, %scan3A_68 : i32
    %scan3A_70 = arith.constant 1 : i32
    %scan3A_71 = scf.for %scan3A_433 = %scan3A_67 to %scan3A_69 step %scan3A_70 iter_args(%scan3A_434 = %scan3A_66) -> (i32)  : i32 {
      %mul3A_435 = arith.constant 16 : i32
      %mul3A_436 = arith.muli %scan3A_433, %mul3A_435 : i32
      %swap3A_437 = arith.constant 0 : i32
      %swap3A_438 = arith.index_cast %swap3A_437 : i32 to index
      %swap3A_439 = arith.index_cast %mul3A_436 : i32 to index
      %swap3A_440 = tpu.vector_load %arg11[%swap3A_438, %swap3A_439] {strides = array<i32>} : memref<16x2560xf32, #tpu.memory_space<vmem>>, vector<16xf32>,
      tpu.vector_store %arg11[%swap3A_438, %swap3A_439], %broadcast_in_dim3A_0 {strides = array<i32>} : memref<16x2560xf32, #tpu.memory_space<vmem>>, vector<16xf32>,
      %mul3A_441 = arith.constant 16 : i32
      %mul3A_442 = arith.muli %scan3A_433, %mul3A_441 : i32
      %swap3A_443 = arith.constant 1 : i32
      %swap3A_444 = arith.index_cast %swap3A_443 : i32 to index
      %swap3A_445 = arith.index_cast %mul3A_442 : i32 to index
      %swap3A_446 = tpu.vector_load %arg11[%swap3A_444, %swap3A_445] {strides = array<i32>} : memref<16x2560xf32, #tpu.memory_space<vmem>>, vector<16xf32>,
      tpu.vector_store %arg11[%swap3A_444, %swap3A_445], %broadcast_in_dim3A_0 {strides = array<i32>} : memref<16x2560xf32, #tpu.memory_space<vmem>>, vector<16xf32>,
      %mul3A_447 = arith.constant 16 : i32
      %mul3A_448 = arith.muli %scan3A_433, %mul3A_447 : i32
      %swap3A_449 = arith.constant 2 : i32
      %swap3A_450 = arith.index_cast %swap3A_449 : i32 to index
      %swap3A_451 = arith.index_cast %mul3A_448 : i32 to index
      %swap3A_452 = tpu.vector_load %arg11[%swap3A_450, %swap3A_451] {strides = array<i32>} : memref<16x2560xf32, #tpu.memory_space<vmem>>, vector<16xf32>,
      tpu.vector_store %arg11[%swap3A_450, %swap3A_451], %broadcast_in_dim3A_0 {strides = array<i32>} : memref<16x2560xf32, #tpu.memory_space<vmem>>, vector<16xf32>,
      %mul3A_453 = arith.constant 16 : i32
      %mul3A_454 = arith.muli %scan3A_433, %mul3A_453 : i32
      %swap3A_455 = arith.constant 3 : i32
      %swap3A_456 = arith.index_cast %swap3A_455 : i32 to index
      %swap3A_457 = arith.index_cast %mul3A_454 : i32 to index
      %swap3A_458 = tpu.vector_load %arg11[%swap3A_456, %swap3A_457] {strides = array<i32>} : memref<16x2560xf32, #tpu.memory_space<vmem>>, vector<16xf32>,
      tpu.vector_store %arg11[%swap3A_456, %swap3A_457], %broadcast_in_dim3A_0 {strides = array<i32>} : memref<16x2560xf32, #tpu.memory_space<vmem>>, vector<16xf32>,
      %mul3A_459 = arith.constant 16 : i32
      %mul3A_460 = arith.muli %scan3A_433, %mul3A_459 : i32
      %swap3A_461 = arith.constant 4 : i32
      %swap3A_462 = arith.index_cast %swap3A_461 : i32 to index
      %swap3A_463 = arith.index_cast %mul3A_460 : i32 to index
      %swap3A_464 = tpu.vector_load %arg11[%swap3A_462, %swap3A_463] {strides = array<i32>} : memref<16x2560xf32, #tpu.memory_space<vmem>>, vector<16xf32>,
      tpu.vector_store %arg11[%swap3A_462, %swap3A_463], %broadcast_in_dim3A_0 {strides = array<i32>} : memref<16x2560xf32, #tpu.memory_space<vmem>>, vector<16xf32>,
      %mul3A_465 = arith.constant 16 : i32
      %mul3A_466 = arith.muli %scan3A_433, %mul3A_465 : i32
      %swap3A_467 = arith.constant 5 : i32
      %swap3A_468 = arith.index_cast %swap3A_467 : i32 to index
      %swap3A_469 = arith.index_cast %mul3A_466 : i32 to index
      %swap3A_470 = tpu.vector_load %arg11[%swap3A_468, %swap3A_469] {strides = array<i32>} : memref<16x2560xf32, #tpu.memory_space<vmem>>, vector<16xf32>,
      tpu.vector_store %arg11[%swap3A_468, %swap3A_469], %broadcast_in_dim3A_0 {strides = array<i32>} : memref<16x2560xf32, #tpu.memory_space<vmem>>, vector<16xf32>,
      %mul3A_471 = arith.constant 16 : i32
      %mul3A_472 = arith.muli %scan3A_433, %mul3A_471 : i32
      %swap3A_473 = arith.constant 6 : i32
      %swap3A_474 = arith.index_cast %swap3A_473 : i32 to index
      %swap3A_475 = arith.index_cast %mul3A_472 : i32 to index
      %swap3A_476 = tpu.vector_load %arg11[%swap3A_474, %swap3A_475] {strides = array<i32>} : memref<16x2560xf32, #tpu.memory_space<vmem>>, vector<16xf32>,
      tpu.vector_store %arg11[%swap3A_474, %swap3A_475], %broadcast_in_dim3A_0 {strides = array<i32>} : memref<16x2560xf32, #tpu.memory_space<vmem>>, vector<16xf32>,
      %mul3A_477 = arith.constant 16 : i32
      %mul3A_478 = arith.muli %scan3A_433, %mul3A_477 : i32
      %swap3A_479 = arith.constant 7 : i32
      %swap3A_480 = arith.index_cast %swap3A_479 : i32 to index
      %swap3A_481 = arith.index_cast %mul3A_478 : i32 to index
      %swap3A_482 = tpu.vector_load %arg11[%swap3A_480, %swap3A_481] {strides = array<i32>} : memref<16x2560xf32, #tpu.memory_space<vmem>>, vector<16xf32>,
      tpu.vector_store %arg11[%swap3A_480, %swap3A_481], %broadcast_in_dim3A_0 {strides = array<i32>} : memref<16x2560xf32, #tpu.memory_space<vmem>>, vector<16xf32>,
      %mul3A_483 = arith.constant 16 : i32
      %mul3A_484 = arith.muli %scan3A_433, %mul3A_483 : i32
      %swap3A_485 = arith.constant 8 : i32
      %swap3A_486 = arith.index_cast %swap3A_485 : i32 to index
      %swap3A_487 = arith.index_cast %mul3A_484 : i32 to index
      %swap3A_488 = tpu.vector_load %arg11[%swap3A_486, %swap3A_487] {strides = array<i32>} : memref<16x2560xf32, #tpu.memory_space<vmem>>, vector<16xf32>,
      tpu.vector_store %arg11[%swap3A_486, %swap3A_487], %broadcast_in_dim3A_0 {strides = array<i32>} : memref<16x2560xf32, #tpu.memory_space<vmem>>, vector<16xf32>,
      %mul3A_489 = arith.constant 16 : i32
      %mul3A_490 = arith.muli %scan3A_433, %mul3A_489 : i32
      %swap3A_491 = arith.constant 9 : i32
      %swap3A_492 = arith.index_cast %swap3A_491 : i32 to index
      %swap3A_493 = arith.index_cast %mul3A_490 : i32 to index
      %swap3A_494 = tpu.vector_load %arg11[%swap3A_492, %swap3A_493] {strides = array<i32>} : memref<16x2560xf32, #tpu.memory_space<vmem>>, vector<16xf32>,
      tpu.vector_store %arg11[%swap3A_492, %swap3A_493], %broadcast_in_dim3A_0 {strides = array<i32>} : memref<16x2560xf32, #tpu.memory_space<vmem>>, vector<16xf32>,
      %mul3A_495 = arith.constant 16 : i32
      %mul3A_496 = arith.muli %scan3A_433, %mul3A_495 : i32
      %swap3A_497 = arith.constant 10 : i32
      %swap3A_498 = arith.index_cast %swap3A_497 : i32 to index
      %swap3A_499 = arith.index_cast %mul3A_496 : i32 to index
      %swap3A_500 = tpu.vector_load %arg11[%swap3A_498, %swap3A_499] {strides = array<i32>} : memref<16x2560xf32, #tpu.memory_space<vmem>>, vector<16xf32>,
      tpu.vector_store %arg11[%swap3A_498, %swap3A_499], %broadcast_in_dim3A_0 {strides = array<i32>} : memref<16x2560xf32, #tpu.memory_space<vmem>>, vector<16xf32>,
      %mul3A_501 = arith.constant 16 : i32
      %mul3A_502 = arith.muli %scan3A_433, %mul3A_501 : i32
      %swap3A_503 = arith.constant 11 : i32
      %swap3A_504 = arith.index_cast %swap3A_503 : i32 to index
      %swap3A_505 = arith.index_cast %mul3A_502 : i32 to index
      %swap3A_506 = tpu.vector_load %arg11[%swap3A_504, %swap3A_505] {strides = array<i32>} : memref<16x2560xf32, #tpu.memory_space<vmem>>, vector<16xf32>,
      tpu.vector_store %arg11[%swap3A_504, %swap3A_505], %broadcast_in_dim3A_0 {strides = array<i32>} : memref<16x2560xf32, #tpu.memory_space<vmem>>, vector<16xf32>,
      %mul3A_507 = arith.constant 16 : i32
      %mul3A_508 = arith.muli %scan3A_433, %mul3A_507 : i32
      %swap3A_509 = arith.constant 12 : i32
      %swap3A_510 = arith.index_cast %swap3A_509 : i32 to index
      %swap3A_511 = arith.index_cast %mul3A_508 : i32 to index
      %swap3A_512 = tpu.vector_load %arg11[%swap3A_510, %swap3A_511] {strides = array<i32>} : memref<16x2560xf32, #tpu.memory_space<vmem>>, vector<16xf32>,
      tpu.vector_store %arg11[%swap3A_510, %swap3A_511], %broadcast_in_dim3A_0 {strides = array<i32>} : memref<16x2560xf32, #tpu.memory_space<vmem>>, vector<16xf32>,
      %mul3A_513 = arith.constant 16 : i32
      %mul3A_514 = arith.muli %scan3A_433, %mul3A_513 : i32
      %swap3A_515 = arith.constant 13 : i32
      %swap3A_516 = arith.index_cast %swap3A_515 : i32 to index
      %swap3A_517 = arith.index_cast %mul3A_514 : i32 to index
      %swap3A_518 = tpu.vector_load %arg11[%swap3A_516, %swap3A_517] {strides = array<i32>} : memref<16x2560xf32, #tpu.memory_space<vmem>>, vector<16xf32>,
      tpu.vector_store %arg11[%swap3A_516, %swap3A_517], %broadcast_in_dim3A_0 {strides = array<i32>} : memref<16x2560xf32, #tpu.memory_space<vmem>>, vector<16xf32>,
      %mul3A_519 = arith.constant 16 : i32
      %mul3A_520 = arith.muli %scan3A_433, %mul3A_519 : i32
      %swap3A_521 = arith.constant 14 : i32
      %swap3A_522 = arith.index_cast %swap3A_521 : i32 to index
      %swap3A_523 = arith.index_cast %mul3A_520 : i32 to index
      %swap3A_524 = tpu.vector_load %arg11[%swap3A_522, %swap3A_523] {strides = array<i32>} : memref<16x2560xf32, #tpu.memory_space<vmem>>, vector<16xf32>,
      tpu.vector_store %arg11[%swap3A_522, %swap3A_523], %broadcast_in_dim3A_0 {strides = array<i32>} : memref<16x2560xf32, #tpu.memory_space<vmem>>, vector<16xf32>,
      %mul3A_525 = arith.constant 16 : i32
      %mul3A_526 = arith.muli %scan3A_433, %mul3A_525 : i32
      %swap3A_527 = arith.constant 15 : i32
      %swap3A_528 = arith.index_cast %swap3A_527 : i32 to index
      %swap3A_529 = arith.index_cast %mul3A_526 : i32 to index
      %swap3A_530 = tpu.vector_load %arg11[%swap3A_528, %swap3A_529] {strides = array<i32>} : memref<16x2560xf32, #tpu.memory_space<vmem>>, vector<16xf32>,
      tpu.vector_store %arg11[%swap3A_528, %swap3A_529], %broadcast_in_dim3A_0 {strides = array<i32>} : memref<16x2560xf32, #tpu.memory_space<vmem>>, vector<16xf32>,
      %scan3A_531 = arith.constant 0 : i32
      scf.yield %scan3A_531 : i32
    }
    %scan3A_72 = arith.constant 160 : i32
    %scan3A_73 = arith.constant 0 : i32
    %scan3A_74 = arith.constant 0 : i32
    %scan3A_75 = arith.constant 640 : i32
    %scan3A_76 = arith.addi %scan3A_74, %scan3A_75 : i32
    %scan3A_77 = arith.constant 1 : i32
    %scan3A_78 = scf.for %scan3A_433 = %scan3A_74 to %scan3A_76 step %scan3A_77 iter_args(%scan3A_434 = %scan3A_73) -> (i32)  : i32 {
      %mul3A_435 = arith.constant 16 : i32
      %mul3A_436 = arith.muli %scan3A_433, %mul3A_435 : i32
      %add3A_437 = arith.addi %mul3A_3, %mul3A_436 : i32
      %get3A = arith.index_cast %add3A_437 : i32 to index
      %get3A_438 = tpu.vector_load %arg9[%get3A] {strides = array<i32>} : memref<20864xi32, #tpu.memory_space<vmem>>, vector<16xi32>,
      %sub3A_439 = arith.constant 7680 : i32
      %sub3A_440 = vector.broadcast %sub3A_439 : i32 to vector<16xi32>
      %sub3A_441 = arith.subi %get3A_438, %sub3A_440 : vector<16xi32>
      %ge3A = arith.constant 0 : i32
      %ge3A_442 = vector.broadcast %ge3A : i32 to vector<16xi32>
      %ge3A_443 = arith.cmpi sge, %sub3A_441, %ge3A_442 : vector<16xi32>
      %lt3A = arith.constant 2560 : i32
      %lt3A_444 = vector.broadcast %lt3A : i32 to vector<16xi32>
      %lt3A_445 = arith.cmpi slt, %sub3A_441, %lt3A_444 : vector<16xi32>
      %and3A_446 = arith.andi %ge3A_443, %lt3A_445 : vector<16xi1>
      %jit3A_447 = arith.constant 0 : i32
      %jit3A_448 = arith.constant 2559 : i32
      %max3A_449 = vector.broadcast %jit3A_447 : i32 to vector<16xi32>
      %max3A_450 = arith.maxsi %max3A_449, %sub3A_441 : vector<16xi32>
      %min3A = vector.broadcast %jit3A_448 : i32 to vector<16xi32>
      %min3A_451 = arith.minsi %min3A, %max3A_450 : vector<16xi32>
      tpu.vector_store_idx %arg11[%iota3A, %min3A_451], %broadcast_in_dim3A_2 masked %and3A_446 {add = true} : memref<16x2560xf32, #tpu.memory_space<vmem>>[vector<16xi32>, vector<16xi32>], vector<16xf32>, vector<16xi1>
      %scan3A_452 = arith.constant 0 : i32
      scf.yield %scan3A_452 : i32
    }
    %scan3A_79 = arith.constant 640 : i32
    %scan3A_80 = arith.constant 0 : i32
    %scan3A_81 = arith.constant 0 : i32
    %scan3A_82 = arith.constant 160 : i32
    %scan3A_83 = arith.addi %scan3A_81, %scan3A_82 : i32
    %scan3A_84 = arith.constant 1 : i32
    %scan3A_85 = scf.for %scan3A_433 = %scan3A_81 to %scan3A_83 step %scan3A_84 iter_args(%scan3A_434 = %scan3A_80) -> (i32)  : i32 {
      %mul3A_435 = arith.constant 16 : i32
      %mul3A_436 = arith.muli %scan3A_433, %mul3A_435 : i32
      %get3A = arith.constant 0 : i32
      %get3A_437 = arith.index_cast %get3A : i32 to index
      %get3A_438 = arith.index_cast %mul3A_436 : i32 to index
      %get3A_439 = tpu.vector_load %arg11[%get3A_437, %get3A_438] {strides = array<i32>} : memref<16x2560xf32, #tpu.memory_space<vmem>>, vector<16xf32>,
      %mul3A_440 = arith.constant 16 : i32
      %mul3A_441 = arith.muli %scan3A_433, %mul3A_440 : i32
      %get3A_442 = arith.constant 1 : i32
      %get3A_443 = arith.index_cast %get3A_442 : i32 to index
      %get3A_444 = arith.index_cast %mul3A_441 : i32 to index
      %get3A_445 = tpu.vector_load %arg11[%get3A_443, %get3A_444] {strides = array<i32>} : memref<16x2560xf32, #tpu.memory_space<vmem>>, vector<16xf32>,
      %add3A_446 = arith.addf %get3A_439, %get3A_445 : vector<16xf32>
      %mul3A_447 = arith.constant 16 : i32
      %mul3A_448 = arith.muli %scan3A_433, %mul3A_447 : i32
      %get3A_449 = arith.constant 2 : i32
      %get3A_450 = arith.index_cast %get3A_449 : i32 to index
      %get3A_451 = arith.index_cast %mul3A_448 : i32 to index
      %get3A_452 = tpu.vector_load %arg11[%get3A_450, %get3A_451] {strides = array<i32>} : memref<16x2560xf32, #tpu.memory_space<vmem>>, vector<16xf32>,
      %add3A_453 = arith.addf %add3A_446, %get3A_452 : vector<16xf32>
      %mul3A_454 = arith.constant 16 : i32
      %mul3A_455 = arith.muli %scan3A_433, %mul3A_454 : i32
      %get3A_456 = arith.constant 3 : i32
      %get3A_457 = arith.index_cast %get3A_456 : i32 to index
      %get3A_458 = arith.index_cast %mul3A_455 : i32 to index
      %get3A_459 = tpu.vector_load %arg11[%get3A_457, %get3A_458] {strides = array<i32>} : memref<16x2560xf32, #tpu.memory_space<vmem>>, vector<16xf32>,
      %add3A_460 = arith.addf %add3A_453, %get3A_459 : vector<16xf32>
      %mul3A_461 = arith.constant 16 : i32
      %mul3A_462 = arith.muli %scan3A_433, %mul3A_461 : i32
      %get3A_463 = arith.constant 4 : i32
      %get3A_464 = arith.index_cast %get3A_463 : i32 to index
      %get3A_465 = arith.index_cast %mul3A_462 : i32 to index
      %get3A_466 = tpu.vector_load %arg11[%get3A_464, %get3A_465] {strides = array<i32>} : memref<16x2560xf32, #tpu.memory_space<vmem>>, vector<16xf32>,
      %add3A_467 = arith.addf %add3A_460, %get3A_466 : vector<16xf32>
      %mul3A_468 = arith.constant 16 : i32
      %mul3A_469 = arith.muli %scan3A_433, %mul3A_468 : i32
      %get3A_470 = arith.constant 5 : i32
      %get3A_471 = arith.index_cast %get3A_470 : i32 to index
      %get3A_472 = arith.index_cast %mul3A_469 : i32 to index
      %get3A_473 = tpu.vector_load %arg11[%get3A_471, %get3A_472] {strides = array<i32>} : memref<16x2560xf32, #tpu.memory_space<vmem>>, vector<16xf32>,
      %add3A_474 = arith.addf %add3A_467, %get3A_473 : vector<16xf32>
      %mul3A_475 = arith.constant 16 : i32
      %mul3A_476 = arith.muli %scan3A_433, %mul3A_475 : i32
      %get3A_477 = arith.constant 6 : i32
      %get3A_478 = arith.index_cast %get3A_477 : i32 to index
      %get3A_479 = arith.index_cast %mul3A_476 : i32 to index
      %get3A_480 = tpu.vector_load %arg11[%get3A_478, %get3A_479] {strides = array<i32>} : memref<16x2560xf32, #tpu.memory_space<vmem>>, vector<16xf32>,
      %add3A_481 = arith.addf %add3A_474, %get3A_480 : vector<16xf32>
      %mul3A_482 = arith.constant 16 : i32
      %mul3A_483 = arith.muli %scan3A_433, %mul3A_482 : i32
      %get3A_484 = arith.constant 7 : i32
      %get3A_485 = arith.index_cast %get3A_484 : i32 to index
      %get3A_486 = arith.index_cast %mul3A_483 : i32 to index
      %get3A_487 = tpu.vector_load %arg11[%get3A_485, %get3A_486] {strides = array<i32>} : memref<16x2560xf32, #tpu.memory_space<vmem>>, vector<16xf32>,
      %add3A_488 = arith.addf %add3A_481, %get3A_487 : vector<16xf32>
      %mul3A_489 = arith.constant 16 : i32
      %mul3A_490 = arith.muli %scan3A_433, %mul3A_489 : i32
      %get3A_491 = arith.constant 8 : i32
      %get3A_492 = arith.index_cast %get3A_491 : i32 to index
      %get3A_493 = arith.index_cast %mul3A_490 : i32 to index
      %get3A_494 = tpu.vector_load %arg11[%get3A_492, %get3A_493] {strides = array<i32>} : memref<16x2560xf32, #tpu.memory_space<vmem>>, vector<16xf32>,
      %add3A_495 = arith.addf %add3A_488, %get3A_494 : vector<16xf32>
      %mul3A_496 = arith.constant 16 : i32
      %mul3A_497 = arith.muli %scan3A_433, %mul3A_496 : i32
      %get3A_498 = arith.constant 9 : i32
      %get3A_499 = arith.index_cast %get3A_498 : i32 to index
      %get3A_500 = arith.index_cast %mul3A_497 : i32 to index
      %get3A_501 = tpu.vector_load %arg11[%get3A_499, %get3A_500] {strides = array<i32>} : memref<16x2560xf32, #tpu.memory_space<vmem>>, vector<16xf32>,
      %add3A_502 = arith.addf %add3A_495, %get3A_501 : vector<16xf32>
      %mul3A_503 = arith.constant 16 : i32
      %mul3A_504 = arith.muli %scan3A_433, %mul3A_503 : i32
      %get3A_505 = arith.constant 10 : i32
      %get3A_506 = arith.index_cast %get3A_505 : i32 to index
      %get3A_507 = arith.index_cast %mul3A_504 : i32 to index
      %get3A_508 = tpu.vector_load %arg11[%get3A_506, %get3A_507] {strides = array<i32>} : memref<16x2560xf32, #tpu.memory_space<vmem>>, vector<16xf32>,
      %add3A_509 = arith.addf %add3A_502, %get3A_508 : vector<16xf32>
      %mul3A_510 = arith.constant 16 : i32
      %mul3A_511 = arith.muli %scan3A_433, %mul3A_510 : i32
      %get3A_512 = arith.constant 11 : i32
      %get3A_513 = arith.index_cast %get3A_512 : i32 to index
      %get3A_514 = arith.index_cast %mul3A_511 : i32 to index
      %get3A_515 = tpu.vector_load %arg11[%get3A_513, %get3A_514] {strides = array<i32>} : memref<16x2560xf32, #tpu.memory_space<vmem>>, vector<16xf32>,
      %add3A_516 = arith.addf %add3A_509, %get3A_515 : vector<16xf32>
      %mul3A_517 = arith.constant 16 : i32
      %mul3A_518 = arith.muli %scan3A_433, %mul3A_517 : i32
      %get3A_519 = arith.constant 12 : i32
      %get3A_520 = arith.index_cast %get3A_519 : i32 to index
      %get3A_521 = arith.index_cast %mul3A_518 : i32 to index
      %get3A_522 = tpu.vector_load %arg11[%get3A_520, %get3A_521] {strides = array<i32>} : memref<16x2560xf32, #tpu.memory_space<vmem>>, vector<16xf32>,
      %add3A_523 = arith.addf %add3A_516, %get3A_522 : vector<16xf32>
      %mul3A_524 = arith.constant 16 : i32
      %mul3A_525 = arith.muli %scan3A_433, %mul3A_524 : i32
      %get3A_526 = arith.constant 13 : i32
      %get3A_527 = arith.index_cast %get3A_526 : i32 to index
      %get3A_528 = arith.index_cast %mul3A_525 : i32 to index
      %get3A_529 = tpu.vector_load %arg11[%get3A_527, %get3A_528] {strides = array<i32>} : memref<16x2560xf32, #tpu.memory_space<vmem>>, vector<16xf32>,
      %add3A_530 = arith.addf %add3A_523, %get3A_529 : vector<16xf32>
      %mul3A_531 = arith.constant 16 : i32
      %mul3A_532 = arith.muli %scan3A_433, %mul3A_531 : i32
      %get3A_533 = arith.constant 14 : i32
      %get3A_534 = arith.index_cast %get3A_533 : i32 to index
      %get3A_535 = arith.index_cast %mul3A_532 : i32 to index
      %get3A_536 = tpu.vector_load %arg11[%get3A_534, %get3A_535] {strides = array<i32>} : memref<16x2560xf32, #tpu.memory_space<vmem>>, vector<16xf32>,
      %add3A_537 = arith.addf %add3A_530, %get3A_536 : vector<16xf32>
      %mul3A_538 = arith.constant 16 : i32
      %mul3A_539 = arith.muli %scan3A_433, %mul3A_538 : i32
      %get3A_540 = arith.constant 15 : i32
      %get3A_541 = arith.index_cast %get3A_540 : i32 to index
      %get3A_542 = arith.index_cast %mul3A_539 : i32 to index
      %get3A_543 = tpu.vector_load %arg11[%get3A_541, %get3A_542] {strides = array<i32>} : memref<16x2560xf32, #tpu.memory_space<vmem>>, vector<16xf32>,
      %add3A_544 = arith.addf %add3A_537, %get3A_543 : vector<16xf32>
      %mul3A_545 = arith.constant 16 : i32
      %mul3A_546 = arith.muli %scan3A_433, %mul3A_545 : i32
      %add3A_547 = arith.constant 7680 : i32
      %add3A_548 = arith.addi %add3A_547, %mul3A_546 : i32
      %swap3A_549 = arith.index_cast %add3A_548 : i32 to index
      %swap3A_550 = tpu.vector_load %arg10[%swap3A_549] {strides = array<i32>} : memref<10240xf32, #tpu.memory_space<vmem>>, vector<16xf32>,
      tpu.vector_store %arg10[%swap3A_549], %add3A_544 {strides = array<i32>} : memref<10240xf32, #tpu.memory_space<vmem>>, vector<16xf32>,
      %scan3A_551 = arith.constant 0 : i32
      scf.yield %scan3A_551 : i32
    }
    %scan3A_86 = arith.constant 160 : i32
    "tpu.region"() ({
      %run_scoped3A_433 = tpu.sem_alloc : memref<!tpu.dma_semaphore, #tpu.memory_space<semaphore_mem>>
      %dma_start3A = arith.constant 0 : i32
      %dma_start3A_434 = tpu.memref_slice %arg15[%arg1, %dma_start3A] : memref<16x10240xf32, #tpu.memory_space<vmem_shared>> -> memref<1x10240xf32, #tpu.memory_space<vmem_shared>>
      %dma_start3A_435 = tpu.memref_squeeze %dma_start3A_434 : memref<1x10240xf32, #tpu.memory_space<vmem_shared>> -> memref<10240xf32, #tpu.memory_space<vmem_shared>>
      %dma_start3A_436 = arith.constant 0 : i32
      %dma_start3A_437 = tpu.memref_slice %arg15[%arg1, %dma_start3A_436] : memref<16x10240xf32, #tpu.memory_space<vmem_shared>> -> memref<1x10240xf32, #tpu.memory_space<vmem_shared>>
      %dma_start3A_438 = tpu.memref_squeeze %dma_start3A_437 : memref<1x10240xf32, #tpu.memory_space<vmem_shared>> -> memref<10240xf32, #tpu.memory_space<vmem_shared>>
      tpu.enqueue_dma source(%arg10 : memref<10240xf32, #tpu.memory_space<vmem>>) target(%dma_start3A_438 : memref<10240xf32, #tpu.memory_space<vmem_shared>>) target_semaphore(%run_scoped3A_433 : memref<!tpu.dma_semaphore, #tpu.memory_space<semaphore_mem>>)
      %dma_wait3A = arith.constant 0 : i32
      %dma_wait3A_439 = tpu.memref_slice %arg15[%arg1, %dma_wait3A] : memref<16x10240xf32, #tpu.memory_space<vmem_shared>> -> memref<1x10240xf32, #tpu.memory_space<vmem_shared>>
      %dma_wait3A_440 = tpu.memref_squeeze %dma_wait3A_439 : memref<1x10240xf32, #tpu.memory_space<vmem_shared>> -> memref<10240xf32, #tpu.memory_space<vmem_shared>>
      %dma_wait3A_441 = arith.constant 0 : i32
      %dma_wait3A_442 = tpu.memref_slice %arg15[%arg1, %dma_wait3A_441] : memref<16x10240xf32, #tpu.memory_space<vmem_shared>> -> memref<1x10240xf32, #tpu.memory_space<vmem_shared>>
      %dma_wait3A_443 = tpu.memref_squeeze %dma_wait3A_442 : memref<1x10240xf32, #tpu.memory_space<vmem_shared>> -> memref<10240xf32, #tpu.memory_space<vmem_shared>>
      tpu.wait_dma2 semaphore(%run_scoped3A_433 : memref<!tpu.dma_semaphore, #tpu.memory_space<semaphore_mem>>) src(%arg10 : memref<10240xf32, #tpu.memory_space<vmem>>) dst(%dma_wait3A_443 : memref<10240xf32, #tpu.memory_space<vmem_shared>>)
      tpu.yield
    }) : () -> ()
    %barrier3A = arith.constant 0 : index
    tpu.barrier barrier_id(%barrier3A)
    %mul3A_87 = arith.constant 640 : i32
    %mul3A_88 = arith.muli %arg1, %mul3A_87 : i32
    %run_scoped3A = arith.constant 0 : i32
    %run_scoped3A_89 = arith.constant 0 : i32
    "tpu.region"() ({
      %run_scoped3A_433 = tpu.sem_alloc : memref<!tpu.dma_semaphore, #tpu.memory_space<semaphore_mem>>
      %dma_start3A = arith.constant 0 : i32
      %dma_start3A_434 = tpu.memref_slice %arg12[%run_scoped3A_89, %dma_start3A] : memref<16x640xf32, #tpu.memory_space<vmem>> -> memref<1x640xf32, #tpu.memory_space<vmem>>
      %dma_start3A_435 = tpu.memref_squeeze %dma_start3A_434 : memref<1x640xf32, #tpu.memory_space<vmem>> -> memref<640xf32, #tpu.memory_space<vmem>>
      %dma_start3A_436 = tpu.memref_slice %arg15[%run_scoped3A, %mul3A_88] : memref<16x10240xf32, #tpu.memory_space<vmem_shared>> -> memref<1x640xf32, #tpu.memory_space<vmem_shared>>
      %dma_start3A_437 = tpu.memref_squeeze %dma_start3A_436 : memref<1x640xf32, #tpu.memory_space<vmem_shared>> -> memref<640xf32, #tpu.memory_space<vmem_shared>>
      %dma_start3A_438 = arith.constant 0 : i32
      %dma_start3A_439 = tpu.memref_slice %arg12[%run_scoped3A_89, %dma_start3A_438] : memref<16x640xf32, #tpu.memory_space<vmem>> -> memref<1x640xf32, #tpu.memory_space<vmem>>
      %dma_start3A_440 = tpu.memref_squeeze %dma_start3A_439 : memref<1x640xf32, #tpu.memory_space<vmem>> -> memref<640xf32, #tpu.memory_space<vmem>>
      %dma_start3A_441 = tpu.memref_slice %arg15[%run_scoped3A, %mul3A_88] : memref<16x10240xf32, #tpu.memory_space<vmem_shared>> -> memref<1x640xf32, #tpu.memory_space<vmem_shared>>
      %dma_start3A_442 = tpu.memref_squeeze %dma_start3A_441 : memref<1x640xf32, #tpu.memory_space<vmem_shared>> -> memref<640xf32, #tpu.memory_space<vmem_shared>>
      tpu.enqueue_dma source(%dma_start3A_442 : memref<640xf32, #tpu.memory_space<vmem_shared>>) target(%dma_start3A_440 : memref<640xf32, #tpu.memory_space<vmem>>) target_semaphore(%run_scoped3A_433 : memref<!tpu.dma_semaphore, #tpu.memory_space<semaphore_mem>>)
      %dma_wait3A = arith.constant 0 : i32
      %dma_wait3A_443 = tpu.memref_slice %arg12[%run_scoped3A_89, %dma_wait3A] : memref<16x640xf32, #tpu.memory_space<vmem>> -> memref<1x640xf32, #tpu.memory_space<vmem>>
      %dma_wait3A_444 = tpu.memref_squeeze %dma_wait3A_443 : memref<1x640xf32, #tpu.memory_space<vmem>> -> memref<640xf32, #tpu.memory_space<vmem>>
      %dma_wait3A_445 = tpu.memref_slice %arg15[%run_scoped3A, %mul3A_88] : memref<16x10240xf32, #tpu.memory_space<vmem_shared>> -> memref<1x640xf32, #tpu.memory_space<vmem_shared>>
      %dma_wait3A_446 = tpu.memref_squeeze %dma_wait3A_445 : memref<1x640xf32, #tpu.memory_space<vmem_shared>> -> memref<640xf32, #tpu.memory_space<vmem_shared>>
      %dma_wait3A_447 = arith.constant 0 : i32
      %dma_wait3A_448 = tpu.memref_slice %arg12[%run_scoped3A_89, %dma_wait3A_447] : memref<16x640xf32, #tpu.memory_space<vmem>> -> memref<1x640xf32, #tpu.memory_space<vmem>>
      %dma_wait3A_449 = tpu.memref_squeeze %dma_wait3A_448 : memref<1x640xf32, #tpu.memory_space<vmem>> -> memref<640xf32, #tpu.memory_space<vmem>>
      %dma_wait3A_450 = tpu.memref_slice %arg15[%run_scoped3A, %mul3A_88] : memref<16x10240xf32, #tpu.memory_space<vmem_shared>> -> memref<1x640xf32, #tpu.memory_space<vmem_shared>>
      %dma_wait3A_451 = tpu.memref_squeeze %dma_wait3A_450 : memref<1x640xf32, #tpu.memory_space<vmem_shared>> -> memref<640xf32, #tpu.memory_space<vmem_shared>>
      tpu.wait_dma2 semaphore(%run_scoped3A_433 : memref<!tpu.dma_semaphore, #tpu.memory_space<semaphore_mem>>) src(%dma_wait3A_451 : memref<640xf32, #tpu.memory_space<vmem_shared>>) dst(%dma_wait3A_449 : memref<640xf32, #tpu.memory_space<vmem>>)
      tpu.yield
    }) : () -> ()
    %mul3A_90 = arith.constant 640 : i32
    %mul3A_91 = arith.muli %arg1, %mul3A_90 : i32
    %run_scoped3A_92 = arith.constant 1 : i32
    %run_scoped3A_93 = arith.constant 1 : i32
    "tpu.region"() ({
      %run_scoped3A_433 = tpu.sem_alloc : memref<!tpu.dma_semaphore, #tpu.memory_space<semaphore_mem>>
      %dma_start3A = arith.constant 0 : i32
      %dma_start3A_434 = tpu.memref_slice %arg12[%run_scoped3A_93, %dma_start3A] : memref<16x640xf32, #tpu.memory_space<vmem>> -> memref<1x640xf32, #tpu.memory_space<vmem>>
      %dma_start3A_435 = tpu.memref_squeeze %dma_start3A_434 : memref<1x640xf32, #tpu.memory_space<vmem>> -> memref<640xf32, #tpu.memory_space<vmem>>
      %dma_start3A_436 = tpu.memref_slice %arg15[%run_scoped3A_92, %mul3A_91] : memref<16x10240xf32, #tpu.memory_space<vmem_shared>> -> memref<1x640xf32, #tpu.memory_space<vmem_shared>>
      %dma_start3A_437 = tpu.memref_squeeze %dma_start3A_436 : memref<1x640xf32, #tpu.memory_space<vmem_shared>> -> memref<640xf32, #tpu.memory_space<vmem_shared>>
      %dma_start3A_438 = arith.constant 0 : i32
      %dma_start3A_439 = tpu.memref_slice %arg12[%run_scoped3A_93, %dma_start3A_438] : memref<16x640xf32, #tpu.memory_space<vmem>> -> memref<1x640xf32, #tpu.memory_space<vmem>>
      %dma_start3A_440 = tpu.memref_squeeze %dma_start3A_439 : memref<1x640xf32, #tpu.memory_space<vmem>> -> memref<640xf32, #tpu.memory_space<vmem>>
      %dma_start3A_441 = tpu.memref_slice %arg15[%run_scoped3A_92, %mul3A_91] : memref<16x10240xf32, #tpu.memory_space<vmem_shared>> -> memref<1x640xf32, #tpu.memory_space<vmem_shared>>
      %dma_start3A_442 = tpu.memref_squeeze %dma_start3A_441 : memref<1x640xf32, #tpu.memory_space<vmem_shared>> -> memref<640xf32, #tpu.memory_space<vmem_shared>>
      tpu.enqueue_dma source(%dma_start3A_442 : memref<640xf32, #tpu.memory_space<vmem_shared>>) target(%dma_start3A_440 : memref<640xf32, #tpu.memory_space<vmem>>) target_semaphore(%run_scoped3A_433 : memref<!tpu.dma_semaphore, #tpu.memory_space<semaphore_mem>>)
      %dma_wait3A = arith.constant 0 : i32
      %dma_wait3A_443 = tpu.memref_slice %arg12[%run_scoped3A_93, %dma_wait3A] : memref<16x640xf32, #tpu.memory_space<vmem>> -> memref<1x640xf32, #tpu.memory_space<vmem>>
      %dma_wait3A_444 = tpu.memref_squeeze %dma_wait3A_443 : memref<1x640xf32, #tpu.memory_space<vmem>> -> memref<640xf32, #tpu.memory_space<vmem>>
      %dma_wait3A_445 = tpu.memref_slice %arg15[%run_scoped3A_92, %mul3A_91] : memref<16x10240xf32, #tpu.memory_space<vmem_shared>> -> memref<1x640xf32, #tpu.memory_space<vmem_shared>>
      %dma_wait3A_446 = tpu.memref_squeeze %dma_wait3A_445 : memref<1x640xf32, #tpu.memory_space<vmem_shared>> -> memref<640xf32, #tpu.memory_space<vmem_shared>>
      %dma_wait3A_447 = arith.constant 0 : i32
      %dma_wait3A_448 = tpu.memref_slice %arg12[%run_scoped3A_93, %dma_wait3A_447] : memref<16x640xf32, #tpu.memory_space<vmem>> -> memref<1x640xf32, #tpu.memory_space<vmem>>
      %dma_wait3A_449 = tpu.memref_squeeze %dma_wait3A_448 : memref<1x640xf32, #tpu.memory_space<vmem>> -> memref<640xf32, #tpu.memory_space<vmem>>
      %dma_wait3A_450 = tpu.memref_slice %arg15[%run_scoped3A_92, %mul3A_91] : memref<16x10240xf32, #tpu.memory_space<vmem_shared>> -> memref<1x640xf32, #tpu.memory_space<vmem_shared>>
      %dma_wait3A_451 = tpu.memref_squeeze %dma_wait3A_450 : memref<1x640xf32, #tpu.memory_space<vmem_shared>> -> memref<640xf32, #tpu.memory_space<vmem_shared>>
      tpu.wait_dma2 semaphore(%run_scoped3A_433 : memref<!tpu.dma_semaphore, #tpu.memory_space<semaphore_mem>>) src(%dma_wait3A_451 : memref<640xf32, #tpu.memory_space<vmem_shared>>) dst(%dma_wait3A_449 : memref<640xf32, #tpu.memory_space<vmem>>)
      tpu.yield
    }) : () -> ()
    %mul3A_94 = arith.constant 640 : i32
    %mul3A_95 = arith.muli %arg1, %mul3A_94 : i32
    %run_scoped3A_96 = arith.constant 2 : i32
    %run_scoped3A_97 = arith.constant 2 : i32
    "tpu.region"() ({
      %run_scoped3A_433 = tpu.sem_alloc : memref<!tpu.dma_semaphore, #tpu.memory_space<semaphore_mem>>
      %dma_start3A = arith.constant 0 : i32
      %dma_start3A_434 = tpu.memref_slice %arg12[%run_scoped3A_97, %dma_start3A] : memref<16x640xf32, #tpu.memory_space<vmem>> -> memref<1x640xf32, #tpu.memory_space<vmem>>
      %dma_start3A_435 = tpu.memref_squeeze %dma_start3A_434 : memref<1x640xf32, #tpu.memory_space<vmem>> -> memref<640xf32, #tpu.memory_space<vmem>>
      %dma_start3A_436 = tpu.memref_slice %arg15[%run_scoped3A_96, %mul3A_95] : memref<16x10240xf32, #tpu.memory_space<vmem_shared>> -> memref<1x640xf32, #tpu.memory_space<vmem_shared>>
      %dma_start3A_437 = tpu.memref_squeeze %dma_start3A_436 : memref<1x640xf32, #tpu.memory_space<vmem_shared>> -> memref<640xf32, #tpu.memory_space<vmem_shared>>
      %dma_start3A_438 = arith.constant 0 : i32
      %dma_start3A_439 = tpu.memref_slice %arg12[%run_scoped3A_97, %dma_start3A_438] : memref<16x640xf32, #tpu.memory_space<vmem>> -> memref<1x640xf32, #tpu.memory_space<vmem>>
      %dma_start3A_440 = tpu.memref_squeeze %dma_start3A_439 : memref<1x640xf32, #tpu.memory_space<vmem>> -> memref<640xf32, #tpu.memory_space<vmem>>
      %dma_start3A_441 = tpu.memref_slice %arg15[%run_scoped3A_96, %mul3A_95] : memref<16x10240xf32, #tpu.memory_space<vmem_shared>> -> memref<1x640xf32, #tpu.memory_space<vmem_shared>>
      %dma_start3A_442 = tpu.memref_squeeze %dma_start3A_441 : memref<1x640xf32, #tpu.memory_space<vmem_shared>> -> memref<640xf32, #tpu.memory_space<vmem_shared>>
      tpu.enqueue_dma source(%dma_start3A_442 : memref<640xf32, #tpu.memory_space<vmem_shared>>) target(%dma_start3A_440 : memref<640xf32, #tpu.memory_space<vmem>>) target_semaphore(%run_scoped3A_433 : memref<!tpu.dma_semaphore, #tpu.memory_space<semaphore_mem>>)
      %dma_wait3A = arith.constant 0 : i32
      %dma_wait3A_443 = tpu.memref_slice %arg12[%run_scoped3A_97, %dma_wait3A] : memref<16x640xf32, #tpu.memory_space<vmem>> -> memref<1x640xf32, #tpu.memory_space<vmem>>
      %dma_wait3A_444 = tpu.memref_squeeze %dma_wait3A_443 : memref<1x640xf32, #tpu.memory_space<vmem>> -> memref<640xf32, #tpu.memory_space<vmem>>
      %dma_wait3A_445 = tpu.memref_slice %arg15[%run_scoped3A_96, %mul3A_95] : memref<16x10240xf32, #tpu.memory_space<vmem_shared>> -> memref<1x640xf32, #tpu.memory_space<vmem_shared>>
      %dma_wait3A_446 = tpu.memref_squeeze %dma_wait3A_445 : memref<1x640xf32, #tpu.memory_space<vmem_shared>> -> memref<640xf32, #tpu.memory_space<vmem_shared>>
      %dma_wait3A_447 = arith.constant 0 : i32
      %dma_wait3A_448 = tpu.memref_slice %arg12[%run_scoped3A_97, %dma_wait3A_447] : memref<16x640xf32, #tpu.memory_space<vmem>> -> memref<1x640xf32, #tpu.memory_space<vmem>>
      %dma_wait3A_449 = tpu.memref_squeeze %dma_wait3A_448 : memref<1x640xf32, #tpu.memory_space<vmem>> -> memref<640xf32, #tpu.memory_space<vmem>>
      %dma_wait3A_450 = tpu.memref_slice %arg15[%run_scoped3A_96, %mul3A_95] : memref<16x10240xf32, #tpu.memory_space<vmem_shared>> -> memref<1x640xf32, #tpu.memory_space<vmem_shared>>
      %dma_wait3A_451 = tpu.memref_squeeze %dma_wait3A_450 : memref<1x640xf32, #tpu.memory_space<vmem_shared>> -> memref<640xf32, #tpu.memory_space<vmem_shared>>
      tpu.wait_dma2 semaphore(%run_scoped3A_433 : memref<!tpu.dma_semaphore, #tpu.memory_space<semaphore_mem>>) src(%dma_wait3A_451 : memref<640xf32, #tpu.memory_space<vmem_shared>>) dst(%dma_wait3A_449 : memref<640xf32, #tpu.memory_space<vmem>>)
      tpu.yield
    }) : () -> ()
    %mul3A_98 = arith.constant 640 : i32
    %mul3A_99 = arith.muli %arg1, %mul3A_98 : i32
    %run_scoped3A_100 = arith.constant 3 : i32
    %run_scoped3A_101 = arith.constant 3 : i32
    "tpu.region"() ({
      %run_scoped3A_433 = tpu.sem_alloc : memref<!tpu.dma_semaphore, #tpu.memory_space<semaphore_mem>>
      %dma_start3A = arith.constant 0 : i32
      %dma_start3A_434 = tpu.memref_slice %arg12[%run_scoped3A_101, %dma_start3A] : memref<16x640xf32, #tpu.memory_space<vmem>> -> memref<1x640xf32, #tpu.memory_space<vmem>>
      %dma_start3A_435 = tpu.memref_squeeze %dma_start3A_434 : memref<1x640xf32, #tpu.memory_space<vmem>> -> memref<640xf32, #tpu.memory_space<vmem>>
      %dma_start3A_436 = tpu.memref_slice %arg15[%run_scoped3A_100, %mul3A_99] : memref<16x10240xf32, #tpu.memory_space<vmem_shared>> -> memref<1x640xf32, #tpu.memory_space<vmem_shared>>
      %dma_start3A_437 = tpu.memref_squeeze %dma_start3A_436 : memref<1x640xf32, #tpu.memory_space<vmem_shared>> -> memref<640xf32, #tpu.memory_space<vmem_shared>>
      %dma_start3A_438 = arith.constant 0 : i32
      %dma_start3A_439 = tpu.memref_slice %arg12[%run_scoped3A_101, %dma_start3A_438] : memref<16x640xf32, #tpu.memory_space<vmem>> -> memref<1x640xf32, #tpu.memory_space<vmem>>
      %dma_start3A_440 = tpu.memref_squeeze %dma_start3A_439 : memref<1x640xf32, #tpu.memory_space<vmem>> -> memref<640xf32, #tpu.memory_space<vmem>>
      %dma_start3A_441 = tpu.memref_slice %arg15[%run_scoped3A_100, %mul3A_99] : memref<16x10240xf32, #tpu.memory_space<vmem_shared>> -> memref<1x640xf32, #tpu.memory_space<vmem_shared>>
      %dma_start3A_442 = tpu.memref_squeeze %dma_start3A_441 : memref<1x640xf32, #tpu.memory_space<vmem_shared>> -> memref<640xf32, #tpu.memory_space<vmem_shared>>
      tpu.enqueue_dma source(%dma_start3A_442 : memref<640xf32, #tpu.memory_space<vmem_shared>>) target(%dma_start3A_440 : memref<640xf32, #tpu.memory_space<vmem>>) target_semaphore(%run_scoped3A_433 : memref<!tpu.dma_semaphore, #tpu.memory_space<semaphore_mem>>)
      %dma_wait3A = arith.constant 0 : i32
      %dma_wait3A_443 = tpu.memref_slice %arg12[%run_scoped3A_101, %dma_wait3A] : memref<16x640xf32, #tpu.memory_space<vmem>> -> memref<1x640xf32, #tpu.memory_space<vmem>>
      %dma_wait3A_444 = tpu.memref_squeeze %dma_wait3A_443 : memref<1x640xf32, #tpu.memory_space<vmem>> -> memref<640xf32, #tpu.memory_space<vmem>>
      %dma_wait3A_445 = tpu.memref_slice %arg15[%run_scoped3A_100, %mul3A_99] : memref<16x10240xf32, #tpu.memory_space<vmem_shared>> -> memref<1x640xf32, #tpu.memory_space<vmem_shared>>
      %dma_wait3A_446 = tpu.memref_squeeze %dma_wait3A_445 : memref<1x640xf32, #tpu.memory_space<vmem_shared>> -> memref<640xf32, #tpu.memory_space<vmem_shared>>
      %dma_wait3A_447 = arith.constant 0 : i32
      %dma_wait3A_448 = tpu.memref_slice %arg12[%run_scoped3A_101, %dma_wait3A_447] : memref<16x640xf32, #tpu.memory_space<vmem>> -> memref<1x640xf32, #tpu.memory_space<vmem>>
      %dma_wait3A_449 = tpu.memref_squeeze %dma_wait3A_448 : memref<1x640xf32, #tpu.memory_space<vmem>> -> memref<640xf32, #tpu.memory_space<vmem>>
      %dma_wait3A_450 = tpu.memref_slice %arg15[%run_scoped3A_100, %mul3A_99] : memref<16x10240xf32, #tpu.memory_space<vmem_shared>> -> memref<1x640xf32, #tpu.memory_space<vmem_shared>>
      %dma_wait3A_451 = tpu.memref_squeeze %dma_wait3A_450 : memref<1x640xf32, #tpu.memory_space<vmem_shared>> -> memref<640xf32, #tpu.memory_space<vmem_shared>>
      tpu.wait_dma2 semaphore(%run_scoped3A_433 : memref<!tpu.dma_semaphore, #tpu.memory_space<semaphore_mem>>) src(%dma_wait3A_451 : memref<640xf32, #tpu.memory_space<vmem_shared>>) dst(%dma_wait3A_449 : memref<640xf32, #tpu.memory_space<vmem>>)
      tpu.yield
    }) : () -> ()
    %mul3A_102 = arith.constant 640 : i32
    %mul3A_103 = arith.muli %arg1, %mul3A_102 : i32
    %run_scoped3A_104 = arith.constant 4 : i32
    %run_scoped3A_105 = arith.constant 4 : i32
    "tpu.region"() ({
      %run_scoped3A_433 = tpu.sem_alloc : memref<!tpu.dma_semaphore, #tpu.memory_space<semaphore_mem>>
      %dma_start3A = arith.constant 0 : i32
      %dma_start3A_434 = tpu.memref_slice %arg12[%run_scoped3A_105, %dma_start3A] : memref<16x640xf32, #tpu.memory_space<vmem>> -> memref<1x640xf32, #tpu.memory_space<vmem>>
      %dma_start3A_435 = tpu.memref_squeeze %dma_start3A_434 : memref<1x640xf32, #tpu.memory_space<vmem>> -> memref<640xf32, #tpu.memory_space<vmem>>
      %dma_start3A_436 = tpu.memref_slice %arg15[%run_scoped3A_104, %mul3A_103] : memref<16x10240xf32, #tpu.memory_space<vmem_shared>> -> memref<1x640xf32, #tpu.memory_space<vmem_shared>>
      %dma_start3A_437 = tpu.memref_squeeze %dma_start3A_436 : memref<1x640xf32, #tpu.memory_space<vmem_shared>> -> memref<640xf32, #tpu.memory_space<vmem_shared>>
      %dma_start3A_438 = arith.constant 0 : i32
      %dma_start3A_439 = tpu.memref_slice %arg12[%run_scoped3A_105, %dma_start3A_438] : memref<16x640xf32, #tpu.memory_space<vmem>> -> memref<1x640xf32, #tpu.memory_space<vmem>>
      %dma_start3A_440 = tpu.memref_squeeze %dma_start3A_439 : memref<1x640xf32, #tpu.memory_space<vmem>> -> memref<640xf32, #tpu.memory_space<vmem>>
      %dma_start3A_441 = tpu.memref_slice %arg15[%run_scoped3A_104, %mul3A_103] : memref<16x10240xf32, #tpu.memory_space<vmem_shared>> -> memref<1x640xf32, #tpu.memory_space<vmem_shared>>
      %dma_start3A_442 = tpu.memref_squeeze %dma_start3A_441 : memref<1x640xf32, #tpu.memory_space<vmem_shared>> -> memref<640xf32, #tpu.memory_space<vmem_shared>>
      tpu.enqueue_dma source(%dma_start3A_442 : memref<640xf32, #tpu.memory_space<vmem_shared>>) target(%dma_start3A_440 : memref<640xf32, #tpu.memory_space<vmem>>) target_semaphore(%run_scoped3A_433 : memref<!tpu.dma_semaphore, #tpu.memory_space<semaphore_mem>>)
      %dma_wait3A = arith.constant 0 : i32
      %dma_wait3A_443 = tpu.memref_slice %arg12[%run_scoped3A_105, %dma_wait3A] : memref<16x640xf32, #tpu.memory_space<vmem>> -> memref<1x640xf32, #tpu.memory_space<vmem>>
      %dma_wait3A_444 = tpu.memref_squeeze %dma_wait3A_443 : memref<1x640xf32, #tpu.memory_space<vmem>> -> memref<640xf32, #tpu.memory_space<vmem>>
      %dma_wait3A_445 = tpu.memref_slice %arg15[%run_scoped3A_104, %mul3A_103] : memref<16x10240xf32, #tpu.memory_space<vmem_shared>> -> memref<1x640xf32, #tpu.memory_space<vmem_shared>>
      %dma_wait3A_446 = tpu.memref_squeeze %dma_wait3A_445 : memref<1x640xf32, #tpu.memory_space<vmem_shared>> -> memref<640xf32, #tpu.memory_space<vmem_shared>>
      %dma_wait3A_447 = arith.constant 0 : i32
      %dma_wait3A_448 = tpu.memref_slice %arg12[%run_scoped3A_105, %dma_wait3A_447] : memref<16x640xf32, #tpu.memory_space<vmem>> -> memref<1x640xf32, #tpu.memory_space<vmem>>
      %dma_wait3A_449 = tpu.memref_squeeze %dma_wait3A_448 : memref<1x640xf32, #tpu.memory_space<vmem>> -> memref<640xf32, #tpu.memory_space<vmem>>
      %dma_wait3A_450 = tpu.memref_slice %arg15[%run_scoped3A_104, %mul3A_103] : memref<16x10240xf32, #tpu.memory_space<vmem_shared>> -> memref<1x640xf32, #tpu.memory_space<vmem_shared>>
      %dma_wait3A_451 = tpu.memref_squeeze %dma_wait3A_450 : memref<1x640xf32, #tpu.memory_space<vmem_shared>> -> memref<640xf32, #tpu.memory_space<vmem_shared>>
      tpu.wait_dma2 semaphore(%run_scoped3A_433 : memref<!tpu.dma_semaphore, #tpu.memory_space<semaphore_mem>>) src(%dma_wait3A_451 : memref<640xf32, #tpu.memory_space<vmem_shared>>) dst(%dma_wait3A_449 : memref<640xf32, #tpu.memory_space<vmem>>)
      tpu.yield
    }) : () -> ()
    %mul3A_106 = arith.constant 640 : i32
    %mul3A_107 = arith.muli %arg1, %mul3A_106 : i32
    %run_scoped3A_108 = arith.constant 5 : i32
    %run_scoped3A_109 = arith.constant 5 : i32
    "tpu.region"() ({
      %run_scoped3A_433 = tpu.sem_alloc : memref<!tpu.dma_semaphore, #tpu.memory_space<semaphore_mem>>
      %dma_start3A = arith.constant 0 : i32
      %dma_start3A_434 = tpu.memref_slice %arg12[%run_scoped3A_109, %dma_start3A] : memref<16x640xf32, #tpu.memory_space<vmem>> -> memref<1x640xf32, #tpu.memory_space<vmem>>
      %dma_start3A_435 = tpu.memref_squeeze %dma_start3A_434 : memref<1x640xf32, #tpu.memory_space<vmem>> -> memref<640xf32, #tpu.memory_space<vmem>>
      %dma_start3A_436 = tpu.memref_slice %arg15[%run_scoped3A_108, %mul3A_107] : memref<16x10240xf32, #tpu.memory_space<vmem_shared>> -> memref<1x640xf32, #tpu.memory_space<vmem_shared>>
      %dma_start3A_437 = tpu.memref_squeeze %dma_start3A_436 : memref<1x640xf32, #tpu.memory_space<vmem_shared>> -> memref<640xf32, #tpu.memory_space<vmem_shared>>
      %dma_start3A_438 = arith.constant 0 : i32
      %dma_start3A_439 = tpu.memref_slice %arg12[%run_scoped3A_109, %dma_start3A_438] : memref<16x640xf32, #tpu.memory_space<vmem>> -> memref<1x640xf32, #tpu.memory_space<vmem>>
      %dma_start3A_440 = tpu.memref_squeeze %dma_start3A_439 : memref<1x640xf32, #tpu.memory_space<vmem>> -> memref<640xf32, #tpu.memory_space<vmem>>
      %dma_start3A_441 = tpu.memref_slice %arg15[%run_scoped3A_108, %mul3A_107] : memref<16x10240xf32, #tpu.memory_space<vmem_shared>> -> memref<1x640xf32, #tpu.memory_space<vmem_shared>>
      %dma_start3A_442 = tpu.memref_squeeze %dma_start3A_441 : memref<1x640xf32, #tpu.memory_space<vmem_shared>> -> memref<640xf32, #tpu.memory_space<vmem_shared>>
      tpu.enqueue_dma source(%dma_start3A_442 : memref<640xf32, #tpu.memory_space<vmem_shared>>) target(%dma_start3A_440 : memref<640xf32, #tpu.memory_space<vmem>>) target_semaphore(%run_scoped3A_433 : memref<!tpu.dma_semaphore, #tpu.memory_space<semaphore_mem>>)
      %dma_wait3A = arith.constant 0 : i32
      %dma_wait3A_443 = tpu.memref_slice %arg12[%run_scoped3A_109, %dma_wait3A] : memref<16x640xf32, #tpu.memory_space<vmem>> -> memref<1x640xf32, #tpu.memory_space<vmem>>
      %dma_wait3A_444 = tpu.memref_squeeze %dma_wait3A_443 : memref<1x640xf32, #tpu.memory_space<vmem>> -> memref<640xf32, #tpu.memory_space<vmem>>
      %dma_wait3A_445 = tpu.memref_slice %arg15[%run_scoped3A_108, %mul3A_107] : memref<16x10240xf32, #tpu.memory_space<vmem_shared>> -> memref<1x640xf32, #tpu.memory_space<vmem_shared>>
      %dma_wait3A_446 = tpu.memref_squeeze %dma_wait3A_445 : memref<1x640xf32, #tpu.memory_space<vmem_shared>> -> memref<640xf32, #tpu.memory_space<vmem_shared>>
      %dma_wait3A_447 = arith.constant 0 : i32
      %dma_wait3A_448 = tpu.memref_slice %arg12[%run_scoped3A_109, %dma_wait3A_447] : memref<16x640xf32, #tpu.memory_space<vmem>> -> memref<1x640xf32, #tpu.memory_space<vmem>>
      %dma_wait3A_449 = tpu.memref_squeeze %dma_wait3A_448 : memref<1x640xf32, #tpu.memory_space<vmem>> -> memref<640xf32, #tpu.memory_space<vmem>>
      %dma_wait3A_450 = tpu.memref_slice %arg15[%run_scoped3A_108, %mul3A_107] : memref<16x10240xf32, #tpu.memory_space<vmem_shared>> -> memref<1x640xf32, #tpu.memory_space<vmem_shared>>
      %dma_wait3A_451 = tpu.memref_squeeze %dma_wait3A_450 : memref<1x640xf32, #tpu.memory_space<vmem_shared>> -> memref<640xf32, #tpu.memory_space<vmem_shared>>
      tpu.wait_dma2 semaphore(%run_scoped3A_433 : memref<!tpu.dma_semaphore, #tpu.memory_space<semaphore_mem>>) src(%dma_wait3A_451 : memref<640xf32, #tpu.memory_space<vmem_shared>>) dst(%dma_wait3A_449 : memref<640xf32, #tpu.memory_space<vmem>>)
      tpu.yield
    }) : () -> ()
    %mul3A_110 = arith.constant 640 : i32
    %mul3A_111 = arith.muli %arg1, %mul3A_110 : i32
    %run_scoped3A_112 = arith.constant 6 : i32
    %run_scoped3A_113 = arith.constant 6 : i32
    "tpu.region"() ({
      %run_scoped3A_433 = tpu.sem_alloc : memref<!tpu.dma_semaphore, #tpu.memory_space<semaphore_mem>>
      %dma_start3A = arith.constant 0 : i32
      %dma_start3A_434 = tpu.memref_slice %arg12[%run_scoped3A_113, %dma_start3A] : memref<16x640xf32, #tpu.memory_space<vmem>> -> memref<1x640xf32, #tpu.memory_space<vmem>>
      %dma_start3A_435 = tpu.memref_squeeze %dma_start3A_434 : memref<1x640xf32, #tpu.memory_space<vmem>> -> memref<640xf32, #tpu.memory_space<vmem>>
      %dma_start3A_436 = tpu.memref_slice %arg15[%run_scoped3A_112, %mul3A_111] : memref<16x10240xf32, #tpu.memory_space<vmem_shared>> -> memref<1x640xf32, #tpu.memory_space<vmem_shared>>
      %dma_start3A_437 = tpu.memref_squeeze %dma_start3A_436 : memref<1x640xf32, #tpu.memory_space<vmem_shared>> -> memref<640xf32, #tpu.memory_space<vmem_shared>>
      %dma_start3A_438 = arith.constant 0 : i32
      %dma_start3A_439 = tpu.memref_slice %arg12[%run_scoped3A_113, %dma_start3A_438] : memref<16x640xf32, #tpu.memory_space<vmem>> -> memref<1x640xf32, #tpu.memory_space<vmem>>
      %dma_start3A_440 = tpu.memref_squeeze %dma_start3A_439 : memref<1x640xf32, #tpu.memory_space<vmem>> -> memref<640xf32, #tpu.memory_space<vmem>>
      %dma_start3A_441 = tpu.memref_slice %arg15[%run_scoped3A_112, %mul3A_111] : memref<16x10240xf32, #tpu.memory_space<vmem_shared>> -> memref<1x640xf32, #tpu.memory_space<vmem_shared>>
      %dma_start3A_442 = tpu.memref_squeeze %dma_start3A_441 : memref<1x640xf32, #tpu.memory_space<vmem_shared>> -> memref<640xf32, #tpu.memory_space<vmem_shared>>
      tpu.enqueue_dma source(%dma_start3A_442 : memref<640xf32, #tpu.memory_space<vmem_shared>>) target(%dma_start3A_440 : memref<640xf32, #tpu.memory_space<vmem>>) target_semaphore(%run_scoped3A_433 : memref<!tpu.dma_semaphore, #tpu.memory_space<semaphore_mem>>)
      %dma_wait3A = arith.constant 0 : i32
      %dma_wait3A_443 = tpu.memref_slice %arg12[%run_scoped3A_113, %dma_wait3A] : memref<16x640xf32, #tpu.memory_space<vmem>> -> memref<1x640xf32, #tpu.memory_space<vmem>>
      %dma_wait3A_444 = tpu.memref_squeeze %dma_wait3A_443 : memref<1x640xf32, #tpu.memory_space<vmem>> -> memref<640xf32, #tpu.memory_space<vmem>>
      %dma_wait3A_445 = tpu.memref_slice %arg15[%run_scoped3A_112, %mul3A_111] : memref<16x10240xf32, #tpu.memory_space<vmem_shared>> -> memref<1x640xf32, #tpu.memory_space<vmem_shared>>
      %dma_wait3A_446 = tpu.memref_squeeze %dma_wait3A_445 : memref<1x640xf32, #tpu.memory_space<vmem_shared>> -> memref<640xf32, #tpu.memory_space<vmem_shared>>
      %dma_wait3A_447 = arith.constant 0 : i32
      %dma_wait3A_448 = tpu.memref_slice %arg12[%run_scoped3A_113, %dma_wait3A_447] : memref<16x640xf32, #tpu.memory_space<vmem>> -> memref<1x640xf32, #tpu.memory_space<vmem>>
      %dma_wait3A_449 = tpu.memref_squeeze %dma_wait3A_448 : memref<1x640xf32, #tpu.memory_space<vmem>> -> memref<640xf32, #tpu.memory_space<vmem>>
      %dma_wait3A_450 = tpu.memref_slice %arg15[%run_scoped3A_112, %mul3A_111] : memref<16x10240xf32, #tpu.memory_space<vmem_shared>> -> memref<1x640xf32, #tpu.memory_space<vmem_shared>>
      %dma_wait3A_451 = tpu.memref_squeeze %dma_wait3A_450 : memref<1x640xf32, #tpu.memory_space<vmem_shared>> -> memref<640xf32, #tpu.memory_space<vmem_shared>>
      tpu.wait_dma2 semaphore(%run_scoped3A_433 : memref<!tpu.dma_semaphore, #tpu.memory_space<semaphore_mem>>) src(%dma_wait3A_451 : memref<640xf32, #tpu.memory_space<vmem_shared>>) dst(%dma_wait3A_449 : memref<640xf32, #tpu.memory_space<vmem>>)
      tpu.yield
    }) : () -> ()
    %mul3A_114 = arith.constant 640 : i32
    %mul3A_115 = arith.muli %arg1, %mul3A_114 : i32
    %run_scoped3A_116 = arith.constant 7 : i32
    %run_scoped3A_117 = arith.constant 7 : i32
    "tpu.region"() ({
      %run_scoped3A_433 = tpu.sem_alloc : memref<!tpu.dma_semaphore, #tpu.memory_space<semaphore_mem>>
      %dma_start3A = arith.constant 0 : i32
      %dma_start3A_434 = tpu.memref_slice %arg12[%run_scoped3A_117, %dma_start3A] : memref<16x640xf32, #tpu.memory_space<vmem>> -> memref<1x640xf32, #tpu.memory_space<vmem>>
      %dma_start3A_435 = tpu.memref_squeeze %dma_start3A_434 : memref<1x640xf32, #tpu.memory_space<vmem>> -> memref<640xf32, #tpu.memory_space<vmem>>
      %dma_start3A_436 = tpu.memref_slice %arg15[%run_scoped3A_116, %mul3A_115] : memref<16x10240xf32, #tpu.memory_space<vmem_shared>> -> memref<1x640xf32, #tpu.memory_space<vmem_shared>>
      %dma_start3A_437 = tpu.memref_squeeze %dma_start3A_436 : memref<1x640xf32, #tpu.memory_space<vmem_shared>> -> memref<640xf32, #tpu.memory_space<vmem_shared>>
      %dma_start3A_438 = arith.constant 0 : i32
      %dma_start3A_439 = tpu.memref_slice %arg12[%run_scoped3A_117, %dma_start3A_438] : memref<16x640xf32, #tpu.memory_space<vmem>> -> memref<1x640xf32, #tpu.memory_space<vmem>>
      %dma_start3A_440 = tpu.memref_squeeze %dma_start3A_439 : memref<1x640xf32, #tpu.memory_space<vmem>> -> memref<640xf32, #tpu.memory_space<vmem>>
      %dma_start3A_441 = tpu.memref_slice %arg15[%run_scoped3A_116, %mul3A_115] : memref<16x10240xf32, #tpu.memory_space<vmem_shared>> -> memref<1x640xf32, #tpu.memory_space<vmem_shared>>
      %dma_start3A_442 = tpu.memref_squeeze %dma_start3A_441 : memref<1x640xf32, #tpu.memory_space<vmem_shared>> -> memref<640xf32, #tpu.memory_space<vmem_shared>>
      tpu.enqueue_dma source(%dma_start3A_442 : memref<640xf32, #tpu.memory_space<vmem_shared>>) target(%dma_start3A_440 : memref<640xf32, #tpu.memory_space<vmem>>) target_semaphore(%run_scoped3A_433 : memref<!tpu.dma_semaphore, #tpu.memory_space<semaphore_mem>>)
      %dma_wait3A = arith.constant 0 : i32
      %dma_wait3A_443 = tpu.memref_slice %arg12[%run_scoped3A_117, %dma_wait3A] : memref<16x640xf32, #tpu.memory_space<vmem>> -> memref<1x640xf32, #tpu.memory_space<vmem>>
      %dma_wait3A_444 = tpu.memref_squeeze %dma_wait3A_443 : memref<1x640xf32, #tpu.memory_space<vmem>> -> memref<640xf32, #tpu.memory_space<vmem>>
      %dma_wait3A_445 = tpu.memref_slice %arg15[%run_scoped3A_116, %mul3A_115] : memref<16x10240xf32, #tpu.memory_space<vmem_shared>> -> memref<1x640xf32, #tpu.memory_space<vmem_shared>>
      %dma_wait3A_446 = tpu.memref_squeeze %dma_wait3A_445 : memref<1x640xf32, #tpu.memory_space<vmem_shared>> -> memref<640xf32, #tpu.memory_space<vmem_shared>>
      %dma_wait3A_447 = arith.constant 0 : i32
      %dma_wait3A_448 = tpu.memref_slice %arg12[%run_scoped3A_117, %dma_wait3A_447] : memref<16x640xf32, #tpu.memory_space<vmem>> -> memref<1x640xf32, #tpu.memory_space<vmem>>
      %dma_wait3A_449 = tpu.memref_squeeze %dma_wait3A_448 : memref<1x640xf32, #tpu.memory_space<vmem>> -> memref<640xf32, #tpu.memory_space<vmem>>
      %dma_wait3A_450 = tpu.memref_slice %arg15[%run_scoped3A_116, %mul3A_115] : memref<16x10240xf32, #tpu.memory_space<vmem_shared>> -> memref<1x640xf32, #tpu.memory_space<vmem_shared>>
      %dma_wait3A_451 = tpu.memref_squeeze %dma_wait3A_450 : memref<1x640xf32, #tpu.memory_space<vmem_shared>> -> memref<640xf32, #tpu.memory_space<vmem_shared>>
      tpu.wait_dma2 semaphore(%run_scoped3A_433 : memref<!tpu.dma_semaphore, #tpu.memory_space<semaphore_mem>>) src(%dma_wait3A_451 : memref<640xf32, #tpu.memory_space<vmem_shared>>) dst(%dma_wait3A_449 : memref<640xf32, #tpu.memory_space<vmem>>)
      tpu.yield
    }) : () -> ()
    %mul3A_118 = arith.constant 640 : i32
    %mul3A_119 = arith.muli %arg1, %mul3A_118 : i32
    %run_scoped3A_120 = arith.constant 8 : i32
    %run_scoped3A_121 = arith.constant 8 : i32
    "tpu.region"() ({
      %run_scoped3A_433 = tpu.sem_alloc : memref<!tpu.dma_semaphore, #tpu.memory_space<semaphore_mem>>
      %dma_start3A = arith.constant 0 : i32
      %dma_start3A_434 = tpu.memref_slice %arg12[%run_scoped3A_121, %dma_start3A] : memref<16x640xf32, #tpu.memory_space<vmem>> -> memref<1x640xf32, #tpu.memory_space<vmem>>
      %dma_start3A_435 = tpu.memref_squeeze %dma_start3A_434 : memref<1x640xf32, #tpu.memory_space<vmem>> -> memref<640xf32, #tpu.memory_space<vmem>>
      %dma_start3A_436 = tpu.memref_slice %arg15[%run_scoped3A_120, %mul3A_119] : memref<16x10240xf32, #tpu.memory_space<vmem_shared>> -> memref<1x640xf32, #tpu.memory_space<vmem_shared>>
      %dma_start3A_437 = tpu.memref_squeeze %dma_start3A_436 : memref<1x640xf32, #tpu.memory_space<vmem_shared>> -> memref<640xf32, #tpu.memory_space<vmem_shared>>
      %dma_start3A_438 = arith.constant 0 : i32
      %dma_start3A_439 = tpu.memref_slice %arg12[%run_scoped3A_121, %dma_start3A_438] : memref<16x640xf32, #tpu.memory_space<vmem>> -> memref<1x640xf32, #tpu.memory_space<vmem>>
      %dma_start3A_440 = tpu.memref_squeeze %dma_start3A_439 : memref<1x640xf32, #tpu.memory_space<vmem>> -> memref<640xf32, #tpu.memory_space<vmem>>
      %dma_start3A_441 = tpu.memref_slice %arg15[%run_scoped3A_120, %mul3A_119] : memref<16x10240xf32, #tpu.memory_space<vmem_shared>> -> memref<1x640xf32, #tpu.memory_space<vmem_shared>>
      %dma_start3A_442 = tpu.memref_squeeze %dma_start3A_441 : memref<1x640xf32, #tpu.memory_space<vmem_shared>> -> memref<640xf32, #tpu.memory_space<vmem_shared>>
      tpu.enqueue_dma source(%dma_start3A_442 : memref<640xf32, #tpu.memory_space<vmem_shared>>) target(%dma_start3A_440 : memref<640xf32, #tpu.memory_space<vmem>>) target_semaphore(%run_scoped3A_433 : memref<!tpu.dma_semaphore, #tpu.memory_space<semaphore_mem>>)
      %dma_wait3A = arith.constant 0 : i32
      %dma_wait3A_443 = tpu.memref_slice %arg12[%run_scoped3A_121, %dma_wait3A] : memref<16x640xf32, #tpu.memory_space<vmem>> -> memref<1x640xf32, #tpu.memory_space<vmem>>
      %dma_wait3A_444 = tpu.memref_squeeze %dma_wait3A_443 : memref<1x640xf32, #tpu.memory_space<vmem>> -> memref<640xf32, #tpu.memory_space<vmem>>
      %dma_wait3A_445 = tpu.memref_slice %arg15[%run_scoped3A_120, %mul3A_119] : memref<16x10240xf32, #tpu.memory_space<vmem_shared>> -> memref<1x640xf32, #tpu.memory_space<vmem_shared>>
      %dma_wait3A_446 = tpu.memref_squeeze %dma_wait3A_445 : memref<1x640xf32, #tpu.memory_space<vmem_shared>> -> memref<640xf32, #tpu.memory_space<vmem_shared>>
      %dma_wait3A_447 = arith.constant 0 : i32
      %dma_wait3A_448 = tpu.memref_slice %arg12[%run_scoped3A_121, %dma_wait3A_447] : memref<16x640xf32, #tpu.memory_space<vmem>> -> memref<1x640xf32, #tpu.memory_space<vmem>>
      %dma_wait3A_449 = tpu.memref_squeeze %dma_wait3A_448 : memref<1x640xf32, #tpu.memory_space<vmem>> -> memref<640xf32, #tpu.memory_space<vmem>>
      %dma_wait3A_450 = tpu.memref_slice %arg15[%run_scoped3A_120, %mul3A_119] : memref<16x10240xf32, #tpu.memory_space<vmem_shared>> -> memref<1x640xf32, #tpu.memory_space<vmem_shared>>
      %dma_wait3A_451 = tpu.memref_squeeze %dma_wait3A_450 : memref<1x640xf32, #tpu.memory_space<vmem_shared>> -> memref<640xf32, #tpu.memory_space<vmem_shared>>
      tpu.wait_dma2 semaphore(%run_scoped3A_433 : memref<!tpu.dma_semaphore, #tpu.memory_space<semaphore_mem>>) src(%dma_wait3A_451 : memref<640xf32, #tpu.memory_space<vmem_shared>>) dst(%dma_wait3A_449 : memref<640xf32, #tpu.memory_space<vmem>>)
      tpu.yield
    }) : () -> ()
    %mul3A_122 = arith.constant 640 : i32
    %mul3A_123 = arith.muli %arg1, %mul3A_122 : i32
    %run_scoped3A_124 = arith.constant 9 : i32
    %run_scoped3A_125 = arith.constant 9 : i32
    "tpu.region"() ({
      %run_scoped3A_433 = tpu.sem_alloc : memref<!tpu.dma_semaphore, #tpu.memory_space<semaphore_mem>>
      %dma_start3A = arith.constant 0 : i32
      %dma_start3A_434 = tpu.memref_slice %arg12[%run_scoped3A_125, %dma_start3A] : memref<16x640xf32, #tpu.memory_space<vmem>> -> memref<1x640xf32, #tpu.memory_space<vmem>>
      %dma_start3A_435 = tpu.memref_squeeze %dma_start3A_434 : memref<1x640xf32, #tpu.memory_space<vmem>> -> memref<640xf32, #tpu.memory_space<vmem>>
      %dma_start3A_436 = tpu.memref_slice %arg15[%run_scoped3A_124, %mul3A_123] : memref<16x10240xf32, #tpu.memory_space<vmem_shared>> -> memref<1x640xf32, #tpu.memory_space<vmem_shared>>
      %dma_start3A_437 = tpu.memref_squeeze %dma_start3A_436 : memref<1x640xf32, #tpu.memory_space<vmem_shared>> -> memref<640xf32, #tpu.memory_space<vmem_shared>>
      %dma_start3A_438 = arith.constant 0 : i32
      %dma_start3A_439 = tpu.memref_slice %arg12[%run_scoped3A_125, %dma_start3A_438] : memref<16x640xf32, #tpu.memory_space<vmem>> -> memref<1x640xf32, #tpu.memory_space<vmem>>
      %dma_start3A_440 = tpu.memref_squeeze %dma_start3A_439 : memref<1x640xf32, #tpu.memory_space<vmem>> -> memref<640xf32, #tpu.memory_space<vmem>>
      %dma_start3A_441 = tpu.memref_slice %arg15[%run_scoped3A_124, %mul3A_123] : memref<16x10240xf32, #tpu.memory_space<vmem_shared>> -> memref<1x640xf32, #tpu.memory_space<vmem_shared>>
      %dma_start3A_442 = tpu.memref_squeeze %dma_start3A_441 : memref<1x640xf32, #tpu.memory_space<vmem_shared>> -> memref<640xf32, #tpu.memory_space<vmem_shared>>
      tpu.enqueue_dma source(%dma_start3A_442 : memref<640xf32, #tpu.memory_space<vmem_shared>>) target(%dma_start3A_440 : memref<640xf32, #tpu.memory_space<vmem>>) target_semaphore(%run_scoped3A_433 : memref<!tpu.dma_semaphore, #tpu.memory_space<semaphore_mem>>)
      %dma_wait3A = arith.constant 0 : i32
      %dma_wait3A_443 = tpu.memref_slice %arg12[%run_scoped3A_125, %dma_wait3A] : memref<16x640xf32, #tpu.memory_space<vmem>> -> memref<1x640xf32, #tpu.memory_space<vmem>>
      %dma_wait3A_444 = tpu.memref_squeeze %dma_wait3A_443 : memref<1x640xf32, #tpu.memory_space<vmem>> -> memref<640xf32, #tpu.memory_space<vmem>>
      %dma_wait3A_445 = tpu.memref_slice %arg15[%run_scoped3A_124, %mul3A_123] : memref<16x10240xf32, #tpu.memory_space<vmem_shared>> -> memref<1x640xf32, #tpu.memory_space<vmem_shared>>
      %dma_wait3A_446 = tpu.memref_squeeze %dma_wait3A_445 : memref<1x640xf32, #tpu.memory_space<vmem_shared>> -> memref<640xf32, #tpu.memory_space<vmem_shared>>
      %dma_wait3A_447 = arith.constant 0 : i32
      %dma_wait3A_448 = tpu.memref_slice %arg12[%run_scoped3A_125, %dma_wait3A_447] : memref<16x640xf32, #tpu.memory_space<vmem>> -> memref<1x640xf32, #tpu.memory_space<vmem>>
      %dma_wait3A_449 = tpu.memref_squeeze %dma_wait3A_448 : memref<1x640xf32, #tpu.memory_space<vmem>> -> memref<640xf32, #tpu.memory_space<vmem>>
      %dma_wait3A_450 = tpu.memref_slice %arg15[%run_scoped3A_124, %mul3A_123] : memref<16x10240xf32, #tpu.memory_space<vmem_shared>> -> memref<1x640xf32, #tpu.memory_space<vmem_shared>>
      %dma_wait3A_451 = tpu.memref_squeeze %dma_wait3A_450 : memref<1x640xf32, #tpu.memory_space<vmem_shared>> -> memref<640xf32, #tpu.memory_space<vmem_shared>>
      tpu.wait_dma2 semaphore(%run_scoped3A_433 : memref<!tpu.dma_semaphore, #tpu.memory_space<semaphore_mem>>) src(%dma_wait3A_451 : memref<640xf32, #tpu.memory_space<vmem_shared>>) dst(%dma_wait3A_449 : memref<640xf32, #tpu.memory_space<vmem>>)
      tpu.yield
    }) : () -> ()
    %mul3A_126 = arith.constant 640 : i32
    %mul3A_127 = arith.muli %arg1, %mul3A_126 : i32
    %run_scoped3A_128 = arith.constant 10 : i32
    %run_scoped3A_129 = arith.constant 10 : i32
    "tpu.region"() ({
      %run_scoped3A_433 = tpu.sem_alloc : memref<!tpu.dma_semaphore, #tpu.memory_space<semaphore_mem>>
      %dma_start3A = arith.constant 0 : i32
      %dma_start3A_434 = tpu.memref_slice %arg12[%run_scoped3A_129, %dma_start3A] : memref<16x640xf32, #tpu.memory_space<vmem>> -> memref<1x640xf32, #tpu.memory_space<vmem>>
      %dma_start3A_435 = tpu.memref_squeeze %dma_start3A_434 : memref<1x640xf32, #tpu.memory_space<vmem>> -> memref<640xf32, #tpu.memory_space<vmem>>
      %dma_start3A_436 = tpu.memref_slice %arg15[%run_scoped3A_128, %mul3A_127] : memref<16x10240xf32, #tpu.memory_space<vmem_shared>> -> memref<1x640xf32, #tpu.memory_space<vmem_shared>>
      %dma_start3A_437 = tpu.memref_squeeze %dma_start3A_436 : memref<1x640xf32, #tpu.memory_space<vmem_shared>> -> memref<640xf32, #tpu.memory_space<vmem_shared>>
      %dma_start3A_438 = arith.constant 0 : i32
      %dma_start3A_439 = tpu.memref_slice %arg12[%run_scoped3A_129, %dma_start3A_438] : memref<16x640xf32, #tpu.memory_space<vmem>> -> memref<1x640xf32, #tpu.memory_space<vmem>>
      %dma_start3A_440 = tpu.memref_squeeze %dma_start3A_439 : memref<1x640xf32, #tpu.memory_space<vmem>> -> memref<640xf32, #tpu.memory_space<vmem>>
      %dma_start3A_441 = tpu.memref_slice %arg15[%run_scoped3A_128, %mul3A_127] : memref<16x10240xf32, #tpu.memory_space<vmem_shared>> -> memref<1x640xf32, #tpu.memory_space<vmem_shared>>
      %dma_start3A_442 = tpu.memref_squeeze %dma_start3A_441 : memref<1x640xf32, #tpu.memory_space<vmem_shared>> -> memref<640xf32, #tpu.memory_space<vmem_shared>>
      tpu.enqueue_dma source(%dma_start3A_442 : memref<640xf32, #tpu.memory_space<vmem_shared>>) target(%dma_start3A_440 : memref<640xf32, #tpu.memory_space<vmem>>) target_semaphore(%run_scoped3A_433 : memref<!tpu.dma_semaphore, #tpu.memory_space<semaphore_mem>>)
      %dma_wait3A = arith.constant 0 : i32
      %dma_wait3A_443 = tpu.memref_slice %arg12[%run_scoped3A_129, %dma_wait3A] : memref<16x640xf32, #tpu.memory_space<vmem>> -> memref<1x640xf32, #tpu.memory_space<vmem>>
      %dma_wait3A_444 = tpu.memref_squeeze %dma_wait3A_443 : memref<1x640xf32, #tpu.memory_space<vmem>> -> memref<640xf32, #tpu.memory_space<vmem>>
      %dma_wait3A_445 = tpu.memref_slice %arg15[%run_scoped3A_128, %mul3A_127] : memref<16x10240xf32, #tpu.memory_space<vmem_shared>> -> memref<1x640xf32, #tpu.memory_space<vmem_shared>>
      %dma_wait3A_446 = tpu.memref_squeeze %dma_wait3A_445 : memref<1x640xf32, #tpu.memory_space<vmem_shared>> -> memref<640xf32, #tpu.memory_space<vmem_shared>>
      %dma_wait3A_447 = arith.constant 0 : i32
      %dma_wait3A_448 = tpu.memref_slice %arg12[%run_scoped3A_129, %dma_wait3A_447] : memref<16x640xf32, #tpu.memory_space<vmem>> -> memref<1x640xf32, #tpu.memory_space<vmem>>
      %dma_wait3A_449 = tpu.memref_squeeze %dma_wait3A_448 : memref<1x640xf32, #tpu.memory_space<vmem>> -> memref<640xf32, #tpu.memory_space<vmem>>
      %dma_wait3A_450 = tpu.memref_slice %arg15[%run_scoped3A_128, %mul3A_127] : memref<16x10240xf32, #tpu.memory_space<vmem_shared>> -> memref<1x640xf32, #tpu.memory_space<vmem_shared>>
      %dma_wait3A_451 = tpu.memref_squeeze %dma_wait3A_450 : memref<1x640xf32, #tpu.memory_space<vmem_shared>> -> memref<640xf32, #tpu.memory_space<vmem_shared>>
      tpu.wait_dma2 semaphore(%run_scoped3A_433 : memref<!tpu.dma_semaphore, #tpu.memory_space<semaphore_mem>>) src(%dma_wait3A_451 : memref<640xf32, #tpu.memory_space<vmem_shared>>) dst(%dma_wait3A_449 : memref<640xf32, #tpu.memory_space<vmem>>)
      tpu.yield
    }) : () -> ()
    %mul3A_130 = arith.constant 640 : i32
    %mul3A_131 = arith.muli %arg1, %mul3A_130 : i32
    %run_scoped3A_132 = arith.constant 11 : i32
    %run_scoped3A_133 = arith.constant 11 : i32
    "tpu.region"() ({
      %run_scoped3A_433 = tpu.sem_alloc : memref<!tpu.dma_semaphore, #tpu.memory_space<semaphore_mem>>
      %dma_start3A = arith.constant 0 : i32
      %dma_start3A_434 = tpu.memref_slice %arg12[%run_scoped3A_133, %dma_start3A] : memref<16x640xf32, #tpu.memory_space<vmem>> -> memref<1x640xf32, #tpu.memory_space<vmem>>
      %dma_start3A_435 = tpu.memref_squeeze %dma_start3A_434 : memref<1x640xf32, #tpu.memory_space<vmem>> -> memref<640xf32, #tpu.memory_space<vmem>>
      %dma_start3A_436 = tpu.memref_slice %arg15[%run_scoped3A_132, %mul3A_131] : memref<16x10240xf32, #tpu.memory_space<vmem_shared>> -> memref<1x640xf32, #tpu.memory_space<vmem_shared>>
      %dma_start3A_437 = tpu.memref_squeeze %dma_start3A_436 : memref<1x640xf32, #tpu.memory_space<vmem_shared>> -> memref<640xf32, #tpu.memory_space<vmem_shared>>
      %dma_start3A_438 = arith.constant 0 : i32
      %dma_start3A_439 = tpu.memref_slice %arg12[%run_scoped3A_133, %dma_start3A_438] : memref<16x640xf32, #tpu.memory_space<vmem>> -> memref<1x640xf32, #tpu.memory_space<vmem>>
      %dma_start3A_440 = tpu.memref_squeeze %dma_start3A_439 : memref<1x640xf32, #tpu.memory_space<vmem>> -> memref<640xf32, #tpu.memory_space<vmem>>
      %dma_start3A_441 = tpu.memref_slice %arg15[%run_scoped3A_132, %mul3A_131] : memref<16x10240xf32, #tpu.memory_space<vmem_shared>> -> memref<1x640xf32, #tpu.memory_space<vmem_shared>>
      %dma_start3A_442 = tpu.memref_squeeze %dma_start3A_441 : memref<1x640xf32, #tpu.memory_space<vmem_shared>> -> memref<640xf32, #tpu.memory_space<vmem_shared>>
      tpu.enqueue_dma source(%dma_start3A_442 : memref<640xf32, #tpu.memory_space<vmem_shared>>) target(%dma_start3A_440 : memref<640xf32, #tpu.memory_space<vmem>>) target_semaphore(%run_scoped3A_433 : memref<!tpu.dma_semaphore, #tpu.memory_space<semaphore_mem>>)
      %dma_wait3A = arith.constant 0 : i32
      %dma_wait3A_443 = tpu.memref_slice %arg12[%run_scoped3A_133, %dma_wait3A] : memref<16x640xf32, #tpu.memory_space<vmem>> -> memref<1x640xf32, #tpu.memory_space<vmem>>
      %dma_wait3A_444 = tpu.memref_squeeze %dma_wait3A_443 : memref<1x640xf32, #tpu.memory_space<vmem>> -> memref<640xf32, #tpu.memory_space<vmem>>
      %dma_wait3A_445 = tpu.memref_slice %arg15[%run_scoped3A_132, %mul3A_131] : memref<16x10240xf32, #tpu.memory_space<vmem_shared>> -> memref<1x640xf32, #tpu.memory_space<vmem_shared>>
      %dma_wait3A_446 = tpu.memref_squeeze %dma_wait3A_445 : memref<1x640xf32, #tpu.memory_space<vmem_shared>> -> memref<640xf32, #tpu.memory_space<vmem_shared>>
      %dma_wait3A_447 = arith.constant 0 : i32
      %dma_wait3A_448 = tpu.memref_slice %arg12[%run_scoped3A_133, %dma_wait3A_447] : memref<16x640xf32, #tpu.memory_space<vmem>> -> memref<1x640xf32, #tpu.memory_space<vmem>>
      %dma_wait3A_449 = tpu.memref_squeeze %dma_wait3A_448 : memref<1x640xf32, #tpu.memory_space<vmem>> -> memref<640xf32, #tpu.memory_space<vmem>>
      %dma_wait3A_450 = tpu.memref_slice %arg15[%run_scoped3A_132, %mul3A_131] : memref<16x10240xf32, #tpu.memory_space<vmem_shared>> -> memref<1x640xf32, #tpu.memory_space<vmem_shared>>
      %dma_wait3A_451 = tpu.memref_squeeze %dma_wait3A_450 : memref<1x640xf32, #tpu.memory_space<vmem_shared>> -> memref<640xf32, #tpu.memory_space<vmem_shared>>
      tpu.wait_dma2 semaphore(%run_scoped3A_433 : memref<!tpu.dma_semaphore, #tpu.memory_space<semaphore_mem>>) src(%dma_wait3A_451 : memref<640xf32, #tpu.memory_space<vmem_shared>>) dst(%dma_wait3A_449 : memref<640xf32, #tpu.memory_space<vmem>>)
      tpu.yield
    }) : () -> ()
    %mul3A_134 = arith.constant 640 : i32
    %mul3A_135 = arith.muli %arg1, %mul3A_134 : i32
    %run_scoped3A_136 = arith.constant 12 : i32
    %run_scoped3A_137 = arith.constant 12 : i32
    "tpu.region"() ({
      %run_scoped3A_433 = tpu.sem_alloc : memref<!tpu.dma_semaphore, #tpu.memory_space<semaphore_mem>>
      %dma_start3A = arith.constant 0 : i32
      %dma_start3A_434 = tpu.memref_slice %arg12[%run_scoped3A_137, %dma_start3A] : memref<16x640xf32, #tpu.memory_space<vmem>> -> memref<1x640xf32, #tpu.memory_space<vmem>>
      %dma_start3A_435 = tpu.memref_squeeze %dma_start3A_434 : memref<1x640xf32, #tpu.memory_space<vmem>> -> memref<640xf32, #tpu.memory_space<vmem>>
      %dma_start3A_436 = tpu.memref_slice %arg15[%run_scoped3A_136, %mul3A_135] : memref<16x10240xf32, #tpu.memory_space<vmem_shared>> -> memref<1x640xf32, #tpu.memory_space<vmem_shared>>
      %dma_start3A_437 = tpu.memref_squeeze %dma_start3A_436 : memref<1x640xf32, #tpu.memory_space<vmem_shared>> -> memref<640xf32, #tpu.memory_space<vmem_shared>>
      %dma_start3A_438 = arith.constant 0 : i32
      %dma_start3A_439 = tpu.memref_slice %arg12[%run_scoped3A_137, %dma_start3A_438] : memref<16x640xf32, #tpu.memory_space<vmem>> -> memref<1x640xf32, #tpu.memory_space<vmem>>
      %dma_start3A_440 = tpu.memref_squeeze %dma_start3A_439 : memref<1x640xf32, #tpu.memory_space<vmem>> -> memref<640xf32, #tpu.memory_space<vmem>>
      %dma_start3A_441 = tpu.memref_slice %arg15[%run_scoped3A_136, %mul3A_135] : memref<16x10240xf32, #tpu.memory_space<vmem_shared>> -> memref<1x640xf32, #tpu.memory_space<vmem_shared>>
      %dma_start3A_442 = tpu.memref_squeeze %dma_start3A_441 : memref<1x640xf32, #tpu.memory_space<vmem_shared>> -> memref<640xf32, #tpu.memory_space<vmem_shared>>
      tpu.enqueue_dma source(%dma_start3A_442 : memref<640xf32, #tpu.memory_space<vmem_shared>>) target(%dma_start3A_440 : memref<640xf32, #tpu.memory_space<vmem>>) target_semaphore(%run_scoped3A_433 : memref<!tpu.dma_semaphore, #tpu.memory_space<semaphore_mem>>)
      %dma_wait3A = arith.constant 0 : i32
      %dma_wait3A_443 = tpu.memref_slice %arg12[%run_scoped3A_137, %dma_wait3A] : memref<16x640xf32, #tpu.memory_space<vmem>> -> memref<1x640xf32, #tpu.memory_space<vmem>>
      %dma_wait3A_444 = tpu.memref_squeeze %dma_wait3A_443 : memref<1x640xf32, #tpu.memory_space<vmem>> -> memref<640xf32, #tpu.memory_space<vmem>>
      %dma_wait3A_445 = tpu.memref_slice %arg15[%run_scoped3A_136, %mul3A_135] : memref<16x10240xf32, #tpu.memory_space<vmem_shared>> -> memref<1x640xf32, #tpu.memory_space<vmem_shared>>
      %dma_wait3A_446 = tpu.memref_squeeze %dma_wait3A_445 : memref<1x640xf32, #tpu.memory_space<vmem_shared>> -> memref<640xf32, #tpu.memory_space<vmem_shared>>
      %dma_wait3A_447 = arith.constant 0 : i32
      %dma_wait3A_448 = tpu.memref_slice %arg12[%run_scoped3A_137, %dma_wait3A_447] : memref<16x640xf32, #tpu.memory_space<vmem>> -> memref<1x640xf32, #tpu.memory_space<vmem>>
      %dma_wait3A_449 = tpu.memref_squeeze %dma_wait3A_448 : memref<1x640xf32, #tpu.memory_space<vmem>> -> memref<640xf32, #tpu.memory_space<vmem>>
      %dma_wait3A_450 = tpu.memref_slice %arg15[%run_scoped3A_136, %mul3A_135] : memref<16x10240xf32, #tpu.memory_space<vmem_shared>> -> memref<1x640xf32, #tpu.memory_space<vmem_shared>>
      %dma_wait3A_451 = tpu.memref_squeeze %dma_wait3A_450 : memref<1x640xf32, #tpu.memory_space<vmem_shared>> -> memref<640xf32, #tpu.memory_space<vmem_shared>>
      tpu.wait_dma2 semaphore(%run_scoped3A_433 : memref<!tpu.dma_semaphore, #tpu.memory_space<semaphore_mem>>) src(%dma_wait3A_451 : memref<640xf32, #tpu.memory_space<vmem_shared>>) dst(%dma_wait3A_449 : memref<640xf32, #tpu.memory_space<vmem>>)
      tpu.yield
    }) : () -> ()
    %mul3A_138 = arith.constant 640 : i32
    %mul3A_139 = arith.muli %arg1, %mul3A_138 : i32
    %run_scoped3A_140 = arith.constant 13 : i32
    %run_scoped3A_141 = arith.constant 13 : i32
    "tpu.region"() ({
      %run_scoped3A_433 = tpu.sem_alloc : memref<!tpu.dma_semaphore, #tpu.memory_space<semaphore_mem>>
      %dma_start3A = arith.constant 0 : i32
      %dma_start3A_434 = tpu.memref_slice %arg12[%run_scoped3A_141, %dma_start3A] : memref<16x640xf32, #tpu.memory_space<vmem>> -> memref<1x640xf32, #tpu.memory_space<vmem>>
      %dma_start3A_435 = tpu.memref_squeeze %dma_start3A_434 : memref<1x640xf32, #tpu.memory_space<vmem>> -> memref<640xf32, #tpu.memory_space<vmem>>
      %dma_start3A_436 = tpu.memref_slice %arg15[%run_scoped3A_140, %mul3A_139] : memref<16x10240xf32, #tpu.memory_space<vmem_shared>> -> memref<1x640xf32, #tpu.memory_space<vmem_shared>>
      %dma_start3A_437 = tpu.memref_squeeze %dma_start3A_436 : memref<1x640xf32, #tpu.memory_space<vmem_shared>> -> memref<640xf32, #tpu.memory_space<vmem_shared>>
      %dma_start3A_438 = arith.constant 0 : i32
      %dma_start3A_439 = tpu.memref_slice %arg12[%run_scoped3A_141, %dma_start3A_438] : memref<16x640xf32, #tpu.memory_space<vmem>> -> memref<1x640xf32, #tpu.memory_space<vmem>>
      %dma_start3A_440 = tpu.memref_squeeze %dma_start3A_439 : memref<1x640xf32, #tpu.memory_space<vmem>> -> memref<640xf32, #tpu.memory_space<vmem>>
      %dma_start3A_441 = tpu.memref_slice %arg15[%run_scoped3A_140, %mul3A_139] : memref<16x10240xf32, #tpu.memory_space<vmem_shared>> -> memref<1x640xf32, #tpu.memory_space<vmem_shared>>
      %dma_start3A_442 = tpu.memref_squeeze %dma_start3A_441 : memref<1x640xf32, #tpu.memory_space<vmem_shared>> -> memref<640xf32, #tpu.memory_space<vmem_shared>>
      tpu.enqueue_dma source(%dma_start3A_442 : memref<640xf32, #tpu.memory_space<vmem_shared>>) target(%dma_start3A_440 : memref<640xf32, #tpu.memory_space<vmem>>) target_semaphore(%run_scoped3A_433 : memref<!tpu.dma_semaphore, #tpu.memory_space<semaphore_mem>>)
      %dma_wait3A = arith.constant 0 : i32
      %dma_wait3A_443 = tpu.memref_slice %arg12[%run_scoped3A_141, %dma_wait3A] : memref<16x640xf32, #tpu.memory_space<vmem>> -> memref<1x640xf32, #tpu.memory_space<vmem>>
      %dma_wait3A_444 = tpu.memref_squeeze %dma_wait3A_443 : memref<1x640xf32, #tpu.memory_space<vmem>> -> memref<640xf32, #tpu.memory_space<vmem>>
      %dma_wait3A_445 = tpu.memref_slice %arg15[%run_scoped3A_140, %mul3A_139] : memref<16x10240xf32, #tpu.memory_space<vmem_shared>> -> memref<1x640xf32, #tpu.memory_space<vmem_shared>>
      %dma_wait3A_446 = tpu.memref_squeeze %dma_wait3A_445 : memref<1x640xf32, #tpu.memory_space<vmem_shared>> -> memref<640xf32, #tpu.memory_space<vmem_shared>>
      %dma_wait3A_447 = arith.constant 0 : i32
      %dma_wait3A_448 = tpu.memref_slice %arg12[%run_scoped3A_141, %dma_wait3A_447] : memref<16x640xf32, #tpu.memory_space<vmem>> -> memref<1x640xf32, #tpu.memory_space<vmem>>
      %dma_wait3A_449 = tpu.memref_squeeze %dma_wait3A_448 : memref<1x640xf32, #tpu.memory_space<vmem>> -> memref<640xf32, #tpu.memory_space<vmem>>
      %dma_wait3A_450 = tpu.memref_slice %arg15[%run_scoped3A_140, %mul3A_139] : memref<16x10240xf32, #tpu.memory_space<vmem_shared>> -> memref<1x640xf32, #tpu.memory_space<vmem_shared>>
      %dma_wait3A_451 = tpu.memref_squeeze %dma_wait3A_450 : memref<1x640xf32, #tpu.memory_space<vmem_shared>> -> memref<640xf32, #tpu.memory_space<vmem_shared>>
      tpu.wait_dma2 semaphore(%run_scoped3A_433 : memref<!tpu.dma_semaphore, #tpu.memory_space<semaphore_mem>>) src(%dma_wait3A_451 : memref<640xf32, #tpu.memory_space<vmem_shared>>) dst(%dma_wait3A_449 : memref<640xf32, #tpu.memory_space<vmem>>)
      tpu.yield
    }) : () -> ()
    %mul3A_142 = arith.constant 640 : i32
    %mul3A_143 = arith.muli %arg1, %mul3A_142 : i32
    %run_scoped3A_144 = arith.constant 14 : i32
    %run_scoped3A_145 = arith.constant 14 : i32
    "tpu.region"() ({
      %run_scoped3A_433 = tpu.sem_alloc : memref<!tpu.dma_semaphore, #tpu.memory_space<semaphore_mem>>
      %dma_start3A = arith.constant 0 : i32
      %dma_start3A_434 = tpu.memref_slice %arg12[%run_scoped3A_145, %dma_start3A] : memref<16x640xf32, #tpu.memory_space<vmem>> -> memref<1x640xf32, #tpu.memory_space<vmem>>
      %dma_start3A_435 = tpu.memref_squeeze %dma_start3A_434 : memref<1x640xf32, #tpu.memory_space<vmem>> -> memref<640xf32, #tpu.memory_space<vmem>>
      %dma_start3A_436 = tpu.memref_slice %arg15[%run_scoped3A_144, %mul3A_143] : memref<16x10240xf32, #tpu.memory_space<vmem_shared>> -> memref<1x640xf32, #tpu.memory_space<vmem_shared>>
      %dma_start3A_437 = tpu.memref_squeeze %dma_start3A_436 : memref<1x640xf32, #tpu.memory_space<vmem_shared>> -> memref<640xf32, #tpu.memory_space<vmem_shared>>
      %dma_start3A_438 = arith.constant 0 : i32
      %dma_start3A_439 = tpu.memref_slice %arg12[%run_scoped3A_145, %dma_start3A_438] : memref<16x640xf32, #tpu.memory_space<vmem>> -> memref<1x640xf32, #tpu.memory_space<vmem>>
      %dma_start3A_440 = tpu.memref_squeeze %dma_start3A_439 : memref<1x640xf32, #tpu.memory_space<vmem>> -> memref<640xf32, #tpu.memory_space<vmem>>
      %dma_start3A_441 = tpu.memref_slice %arg15[%run_scoped3A_144, %mul3A_143] : memref<16x10240xf32, #tpu.memory_space<vmem_shared>> -> memref<1x640xf32, #tpu.memory_space<vmem_shared>>
      %dma_start3A_442 = tpu.memref_squeeze %dma_start3A_441 : memref<1x640xf32, #tpu.memory_space<vmem_shared>> -> memref<640xf32, #tpu.memory_space<vmem_shared>>
      tpu.enqueue_dma source(%dma_start3A_442 : memref<640xf32, #tpu.memory_space<vmem_shared>>) target(%dma_start3A_440 : memref<640xf32, #tpu.memory_space<vmem>>) target_semaphore(%run_scoped3A_433 : memref<!tpu.dma_semaphore, #tpu.memory_space<semaphore_mem>>)
      %dma_wait3A = arith.constant 0 : i32
      %dma_wait3A_443 = tpu.memref_slice %arg12[%run_scoped3A_145, %dma_wait3A] : memref<16x640xf32, #tpu.memory_space<vmem>> -> memref<1x640xf32, #tpu.memory_space<vmem>>
      %dma_wait3A_444 = tpu.memref_squeeze %dma_wait3A_443 : memref<1x640xf32, #tpu.memory_space<vmem>> -> memref<640xf32, #tpu.memory_space<vmem>>
      %dma_wait3A_445 = tpu.memref_slice %arg15[%run_scoped3A_144, %mul3A_143] : memref<16x10240xf32, #tpu.memory_space<vmem_shared>> -> memref<1x640xf32, #tpu.memory_space<vmem_shared>>
      %dma_wait3A_446 = tpu.memref_squeeze %dma_wait3A_445 : memref<1x640xf32, #tpu.memory_space<vmem_shared>> -> memref<640xf32, #tpu.memory_space<vmem_shared>>
      %dma_wait3A_447 = arith.constant 0 : i32
      %dma_wait3A_448 = tpu.memref_slice %arg12[%run_scoped3A_145, %dma_wait3A_447] : memref<16x640xf32, #tpu.memory_space<vmem>> -> memref<1x640xf32, #tpu.memory_space<vmem>>
      %dma_wait3A_449 = tpu.memref_squeeze %dma_wait3A_448 : memref<1x640xf32, #tpu.memory_space<vmem>> -> memref<640xf32, #tpu.memory_space<vmem>>
      %dma_wait3A_450 = tpu.memref_slice %arg15[%run_scoped3A_144, %mul3A_143] : memref<16x10240xf32, #tpu.memory_space<vmem_shared>> -> memref<1x640xf32, #tpu.memory_space<vmem_shared>>
      %dma_wait3A_451 = tpu.memref_squeeze %dma_wait3A_450 : memref<1x640xf32, #tpu.memory_space<vmem_shared>> -> memref<640xf32, #tpu.memory_space<vmem_shared>>
      tpu.wait_dma2 semaphore(%run_scoped3A_433 : memref<!tpu.dma_semaphore, #tpu.memory_space<semaphore_mem>>) src(%dma_wait3A_451 : memref<640xf32, #tpu.memory_space<vmem_shared>>) dst(%dma_wait3A_449 : memref<640xf32, #tpu.memory_space<vmem>>)
      tpu.yield
    }) : () -> ()
    %mul3A_146 = arith.constant 640 : i32
    %mul3A_147 = arith.muli %arg1, %mul3A_146 : i32
    %run_scoped3A_148 = arith.constant 15 : i32
    %run_scoped3A_149 = arith.constant 15 : i32
    "tpu.region"() ({
      %run_scoped3A_433 = tpu.sem_alloc : memref<!tpu.dma_semaphore, #tpu.memory_space<semaphore_mem>>
      %dma_start3A = arith.constant 0 : i32
      %dma_start3A_434 = tpu.memref_slice %arg12[%run_scoped3A_149, %dma_start3A] : memref<16x640xf32, #tpu.memory_space<vmem>> -> memref<1x640xf32, #tpu.memory_space<vmem>>
      %dma_start3A_435 = tpu.memref_squeeze %dma_start3A_434 : memref<1x640xf32, #tpu.memory_space<vmem>> -> memref<640xf32, #tpu.memory_space<vmem>>
      %dma_start3A_436 = tpu.memref_slice %arg15[%run_scoped3A_148, %mul3A_147] : memref<16x10240xf32, #tpu.memory_space<vmem_shared>> -> memref<1x640xf32, #tpu.memory_space<vmem_shared>>
      %dma_start3A_437 = tpu.memref_squeeze %dma_start3A_436 : memref<1x640xf32, #tpu.memory_space<vmem_shared>> -> memref<640xf32, #tpu.memory_space<vmem_shared>>
      %dma_start3A_438 = arith.constant 0 : i32
      %dma_start3A_439 = tpu.memref_slice %arg12[%run_scoped3A_149, %dma_start3A_438] : memref<16x640xf32, #tpu.memory_space<vmem>> -> memref<1x640xf32, #tpu.memory_space<vmem>>
      %dma_start3A_440 = tpu.memref_squeeze %dma_start3A_439 : memref<1x640xf32, #tpu.memory_space<vmem>> -> memref<640xf32, #tpu.memory_space<vmem>>
      %dma_start3A_441 = tpu.memref_slice %arg15[%run_scoped3A_148, %mul3A_147] : memref<16x10240xf32, #tpu.memory_space<vmem_shared>> -> memref<1x640xf32, #tpu.memory_space<vmem_shared>>
      %dma_start3A_442 = tpu.memref_squeeze %dma_start3A_441 : memref<1x640xf32, #tpu.memory_space<vmem_shared>> -> memref<640xf32, #tpu.memory_space<vmem_shared>>
      tpu.enqueue_dma source(%dma_start3A_442 : memref<640xf32, #tpu.memory_space<vmem_shared>>) target(%dma_start3A_440 : memref<640xf32, #tpu.memory_space<vmem>>) target_semaphore(%run_scoped3A_433 : memref<!tpu.dma_semaphore, #tpu.memory_space<semaphore_mem>>)
      %dma_wait3A = arith.constant 0 : i32
      %dma_wait3A_443 = tpu.memref_slice %arg12[%run_scoped3A_149, %dma_wait3A] : memref<16x640xf32, #tpu.memory_space<vmem>> -> memref<1x640xf32, #tpu.memory_space<vmem>>
      %dma_wait3A_444 = tpu.memref_squeeze %dma_wait3A_443 : memref<1x640xf32, #tpu.memory_space<vmem>> -> memref<640xf32, #tpu.memory_space<vmem>>
      %dma_wait3A_445 = tpu.memref_slice %arg15[%run_scoped3A_148, %mul3A_147] : memref<16x10240xf32, #tpu.memory_space<vmem_shared>> -> memref<1x640xf32, #tpu.memory_space<vmem_shared>>
      %dma_wait3A_446 = tpu.memref_squeeze %dma_wait3A_445 : memref<1x640xf32, #tpu.memory_space<vmem_shared>> -> memref<640xf32, #tpu.memory_space<vmem_shared>>
      %dma_wait3A_447 = arith.constant 0 : i32
      %dma_wait3A_448 = tpu.memref_slice %arg12[%run_scoped3A_149, %dma_wait3A_447] : memref<16x640xf32, #tpu.memory_space<vmem>> -> memref<1x640xf32, #tpu.memory_space<vmem>>
      %dma_wait3A_449 = tpu.memref_squeeze %dma_wait3A_448 : memref<1x640xf32, #tpu.memory_space<vmem>> -> memref<640xf32, #tpu.memory_space<vmem>>
      %dma_wait3A_450 = tpu.memref_slice %arg15[%run_scoped3A_148, %mul3A_147] : memref<16x10240xf32, #tpu.memory_space<vmem_shared>> -> memref<1x640xf32, #tpu.memory_space<vmem_shared>>
      %dma_wait3A_451 = tpu.memref_squeeze %dma_wait3A_450 : memref<1x640xf32, #tpu.memory_space<vmem_shared>> -> memref<640xf32, #tpu.memory_space<vmem_shared>>
      tpu.wait_dma2 semaphore(%run_scoped3A_433 : memref<!tpu.dma_semaphore, #tpu.memory_space<semaphore_mem>>) src(%dma_wait3A_451 : memref<640xf32, #tpu.memory_space<vmem_shared>>) dst(%dma_wait3A_449 : memref<640xf32, #tpu.memory_space<vmem>>)
      tpu.yield
    }) : () -> ()
    %scan3A_150 = arith.constant 0 : i32
    %scan3A_151 = arith.constant 0 : i32
    %scan3A_152 = arith.constant 40 : i32
    %scan3A_153 = arith.addi %scan3A_151, %scan3A_152 : i32
    %scan3A_154 = arith.constant 1 : i32
    %scan3A_155 = scf.for %scan3A_433 = %scan3A_151 to %scan3A_153 step %scan3A_154 iter_args(%scan3A_434 = %scan3A_150) -> (i32)  : i32 {
      %mul3A_435 = arith.constant 16 : i32
      %mul3A_436 = arith.muli %scan3A_433, %mul3A_435 : i32
      %get3A = arith.constant 0 : i32
      %get3A_437 = arith.index_cast %get3A : i32 to index
      %get3A_438 = arith.index_cast %mul3A_436 : i32 to index
      %get3A_439 = tpu.vector_load %arg12[%get3A_437, %get3A_438] {strides = array<i32>} : memref<16x640xf32, #tpu.memory_space<vmem>>, vector<16xf32>,
      %mul3A_440 = arith.constant 16 : i32
      %mul3A_441 = arith.muli %scan3A_433, %mul3A_440 : i32
      %get3A_442 = arith.constant 1 : i32
      %get3A_443 = arith.index_cast %get3A_442 : i32 to index
      %get3A_444 = arith.index_cast %mul3A_441 : i32 to index
      %get3A_445 = tpu.vector_load %arg12[%get3A_443, %get3A_444] {strides = array<i32>} : memref<16x640xf32, #tpu.memory_space<vmem>>, vector<16xf32>,
      %add3A_446 = arith.addf %get3A_439, %get3A_445 : vector<16xf32>
      %mul3A_447 = arith.constant 16 : i32
      %mul3A_448 = arith.muli %scan3A_433, %mul3A_447 : i32
      %get3A_449 = arith.constant 2 : i32
      %get3A_450 = arith.index_cast %get3A_449 : i32 to index
      %get3A_451 = arith.index_cast %mul3A_448 : i32 to index
      %get3A_452 = tpu.vector_load %arg12[%get3A_450, %get3A_451] {strides = array<i32>} : memref<16x640xf32, #tpu.memory_space<vmem>>, vector<16xf32>,
      %add3A_453 = arith.addf %add3A_446, %get3A_452 : vector<16xf32>
      %mul3A_454 = arith.constant 16 : i32
      %mul3A_455 = arith.muli %scan3A_433, %mul3A_454 : i32
      %get3A_456 = arith.constant 3 : i32
      %get3A_457 = arith.index_cast %get3A_456 : i32 to index
      %get3A_458 = arith.index_cast %mul3A_455 : i32 to index
      %get3A_459 = tpu.vector_load %arg12[%get3A_457, %get3A_458] {strides = array<i32>} : memref<16x640xf32, #tpu.memory_space<vmem>>, vector<16xf32>,
      %add3A_460 = arith.addf %add3A_453, %get3A_459 : vector<16xf32>
      %mul3A_461 = arith.constant 16 : i32
      %mul3A_462 = arith.muli %scan3A_433, %mul3A_461 : i32
      %get3A_463 = arith.constant 4 : i32
      %get3A_464 = arith.index_cast %get3A_463 : i32 to index
      %get3A_465 = arith.index_cast %mul3A_462 : i32 to index
      %get3A_466 = tpu.vector_load %arg12[%get3A_464, %get3A_465] {strides = array<i32>} : memref<16x640xf32, #tpu.memory_space<vmem>>, vector<16xf32>,
      %add3A_467 = arith.addf %add3A_460, %get3A_466 : vector<16xf32>
      %mul3A_468 = arith.constant 16 : i32
      %mul3A_469 = arith.muli %scan3A_433, %mul3A_468 : i32
      %get3A_470 = arith.constant 5 : i32
      %get3A_471 = arith.index_cast %get3A_470 : i32 to index
      %get3A_472 = arith.index_cast %mul3A_469 : i32 to index
      %get3A_473 = tpu.vector_load %arg12[%get3A_471, %get3A_472] {strides = array<i32>} : memref<16x640xf32, #tpu.memory_space<vmem>>, vector<16xf32>,
      %add3A_474 = arith.addf %add3A_467, %get3A_473 : vector<16xf32>
      %mul3A_475 = arith.constant 16 : i32
      %mul3A_476 = arith.muli %scan3A_433, %mul3A_475 : i32
      %get3A_477 = arith.constant 6 : i32
      %get3A_478 = arith.index_cast %get3A_477 : i32 to index
      %get3A_479 = arith.index_cast %mul3A_476 : i32 to index
      %get3A_480 = tpu.vector_load %arg12[%get3A_478, %get3A_479] {strides = array<i32>} : memref<16x640xf32, #tpu.memory_space<vmem>>, vector<16xf32>,
      %add3A_481 = arith.addf %add3A_474, %get3A_480 : vector<16xf32>
      %mul3A_482 = arith.constant 16 : i32
      %mul3A_483 = arith.muli %scan3A_433, %mul3A_482 : i32
      %get3A_484 = arith.constant 7 : i32
      %get3A_485 = arith.index_cast %get3A_484 : i32 to index
      %get3A_486 = arith.index_cast %mul3A_483 : i32 to index
      %get3A_487 = tpu.vector_load %arg12[%get3A_485, %get3A_486] {strides = array<i32>} : memref<16x640xf32, #tpu.memory_space<vmem>>, vector<16xf32>,
      %add3A_488 = arith.addf %add3A_481, %get3A_487 : vector<16xf32>
      %mul3A_489 = arith.constant 16 : i32
      %mul3A_490 = arith.muli %scan3A_433, %mul3A_489 : i32
      %get3A_491 = arith.constant 8 : i32
      %get3A_492 = arith.index_cast %get3A_491 : i32 to index
      %get3A_493 = arith.index_cast %mul3A_490 : i32 to index
      %get3A_494 = tpu.vector_load %arg12[%get3A_492, %get3A_493] {strides = array<i32>} : memref<16x640xf32, #tpu.memory_space<vmem>>, vector<16xf32>,
      %add3A_495 = arith.addf %add3A_488, %get3A_494 : vector<16xf32>
      %mul3A_496 = arith.constant 16 : i32
      %mul3A_497 = arith.muli %scan3A_433, %mul3A_496 : i32
      %get3A_498 = arith.constant 9 : i32
      %get3A_499 = arith.index_cast %get3A_498 : i32 to index
      %get3A_500 = arith.index_cast %mul3A_497 : i32 to index
      %get3A_501 = tpu.vector_load %arg12[%get3A_499, %get3A_500] {strides = array<i32>} : memref<16x640xf32, #tpu.memory_space<vmem>>, vector<16xf32>,
      %add3A_502 = arith.addf %add3A_495, %get3A_501 : vector<16xf32>
      %mul3A_503 = arith.constant 16 : i32
      %mul3A_504 = arith.muli %scan3A_433, %mul3A_503 : i32
      %get3A_505 = arith.constant 10 : i32
      %get3A_506 = arith.index_cast %get3A_505 : i32 to index
      %get3A_507 = arith.index_cast %mul3A_504 : i32 to index
      %get3A_508 = tpu.vector_load %arg12[%get3A_506, %get3A_507] {strides = array<i32>} : memref<16x640xf32, #tpu.memory_space<vmem>>, vector<16xf32>,
      %add3A_509 = arith.addf %add3A_502, %get3A_508 : vector<16xf32>
      %mul3A_510 = arith.constant 16 : i32
      %mul3A_511 = arith.muli %scan3A_433, %mul3A_510 : i32
      %get3A_512 = arith.constant 11 : i32
      %get3A_513 = arith.index_cast %get3A_512 : i32 to index
      %get3A_514 = arith.index_cast %mul3A_511 : i32 to index
      %get3A_515 = tpu.vector_load %arg12[%get3A_513, %get3A_514] {strides = array<i32>} : memref<16x640xf32, #tpu.memory_space<vmem>>, vector<16xf32>,
      %add3A_516 = arith.addf %add3A_509, %get3A_515 : vector<16xf32>
      %mul3A_517 = arith.constant 16 : i32
      %mul3A_518 = arith.muli %scan3A_433, %mul3A_517 : i32
      %get3A_519 = arith.constant 12 : i32
      %get3A_520 = arith.index_cast %get3A_519 : i32 to index
      %get3A_521 = arith.index_cast %mul3A_518 : i32 to index
      %get3A_522 = tpu.vector_load %arg12[%get3A_520, %get3A_521] {strides = array<i32>} : memref<16x640xf32, #tpu.memory_space<vmem>>, vector<16xf32>,
      %add3A_523 = arith.addf %add3A_516, %get3A_522 : vector<16xf32>
      %mul3A_524 = arith.constant 16 : i32
      %mul3A_525 = arith.muli %scan3A_433, %mul3A_524 : i32
      %get3A_526 = arith.constant 13 : i32
      %get3A_527 = arith.index_cast %get3A_526 : i32 to index
      %get3A_528 = arith.index_cast %mul3A_525 : i32 to index
      %get3A_529 = tpu.vector_load %arg12[%get3A_527, %get3A_528] {strides = array<i32>} : memref<16x640xf32, #tpu.memory_space<vmem>>, vector<16xf32>,
      %add3A_530 = arith.addf %add3A_523, %get3A_529 : vector<16xf32>
      %mul3A_531 = arith.constant 16 : i32
      %mul3A_532 = arith.muli %scan3A_433, %mul3A_531 : i32
      %get3A_533 = arith.constant 14 : i32
      %get3A_534 = arith.index_cast %get3A_533 : i32 to index
      %get3A_535 = arith.index_cast %mul3A_532 : i32 to index
      %get3A_536 = tpu.vector_load %arg12[%get3A_534, %get3A_535] {strides = array<i32>} : memref<16x640xf32, #tpu.memory_space<vmem>>, vector<16xf32>,
      %add3A_537 = arith.addf %add3A_530, %get3A_536 : vector<16xf32>
      %mul3A_538 = arith.constant 16 : i32
      %mul3A_539 = arith.muli %scan3A_433, %mul3A_538 : i32
      %get3A_540 = arith.constant 15 : i32
      %get3A_541 = arith.index_cast %get3A_540 : i32 to index
      %get3A_542 = arith.index_cast %mul3A_539 : i32 to index
      %get3A_543 = tpu.vector_load %arg12[%get3A_541, %get3A_542] {strides = array<i32>} : memref<16x640xf32, #tpu.memory_space<vmem>>, vector<16xf32>,
      %add3A_544 = arith.addf %add3A_537, %get3A_543 : vector<16xf32>
      %mul3A_545 = arith.constant 16 : i32
      %mul3A_546 = arith.muli %scan3A_433, %mul3A_545 : i32
      %swap3A_547 = arith.index_cast %mul3A_546 : i32 to index
      %swap3A_548 = tpu.vector_load %arg13[%swap3A_547] {strides = array<i32>} : memref<640xf32, #tpu.memory_space<vmem>>, vector<16xf32>,
      tpu.vector_store %arg13[%swap3A_547], %add3A_544 {strides = array<i32>} : memref<640xf32, #tpu.memory_space<vmem>>, vector<16xf32>,
      %scan3A_549 = arith.constant 0 : i32
      scf.yield %scan3A_549 : i32
    }
    %scan3A_156 = arith.constant 40 : i32
    %mul3A_157 = arith.constant 640 : i32
    %mul3A_158 = arith.muli %arg1, %mul3A_157 : i32
    "tpu.region"() ({
      %run_scoped3A_433 = tpu.sem_alloc : memref<!tpu.dma_semaphore, #tpu.memory_space<semaphore_mem>>
      %dma_start3A = tpu.memref_slice %arg4[%arg0, %mul3A_158] : memref<2x10240xf32, #tpu.memory_space<hbm>> -> memref<1x640xf32, #tpu.memory_space<hbm>>
      %dma_start3A_434 = tpu.memref_squeeze %dma_start3A : memref<1x640xf32, #tpu.memory_space<hbm>> -> memref<640xf32, #tpu.memory_space<hbm>>
      %dma_start3A_435 = tpu.memref_slice %arg4[%arg0, %mul3A_158] : memref<2x10240xf32, #tpu.memory_space<hbm>> -> memref<1x640xf32, #tpu.memory_space<hbm>>
      %dma_start3A_436 = tpu.memref_squeeze %dma_start3A_435 : memref<1x640xf32, #tpu.memory_space<hbm>> -> memref<640xf32, #tpu.memory_space<hbm>>
      tpu.enqueue_dma source(%arg13 : memref<640xf32, #tpu.memory_space<vmem>>) target(%dma_start3A_436 : memref<640xf32, #tpu.memory_space<hbm>>) target_semaphore(%run_scoped3A_433 : memref<!tpu.dma_semaphore, #tpu.memory_space<semaphore_mem>>)
      %dma_wait3A = tpu.memref_slice %arg4[%arg0, %mul3A_158] : memref<2x10240xf32, #tpu.memory_space<hbm>> -> memref<1x640xf32, #tpu.memory_space<hbm>>
      %dma_wait3A_437 = tpu.memref_squeeze %dma_wait3A : memref<1x640xf32, #tpu.memory_space<hbm>> -> memref<640xf32, #tpu.memory_space<hbm>>
      %dma_wait3A_438 = tpu.memref_slice %arg4[%arg0, %mul3A_158] : memref<2x10240xf32, #tpu.memory_space<hbm>> -> memref<1x640xf32, #tpu.memory_space<hbm>>
      %dma_wait3A_439 = tpu.memref_squeeze %dma_wait3A_438 : memref<1x640xf32, #tpu.memory_space<hbm>> -> memref<640xf32, #tpu.memory_space<hbm>>
      tpu.wait_dma2 semaphore(%run_scoped3A_433 : memref<!tpu.dma_semaphore, #tpu.memory_space<semaphore_mem>>) src(%arg13 : memref<640xf32, #tpu.memory_space<vmem>>) dst(%dma_wait3A_439 : memref<640xf32, #tpu.memory_space<hbm>>)
      tpu.yield
    }) : () -> ()
    %mul3A_159 = arith.constant 5120 : i32
    %mul3A_160 = arith.muli %arg0, %mul3A_159 : i32
    %scan3A_161 = arith.constant 0 : i32
    %scan3A_162 = arith.constant 0 : i32
    %scan3A_163 = arith.constant 1280 : i32
    %scan3A_164 = arith.addi %scan3A_162, %scan3A_163 : i32
    %scan3A_165 = arith.constant 1 : i32
    %scan3A_166 = scf.for %scan3A_433 = %scan3A_162 to %scan3A_164 step %scan3A_165 iter_args(%scan3A_434 = %scan3A_161) -> (i32)  : i32 {
      %mul3A_435 = arith.constant 16 : i32
      %mul3A_436 = arith.muli %scan3A_433, %mul3A_435 : i32
      %get3A = arith.index_cast %mul3A_436 : i32 to index
      %get3A_437 = tpu.vector_load %arg9[%get3A] {strides = array<i32>} : memref<20864xi32, #tpu.memory_space<vmem>>, vector<16xi32>,
      %mul3A_438 = arith.constant 16 : i32
      %mul3A_439 = arith.muli %scan3A_433, %mul3A_438 : i32
      %get3A_440 = arith.index_cast %mul3A_439 : i32 to index
      %get3A_441 = tpu.vector_load %arg8[%get3A_440] {strides = array<i32>} : memref<20864xi32, #tpu.memory_space<vmem>>, vector<16xi32>,
      %sub3A_442 = vector.broadcast %mul3A_160 : i32 to vector<16xi32>
      %sub3A_443 = arith.subi %get3A_437, %sub3A_442 : vector<16xi32>
      %ge3A = arith.constant 0 : i32
      %ge3A_444 = vector.broadcast %ge3A : i32 to vector<16xi32>
      %ge3A_445 = arith.cmpi sge, %sub3A_443, %ge3A_444 : vector<16xi32>
      %lt3A = arith.constant 5120 : i32
      %lt3A_446 = vector.broadcast %lt3A : i32 to vector<16xi32>
      %lt3A_447 = arith.cmpi slt, %sub3A_443, %lt3A_446 : vector<16xi32>
      %and3A_448 = arith.andi %ge3A_445, %lt3A_447 : vector<16xi1>
      %lt3A_449 = arith.constant 10000 : i32
      %lt3A_450 = vector.broadcast %lt3A_449 : i32 to vector<16xi32>
      %lt3A_451 = arith.cmpi slt, %get3A_437, %lt3A_450 : vector<16xi32>
      %and3A_452 = arith.andi %and3A_448, %lt3A_451 : vector<16xi1>
      %swap3A_453 = arith.index_cast %scan3A_434 : i32 to index
      %swap3A_454 = tpu.vector_load %arg9[%swap3A_453] masked %and3A_452 {strides = array<i32>} : memref<20864xi32, #tpu.memory_space<vmem>>, vector<16xi32>, vector<16xi1>
      tpu.vector_store %arg9[%swap3A_453], %sub3A_443 masked %and3A_452 {strides = array<i32>} : memref<20864xi32, #tpu.memory_space<vmem>>, vector<16xi32>, vector<16xi1>
      %swap3A_455 = arith.index_cast %scan3A_434 : i32 to index
      %swap3A_456 = tpu.vector_load %arg8[%swap3A_455] masked %and3A_452 {strides = array<i32>} : memref<20864xi32, #tpu.memory_space<vmem>>, vector<16xi32>, vector<16xi1>
      tpu.vector_store %arg8[%swap3A_455], %get3A_441 masked %and3A_452 {strides = array<i32>} : memref<20864xi32, #tpu.memory_space<vmem>>, vector<16xi32>, vector<16xi1>
      %convert_element_type3A = arith.extui %and3A_452 : vector<16xi1> to vector<16xi32>
      %reduce_sum3A = arith.constant true
      %reduce_sum3A_457 = vector.broadcast %reduce_sum3A : i1 to vector<16xi1>
      %reduce_sum3A_458 = tpu.scan <sum>, %convert_element_type3A masked %reduce_sum3A_457 : vector<16xi32>, vector<16xi1> -> vector<16xi32>
      %reduce_sum3A_459 = vector.extract %reduce_sum3A_458[15] : i32 from vector<16xi32>
      %add3A_460 = arith.addi %scan3A_434, %reduce_sum3A_459 : i32
      scf.yield %add3A_460 : i32
    }
    %scan3A_167 = arith.constant 1280 : i32
    %broadcast_in_dim3A_168 = arith.constant 0 : i32
    %broadcast_in_dim3A_169 = vector.broadcast %broadcast_in_dim3A_168 : i32 to vector<16xi32>
    %add3A = arith.constant 5120 : i32
    %add3A_170 = vector.broadcast %add3A : i32 to vector<16xi32>
    %add3A_171 = arith.addi %add3A_170, %iota3A : vector<16xi32>
    %add3A_172 = arith.constant 0 : i32
    %add3A_173 = vector.broadcast %add3A_172 : i32 to vector<16xi32>
    %add3A_174 = arith.addi %add3A_171, %add3A_173 : vector<16xi32>
    %add3A_175 = arith.constant 0 : i32
    %add3A_176 = arith.addi %scan3A_166, %add3A_175 : i32
    %swap3A = arith.index_cast %add3A_176 : i32 to index
    %swap3A_177 = tpu.vector_load %arg9[%swap3A] {strides = array<i32>} : memref<20864xi32, #tpu.memory_space<vmem>>, vector<16xi32>,
    tpu.vector_store %arg9[%swap3A], %add3A_174 {strides = array<i32>} : memref<20864xi32, #tpu.memory_space<vmem>>, vector<16xi32>,
    %add3A_178 = arith.constant 0 : i32
    %add3A_179 = arith.addi %scan3A_166, %add3A_178 : i32
    %swap3A_180 = arith.index_cast %add3A_179 : i32 to index
    %swap3A_181 = tpu.vector_load %arg8[%swap3A_180] {strides = array<i32>} : memref<20864xi32, #tpu.memory_space<vmem>>, vector<16xi32>,
    tpu.vector_store %arg8[%swap3A_180], %broadcast_in_dim3A_169 {strides = array<i32>} : memref<20864xi32, #tpu.memory_space<vmem>>, vector<16xi32>,
    %add3A_182 = arith.constant 5120 : i32
    %add3A_183 = vector.broadcast %add3A_182 : i32 to vector<16xi32>
    %add3A_184 = arith.addi %add3A_183, %iota3A : vector<16xi32>
    %add3A_185 = arith.constant 16 : i32
    %add3A_186 = vector.broadcast %add3A_185 : i32 to vector<16xi32>
    %add3A_187 = arith.addi %add3A_184, %add3A_186 : vector<16xi32>
    %add3A_188 = arith.constant 16 : i32
    %add3A_189 = arith.addi %scan3A_166, %add3A_188 : i32
    %swap3A_190 = arith.index_cast %add3A_189 : i32 to index
    %swap3A_191 = tpu.vector_load %arg9[%swap3A_190] {strides = array<i32>} : memref<20864xi32, #tpu.memory_space<vmem>>, vector<16xi32>,
    tpu.vector_store %arg9[%swap3A_190], %add3A_187 {strides = array<i32>} : memref<20864xi32, #tpu.memory_space<vmem>>, vector<16xi32>,
    %add3A_192 = arith.constant 16 : i32
    %add3A_193 = arith.addi %scan3A_166, %add3A_192 : i32
    %swap3A_194 = arith.index_cast %add3A_193 : i32 to index
    %swap3A_195 = tpu.vector_load %arg8[%swap3A_194] {strides = array<i32>} : memref<20864xi32, #tpu.memory_space<vmem>>, vector<16xi32>,
    tpu.vector_store %arg8[%swap3A_194], %broadcast_in_dim3A_169 {strides = array<i32>} : memref<20864xi32, #tpu.memory_space<vmem>>, vector<16xi32>,
    %add3A_196 = arith.constant 5120 : i32
    %add3A_197 = vector.broadcast %add3A_196 : i32 to vector<16xi32>
    %add3A_198 = arith.addi %add3A_197, %iota3A : vector<16xi32>
    %add3A_199 = arith.constant 32 : i32
    %add3A_200 = vector.broadcast %add3A_199 : i32 to vector<16xi32>
    %add3A_201 = arith.addi %add3A_198, %add3A_200 : vector<16xi32>
    %add3A_202 = arith.constant 32 : i32
    %add3A_203 = arith.addi %scan3A_166, %add3A_202 : i32
    %swap3A_204 = arith.index_cast %add3A_203 : i32 to index
    %swap3A_205 = tpu.vector_load %arg9[%swap3A_204] {strides = array<i32>} : memref<20864xi32, #tpu.memory_space<vmem>>, vector<16xi32>,
    tpu.vector_store %arg9[%swap3A_204], %add3A_201 {strides = array<i32>} : memref<20864xi32, #tpu.memory_space<vmem>>, vector<16xi32>,
    %add3A_206 = arith.constant 32 : i32
    %add3A_207 = arith.addi %scan3A_166, %add3A_206 : i32
    %swap3A_208 = arith.index_cast %add3A_207 : i32 to index
    %swap3A_209 = tpu.vector_load %arg8[%swap3A_208] {strides = array<i32>} : memref<20864xi32, #tpu.memory_space<vmem>>, vector<16xi32>,
    tpu.vector_store %arg8[%swap3A_208], %broadcast_in_dim3A_169 {strides = array<i32>} : memref<20864xi32, #tpu.memory_space<vmem>>, vector<16xi32>,
    %add3A_210 = arith.constant 5120 : i32
    %add3A_211 = vector.broadcast %add3A_210 : i32 to vector<16xi32>
    %add3A_212 = arith.addi %add3A_211, %iota3A : vector<16xi32>
    %add3A_213 = arith.constant 48 : i32
    %add3A_214 = vector.broadcast %add3A_213 : i32 to vector<16xi32>
    %add3A_215 = arith.addi %add3A_212, %add3A_214 : vector<16xi32>
    %add3A_216 = arith.constant 48 : i32
    %add3A_217 = arith.addi %scan3A_166, %add3A_216 : i32
    %swap3A_218 = arith.index_cast %add3A_217 : i32 to index
    %swap3A_219 = tpu.vector_load %arg9[%swap3A_218] {strides = array<i32>} : memref<20864xi32, #tpu.memory_space<vmem>>, vector<16xi32>,
    tpu.vector_store %arg9[%swap3A_218], %add3A_215 {strides = array<i32>} : memref<20864xi32, #tpu.memory_space<vmem>>, vector<16xi32>,
    %add3A_220 = arith.constant 48 : i32
    %add3A_221 = arith.addi %scan3A_166, %add3A_220 : i32
    %swap3A_222 = arith.index_cast %add3A_221 : i32 to index
    %swap3A_223 = tpu.vector_load %arg8[%swap3A_222] {strides = array<i32>} : memref<20864xi32, #tpu.memory_space<vmem>>, vector<16xi32>,
    tpu.vector_store %arg8[%swap3A_222], %broadcast_in_dim3A_169 {strides = array<i32>} : memref<20864xi32, #tpu.memory_space<vmem>>, vector<16xi32>,
    %add3A_224 = arith.constant 5120 : i32
    %add3A_225 = vector.broadcast %add3A_224 : i32 to vector<16xi32>
    %add3A_226 = arith.addi %add3A_225, %iota3A : vector<16xi32>
    %add3A_227 = arith.constant 64 : i32
    %add3A_228 = vector.broadcast %add3A_227 : i32 to vector<16xi32>
    %add3A_229 = arith.addi %add3A_226, %add3A_228 : vector<16xi32>
    %add3A_230 = arith.constant 64 : i32
    %add3A_231 = arith.addi %scan3A_166, %add3A_230 : i32
    %swap3A_232 = arith.index_cast %add3A_231 : i32 to index
    %swap3A_233 = tpu.vector_load %arg9[%swap3A_232] {strides = array<i32>} : memref<20864xi32, #tpu.memory_space<vmem>>, vector<16xi32>,
    tpu.vector_store %arg9[%swap3A_232], %add3A_229 {strides = array<i32>} : memref<20864xi32, #tpu.memory_space<vmem>>, vector<16xi32>,
    %add3A_234 = arith.constant 64 : i32
    %add3A_235 = arith.addi %scan3A_166, %add3A_234 : i32
    %swap3A_236 = arith.index_cast %add3A_235 : i32 to index
    %swap3A_237 = tpu.vector_load %arg8[%swap3A_236] {strides = array<i32>} : memref<20864xi32, #tpu.memory_space<vmem>>, vector<16xi32>,
    tpu.vector_store %arg8[%swap3A_236], %broadcast_in_dim3A_169 {strides = array<i32>} : memref<20864xi32, #tpu.memory_space<vmem>>, vector<16xi32>,
    %add3A_238 = arith.constant 5120 : i32
    %add3A_239 = vector.broadcast %add3A_238 : i32 to vector<16xi32>
    %add3A_240 = arith.addi %add3A_239, %iota3A : vector<16xi32>
    %add3A_241 = arith.constant 80 : i32
    %add3A_242 = vector.broadcast %add3A_241 : i32 to vector<16xi32>
    %add3A_243 = arith.addi %add3A_240, %add3A_242 : vector<16xi32>
    %add3A_244 = arith.constant 80 : i32
    %add3A_245 = arith.addi %scan3A_166, %add3A_244 : i32
    %swap3A_246 = arith.index_cast %add3A_245 : i32 to index
    %swap3A_247 = tpu.vector_load %arg9[%swap3A_246] {strides = array<i32>} : memref<20864xi32, #tpu.memory_space<vmem>>, vector<16xi32>,
    tpu.vector_store %arg9[%swap3A_246], %add3A_243 {strides = array<i32>} : memref<20864xi32, #tpu.memory_space<vmem>>, vector<16xi32>,
    %add3A_248 = arith.constant 80 : i32
    %add3A_249 = arith.addi %scan3A_166, %add3A_248 : i32
    %swap3A_250 = arith.index_cast %add3A_249 : i32 to index
    %swap3A_251 = tpu.vector_load %arg8[%swap3A_250] {strides = array<i32>} : memref<20864xi32, #tpu.memory_space<vmem>>, vector<16xi32>,
    tpu.vector_store %arg8[%swap3A_250], %broadcast_in_dim3A_169 {strides = array<i32>} : memref<20864xi32, #tpu.memory_space<vmem>>, vector<16xi32>,
    %add3A_252 = arith.constant 5120 : i32
    %add3A_253 = vector.broadcast %add3A_252 : i32 to vector<16xi32>
    %add3A_254 = arith.addi %add3A_253, %iota3A : vector<16xi32>
    %add3A_255 = arith.constant 96 : i32
    %add3A_256 = vector.broadcast %add3A_255 : i32 to vector<16xi32>
    %add3A_257 = arith.addi %add3A_254, %add3A_256 : vector<16xi32>
    %add3A_258 = arith.constant 96 : i32
    %add3A_259 = arith.addi %scan3A_166, %add3A_258 : i32
    %swap3A_260 = arith.index_cast %add3A_259 : i32 to index
    %swap3A_261 = tpu.vector_load %arg9[%swap3A_260] {strides = array<i32>} : memref<20864xi32, #tpu.memory_space<vmem>>, vector<16xi32>,
    tpu.vector_store %arg9[%swap3A_260], %add3A_257 {strides = array<i32>} : memref<20864xi32, #tpu.memory_space<vmem>>, vector<16xi32>,
    %add3A_262 = arith.constant 96 : i32
    %add3A_263 = arith.addi %scan3A_166, %add3A_262 : i32
    %swap3A_264 = arith.index_cast %add3A_263 : i32 to index
    %swap3A_265 = tpu.vector_load %arg8[%swap3A_264] {strides = array<i32>} : memref<20864xi32, #tpu.memory_space<vmem>>, vector<16xi32>,
    tpu.vector_store %arg8[%swap3A_264], %broadcast_in_dim3A_169 {strides = array<i32>} : memref<20864xi32, #tpu.memory_space<vmem>>, vector<16xi32>,
    %add3A_266 = arith.constant 5120 : i32
    %add3A_267 = vector.broadcast %add3A_266 : i32 to vector<16xi32>
    %add3A_268 = arith.addi %add3A_267, %iota3A : vector<16xi32>
    %add3A_269 = arith.constant 112 : i32
    %add3A_270 = vector.broadcast %add3A_269 : i32 to vector<16xi32>
    %add3A_271 = arith.addi %add3A_268, %add3A_270 : vector<16xi32>
    %add3A_272 = arith.constant 112 : i32
    %add3A_273 = arith.addi %scan3A_166, %add3A_272 : i32
    %swap3A_274 = arith.index_cast %add3A_273 : i32 to index
    %swap3A_275 = tpu.vector_load %arg9[%swap3A_274] {strides = array<i32>} : memref<20864xi32, #tpu.memory_space<vmem>>, vector<16xi32>,
    tpu.vector_store %arg9[%swap3A_274], %add3A_271 {strides = array<i32>} : memref<20864xi32, #tpu.memory_space<vmem>>, vector<16xi32>,
    %add3A_276 = arith.constant 112 : i32
    %add3A_277 = arith.addi %scan3A_166, %add3A_276 : i32
    %swap3A_278 = arith.index_cast %add3A_277 : i32 to index
    %swap3A_279 = tpu.vector_load %arg8[%swap3A_278] {strides = array<i32>} : memref<20864xi32, #tpu.memory_space<vmem>>, vector<16xi32>,
    tpu.vector_store %arg8[%swap3A_278], %broadcast_in_dim3A_169 {strides = array<i32>} : memref<20864xi32, #tpu.memory_space<vmem>>, vector<16xi32>,
    %add3A_280 = arith.constant 5120 : i32
    %add3A_281 = vector.broadcast %add3A_280 : i32 to vector<16xi32>
    %add3A_282 = arith.addi %add3A_281, %iota3A : vector<16xi32>
    %add3A_283 = arith.constant 0 : i32
    %add3A_284 = vector.broadcast %add3A_283 : i32 to vector<16xi32>
    %add3A_285 = arith.addi %add3A_282, %add3A_284 : vector<16xi32>
    %add3A_286 = arith.constant 128 : i32
    %add3A_287 = arith.addi %scan3A_166, %add3A_286 : i32
    %swap3A_288 = arith.index_cast %add3A_287 : i32 to index
    %swap3A_289 = tpu.vector_load %arg9[%swap3A_288] {strides = array<i32>} : memref<20864xi32, #tpu.memory_space<vmem>>, vector<16xi32>,
    tpu.vector_store %arg9[%swap3A_288], %add3A_285 {strides = array<i32>} : memref<20864xi32, #tpu.memory_space<vmem>>, vector<16xi32>,
    %add3A_290 = arith.constant 128 : i32
    %add3A_291 = arith.addi %scan3A_166, %add3A_290 : i32
    %swap3A_292 = arith.index_cast %add3A_291 : i32 to index
    %swap3A_293 = tpu.vector_load %arg8[%swap3A_292] {strides = array<i32>} : memref<20864xi32, #tpu.memory_space<vmem>>, vector<16xi32>,
    tpu.vector_store %arg8[%swap3A_292], %broadcast_in_dim3A_169 {strides = array<i32>} : memref<20864xi32, #tpu.memory_space<vmem>>, vector<16xi32>,
    %add3A_294 = arith.constant 5120 : i32
    %add3A_295 = vector.broadcast %add3A_294 : i32 to vector<16xi32>
    %add3A_296 = arith.addi %add3A_295, %iota3A : vector<16xi32>
    %add3A_297 = arith.constant 16 : i32
    %add3A_298 = vector.broadcast %add3A_297 : i32 to vector<16xi32>
    %add3A_299 = arith.addi %add3A_296, %add3A_298 : vector<16xi32>
    %add3A_300 = arith.constant 144 : i32
    %add3A_301 = arith.addi %scan3A_166, %add3A_300 : i32
    %swap3A_302 = arith.index_cast %add3A_301 : i32 to index
    %swap3A_303 = tpu.vector_load %arg9[%swap3A_302] {strides = array<i32>} : memref<20864xi32, #tpu.memory_space<vmem>>, vector<16xi32>,
    tpu.vector_store %arg9[%swap3A_302], %add3A_299 {strides = array<i32>} : memref<20864xi32, #tpu.memory_space<vmem>>, vector<16xi32>,
    %add3A_304 = arith.constant 144 : i32
    %add3A_305 = arith.addi %scan3A_166, %add3A_304 : i32
    %swap3A_306 = arith.index_cast %add3A_305 : i32 to index
    %swap3A_307 = tpu.vector_load %arg8[%swap3A_306] {strides = array<i32>} : memref<20864xi32, #tpu.memory_space<vmem>>, vector<16xi32>,
    tpu.vector_store %arg8[%swap3A_306], %broadcast_in_dim3A_169 {strides = array<i32>} : memref<20864xi32, #tpu.memory_space<vmem>>, vector<16xi32>,
    %add3A_308 = arith.constant 5120 : i32
    %add3A_309 = vector.broadcast %add3A_308 : i32 to vector<16xi32>
    %add3A_310 = arith.addi %add3A_309, %iota3A : vector<16xi32>
    %add3A_311 = arith.constant 32 : i32
    %add3A_312 = vector.broadcast %add3A_311 : i32 to vector<16xi32>
    %add3A_313 = arith.addi %add3A_310, %add3A_312 : vector<16xi32>
    %add3A_314 = arith.constant 160 : i32
    %add3A_315 = arith.addi %scan3A_166, %add3A_314 : i32
    %swap3A_316 = arith.index_cast %add3A_315 : i32 to index
    %swap3A_317 = tpu.vector_load %arg9[%swap3A_316] {strides = array<i32>} : memref<20864xi32, #tpu.memory_space<vmem>>, vector<16xi32>,
    tpu.vector_store %arg9[%swap3A_316], %add3A_313 {strides = array<i32>} : memref<20864xi32, #tpu.memory_space<vmem>>, vector<16xi32>,
    %add3A_318 = arith.constant 160 : i32
    %add3A_319 = arith.addi %scan3A_166, %add3A_318 : i32
    %swap3A_320 = arith.index_cast %add3A_319 : i32 to index
    %swap3A_321 = tpu.vector_load %arg8[%swap3A_320] {strides = array<i32>} : memref<20864xi32, #tpu.memory_space<vmem>>, vector<16xi32>,
    tpu.vector_store %arg8[%swap3A_320], %broadcast_in_dim3A_169 {strides = array<i32>} : memref<20864xi32, #tpu.memory_space<vmem>>, vector<16xi32>,
    %add3A_322 = arith.constant 5120 : i32
    %add3A_323 = vector.broadcast %add3A_322 : i32 to vector<16xi32>
    %add3A_324 = arith.addi %add3A_323, %iota3A : vector<16xi32>
    %add3A_325 = arith.constant 48 : i32
    %add3A_326 = vector.broadcast %add3A_325 : i32 to vector<16xi32>
    %add3A_327 = arith.addi %add3A_324, %add3A_326 : vector<16xi32>
    %add3A_328 = arith.constant 176 : i32
    %add3A_329 = arith.addi %scan3A_166, %add3A_328 : i32
    %swap3A_330 = arith.index_cast %add3A_329 : i32 to index
    %swap3A_331 = tpu.vector_load %arg9[%swap3A_330] {strides = array<i32>} : memref<20864xi32, #tpu.memory_space<vmem>>, vector<16xi32>,
    tpu.vector_store %arg9[%swap3A_330], %add3A_327 {strides = array<i32>} : memref<20864xi32, #tpu.memory_space<vmem>>, vector<16xi32>,
    %add3A_332 = arith.constant 176 : i32
    %add3A_333 = arith.addi %scan3A_166, %add3A_332 : i32
    %swap3A_334 = arith.index_cast %add3A_333 : i32 to index
    %swap3A_335 = tpu.vector_load %arg8[%swap3A_334] {strides = array<i32>} : memref<20864xi32, #tpu.memory_space<vmem>>, vector<16xi32>,
    tpu.vector_store %arg8[%swap3A_334], %broadcast_in_dim3A_169 {strides = array<i32>} : memref<20864xi32, #tpu.memory_space<vmem>>, vector<16xi32>,
    %add3A_336 = arith.constant 5120 : i32
    %add3A_337 = vector.broadcast %add3A_336 : i32 to vector<16xi32>
    %add3A_338 = arith.addi %add3A_337, %iota3A : vector<16xi32>
    %add3A_339 = arith.constant 64 : i32
    %add3A_340 = vector.broadcast %add3A_339 : i32 to vector<16xi32>
    %add3A_341 = arith.addi %add3A_338, %add3A_340 : vector<16xi32>
    %add3A_342 = arith.constant 192 : i32
    %add3A_343 = arith.addi %scan3A_166, %add3A_342 : i32
    %swap3A_344 = arith.index_cast %add3A_343 : i32 to index
    %swap3A_345 = tpu.vector_load %arg9[%swap3A_344] {strides = array<i32>} : memref<20864xi32, #tpu.memory_space<vmem>>, vector<16xi32>,
    tpu.vector_store %arg9[%swap3A_344], %add3A_341 {strides = array<i32>} : memref<20864xi32, #tpu.memory_space<vmem>>, vector<16xi32>,
    %add3A_346 = arith.constant 192 : i32
    %add3A_347 = arith.addi %scan3A_166, %add3A_346 : i32
    %swap3A_348 = arith.index_cast %add3A_347 : i32 to index
    %swap3A_349 = tpu.vector_load %arg8[%swap3A_348] {strides = array<i32>} : memref<20864xi32, #tpu.memory_space<vmem>>, vector<16xi32>,
    tpu.vector_store %arg8[%swap3A_348], %broadcast_in_dim3A_169 {strides = array<i32>} : memref<20864xi32, #tpu.memory_space<vmem>>, vector<16xi32>,
    %add3A_350 = arith.constant 5120 : i32
    %add3A_351 = vector.broadcast %add3A_350 : i32 to vector<16xi32>
    %add3A_352 = arith.addi %add3A_351, %iota3A : vector<16xi32>
    %add3A_353 = arith.constant 80 : i32
    %add3A_354 = vector.broadcast %add3A_353 : i32 to vector<16xi32>
    %add3A_355 = arith.addi %add3A_352, %add3A_354 : vector<16xi32>
    %add3A_356 = arith.constant 208 : i32
    %add3A_357 = arith.addi %scan3A_166, %add3A_356 : i32
    %swap3A_358 = arith.index_cast %add3A_357 : i32 to index
    %swap3A_359 = tpu.vector_load %arg9[%swap3A_358] {strides = array<i32>} : memref<20864xi32, #tpu.memory_space<vmem>>, vector<16xi32>,
    tpu.vector_store %arg9[%swap3A_358], %add3A_355 {strides = array<i32>} : memref<20864xi32, #tpu.memory_space<vmem>>, vector<16xi32>,
    %add3A_360 = arith.constant 208 : i32
    %add3A_361 = arith.addi %scan3A_166, %add3A_360 : i32
    %swap3A_362 = arith.index_cast %add3A_361 : i32 to index
    %swap3A_363 = tpu.vector_load %arg8[%swap3A_362] {strides = array<i32>} : memref<20864xi32, #tpu.memory_space<vmem>>, vector<16xi32>,
    tpu.vector_store %arg8[%swap3A_362], %broadcast_in_dim3A_169 {strides = array<i32>} : memref<20864xi32, #tpu.memory_space<vmem>>, vector<16xi32>,
    %add3A_364 = arith.constant 5120 : i32
    %add3A_365 = vector.broadcast %add3A_364 : i32 to vector<16xi32>
    %add3A_366 = arith.addi %add3A_365, %iota3A : vector<16xi32>
    %add3A_367 = arith.constant 96 : i32
    %add3A_368 = vector.broadcast %add3A_367 : i32 to vector<16xi32>
    %add3A_369 = arith.addi %add3A_366, %add3A_368 : vector<16xi32>
    %add3A_370 = arith.constant 224 : i32
    %add3A_371 = arith.addi %scan3A_166, %add3A_370 : i32
    %swap3A_372 = arith.index_cast %add3A_371 : i32 to index
    %swap3A_373 = tpu.vector_load %arg9[%swap3A_372] {strides = array<i32>} : memref<20864xi32, #tpu.memory_space<vmem>>, vector<16xi32>,
    tpu.vector_store %arg9[%swap3A_372], %add3A_369 {strides = array<i32>} : memref<20864xi32, #tpu.memory_space<vmem>>, vector<16xi32>,
    %add3A_374 = arith.constant 224 : i32
    %add3A_375 = arith.addi %scan3A_166, %add3A_374 : i32
    %swap3A_376 = arith.index_cast %add3A_375 : i32 to index
    %swap3A_377 = tpu.vector_load %arg8[%swap3A_376] {strides = array<i32>} : memref<20864xi32, #tpu.memory_space<vmem>>, vector<16xi32>,
    tpu.vector_store %arg8[%swap3A_376], %broadcast_in_dim3A_169 {strides = array<i32>} : memref<20864xi32, #tpu.memory_space<vmem>>, vector<16xi32>,
    %add3A_378 = arith.constant 5120 : i32
    %add3A_379 = vector.broadcast %add3A_378 : i32 to vector<16xi32>
    %add3A_380 = arith.addi %add3A_379, %iota3A : vector<16xi32>
    %add3A_381 = arith.constant 112 : i32
    %add3A_382 = vector.broadcast %add3A_381 : i32 to vector<16xi32>
    %add3A_383 = arith.addi %add3A_380, %add3A_382 : vector<16xi32>
    %add3A_384 = arith.constant 240 : i32
    %add3A_385 = arith.addi %scan3A_166, %add3A_384 : i32
    %swap3A_386 = arith.index_cast %add3A_385 : i32 to index
    %swap3A_387 = tpu.vector_load %arg9[%swap3A_386] {strides = array<i32>} : memref<20864xi32, #tpu.memory_space<vmem>>, vector<16xi32>,
    tpu.vector_store %arg9[%swap3A_386], %add3A_383 {strides = array<i32>} : memref<20864xi32, #tpu.memory_space<vmem>>, vector<16xi32>,
    %add3A_388 = arith.constant 240 : i32
    %add3A_389 = arith.addi %scan3A_166, %add3A_388 : i32
    %swap3A_390 = arith.index_cast %add3A_389 : i32 to index
    %swap3A_391 = tpu.vector_load %arg8[%swap3A_390] {strides = array<i32>} : memref<20864xi32, #tpu.memory_space<vmem>>, vector<16xi32>,
    tpu.vector_store %arg8[%swap3A_390], %broadcast_in_dim3A_169 {strides = array<i32>} : memref<20864xi32, #tpu.memory_space<vmem>>, vector<16xi32>,
    %add3A_392 = arith.constant 5120 : i32
    %add3A_393 = vector.broadcast %add3A_392 : i32 to vector<16xi32>
    %add3A_394 = arith.addi %add3A_393, %iota3A : vector<16xi32>
    %add3A_395 = arith.constant 0 : i32
    %add3A_396 = vector.broadcast %add3A_395 : i32 to vector<16xi32>
    %add3A_397 = arith.addi %add3A_394, %add3A_396 : vector<16xi32>
    %add3A_398 = arith.constant 256 : i32
    %add3A_399 = arith.addi %scan3A_166, %add3A_398 : i32
    %swap3A_400 = arith.index_cast %add3A_399 : i32 to index
    %swap3A_401 = tpu.vector_load %arg9[%swap3A_400] {strides = array<i32>} : memref<20864xi32, #tpu.memory_space<vmem>>, vector<16xi32>,
    tpu.vector_store %arg9[%swap3A_400], %add3A_397 {strides = array<i32>} : memref<20864xi32, #tpu.memory_space<vmem>>, vector<16xi32>,
    %add3A_402 = arith.constant 256 : i32
    %add3A_403 = arith.addi %scan3A_166, %add3A_402 : i32
    %swap3A_404 = arith.index_cast %add3A_403 : i32 to index
    %swap3A_405 = tpu.vector_load %arg8[%swap3A_404] {strides = array<i32>} : memref<20864xi32, #tpu.memory_space<vmem>>, vector<16xi32>,
    tpu.vector_store %arg8[%swap3A_404], %broadcast_in_dim3A_169 {strides = array<i32>} : memref<20864xi32, #tpu.memory_space<vmem>>, vector<16xi32>,
    %add3A_406 = arith.constant 128 : i32
    %add3A_407 = arith.addi %scan3A_166, %add3A_406 : i32
    %sub3A = arith.constant 1 : i32
    %sub3A_408 = arith.subi %add3A_407, %sub3A : i32
    %jit3A = arith.constant 128 : i32
    %div3A = arith.divsi %sub3A_408, %jit3A : i32
    %sign3A = arith.constant 0 : i32
    %sign3A_409 = arith.cmpi sgt, %sub3A_408, %sign3A : i32
    %sign3A_410 = arith.extui %sign3A_409 : i1 to i32
    %sign3A_411 = arith.constant 0 : i32
    %sign3A_412 = arith.cmpi slt, %sub3A_408, %sign3A_411 : i32
    %sign3A_413 = arith.extui %sign3A_412 : i1 to i32
    %sign3A_414 = arith.subi %sign3A_410, %sign3A_413 : i32
    %sign3A_415 = arith.constant 0 : i32
    %sign3A_416 = arith.cmpi sgt, %jit3A, %sign3A_415 : i32
    %sign3A_417 = arith.extui %sign3A_416 : i1 to i32
    %sign3A_418 = arith.constant 0 : i32
    %sign3A_419 = arith.cmpi slt, %jit3A, %sign3A_418 : i32
    %sign3A_420 = arith.extui %sign3A_419 : i1 to i32
    %sign3A_421 = arith.subi %sign3A_417, %sign3A_420 : i32
    %ne3A = arith.cmpi ne, %sign3A_414, %sign3A_421 : i32
    %rem3A = arith.remsi %sub3A_408, %jit3A : i32
    %ne3A_422 = arith.constant 0 : i32
    %ne3A_423 = arith.cmpi ne, %rem3A, %ne3A_422 : i32
    %and3A = arith.andi %ne3A, %ne3A_423 : i1
    %sub3A_424 = arith.constant 1 : i32
    %sub3A_425 = arith.subi %div3A, %sub3A_424 : i32
    %select_n3A = arith.select %and3A, %sub3A_425, %div3A : i32
    %and3A_426 = arith.constant 1 : i32
    %and3A_427 = arith.andi %select_n3A, %and3A_426 : i32
    %add3A_428 = arith.addi %select_n3A, %and3A_427 : i32
    %max3A = arith.constant 2 : i32
    %max3A_429 = arith.maxsi %add3A_428, %max3A : i32
    "tpu.region"() ({
      %run_scoped3A_433 = tpu.sem_alloc : memref<!tpu.dma_semaphore, #tpu.memory_space<semaphore_mem>>
      %dma_start3A = arith.constant 0 : i32
      %dma_start3A_434 = tpu.memref_slice %arg5[%arg0, %arg1, %dma_start3A] : memref<2x16x20864xi32, #tpu.memory_space<hbm>> -> memref<1x1x20864xi32, #tpu.memory_space<hbm>>
      %dma_start3A_435 = tpu.memref_squeeze %dma_start3A_434 : memref<1x1x20864xi32, #tpu.memory_space<hbm>> -> memref<20864xi32, #tpu.memory_space<hbm>>
      %dma_start3A_436 = arith.constant 0 : i32
      %dma_start3A_437 = tpu.memref_slice %arg5[%arg0, %arg1, %dma_start3A_436] : memref<2x16x20864xi32, #tpu.memory_space<hbm>> -> memref<1x1x20864xi32, #tpu.memory_space<hbm>>
      %dma_start3A_438 = tpu.memref_squeeze %dma_start3A_437 : memref<1x1x20864xi32, #tpu.memory_space<hbm>> -> memref<20864xi32, #tpu.memory_space<hbm>>
      tpu.enqueue_dma source(%arg8 : memref<20864xi32, #tpu.memory_space<vmem>>) target(%dma_start3A_438 : memref<20864xi32, #tpu.memory_space<hbm>>) target_semaphore(%run_scoped3A_433 : memref<!tpu.dma_semaphore, #tpu.memory_space<semaphore_mem>>)
      %dma_wait3A = arith.constant 0 : i32
      %dma_wait3A_439 = tpu.memref_slice %arg5[%arg0, %arg1, %dma_wait3A] : memref<2x16x20864xi32, #tpu.memory_space<hbm>> -> memref<1x1x20864xi32, #tpu.memory_space<hbm>>
      %dma_wait3A_440 = tpu.memref_squeeze %dma_wait3A_439 : memref<1x1x20864xi32, #tpu.memory_space<hbm>> -> memref<20864xi32, #tpu.memory_space<hbm>>
      %dma_wait3A_441 = arith.constant 0 : i32
      %dma_wait3A_442 = tpu.memref_slice %arg5[%arg0, %arg1, %dma_wait3A_441] : memref<2x16x20864xi32, #tpu.memory_space<hbm>> -> memref<1x1x20864xi32, #tpu.memory_space<hbm>>
      %dma_wait3A_443 = tpu.memref_squeeze %dma_wait3A_442 : memref<1x1x20864xi32, #tpu.memory_space<hbm>> -> memref<20864xi32, #tpu.memory_space<hbm>>
      tpu.wait_dma2 semaphore(%run_scoped3A_433 : memref<!tpu.dma_semaphore, #tpu.memory_space<semaphore_mem>>) src(%arg8 : memref<20864xi32, #tpu.memory_space<vmem>>) dst(%dma_wait3A_443 : memref<20864xi32, #tpu.memory_space<hbm>>)
      tpu.yield
    }) : () -> ()
    "tpu.region"() ({
      %run_scoped3A_433 = tpu.sem_alloc : memref<!tpu.dma_semaphore, #tpu.memory_space<semaphore_mem>>
      %dma_start3A = arith.constant 0 : i32
      %dma_start3A_434 = tpu.memref_slice %arg6[%arg0, %arg1, %dma_start3A] : memref<2x16x20864xi32, #tpu.memory_space<hbm>> -> memref<1x1x20864xi32, #tpu.memory_space<hbm>>
      %dma_start3A_435 = tpu.memref_squeeze %dma_start3A_434 : memref<1x1x20864xi32, #tpu.memory_space<hbm>> -> memref<20864xi32, #tpu.memory_space<hbm>>
      %dma_start3A_436 = arith.constant 0 : i32
      %dma_start3A_437 = tpu.memref_slice %arg6[%arg0, %arg1, %dma_start3A_436] : memref<2x16x20864xi32, #tpu.memory_space<hbm>> -> memref<1x1x20864xi32, #tpu.memory_space<hbm>>
      %dma_start3A_438 = tpu.memref_squeeze %dma_start3A_437 : memref<1x1x20864xi32, #tpu.memory_space<hbm>> -> memref<20864xi32, #tpu.memory_space<hbm>>
      tpu.enqueue_dma source(%arg9 : memref<20864xi32, #tpu.memory_space<vmem>>) target(%dma_start3A_438 : memref<20864xi32, #tpu.memory_space<hbm>>) target_semaphore(%run_scoped3A_433 : memref<!tpu.dma_semaphore, #tpu.memory_space<semaphore_mem>>)
      %dma_wait3A = arith.constant 0 : i32
      %dma_wait3A_439 = tpu.memref_slice %arg6[%arg0, %arg1, %dma_wait3A] : memref<2x16x20864xi32, #tpu.memory_space<hbm>> -> memref<1x1x20864xi32, #tpu.memory_space<hbm>>
      %dma_wait3A_440 = tpu.memref_squeeze %dma_wait3A_439 : memref<1x1x20864xi32, #tpu.memory_space<hbm>> -> memref<20864xi32, #tpu.memory_space<hbm>>
      %dma_wait3A_441 = arith.constant 0 : i32
      %dma_wait3A_442 = tpu.memref_slice %arg6[%arg0, %arg1, %dma_wait3A_441] : memref<2x16x20864xi32, #tpu.memory_space<hbm>> -> memref<1x1x20864xi32, #tpu.memory_space<hbm>>
      %dma_wait3A_443 = tpu.memref_squeeze %dma_wait3A_442 : memref<1x1x20864xi32, #tpu.memory_space<hbm>> -> memref<20864xi32, #tpu.memory_space<hbm>>
      tpu.wait_dma2 semaphore(%run_scoped3A_433 : memref<!tpu.dma_semaphore, #tpu.memory_space<semaphore_mem>>) src(%arg9 : memref<20864xi32, #tpu.memory_space<vmem>>) dst(%dma_wait3A_443 : memref<20864xi32, #tpu.memory_space<hbm>>)
      tpu.yield
    }) : () -> ()
    %broadcast_in_dim3A_430 = vector.broadcast %max3A_429 : i32 to vector<16xi32>
    %swap3A_431 = arith.constant 0 : index
    %swap3A_432 = tpu.vector_load %arg14[%swap3A_431] {strides = array<i32>} : memref<16xi32, #tpu.memory_space<vmem>>, vector<16xi32>,
    tpu.vector_store %arg14[%swap3A_431], %broadcast_in_dim3A_430 {strides = array<i32>} : memref<16xi32, #tpu.memory_space<vmem>>, vector<16xi32>,
    "tpu.region"() ({
      %run_scoped3A_433 = tpu.sem_alloc : memref<!tpu.dma_semaphore, #tpu.memory_space<semaphore_mem>>
      %dma_start3A = arith.constant 0 : i32
      %dma_start3A_434 = tpu.memref_slice %arg7[%arg0, %arg1, %dma_start3A] : memref<2x16x16xi32, #tpu.memory_space<hbm>> -> memref<1x1x16xi32, #tpu.memory_space<hbm>>
      %dma_start3A_435 = tpu.memref_squeeze %dma_start3A_434 : memref<1x1x16xi32, #tpu.memory_space<hbm>> -> memref<16xi32, #tpu.memory_space<hbm>>
      %dma_start3A_436 = arith.constant 0 : i32
      %dma_start3A_437 = tpu.memref_slice %arg7[%arg0, %arg1, %dma_start3A_436] : memref<2x16x16xi32, #tpu.memory_space<hbm>> -> memref<1x1x16xi32, #tpu.memory_space<hbm>>
      %dma_start3A_438 = tpu.memref_squeeze %dma_start3A_437 : memref<1x1x16xi32, #tpu.memory_space<hbm>> -> memref<16xi32, #tpu.memory_space<hbm>>
      tpu.enqueue_dma source(%arg14 : memref<16xi32, #tpu.memory_space<vmem>>) target(%dma_start3A_438 : memref<16xi32, #tpu.memory_space<hbm>>) target_semaphore(%run_scoped3A_433 : memref<!tpu.dma_semaphore, #tpu.memory_space<semaphore_mem>>)
      %dma_wait3A = arith.constant 0 : i32
      %dma_wait3A_439 = tpu.memref_slice %arg7[%arg0, %arg1, %dma_wait3A] : memref<2x16x16xi32, #tpu.memory_space<hbm>> -> memref<1x1x16xi32, #tpu.memory_space<hbm>>
      %dma_wait3A_440 = tpu.memref_squeeze %dma_wait3A_439 : memref<1x1x16xi32, #tpu.memory_space<hbm>> -> memref<16xi32, #tpu.memory_space<hbm>>
      %dma_wait3A_441 = arith.constant 0 : i32
      %dma_wait3A_442 = tpu.memref_slice %arg7[%arg0, %arg1, %dma_wait3A_441] : memref<2x16x16xi32, #tpu.memory_space<hbm>> -> memref<1x1x16xi32, #tpu.memory_space<hbm>>
      %dma_wait3A_443 = tpu.memref_squeeze %dma_wait3A_442 : memref<1x1x16xi32, #tpu.memory_space<hbm>> -> memref<16xi32, #tpu.memory_space<hbm>>
      tpu.wait_dma2 semaphore(%run_scoped3A_433 : memref<!tpu.dma_semaphore, #tpu.memory_space<semaphore_mem>>) src(%arg14 : memref<16xi32, #tpu.memory_space<vmem>>) dst(%dma_wait3A_443 : memref<16xi32, #tpu.memory_space<hbm>>)
      tpu.yield
    }) : () -> ()
    return
  }
}

#map = affine_map<(d0, d1) -> (0, 0)>
#map1 = affine_map<(d0, d1) -> (0, 0, 0, 0)>
#map2 = affine_map<(d0, d1) -> (0, 0, 0)>
module attributes {stable_mosaic.version = 14 : i64} {
  func.func @_scatter_kernel(%arg0: i32, %arg1: i32, %arg2: memref<10000x128xf32, #tpu.memory_space<hbm>>, %arg3: memref<2x16x163x128xi32, #tpu.memory_space<hbm>>, %arg4: memref<2x16x163x128xi32, #tpu.memory_space<hbm>>, %arg5: memref<2x16x16xi32, #tpu.memory_space<hbm>>, %arg6: memref<10496x128xf32, #tpu.memory_space<hbm>>, %arg7: memref<163x128xi32, #tpu.memory_space<vmem>>, %arg8: memref<163x128xi32, #tpu.memory_space<vmem>>, %arg9: memref<16xi32, #tpu.memory_space<vmem>>, %arg10: memref<128x128xf32, #tpu.memory_space<vmem>>, %arg11: memref<128x128xf32, #tpu.memory_space<vmem>>, %arg12: memref<5248x128xf32, #tpu.memory_space<vmem_shared>>, %arg13: memref<!tpu.dma_semaphore, #tpu.memory_space<semaphore_mem>>, %arg14: memref<!tpu.dma_semaphore, #tpu.memory_space<semaphore_mem>>) attributes {dimension_semantics = [#tpu.dimension_semantics<core_parallel>, #tpu.dimension_semantics<subcore_parallel>], iteration_bounds = array<i64: 2, 16>, scalar_prefetch = 0 : i64, scratch_operands = 8 : i64, tpu.core_type = #tpu.core_type<sc_vector_subcore>, window_params = [{transform_indices = #map}, {transform_indices = #map1}, {transform_indices = #map1}, {transform_indices = #map2}, {transform_indices = #map}]} {
    "tpu.region"() ({
      %run_scoped3A = tpu.sem_alloc : memref<!tpu.dma_semaphore, #tpu.memory_space<semaphore_mem>>
      %dma_start3A_63 = arith.constant 0 : i32
      %dma_start3A_64 = arith.constant 0 : i32
      %dma_start3A_65 = tpu.memref_slice %arg3[%arg0, %arg1, %dma_start3A_63, %dma_start3A_64] : memref<2x16x163x128xi32, #tpu.memory_space<hbm>> -> memref<1x1x163x128xi32, #tpu.memory_space<hbm>>
      %dma_start3A_66 = tpu.memref_squeeze %dma_start3A_65 : memref<1x1x163x128xi32, #tpu.memory_space<hbm>> -> memref<163x128xi32, #tpu.memory_space<hbm>>
      %dma_start3A_67 = arith.constant 0 : i32
      %dma_start3A_68 = arith.constant 0 : i32
      %dma_start3A_69 = tpu.memref_slice %arg3[%arg0, %arg1, %dma_start3A_67, %dma_start3A_68] : memref<2x16x163x128xi32, #tpu.memory_space<hbm>> -> memref<1x1x163x128xi32, #tpu.memory_space<hbm>>
      %dma_start3A_70 = tpu.memref_squeeze %dma_start3A_69 : memref<1x1x163x128xi32, #tpu.memory_space<hbm>> -> memref<163x128xi32, #tpu.memory_space<hbm>>
      tpu.enqueue_dma source(%dma_start3A_70 : memref<163x128xi32, #tpu.memory_space<hbm>>) target(%arg7 : memref<163x128xi32, #tpu.memory_space<vmem>>) target_semaphore(%run_scoped3A : memref<!tpu.dma_semaphore, #tpu.memory_space<semaphore_mem>>)
      %dma_wait3A = arith.constant 0 : i32
      %dma_wait3A_71 = arith.constant 0 : i32
      %dma_wait3A_72 = tpu.memref_slice %arg3[%arg0, %arg1, %dma_wait3A, %dma_wait3A_71] : memref<2x16x163x128xi32, #tpu.memory_space<hbm>> -> memref<1x1x163x128xi32, #tpu.memory_space<hbm>>
      %dma_wait3A_73 = tpu.memref_squeeze %dma_wait3A_72 : memref<1x1x163x128xi32, #tpu.memory_space<hbm>> -> memref<163x128xi32, #tpu.memory_space<hbm>>
      %dma_wait3A_74 = arith.constant 0 : i32
      %dma_wait3A_75 = arith.constant 0 : i32
      %dma_wait3A_76 = tpu.memref_slice %arg3[%arg0, %arg1, %dma_wait3A_74, %dma_wait3A_75] : memref<2x16x163x128xi32, #tpu.memory_space<hbm>> -> memref<1x1x163x128xi32, #tpu.memory_space<hbm>>
      %dma_wait3A_77 = tpu.memref_squeeze %dma_wait3A_76 : memref<1x1x163x128xi32, #tpu.memory_space<hbm>> -> memref<163x128xi32, #tpu.memory_space<hbm>>
      tpu.wait_dma2 semaphore(%run_scoped3A : memref<!tpu.dma_semaphore, #tpu.memory_space<semaphore_mem>>) src(%dma_wait3A_77 : memref<163x128xi32, #tpu.memory_space<hbm>>) dst(%arg7 : memref<163x128xi32, #tpu.memory_space<vmem>>)
      tpu.yield
    }) : () -> ()
    "tpu.region"() ({
      %run_scoped3A = tpu.sem_alloc : memref<!tpu.dma_semaphore, #tpu.memory_space<semaphore_mem>>
      %dma_start3A_63 = arith.constant 0 : i32
      %dma_start3A_64 = arith.constant 0 : i32
      %dma_start3A_65 = tpu.memref_slice %arg4[%arg0, %arg1, %dma_start3A_63, %dma_start3A_64] : memref<2x16x163x128xi32, #tpu.memory_space<hbm>> -> memref<1x1x163x128xi32, #tpu.memory_space<hbm>>
      %dma_start3A_66 = tpu.memref_squeeze %dma_start3A_65 : memref<1x1x163x128xi32, #tpu.memory_space<hbm>> -> memref<163x128xi32, #tpu.memory_space<hbm>>
      %dma_start3A_67 = arith.constant 0 : i32
      %dma_start3A_68 = arith.constant 0 : i32
      %dma_start3A_69 = tpu.memref_slice %arg4[%arg0, %arg1, %dma_start3A_67, %dma_start3A_68] : memref<2x16x163x128xi32, #tpu.memory_space<hbm>> -> memref<1x1x163x128xi32, #tpu.memory_space<hbm>>
      %dma_start3A_70 = tpu.memref_squeeze %dma_start3A_69 : memref<1x1x163x128xi32, #tpu.memory_space<hbm>> -> memref<163x128xi32, #tpu.memory_space<hbm>>
      tpu.enqueue_dma source(%dma_start3A_70 : memref<163x128xi32, #tpu.memory_space<hbm>>) target(%arg8 : memref<163x128xi32, #tpu.memory_space<vmem>>) target_semaphore(%run_scoped3A : memref<!tpu.dma_semaphore, #tpu.memory_space<semaphore_mem>>)
      %dma_wait3A = arith.constant 0 : i32
      %dma_wait3A_71 = arith.constant 0 : i32
      %dma_wait3A_72 = tpu.memref_slice %arg4[%arg0, %arg1, %dma_wait3A, %dma_wait3A_71] : memref<2x16x163x128xi32, #tpu.memory_space<hbm>> -> memref<1x1x163x128xi32, #tpu.memory_space<hbm>>
      %dma_wait3A_73 = tpu.memref_squeeze %dma_wait3A_72 : memref<1x1x163x128xi32, #tpu.memory_space<hbm>> -> memref<163x128xi32, #tpu.memory_space<hbm>>
      %dma_wait3A_74 = arith.constant 0 : i32
      %dma_wait3A_75 = arith.constant 0 : i32
      %dma_wait3A_76 = tpu.memref_slice %arg4[%arg0, %arg1, %dma_wait3A_74, %dma_wait3A_75] : memref<2x16x163x128xi32, #tpu.memory_space<hbm>> -> memref<1x1x163x128xi32, #tpu.memory_space<hbm>>
      %dma_wait3A_77 = tpu.memref_squeeze %dma_wait3A_76 : memref<1x1x163x128xi32, #tpu.memory_space<hbm>> -> memref<163x128xi32, #tpu.memory_space<hbm>>
      tpu.wait_dma2 semaphore(%run_scoped3A : memref<!tpu.dma_semaphore, #tpu.memory_space<semaphore_mem>>) src(%dma_wait3A_77 : memref<163x128xi32, #tpu.memory_space<hbm>>) dst(%arg8 : memref<163x128xi32, #tpu.memory_space<vmem>>)
      tpu.yield
    }) : () -> ()
    "tpu.region"() ({
      %run_scoped3A = tpu.sem_alloc : memref<!tpu.dma_semaphore, #tpu.memory_space<semaphore_mem>>
      %dma_start3A_63 = arith.constant 0 : i32
      %dma_start3A_64 = tpu.memref_slice %arg5[%arg0, %arg1, %dma_start3A_63] : memref<2x16x16xi32, #tpu.memory_space<hbm>> -> memref<1x1x16xi32, #tpu.memory_space<hbm>>
      %dma_start3A_65 = tpu.memref_squeeze %dma_start3A_64 : memref<1x1x16xi32, #tpu.memory_space<hbm>> -> memref<16xi32, #tpu.memory_space<hbm>>
      %dma_start3A_66 = arith.constant 0 : i32
      %dma_start3A_67 = tpu.memref_slice %arg5[%arg0, %arg1, %dma_start3A_66] : memref<2x16x16xi32, #tpu.memory_space<hbm>> -> memref<1x1x16xi32, #tpu.memory_space<hbm>>
      %dma_start3A_68 = tpu.memref_squeeze %dma_start3A_67 : memref<1x1x16xi32, #tpu.memory_space<hbm>> -> memref<16xi32, #tpu.memory_space<hbm>>
      tpu.enqueue_dma source(%dma_start3A_68 : memref<16xi32, #tpu.memory_space<hbm>>) target(%arg9 : memref<16xi32, #tpu.memory_space<vmem>>) target_semaphore(%run_scoped3A : memref<!tpu.dma_semaphore, #tpu.memory_space<semaphore_mem>>)
      %dma_wait3A = arith.constant 0 : i32
      %dma_wait3A_69 = tpu.memref_slice %arg5[%arg0, %arg1, %dma_wait3A] : memref<2x16x16xi32, #tpu.memory_space<hbm>> -> memref<1x1x16xi32, #tpu.memory_space<hbm>>
      %dma_wait3A_70 = tpu.memref_squeeze %dma_wait3A_69 : memref<1x1x16xi32, #tpu.memory_space<hbm>> -> memref<16xi32, #tpu.memory_space<hbm>>
      %dma_wait3A_71 = arith.constant 0 : i32
      %dma_wait3A_72 = tpu.memref_slice %arg5[%arg0, %arg1, %dma_wait3A_71] : memref<2x16x16xi32, #tpu.memory_space<hbm>> -> memref<1x1x16xi32, #tpu.memory_space<hbm>>
      %dma_wait3A_73 = tpu.memref_squeeze %dma_wait3A_72 : memref<1x1x16xi32, #tpu.memory_space<hbm>> -> memref<16xi32, #tpu.memory_space<hbm>>
      tpu.wait_dma2 semaphore(%run_scoped3A : memref<!tpu.dma_semaphore, #tpu.memory_space<semaphore_mem>>) src(%dma_wait3A_73 : memref<16xi32, #tpu.memory_space<hbm>>) dst(%arg9 : memref<16xi32, #tpu.memory_space<vmem>>)
      tpu.yield
    }) : () -> ()
    %get3A = arith.constant 0 : index
    %get3A_0 = tpu.vector_load %arg9[%get3A] {strides = array<i32>} : memref<16xi32, #tpu.memory_space<vmem>>, vector<16xi32>,
    %slice3A = vector.extract_strided_slice %get3A_0 {offsets = [0], sizes = [1], strides = [1]} : vector<16xi32> to vector<1xi32>
    %squeeze3A = vector.extract %slice3A[0] : i32 from vector<1xi32>
    %broadcast_in_dim3A = arith.constant 0.000000e+00 : f32
    %broadcast_in_dim3A_1 = vector.broadcast %broadcast_in_dim3A : f32 to vector<16xf32>
    %scan3A = arith.constant 0 : i32
    %scan3A_2 = arith.constant 0 : i32
    %scan3A_3 = arith.constant 128 : i32
    %scan3A_4 = arith.addi %scan3A_2, %scan3A_3 : i32
    %scan3A_5 = arith.constant 1 : i32
    %scan3A_6 = scf.for %scan3A_63 = %scan3A_2 to %scan3A_4 step %scan3A_5 iter_args(%scan3A_64 = %scan3A) -> (i32)  : i32 {
      %swap3A = arith.index_cast %scan3A_63 : i32 to index
      %swap3A_65 = arith.constant 0 : index
      %swap3A_66 = tpu.vector_load %arg10[%swap3A, %swap3A_65] {strides = array<i32>} : memref<128x128xf32, #tpu.memory_space<vmem>>, vector<16xf32>,
      tpu.vector_store %arg10[%swap3A, %swap3A_65], %broadcast_in_dim3A_1 {strides = array<i32>} : memref<128x128xf32, #tpu.memory_space<vmem>>, vector<16xf32>,
      %swap3A_67 = arith.index_cast %scan3A_63 : i32 to index
      %swap3A_68 = arith.constant 16 : index
      %swap3A_69 = tpu.vector_load %arg10[%swap3A_67, %swap3A_68] {strides = array<i32>} : memref<128x128xf32, #tpu.memory_space<vmem>>, vector<16xf32>,
      tpu.vector_store %arg10[%swap3A_67, %swap3A_68], %broadcast_in_dim3A_1 {strides = array<i32>} : memref<128x128xf32, #tpu.memory_space<vmem>>, vector<16xf32>,
      %swap3A_70 = arith.index_cast %scan3A_63 : i32 to index
      %swap3A_71 = arith.constant 32 : index
      %swap3A_72 = tpu.vector_load %arg10[%swap3A_70, %swap3A_71] {strides = array<i32>} : memref<128x128xf32, #tpu.memory_space<vmem>>, vector<16xf32>,
      tpu.vector_store %arg10[%swap3A_70, %swap3A_71], %broadcast_in_dim3A_1 {strides = array<i32>} : memref<128x128xf32, #tpu.memory_space<vmem>>, vector<16xf32>,
      %swap3A_73 = arith.index_cast %scan3A_63 : i32 to index
      %swap3A_74 = arith.constant 48 : index
      %swap3A_75 = tpu.vector_load %arg10[%swap3A_73, %swap3A_74] {strides = array<i32>} : memref<128x128xf32, #tpu.memory_space<vmem>>, vector<16xf32>,
      tpu.vector_store %arg10[%swap3A_73, %swap3A_74], %broadcast_in_dim3A_1 {strides = array<i32>} : memref<128x128xf32, #tpu.memory_space<vmem>>, vector<16xf32>,
      %swap3A_76 = arith.index_cast %scan3A_63 : i32 to index
      %swap3A_77 = arith.constant 64 : index
      %swap3A_78 = tpu.vector_load %arg10[%swap3A_76, %swap3A_77] {strides = array<i32>} : memref<128x128xf32, #tpu.memory_space<vmem>>, vector<16xf32>,
      tpu.vector_store %arg10[%swap3A_76, %swap3A_77], %broadcast_in_dim3A_1 {strides = array<i32>} : memref<128x128xf32, #tpu.memory_space<vmem>>, vector<16xf32>,
      %swap3A_79 = arith.index_cast %scan3A_63 : i32 to index
      %swap3A_80 = arith.constant 80 : index
      %swap3A_81 = tpu.vector_load %arg10[%swap3A_79, %swap3A_80] {strides = array<i32>} : memref<128x128xf32, #tpu.memory_space<vmem>>, vector<16xf32>,
      tpu.vector_store %arg10[%swap3A_79, %swap3A_80], %broadcast_in_dim3A_1 {strides = array<i32>} : memref<128x128xf32, #tpu.memory_space<vmem>>, vector<16xf32>,
      %swap3A_82 = arith.index_cast %scan3A_63 : i32 to index
      %swap3A_83 = arith.constant 96 : index
      %swap3A_84 = tpu.vector_load %arg10[%swap3A_82, %swap3A_83] {strides = array<i32>} : memref<128x128xf32, #tpu.memory_space<vmem>>, vector<16xf32>,
      tpu.vector_store %arg10[%swap3A_82, %swap3A_83], %broadcast_in_dim3A_1 {strides = array<i32>} : memref<128x128xf32, #tpu.memory_space<vmem>>, vector<16xf32>,
      %swap3A_85 = arith.index_cast %scan3A_63 : i32 to index
      %swap3A_86 = arith.constant 112 : index
      %swap3A_87 = tpu.vector_load %arg10[%swap3A_85, %swap3A_86] {strides = array<i32>} : memref<128x128xf32, #tpu.memory_space<vmem>>, vector<16xf32>,
      tpu.vector_store %arg10[%swap3A_85, %swap3A_86], %broadcast_in_dim3A_1 {strides = array<i32>} : memref<128x128xf32, #tpu.memory_space<vmem>>, vector<16xf32>,
      %scan3A_88 = arith.constant 0 : i32
      scf.yield %scan3A_88 : i32
    }
    %scan3A_7 = arith.constant 128 : i32
    %scan3A_8 = arith.constant 0 : i32
    %scan3A_9 = arith.constant 0 : i32
    %scan3A_10 = arith.constant 3 : i32
    %scan3A_11 = arith.addi %scan3A_9, %scan3A_10 : i32
    %scan3A_12 = arith.constant 1 : i32
    %scan3A_13 = scf.for %scan3A_63 = %scan3A_9 to %scan3A_11 step %scan3A_12 iter_args(%scan3A_64 = %scan3A_8) -> (i32)  : i32 {
      %mul3A = arith.constant 16 : i32
      %mul3A_65 = arith.muli %mul3A, %scan3A_63 : i32
      %add3A = arith.addi %arg1, %mul3A_65 : i32
      %lt3A = arith.constant 41 : i32
      %lt3A_66 = arith.cmpi slt, %add3A, %lt3A : i32
      %convert_element_type3A = arith.extui %lt3A_66 : i1 to i32
      %cond3A = arith.constant 0 : i32
      %cond3A_67 = arith.cmpi ne, %convert_element_type3A, %cond3A : i32
      scf.if %cond3A_67 {
        %mul3A_69 = arith.constant 128 : i32
        %mul3A_70 = arith.muli %add3A, %mul3A_69 : i32
        "tpu.region"() ({
          %run_scoped3A = tpu.sem_alloc : memref<!tpu.dma_semaphore, #tpu.memory_space<semaphore_mem>>
          %dma_start3A_71 = arith.constant 0 : i32
          %dma_start3A_72 = tpu.memref_slice %arg12[%mul3A_70, %dma_start3A_71] : memref<5248x128xf32, #tpu.memory_space<vmem_shared>> -> memref<128x128xf32, #tpu.memory_space<vmem_shared>>
          %dma_start3A_73 = arith.constant 0 : i32
          %dma_start3A_74 = tpu.memref_slice %arg12[%mul3A_70, %dma_start3A_73] : memref<5248x128xf32, #tpu.memory_space<vmem_shared>> -> memref<128x128xf32, #tpu.memory_space<vmem_shared>>
          tpu.enqueue_dma source(%arg10 : memref<128x128xf32, #tpu.memory_space<vmem>>) target(%dma_start3A_74 : memref<128x128xf32, #tpu.memory_space<vmem_shared>>) target_semaphore(%run_scoped3A : memref<!tpu.dma_semaphore, #tpu.memory_space<semaphore_mem>>)
          %dma_wait3A = arith.constant 0 : i32
          %dma_wait3A_75 = tpu.memref_slice %arg12[%mul3A_70, %dma_wait3A] : memref<5248x128xf32, #tpu.memory_space<vmem_shared>> -> memref<128x128xf32, #tpu.memory_space<vmem_shared>>
          %dma_wait3A_76 = arith.constant 0 : i32
          %dma_wait3A_77 = tpu.memref_slice %arg12[%mul3A_70, %dma_wait3A_76] : memref<5248x128xf32, #tpu.memory_space<vmem_shared>> -> memref<128x128xf32, #tpu.memory_space<vmem_shared>>
          tpu.wait_dma2 semaphore(%run_scoped3A : memref<!tpu.dma_semaphore, #tpu.memory_space<semaphore_mem>>) src(%arg10 : memref<128x128xf32, #tpu.memory_space<vmem>>) dst(%dma_wait3A_77 : memref<128x128xf32, #tpu.memory_space<vmem_shared>>)
          tpu.yield
        }) : () -> ()
      } else {
      }
      %scan3A_68 = arith.constant 0 : i32
      scf.yield %scan3A_68 : i32
    }
    %scan3A_14 = arith.constant 3 : i32
    %barrier3A = arith.constant 0 : index
    tpu.barrier barrier_id(%barrier3A)
    %dma_start3A = arith.constant 0 : i32
    %dma_start3A_15 = arith.constant 0 : i32
    %dma_start3A_16 = tpu.memref_slice %arg7[%dma_start3A, %dma_start3A_15] : memref<163x128xi32, #tpu.memory_space<vmem>> -> memref<1x128xi32, #tpu.memory_space<vmem>>
    %dma_start3A_17 = tpu.memref_squeeze %dma_start3A_16 : memref<1x128xi32, #tpu.memory_space<vmem>> -> memref<128xi32, #tpu.memory_space<vmem>>
    %dma_start3A_18 = arith.constant 0 : i32
    %dma_start3A_19 = arith.constant 0 : i32
    %dma_start3A_20 = tpu.memref_slice %arg2[%dma_start3A_18, %dma_start3A_19] : memref<10000x128xf32, #tpu.memory_space<hbm>> -> memref<10000x128xf32, #tpu.memory_space<hbm>>
    tpu.enqueue_indirect_dma source(%dma_start3A_20 : memref<10000x128xf32, #tpu.memory_space<hbm>>) target(%arg10 : memref<128x128xf32, #tpu.memory_space<vmem>>) offsets(%dma_start3A_17 : memref<128xi32, #tpu.memory_space<vmem>>) semaphore(%arg13 : memref<!tpu.dma_semaphore, #tpu.memory_space<semaphore_mem>>)
    %dma_start3A_21 = arith.constant 1 : i32
    %dma_start3A_22 = arith.constant 0 : i32
    %dma_start3A_23 = tpu.memref_slice %arg7[%dma_start3A_21, %dma_start3A_22] : memref<163x128xi32, #tpu.memory_space<vmem>> -> memref<1x128xi32, #tpu.memory_space<vmem>>
    %dma_start3A_24 = tpu.memref_squeeze %dma_start3A_23 : memref<1x128xi32, #tpu.memory_space<vmem>> -> memref<128xi32, #tpu.memory_space<vmem>>
    %dma_start3A_25 = arith.constant 0 : i32
    %dma_start3A_26 = arith.constant 0 : i32
    %dma_start3A_27 = tpu.memref_slice %arg2[%dma_start3A_25, %dma_start3A_26] : memref<10000x128xf32, #tpu.memory_space<hbm>> -> memref<10000x128xf32, #tpu.memory_space<hbm>>
    tpu.enqueue_indirect_dma source(%dma_start3A_27 : memref<10000x128xf32, #tpu.memory_space<hbm>>) target(%arg11 : memref<128x128xf32, #tpu.memory_space<vmem>>) offsets(%dma_start3A_24 : memref<128xi32, #tpu.memory_space<vmem>>) semaphore(%arg14 : memref<!tpu.dma_semaphore, #tpu.memory_space<semaphore_mem>>)
    %jit3A = arith.constant 2 : i32
    %div3A = arith.divsi %squeeze3A, %jit3A : i32
    %sign3A = arith.constant 0 : i32
    %sign3A_28 = arith.cmpi sgt, %squeeze3A, %sign3A : i32
    %sign3A_29 = arith.extui %sign3A_28 : i1 to i32
    %sign3A_30 = arith.constant 0 : i32
    %sign3A_31 = arith.cmpi slt, %squeeze3A, %sign3A_30 : i32
    %sign3A_32 = arith.extui %sign3A_31 : i1 to i32
    %sign3A_33 = arith.subi %sign3A_29, %sign3A_32 : i32
    %sign3A_34 = arith.constant 0 : i32
    %sign3A_35 = arith.cmpi sgt, %jit3A, %sign3A_34 : i32
    %sign3A_36 = arith.extui %sign3A_35 : i1 to i32
    %sign3A_37 = arith.constant 0 : i32
    %sign3A_38 = arith.cmpi slt, %jit3A, %sign3A_37 : i32
    %sign3A_39 = arith.extui %sign3A_38 : i1 to i32
    %sign3A_40 = arith.subi %sign3A_36, %sign3A_39 : i32
    %ne3A = arith.cmpi ne, %sign3A_33, %sign3A_40 : i32
    %rem3A = arith.remsi %squeeze3A, %jit3A : i32
    %ne3A_41 = arith.constant 0 : i32
    %ne3A_42 = arith.cmpi ne, %rem3A, %ne3A_41 : i32
    %and3A = arith.andi %ne3A, %ne3A_42 : i1
    %sub3A = arith.constant 1 : i32
    %sub3A_43 = arith.subi %div3A, %sub3A : i32
    %select_n3A = arith.select %and3A, %sub3A_43, %div3A : i32
    %while3A = arith.constant 0 : i32
    %while3A_44 = arith.constant 0 : i32
    %while3A_45 = arith.subi %select_n3A, %while3A : i32
    %while3A_46 = arith.addi %while3A, %while3A_45 : i32
    %while3A_47 = arith.constant 1 : i32
    %while3A_48 = arith.divsi %while3A_45, %while3A_47 : i32
    %while3A_49 = arith.muli %while3A_48, %while3A_47 : i32
    %while3A_50 = arith.addi %while3A, %while3A_49 : i32
    %while3A_51 = arith.constant 1 : i32
    %while3A_52 = scf.for %while3A_63 = %while3A to %while3A_50 step %while3A_51 iter_args(%while3A_64 = %while3A_44) -> (i32)  : i32 {
      %mul3A = arith.constant 2 : i32
      %mul3A_65 = arith.muli %mul3A, %while3A_63 : i32
      %mul3A_66 = arith.constant 2 : i32
      %mul3A_67 = arith.muli %mul3A_66, %while3A_63 : i32
      %add3A = arith.constant 1 : i32
      %add3A_68 = arith.addi %mul3A_67, %add3A : i32
      %dma_wait3A = arith.constant 0 : i32
      %dma_wait3A_69 = tpu.memref_slice %arg7[%mul3A_65, %dma_wait3A] : memref<163x128xi32, #tpu.memory_space<vmem>> -> memref<1x128xi32, #tpu.memory_space<vmem>>
      %dma_wait3A_70 = tpu.memref_squeeze %dma_wait3A_69 : memref<1x128xi32, #tpu.memory_space<vmem>> -> memref<128xi32, #tpu.memory_space<vmem>>
      %dma_wait3A_71 = arith.constant 0 : i32
      %dma_wait3A_72 = arith.constant 0 : i32
      %dma_wait3A_73 = tpu.memref_slice %arg2[%dma_wait3A_71, %dma_wait3A_72] : memref<10000x128xf32, #tpu.memory_space<hbm>> -> memref<10000x128xf32, #tpu.memory_space<hbm>>
      tpu.wait_indirect_dma semaphore(%arg13 : memref<!tpu.dma_semaphore, #tpu.memory_space<semaphore_mem>>) src(%dma_wait3A_73 : memref<10000x128xf32, #tpu.memory_space<hbm>>) dst(%arg10 : memref<128x128xf32, #tpu.memory_space<vmem>>)
      "tpu.region"() ({
        %run_scoped3A = tpu.sem_alloc : memref<!tpu.dma_semaphore, #tpu.memory_space<semaphore_mem>>
        %dma_start3A_90 = arith.constant 0 : i32
        %dma_start3A_91 = tpu.memref_slice %arg8[%mul3A_65, %dma_start3A_90] : memref<163x128xi32, #tpu.memory_space<vmem>> -> memref<1x128xi32, #tpu.memory_space<vmem>>
        %dma_start3A_92 = tpu.memref_squeeze %dma_start3A_91 : memref<1x128xi32, #tpu.memory_space<vmem>> -> memref<128xi32, #tpu.memory_space<vmem>>
        %dma_start3A_93 = arith.constant 0 : i32
        %dma_start3A_94 = arith.constant 0 : i32
        %dma_start3A_95 = tpu.memref_slice %arg12[%dma_start3A_93, %dma_start3A_94] : memref<5248x128xf32, #tpu.memory_space<vmem_shared>> -> memref<5248x128xf32, #tpu.memory_space<vmem_shared>>
        tpu.enqueue_indirect_dma source(%arg10 : memref<128x128xf32, #tpu.memory_space<vmem>>) target(%dma_start3A_95 : memref<5248x128xf32, #tpu.memory_space<vmem_shared>>) offsets(%dma_start3A_92 : memref<128xi32, #tpu.memory_space<vmem>>) semaphore(%run_scoped3A : memref<!tpu.dma_semaphore, #tpu.memory_space<semaphore_mem>>) {add = true}
        %dma_wait3A_96 = arith.constant 0 : i32
        %dma_wait3A_97 = tpu.memref_slice %arg8[%mul3A_65, %dma_wait3A_96] : memref<163x128xi32, #tpu.memory_space<vmem>> -> memref<1x128xi32, #tpu.memory_space<vmem>>
        %dma_wait3A_98 = tpu.memref_squeeze %dma_wait3A_97 : memref<1x128xi32, #tpu.memory_space<vmem>> -> memref<128xi32, #tpu.memory_space<vmem>>
        %dma_wait3A_99 = arith.constant 0 : i32
        %dma_wait3A_100 = arith.constant 0 : i32
        %dma_wait3A_101 = tpu.memref_slice %arg12[%dma_wait3A_99, %dma_wait3A_100] : memref<5248x128xf32, #tpu.memory_space<vmem_shared>> -> memref<5248x128xf32, #tpu.memory_space<vmem_shared>>
        tpu.wait_indirect_dma semaphore(%run_scoped3A : memref<!tpu.dma_semaphore, #tpu.memory_space<semaphore_mem>>) src(%arg10 : memref<128x128xf32, #tpu.memory_space<vmem>>) dst(%dma_wait3A_101 : memref<5248x128xf32, #tpu.memory_space<vmem_shared>>)
        tpu.yield
      }) : () -> ()
      %sub3A_74 = arith.constant 1 : i32
      %sub3A_75 = arith.subi %select_n3A, %sub3A_74 : i32
      %lt3A = arith.cmpi slt, %while3A_63, %sub3A_75 : i32
      %convert_element_type3A = arith.extui %lt3A : i1 to i32
      %cond3A = arith.constant 0 : i32
      %cond3A_76 = arith.cmpi ne, %convert_element_type3A, %cond3A : i32
      scf.if %cond3A_76 {
        %add3A_90 = arith.constant 2 : i32
        %add3A_91 = arith.addi %mul3A_65, %add3A_90 : i32
        %dma_start3A_92 = arith.constant 0 : i32
        %dma_start3A_93 = tpu.memref_slice %arg7[%add3A_91, %dma_start3A_92] : memref<163x128xi32, #tpu.memory_space<vmem>> -> memref<1x128xi32, #tpu.memory_space<vmem>>
        %dma_start3A_94 = tpu.memref_squeeze %dma_start3A_93 : memref<1x128xi32, #tpu.memory_space<vmem>> -> memref<128xi32, #tpu.memory_space<vmem>>
        %dma_start3A_95 = arith.constant 0 : i32
        %dma_start3A_96 = arith.constant 0 : i32
        %dma_start3A_97 = tpu.memref_slice %arg2[%dma_start3A_95, %dma_start3A_96] : memref<10000x128xf32, #tpu.memory_space<hbm>> -> memref<10000x128xf32, #tpu.memory_space<hbm>>
        tpu.enqueue_indirect_dma source(%dma_start3A_97 : memref<10000x128xf32, #tpu.memory_space<hbm>>) target(%arg10 : memref<128x128xf32, #tpu.memory_space<vmem>>) offsets(%dma_start3A_94 : memref<128xi32, #tpu.memory_space<vmem>>) semaphore(%arg13 : memref<!tpu.dma_semaphore, #tpu.memory_space<semaphore_mem>>)
      } else {
      }
      %dma_wait3A_77 = arith.constant 0 : i32
      %dma_wait3A_78 = tpu.memref_slice %arg7[%add3A_68, %dma_wait3A_77] : memref<163x128xi32, #tpu.memory_space<vmem>> -> memref<1x128xi32, #tpu.memory_space<vmem>>
      %dma_wait3A_79 = tpu.memref_squeeze %dma_wait3A_78 : memref<1x128xi32, #tpu.memory_space<vmem>> -> memref<128xi32, #tpu.memory_space<vmem>>
      %dma_wait3A_80 = arith.constant 0 : i32
      %dma_wait3A_81 = arith.constant 0 : i32
      %dma_wait3A_82 = tpu.memref_slice %arg2[%dma_wait3A_80, %dma_wait3A_81] : memref<10000x128xf32, #tpu.memory_space<hbm>> -> memref<10000x128xf32, #tpu.memory_space<hbm>>
      tpu.wait_indirect_dma semaphore(%arg14 : memref<!tpu.dma_semaphore, #tpu.memory_space<semaphore_mem>>) src(%dma_wait3A_82 : memref<10000x128xf32, #tpu.memory_space<hbm>>) dst(%arg11 : memref<128x128xf32, #tpu.memory_space<vmem>>)
      "tpu.region"() ({
        %run_scoped3A = tpu.sem_alloc : memref<!tpu.dma_semaphore, #tpu.memory_space<semaphore_mem>>
        %dma_start3A_90 = arith.constant 0 : i32
        %dma_start3A_91 = tpu.memref_slice %arg8[%add3A_68, %dma_start3A_90] : memref<163x128xi32, #tpu.memory_space<vmem>> -> memref<1x128xi32, #tpu.memory_space<vmem>>
        %dma_start3A_92 = tpu.memref_squeeze %dma_start3A_91 : memref<1x128xi32, #tpu.memory_space<vmem>> -> memref<128xi32, #tpu.memory_space<vmem>>
        %dma_start3A_93 = arith.constant 0 : i32
        %dma_start3A_94 = arith.constant 0 : i32
        %dma_start3A_95 = tpu.memref_slice %arg12[%dma_start3A_93, %dma_start3A_94] : memref<5248x128xf32, #tpu.memory_space<vmem_shared>> -> memref<5248x128xf32, #tpu.memory_space<vmem_shared>>
        tpu.enqueue_indirect_dma source(%arg11 : memref<128x128xf32, #tpu.memory_space<vmem>>) target(%dma_start3A_95 : memref<5248x128xf32, #tpu.memory_space<vmem_shared>>) offsets(%dma_start3A_92 : memref<128xi32, #tpu.memory_space<vmem>>) semaphore(%run_scoped3A : memref<!tpu.dma_semaphore, #tpu.memory_space<semaphore_mem>>) {add = true}
        %dma_wait3A_96 = arith.constant 0 : i32
        %dma_wait3A_97 = tpu.memref_slice %arg8[%add3A_68, %dma_wait3A_96] : memref<163x128xi32, #tpu.memory_space<vmem>> -> memref<1x128xi32, #tpu.memory_space<vmem>>
        %dma_wait3A_98 = tpu.memref_squeeze %dma_wait3A_97 : memref<1x128xi32, #tpu.memory_space<vmem>> -> memref<128xi32, #tpu.memory_space<vmem>>
        %dma_wait3A_99 = arith.constant 0 : i32
        %dma_wait3A_100 = arith.constant 0 : i32
        %dma_wait3A_101 = tpu.memref_slice %arg12[%dma_wait3A_99, %dma_wait3A_100] : memref<5248x128xf32, #tpu.memory_space<vmem_shared>> -> memref<5248x128xf32, #tpu.memory_space<vmem_shared>>
        tpu.wait_indirect_dma semaphore(%run_scoped3A : memref<!tpu.dma_semaphore, #tpu.memory_space<semaphore_mem>>) src(%arg11 : memref<128x128xf32, #tpu.memory_space<vmem>>) dst(%dma_wait3A_101 : memref<5248x128xf32, #tpu.memory_space<vmem_shared>>)
        tpu.yield
      }) : () -> ()
      %sub3A_83 = arith.constant 1 : i32
      %sub3A_84 = arith.subi %select_n3A, %sub3A_83 : i32
      %lt3A_85 = arith.cmpi slt, %while3A_63, %sub3A_84 : i32
      %convert_element_type3A_86 = arith.extui %lt3A_85 : i1 to i32
      %cond3A_87 = arith.constant 0 : i32
      %cond3A_88 = arith.cmpi ne, %convert_element_type3A_86, %cond3A_87 : i32
      scf.if %cond3A_88 {
        %add3A_90 = arith.constant 2 : i32
        %add3A_91 = arith.addi %add3A_68, %add3A_90 : i32
        %dma_start3A_92 = arith.constant 0 : i32
        %dma_start3A_93 = tpu.memref_slice %arg7[%add3A_91, %dma_start3A_92] : memref<163x128xi32, #tpu.memory_space<vmem>> -> memref<1x128xi32, #tpu.memory_space<vmem>>
        %dma_start3A_94 = tpu.memref_squeeze %dma_start3A_93 : memref<1x128xi32, #tpu.memory_space<vmem>> -> memref<128xi32, #tpu.memory_space<vmem>>
        %dma_start3A_95 = arith.constant 0 : i32
        %dma_start3A_96 = arith.constant 0 : i32
        %dma_start3A_97 = tpu.memref_slice %arg2[%dma_start3A_95, %dma_start3A_96] : memref<10000x128xf32, #tpu.memory_space<hbm>> -> memref<10000x128xf32, #tpu.memory_space<hbm>>
        tpu.enqueue_indirect_dma source(%dma_start3A_97 : memref<10000x128xf32, #tpu.memory_space<hbm>>) target(%arg11 : memref<128x128xf32, #tpu.memory_space<vmem>>) offsets(%dma_start3A_94 : memref<128xi32, #tpu.memory_space<vmem>>) semaphore(%arg14 : memref<!tpu.dma_semaphore, #tpu.memory_space<semaphore_mem>>)
      } else {
      }
      %while3A_89 = arith.constant 0 : i32
      scf.yield %while3A_89 : i32
    }
    %while3A_53 = arith.constant 1 : i32
    %while3A_54 = scf.for %while3A_63 = %while3A_50 to %while3A_46 step %while3A_53 iter_args(%while3A_64 = %while3A_52) -> (i32)  : i32 {
      %mul3A = arith.constant 2 : i32
      %mul3A_65 = arith.muli %mul3A, %while3A_63 : i32
      %mul3A_66 = arith.constant 2 : i32
      %mul3A_67 = arith.muli %mul3A_66, %while3A_63 : i32
      %add3A = arith.constant 1 : i32
      %add3A_68 = arith.addi %mul3A_67, %add3A : i32
      %dma_wait3A = arith.constant 0 : i32
      %dma_wait3A_69 = tpu.memref_slice %arg7[%mul3A_65, %dma_wait3A] : memref<163x128xi32, #tpu.memory_space<vmem>> -> memref<1x128xi32, #tpu.memory_space<vmem>>
      %dma_wait3A_70 = tpu.memref_squeeze %dma_wait3A_69 : memref<1x128xi32, #tpu.memory_space<vmem>> -> memref<128xi32, #tpu.memory_space<vmem>>
      %dma_wait3A_71 = arith.constant 0 : i32
      %dma_wait3A_72 = arith.constant 0 : i32
      %dma_wait3A_73 = tpu.memref_slice %arg2[%dma_wait3A_71, %dma_wait3A_72] : memref<10000x128xf32, #tpu.memory_space<hbm>> -> memref<10000x128xf32, #tpu.memory_space<hbm>>
      tpu.wait_indirect_dma semaphore(%arg13 : memref<!tpu.dma_semaphore, #tpu.memory_space<semaphore_mem>>) src(%dma_wait3A_73 : memref<10000x128xf32, #tpu.memory_space<hbm>>) dst(%arg10 : memref<128x128xf32, #tpu.memory_space<vmem>>)
      "tpu.region"() ({
        %run_scoped3A = tpu.sem_alloc : memref<!tpu.dma_semaphore, #tpu.memory_space<semaphore_mem>>
        %dma_start3A_90 = arith.constant 0 : i32
        %dma_start3A_91 = tpu.memref_slice %arg8[%mul3A_65, %dma_start3A_90] : memref<163x128xi32, #tpu.memory_space<vmem>> -> memref<1x128xi32, #tpu.memory_space<vmem>>
        %dma_start3A_92 = tpu.memref_squeeze %dma_start3A_91 : memref<1x128xi32, #tpu.memory_space<vmem>> -> memref<128xi32, #tpu.memory_space<vmem>>
        %dma_start3A_93 = arith.constant 0 : i32
        %dma_start3A_94 = arith.constant 0 : i32
        %dma_start3A_95 = tpu.memref_slice %arg12[%dma_start3A_93, %dma_start3A_94] : memref<5248x128xf32, #tpu.memory_space<vmem_shared>> -> memref<5248x128xf32, #tpu.memory_space<vmem_shared>>
        tpu.enqueue_indirect_dma source(%arg10 : memref<128x128xf32, #tpu.memory_space<vmem>>) target(%dma_start3A_95 : memref<5248x128xf32, #tpu.memory_space<vmem_shared>>) offsets(%dma_start3A_92 : memref<128xi32, #tpu.memory_space<vmem>>) semaphore(%run_scoped3A : memref<!tpu.dma_semaphore, #tpu.memory_space<semaphore_mem>>) {add = true}
        %dma_wait3A_96 = arith.constant 0 : i32
        %dma_wait3A_97 = tpu.memref_slice %arg8[%mul3A_65, %dma_wait3A_96] : memref<163x128xi32, #tpu.memory_space<vmem>> -> memref<1x128xi32, #tpu.memory_space<vmem>>
        %dma_wait3A_98 = tpu.memref_squeeze %dma_wait3A_97 : memref<1x128xi32, #tpu.memory_space<vmem>> -> memref<128xi32, #tpu.memory_space<vmem>>
        %dma_wait3A_99 = arith.constant 0 : i32
        %dma_wait3A_100 = arith.constant 0 : i32
        %dma_wait3A_101 = tpu.memref_slice %arg12[%dma_wait3A_99, %dma_wait3A_100] : memref<5248x128xf32, #tpu.memory_space<vmem_shared>> -> memref<5248x128xf32, #tpu.memory_space<vmem_shared>>
        tpu.wait_indirect_dma semaphore(%run_scoped3A : memref<!tpu.dma_semaphore, #tpu.memory_space<semaphore_mem>>) src(%arg10 : memref<128x128xf32, #tpu.memory_space<vmem>>) dst(%dma_wait3A_101 : memref<5248x128xf32, #tpu.memory_space<vmem_shared>>)
        tpu.yield
      }) : () -> ()
      %sub3A_74 = arith.constant 1 : i32
      %sub3A_75 = arith.subi %select_n3A, %sub3A_74 : i32
      %lt3A = arith.cmpi slt, %while3A_63, %sub3A_75 : i32
      %convert_element_type3A = arith.extui %lt3A : i1 to i32
      %cond3A = arith.constant 0 : i32
      %cond3A_76 = arith.cmpi ne, %convert_element_type3A, %cond3A : i32
      scf.if %cond3A_76 {
        %add3A_90 = arith.constant 2 : i32
        %add3A_91 = arith.addi %mul3A_65, %add3A_90 : i32
        %dma_start3A_92 = arith.constant 0 : i32
        %dma_start3A_93 = tpu.memref_slice %arg7[%add3A_91, %dma_start3A_92] : memref<163x128xi32, #tpu.memory_space<vmem>> -> memref<1x128xi32, #tpu.memory_space<vmem>>
        %dma_start3A_94 = tpu.memref_squeeze %dma_start3A_93 : memref<1x128xi32, #tpu.memory_space<vmem>> -> memref<128xi32, #tpu.memory_space<vmem>>
        %dma_start3A_95 = arith.constant 0 : i32
        %dma_start3A_96 = arith.constant 0 : i32
        %dma_start3A_97 = tpu.memref_slice %arg2[%dma_start3A_95, %dma_start3A_96] : memref<10000x128xf32, #tpu.memory_space<hbm>> -> memref<10000x128xf32, #tpu.memory_space<hbm>>
        tpu.enqueue_indirect_dma source(%dma_start3A_97 : memref<10000x128xf32, #tpu.memory_space<hbm>>) target(%arg10 : memref<128x128xf32, #tpu.memory_space<vmem>>) offsets(%dma_start3A_94 : memref<128xi32, #tpu.memory_space<vmem>>) semaphore(%arg13 : memref<!tpu.dma_semaphore, #tpu.memory_space<semaphore_mem>>)
      } else {
      }
      %dma_wait3A_77 = arith.constant 0 : i32
      %dma_wait3A_78 = tpu.memref_slice %arg7[%add3A_68, %dma_wait3A_77] : memref<163x128xi32, #tpu.memory_space<vmem>> -> memref<1x128xi32, #tpu.memory_space<vmem>>
      %dma_wait3A_79 = tpu.memref_squeeze %dma_wait3A_78 : memref<1x128xi32, #tpu.memory_space<vmem>> -> memref<128xi32, #tpu.memory_space<vmem>>
      %dma_wait3A_80 = arith.constant 0 : i32
      %dma_wait3A_81 = arith.constant 0 : i32
      %dma_wait3A_82 = tpu.memref_slice %arg2[%dma_wait3A_80, %dma_wait3A_81] : memref<10000x128xf32, #tpu.memory_space<hbm>> -> memref<10000x128xf32, #tpu.memory_space<hbm>>
      tpu.wait_indirect_dma semaphore(%arg14 : memref<!tpu.dma_semaphore, #tpu.memory_space<semaphore_mem>>) src(%dma_wait3A_82 : memref<10000x128xf32, #tpu.memory_space<hbm>>) dst(%arg11 : memref<128x128xf32, #tpu.memory_space<vmem>>)
      "tpu.region"() ({
        %run_scoped3A = tpu.sem_alloc : memref<!tpu.dma_semaphore, #tpu.memory_space<semaphore_mem>>
        %dma_start3A_90 = arith.constant 0 : i32
        %dma_start3A_91 = tpu.memref_slice %arg8[%add3A_68, %dma_start3A_90] : memref<163x128xi32, #tpu.memory_space<vmem>> -> memref<1x128xi32, #tpu.memory_space<vmem>>
        %dma_start3A_92 = tpu.memref_squeeze %dma_start3A_91 : memref<1x128xi32, #tpu.memory_space<vmem>> -> memref<128xi32, #tpu.memory_space<vmem>>
        %dma_start3A_93 = arith.constant 0 : i32
        %dma_start3A_94 = arith.constant 0 : i32
        %dma_start3A_95 = tpu.memref_slice %arg12[%dma_start3A_93, %dma_start3A_94] : memref<5248x128xf32, #tpu.memory_space<vmem_shared>> -> memref<5248x128xf32, #tpu.memory_space<vmem_shared>>
        tpu.enqueue_indirect_dma source(%arg11 : memref<128x128xf32, #tpu.memory_space<vmem>>) target(%dma_start3A_95 : memref<5248x128xf32, #tpu.memory_space<vmem_shared>>) offsets(%dma_start3A_92 : memref<128xi32, #tpu.memory_space<vmem>>) semaphore(%run_scoped3A : memref<!tpu.dma_semaphore, #tpu.memory_space<semaphore_mem>>) {add = true}
        %dma_wait3A_96 = arith.constant 0 : i32
        %dma_wait3A_97 = tpu.memref_slice %arg8[%add3A_68, %dma_wait3A_96] : memref<163x128xi32, #tpu.memory_space<vmem>> -> memref<1x128xi32, #tpu.memory_space<vmem>>
        %dma_wait3A_98 = tpu.memref_squeeze %dma_wait3A_97 : memref<1x128xi32, #tpu.memory_space<vmem>> -> memref<128xi32, #tpu.memory_space<vmem>>
        %dma_wait3A_99 = arith.constant 0 : i32
        %dma_wait3A_100 = arith.constant 0 : i32
        %dma_wait3A_101 = tpu.memref_slice %arg12[%dma_wait3A_99, %dma_wait3A_100] : memref<5248x128xf32, #tpu.memory_space<vmem_shared>> -> memref<5248x128xf32, #tpu.memory_space<vmem_shared>>
        tpu.wait_indirect_dma semaphore(%run_scoped3A : memref<!tpu.dma_semaphore, #tpu.memory_space<semaphore_mem>>) src(%arg11 : memref<128x128xf32, #tpu.memory_space<vmem>>) dst(%dma_wait3A_101 : memref<5248x128xf32, #tpu.memory_space<vmem_shared>>)
        tpu.yield
      }) : () -> ()
      %sub3A_83 = arith.constant 1 : i32
      %sub3A_84 = arith.subi %select_n3A, %sub3A_83 : i32
      %lt3A_85 = arith.cmpi slt, %while3A_63, %sub3A_84 : i32
      %convert_element_type3A_86 = arith.extui %lt3A_85 : i1 to i32
      %cond3A_87 = arith.constant 0 : i32
      %cond3A_88 = arith.cmpi ne, %convert_element_type3A_86, %cond3A_87 : i32
      scf.if %cond3A_88 {
        %add3A_90 = arith.constant 2 : i32
        %add3A_91 = arith.addi %add3A_68, %add3A_90 : i32
        %dma_start3A_92 = arith.constant 0 : i32
        %dma_start3A_93 = tpu.memref_slice %arg7[%add3A_91, %dma_start3A_92] : memref<163x128xi32, #tpu.memory_space<vmem>> -> memref<1x128xi32, #tpu.memory_space<vmem>>
        %dma_start3A_94 = tpu.memref_squeeze %dma_start3A_93 : memref<1x128xi32, #tpu.memory_space<vmem>> -> memref<128xi32, #tpu.memory_space<vmem>>
        %dma_start3A_95 = arith.constant 0 : i32
        %dma_start3A_96 = arith.constant 0 : i32
        %dma_start3A_97 = tpu.memref_slice %arg2[%dma_start3A_95, %dma_start3A_96] : memref<10000x128xf32, #tpu.memory_space<hbm>> -> memref<10000x128xf32, #tpu.memory_space<hbm>>
        tpu.enqueue_indirect_dma source(%dma_start3A_97 : memref<10000x128xf32, #tpu.memory_space<hbm>>) target(%arg11 : memref<128x128xf32, #tpu.memory_space<vmem>>) offsets(%dma_start3A_94 : memref<128xi32, #tpu.memory_space<vmem>>) semaphore(%arg14 : memref<!tpu.dma_semaphore, #tpu.memory_space<semaphore_mem>>)
      } else {
      }
      %while3A_89 = arith.constant 0 : i32
      scf.yield %while3A_89 : i32
    }
    %barrier3A_55 = arith.constant 0 : index
    tpu.barrier barrier_id(%barrier3A_55)
    %scan3A_56 = arith.constant 0 : i32
    %scan3A_57 = arith.constant 0 : i32
    %scan3A_58 = arith.constant 3 : i32
    %scan3A_59 = arith.addi %scan3A_57, %scan3A_58 : i32
    %scan3A_60 = arith.constant 1 : i32
    %scan3A_61 = scf.for %scan3A_63 = %scan3A_57 to %scan3A_59 step %scan3A_60 iter_args(%scan3A_64 = %scan3A_56) -> (i32)  : i32 {
      %mul3A = arith.constant 16 : i32
      %mul3A_65 = arith.muli %mul3A, %scan3A_63 : i32
      %add3A = arith.addi %arg1, %mul3A_65 : i32
      %lt3A = arith.constant 41 : i32
      %lt3A_66 = arith.cmpi slt, %add3A, %lt3A : i32
      %convert_element_type3A = arith.extui %lt3A_66 : i1 to i32
      %cond3A = arith.constant 0 : i32
      %cond3A_67 = arith.cmpi ne, %convert_element_type3A, %cond3A : i32
      scf.if %cond3A_67 {
        %lt3A_69 = arith.constant 40 : i32
        %lt3A_70 = arith.cmpi slt, %add3A, %lt3A_69 : i32
        %mul3A_71 = arith.constant 5120 : i32
        %mul3A_72 = arith.muli %arg0, %mul3A_71 : i32
        %mul3A_73 = arith.constant 128 : i32
        %mul3A_74 = arith.muli %add3A, %mul3A_73 : i32
        %add3A_75 = arith.addi %mul3A_72, %mul3A_74 : i32
        %mul3A_76 = arith.constant 128 : i32
        %mul3A_77 = arith.muli %arg0, %mul3A_76 : i32
        %add3A_78 = arith.constant 10240 : i32
        %add3A_79 = arith.addi %add3A_78, %mul3A_77 : i32
        %select_n3A_80 = arith.select %lt3A_70, %add3A_75, %add3A_79 : i32
        %mul3A_81 = arith.constant 128 : i32
        %mul3A_82 = arith.muli %add3A, %mul3A_81 : i32
        "tpu.region"() ({
          %run_scoped3A = tpu.sem_alloc : memref<!tpu.dma_semaphore, #tpu.memory_space<semaphore_mem>>
          %dma_start3A_83 = arith.constant 0 : i32
          %dma_start3A_84 = tpu.memref_slice %arg6[%select_n3A_80, %dma_start3A_83] : memref<10496x128xf32, #tpu.memory_space<hbm>> -> memref<128x128xf32, #tpu.memory_space<hbm>>
          %dma_start3A_85 = arith.constant 0 : i32
          %dma_start3A_86 = tpu.memref_slice %arg12[%mul3A_82, %dma_start3A_85] : memref<5248x128xf32, #tpu.memory_space<vmem_shared>> -> memref<128x128xf32, #tpu.memory_space<vmem_shared>>
          tpu.enqueue_dma source(%dma_start3A_86 : memref<128x128xf32, #tpu.memory_space<vmem_shared>>) target(%dma_start3A_84 : memref<128x128xf32, #tpu.memory_space<hbm>>) target_semaphore(%run_scoped3A : memref<!tpu.dma_semaphore, #tpu.memory_space<semaphore_mem>>)
          %dma_wait3A = arith.constant 0 : i32
          %dma_wait3A_87 = tpu.memref_slice %arg6[%select_n3A_80, %dma_wait3A] : memref<10496x128xf32, #tpu.memory_space<hbm>> -> memref<128x128xf32, #tpu.memory_space<hbm>>
          %dma_wait3A_88 = arith.constant 0 : i32
          %dma_wait3A_89 = tpu.memref_slice %arg12[%mul3A_82, %dma_wait3A_88] : memref<5248x128xf32, #tpu.memory_space<vmem_shared>> -> memref<128x128xf32, #tpu.memory_space<vmem_shared>>
          tpu.wait_dma2 semaphore(%run_scoped3A : memref<!tpu.dma_semaphore, #tpu.memory_space<semaphore_mem>>) src(%dma_wait3A_89 : memref<128x128xf32, #tpu.memory_space<vmem_shared>>) dst(%dma_wait3A_87 : memref<128x128xf32, #tpu.memory_space<hbm>>)
          tpu.yield
        }) : () -> ()
      } else {
      }
      %scan3A_68 = arith.constant 0 : i32
      scf.yield %scan3A_68 : i32
    }
    %scan3A_62 = arith.constant 3 : i32
    return
  }
}

module attributes {stable_mosaic.version = 14 : i64} {
  func.func @_mm1_body(%arg0: i32, %arg1: memref<400x128xf32, #tpu.memory_space<vmem>>, %arg2: memref<400x2xf32, #tpu.memory_space<vmem>>, %arg3: memref<128x128xf32, #tpu.memory_space<vmem>>, %arg4: memref<400x128xf32, #tpu.memory_space<vmem>>) attributes {dimension_semantics = [#tpu.dimension_semantics<arbitrary>], iteration_bounds = array<i64: 25>, scalar_prefetch = 0 : i64, scratch_operands = 0 : i64, tpu.core_type = #tpu.core_type<tc>, window_params = [{transform_indices = @transform_0, window_bounds = array<i64: 400, 128>}, {transform_indices = @transform_1, window_bounds = array<i64: 400, 2>}, {pipeline_mode = #tpu.pipeline_mode<synchronous>, transform_indices = @transform_2, window_bounds = array<i64: 128, 128>}, {transform_indices = @transform_3, window_bounds = array<i64: 400, 128>}]} {
    %get3A = arith.constant 0 : index
    %get3A_0 = arith.constant 0 : index
    %get3A_1 = vector.load %arg2[%get3A, %get3A_0] : memref<400x2xf32, #tpu.memory_space<vmem>>, vector<400x1xf32>
    %get3A_2 = vector.shape_cast %get3A_1 : vector<400x1xf32> to vector<400xf32>
    %get3A_3 = arith.constant 0 : index
    %get3A_4 = arith.constant 1 : index
    %get3A_5 = vector.load %arg2[%get3A_3, %get3A_4] : memref<400x2xf32, #tpu.memory_space<vmem>>, vector<400x1xf32>
    %get3A_6 = vector.shape_cast %get3A_5 : vector<400x1xf32> to vector<400xf32>
    %add3A = arith.addf %get3A_2, %get3A_6 : vector<400xf32>
    %add3A_7 = arith.constant 1.000000e+00 : f32
    %add3A_8 = vector.broadcast %add3A_7 : f32 to vector<400xf32>
    %add3A_9 = arith.addf %add3A, %add3A_8 : vector<400xf32>
    %rsqrt3A = math.rsqrt %add3A_9 : vector<400xf32>
    %get3A_10 = arith.constant 0 : index
    %get3A_11 = arith.constant 0 : index
    %get3A_12 = vector.load %arg1[%get3A_10, %get3A_11] : memref<400x128xf32, #tpu.memory_space<vmem>>, vector<400x128xf32>
    %get3A_13 = arith.constant 0 : index
    %get3A_14 = arith.constant 0 : index
    %get3A_15 = vector.load %arg3[%get3A_13, %get3A_14] : memref<128x128xf32, #tpu.memory_space<vmem>>, vector<128x128xf32>
    %dot_general3A = arith.constant dense<0.000000e+00> : vector<400x128xf32>
    %dot_general3A_16 = tpu.matmul %get3A_12, %get3A_15, %dot_general3A {dimension_numbers = #tpu.dot_dimension_numbers<[1], [0], [0], [1], [0, 0, 1, 1], [], []>, transpose_lhs_hint = false} : vector<400x128xf32>, vector<128x128xf32>, vector<400x128xf32> -> vector<400x128xf32>
    %broadcast_in_dim3A = vector.shape_cast %rsqrt3A : vector<400xf32> to vector<400x1xf32>
    %mul3A = vector.broadcast %broadcast_in_dim3A : vector<400x1xf32> to vector<400x128xf32>
    %mul3A_17 = arith.mulf %dot_general3A_16, %mul3A : vector<400x128xf32>
    %swap3A = arith.constant 0 : index
    %swap3A_18 = arith.constant 0 : index
    %swap3A_19 = vector.load %arg4[%swap3A, %swap3A_18] : memref<400x128xf32, #tpu.memory_space<vmem>>, vector<400x128xf32>
    tpu.vector_store %arg4[%swap3A, %swap3A_18], %mul3A_17 {strides = array<i32>} : memref<400x128xf32, #tpu.memory_space<vmem>>, vector<400x128xf32>,
    return
  }
  func.func @transform_0(%arg0: i32) -> (i32, i32) {
    %c0_i32 = arith.constant 0 : i32
    %c0_i32_0 = arith.constant 0 : i32
    return %arg0, %c0_i32 : i32, i32
  }
  func.func @transform_1(%arg0: i32) -> (i32, i32) {
    %c0_i32 = arith.constant 0 : i32
    %c0_i32_0 = arith.constant 0 : i32
    return %arg0, %c0_i32 : i32, i32
  }
  func.func @transform_2(%arg0: i32) -> (i32, i32) {
    %c0_i32 = arith.constant 0 : i32
    %c0_i32_0 = arith.constant 0 : i32
    %c0_i32_1 = arith.constant 0 : i32
    return %c0_i32, %c0_i32_0 : i32, i32
  }
  func.func @transform_3(%arg0: i32) -> (i32, i32) {
    %c0_i32 = arith.constant 0 : i32
    %c0_i32_0 = arith.constant 0 : i32
    return %arg0, %c0_i32 : i32, i32
  }
}

module attributes {stable_mosaic.version = 14 : i64} {
  func.func @_layer2_body(%arg0: i32, %arg1: memref<400x128xf32, #tpu.memory_space<vmem>>, %arg2: memref<400x128xf32, #tpu.memory_space<vmem>>, %arg3: memref<400x2xf32, #tpu.memory_space<vmem>>, %arg4: memref<1x128xf32, #tpu.memory_space<vmem>>, %arg5: memref<128x128xf32, #tpu.memory_space<vmem>>, %arg6: memref<400x128xf32, #tpu.memory_space<vmem>>) attributes {dimension_semantics = [#tpu.dimension_semantics<arbitrary>], iteration_bounds = array<i64: 25>, scalar_prefetch = 0 : i64, scratch_operands = 0 : i64, tpu.core_type = #tpu.core_type<tc>, window_params = [{transform_indices = @transform_0, window_bounds = array<i64: 400, 128>}, {transform_indices = @transform_1, window_bounds = array<i64: 400, 128>}, {transform_indices = @transform_2, window_bounds = array<i64: 400, 2>}, {pipeline_mode = #tpu.pipeline_mode<synchronous>, transform_indices = @transform_3, window_bounds = array<i64: 1, 128>}, {pipeline_mode = #tpu.pipeline_mode<synchronous>, transform_indices = @transform_4, window_bounds = array<i64: 128, 128>}, {transform_indices = @transform_5, window_bounds = array<i64: 400, 128>}]} {
    %get3A = arith.constant 0 : index
    %get3A_0 = arith.constant 0 : index
    %get3A_1 = vector.load %arg3[%get3A, %get3A_0] : memref<400x2xf32, #tpu.memory_space<vmem>>, vector<400x1xf32>
    %get3A_2 = vector.shape_cast %get3A_1 : vector<400x1xf32> to vector<400xf32>
    %get3A_3 = arith.constant 0 : index
    %get3A_4 = arith.constant 1 : index
    %get3A_5 = vector.load %arg3[%get3A_3, %get3A_4] : memref<400x2xf32, #tpu.memory_space<vmem>>, vector<400x1xf32>
    %get3A_6 = vector.shape_cast %get3A_5 : vector<400x1xf32> to vector<400xf32>
    %add3A = arith.addf %get3A_2, %get3A_6 : vector<400xf32>
    %add3A_7 = arith.constant 1.000000e+00 : f32
    %add3A_8 = vector.broadcast %add3A_7 : f32 to vector<400xf32>
    %add3A_9 = arith.addf %add3A, %add3A_8 : vector<400xf32>
    %rsqrt3A = math.rsqrt %add3A_9 : vector<400xf32>
    %get3A_10 = arith.constant 0 : index
    %get3A_11 = arith.constant 0 : index
    %get3A_12 = vector.load %arg1[%get3A_10, %get3A_11] : memref<400x128xf32, #tpu.memory_space<vmem>>, vector<400x128xf32>
    %get3A_13 = arith.constant 0 : index
    %get3A_14 = arith.constant 0 : index
    %get3A_15 = vector.load %arg2[%get3A_13, %get3A_14] : memref<400x128xf32, #tpu.memory_space<vmem>>, vector<400x128xf32>
    %add3A_16 = arith.addf %get3A_12, %get3A_15 : vector<400x128xf32>
    %broadcast_in_dim3A = vector.shape_cast %rsqrt3A : vector<400xf32> to vector<400x1xf32>
    %mul3A = vector.broadcast %broadcast_in_dim3A : vector<400x1xf32> to vector<400x128xf32>
    %mul3A_17 = arith.mulf %add3A_16, %mul3A : vector<400x128xf32>
    %get3A_18 = arith.constant 0 : index
    %get3A_19 = arith.constant 0 : index
    %get3A_20 = vector.load %arg4[%get3A_18, %get3A_19] : memref<1x128xf32, #tpu.memory_space<vmem>>, vector<1x128xf32>
    %add3A_21 = vector.broadcast %get3A_20 : vector<1x128xf32> to vector<400x128xf32>
    %add3A_22 = arith.addf %mul3A_17, %add3A_21 : vector<400x128xf32>
    %max3A = arith.constant 0.000000e+00 : f32
    %max3A_23 = vector.broadcast %max3A : f32 to vector<400x128xf32>
    %max3A_24 = arith.maximumf %add3A_22, %max3A_23 : vector<400x128xf32>
    %get3A_25 = arith.constant 0 : index
    %get3A_26 = arith.constant 0 : index
    %get3A_27 = vector.load %arg5[%get3A_25, %get3A_26] : memref<128x128xf32, #tpu.memory_space<vmem>>, vector<128x128xf32>
    %dot_general3A = arith.constant dense<0.000000e+00> : vector<400x128xf32>
    %dot_general3A_28 = tpu.matmul %max3A_24, %get3A_27, %dot_general3A {dimension_numbers = #tpu.dot_dimension_numbers<[1], [0], [0], [1], [0, 0, 1, 1], [], []>, transpose_lhs_hint = false} : vector<400x128xf32>, vector<128x128xf32>, vector<400x128xf32> -> vector<400x128xf32>
    %broadcast_in_dim3A_29 = vector.shape_cast %rsqrt3A : vector<400xf32> to vector<400x1xf32>
    %mul3A_30 = vector.broadcast %broadcast_in_dim3A_29 : vector<400x1xf32> to vector<400x128xf32>
    %mul3A_31 = arith.mulf %dot_general3A_28, %mul3A_30 : vector<400x128xf32>
    %swap3A = arith.constant 0 : index
    %swap3A_32 = arith.constant 0 : index
    %swap3A_33 = vector.load %arg6[%swap3A, %swap3A_32] : memref<400x128xf32, #tpu.memory_space<vmem>>, vector<400x128xf32>
    tpu.vector_store %arg6[%swap3A, %swap3A_32], %mul3A_31 {strides = array<i32>} : memref<400x128xf32, #tpu.memory_space<vmem>>, vector<400x128xf32>,
    return
  }
  func.func @transform_0(%arg0: i32) -> (i32, i32) {
    %c0_i32 = arith.constant 0 : i32
    %c0_i32_0 = arith.constant 0 : i32
    return %arg0, %c0_i32 : i32, i32
  }
  func.func @transform_1(%arg0: i32) -> (i32, i32) {
    %c0_i32 = arith.constant 0 : i32
    %c0_i32_0 = arith.constant 0 : i32
    return %arg0, %c0_i32 : i32, i32
  }
  func.func @transform_2(%arg0: i32) -> (i32, i32) {
    %c0_i32 = arith.constant 0 : i32
    %c0_i32_0 = arith.constant 0 : i32
    return %arg0, %c0_i32 : i32, i32
  }
  func.func @transform_3(%arg0: i32) -> (i32, i32) {
    %c0_i32 = arith.constant 0 : i32
    %c0_i32_0 = arith.constant 0 : i32
    %c0_i32_1 = arith.constant 0 : i32
    return %c0_i32, %c0_i32_0 : i32, i32
  }
  func.func @transform_4(%arg0: i32) -> (i32, i32) {
    %c0_i32 = arith.constant 0 : i32
    %c0_i32_0 = arith.constant 0 : i32
    %c0_i32_1 = arith.constant 0 : i32
    return %c0_i32, %c0_i32_0 : i32, i32
  }
  func.func @transform_5(%arg0: i32) -> (i32, i32) {
    %c0_i32 = arith.constant 0 : i32
    %c0_i32_0 = arith.constant 0 : i32
    return %arg0, %c0_i32 : i32, i32
  }
}

module attributes {stable_mosaic.version = 14 : i64} {
  func.func @_pool_body(%arg0: i32, %arg1: memref<400x128xf32, #tpu.memory_space<vmem>>, %arg2: memref<400x128xf32, #tpu.memory_space<vmem>>, %arg3: memref<400x2xf32, #tpu.memory_space<vmem>>, %arg4: memref<1x128xf32, #tpu.memory_space<vmem>>, %arg5: memref<1x1x400xi32, #tpu.memory_space<vmem>>, %arg6: memref<128x10xf32, #tpu.memory_space<vmem>>, %arg7: memref<1x10xf32, #tpu.memory_space<vmem>>, %arg8: memref<16x10xf32, #tpu.memory_space<vmem>>, %arg9: memref<16x128xf32, #tpu.memory_space<vmem>>, %arg10: memref<16x128xf32, #tpu.memory_space<vmem>>) attributes {dimension_semantics = [#tpu.dimension_semantics<arbitrary>], iteration_bounds = array<i64: 25>, scalar_prefetch = 0 : i64, scratch_operands = 2 : i64, tpu.core_type = #tpu.core_type<tc>, window_params = [{transform_indices = @transform_0, window_bounds = array<i64: 400, 128>}, {transform_indices = @transform_1, window_bounds = array<i64: 400, 128>}, {transform_indices = @transform_2, window_bounds = array<i64: 400, 2>}, {pipeline_mode = #tpu.pipeline_mode<synchronous>, transform_indices = @transform_3, window_bounds = array<i64: 1, 128>}, {transform_indices = @transform_4, window_bounds = array<i64: 1, 1, 400>}, {pipeline_mode = #tpu.pipeline_mode<synchronous>, transform_indices = @transform_5, window_bounds = array<i64: 128, 10>}, {pipeline_mode = #tpu.pipeline_mode<synchronous>, transform_indices = @transform_6, window_bounds = array<i64: 1, 10>}, {pipeline_mode = #tpu.pipeline_mode<synchronous>, transform_indices = @transform_7, window_bounds = array<i64: 16, 10>}]} {
    %eq3A = arith.constant 0 : i32
    %eq3A_0 = arith.cmpi eq, %arg0, %eq3A : i32
    %convert_element_type3A = arith.extui %eq3A_0 : i1 to i32
    %cond3A = arith.constant 0 : i32
    %cond3A_1 = arith.cmpi ne, %convert_element_type3A, %cond3A : i32
    scf.if %cond3A_1 {
      %broadcast_in_dim3A_60 = arith.constant 0.000000e+00 : f32
      %broadcast_in_dim3A_61 = vector.broadcast %broadcast_in_dim3A_60 : f32 to vector<16x128xf32>
      %swap3A_62 = arith.constant 0 : index
      %swap3A_63 = arith.constant 0 : index
      %swap3A_64 = vector.load %arg9[%swap3A_62, %swap3A_63] : memref<16x128xf32, #tpu.memory_space<vmem>>, vector<16x128xf32>
      tpu.vector_store %arg9[%swap3A_62, %swap3A_63], %broadcast_in_dim3A_61 {strides = array<i32>} : memref<16x128xf32, #tpu.memory_space<vmem>>, vector<16x128xf32>,
      %broadcast_in_dim3A_65 = arith.constant 0.000000e+00 : f32
      %broadcast_in_dim3A_66 = vector.broadcast %broadcast_in_dim3A_65 : f32 to vector<16x128xf32>
      %swap3A_67 = arith.constant 0 : index
      %swap3A_68 = arith.constant 0 : index
      %swap3A_69 = vector.load %arg10[%swap3A_67, %swap3A_68] : memref<16x128xf32, #tpu.memory_space<vmem>>, vector<16x128xf32>
      tpu.vector_store %arg10[%swap3A_67, %swap3A_68], %broadcast_in_dim3A_66 {strides = array<i32>} : memref<16x128xf32, #tpu.memory_space<vmem>>, vector<16x128xf32>,
    } else {
    }
    %get3A = arith.constant 0 : index
    %get3A_2 = arith.constant 0 : index
    %get3A_3 = vector.load %arg3[%get3A, %get3A_2] : memref<400x2xf32, #tpu.memory_space<vmem>>, vector<400x1xf32>
    %get3A_4 = vector.shape_cast %get3A_3 : vector<400x1xf32> to vector<400xf32>
    %get3A_5 = arith.constant 0 : index
    %get3A_6 = arith.constant 1 : index
    %get3A_7 = vector.load %arg3[%get3A_5, %get3A_6] : memref<400x2xf32, #tpu.memory_space<vmem>>, vector<400x1xf32>
    %get3A_8 = vector.shape_cast %get3A_7 : vector<400x1xf32> to vector<400xf32>
    %add3A = arith.addf %get3A_4, %get3A_8 : vector<400xf32>
    %add3A_9 = arith.constant 1.000000e+00 : f32
    %add3A_10 = vector.broadcast %add3A_9 : f32 to vector<400xf32>
    %add3A_11 = arith.addf %add3A, %add3A_10 : vector<400xf32>
    %rsqrt3A = math.rsqrt %add3A_11 : vector<400xf32>
    %get3A_12 = arith.constant 0 : index
    %get3A_13 = arith.constant 0 : index
    %get3A_14 = vector.load %arg1[%get3A_12, %get3A_13] : memref<400x128xf32, #tpu.memory_space<vmem>>, vector<400x128xf32>
    %get3A_15 = arith.constant 0 : index
    %get3A_16 = arith.constant 0 : index
    %get3A_17 = vector.load %arg2[%get3A_15, %get3A_16] : memref<400x128xf32, #tpu.memory_space<vmem>>, vector<400x128xf32>
    %add3A_18 = arith.addf %get3A_14, %get3A_17 : vector<400x128xf32>
    %broadcast_in_dim3A = vector.shape_cast %rsqrt3A : vector<400xf32> to vector<400x1xf32>
    %mul3A = vector.broadcast %broadcast_in_dim3A : vector<400x1xf32> to vector<400x128xf32>
    %mul3A_19 = arith.mulf %add3A_18, %mul3A : vector<400x128xf32>
    %get3A_20 = arith.constant 0 : index
    %get3A_21 = arith.constant 0 : index
    %get3A_22 = vector.load %arg4[%get3A_20, %get3A_21] : memref<1x128xf32, #tpu.memory_space<vmem>>, vector<1x128xf32>
    %add3A_23 = vector.broadcast %get3A_22 : vector<1x128xf32> to vector<400x128xf32>
    %add3A_24 = arith.addf %mul3A_19, %add3A_23 : vector<400x128xf32>
    %max3A = arith.constant 0.000000e+00 : f32
    %max3A_25 = vector.broadcast %max3A : f32 to vector<400x128xf32>
    %max3A_26 = arith.maximumf %add3A_24, %max3A_25 : vector<400x128xf32>
    %get3A_27 = arith.constant 0 : index
    %get3A_28 = arith.constant 0 : index
    %get3A_29 = arith.constant 0 : index
    %get3A_30 = vector.load %arg5[%get3A_27, %get3A_28, %get3A_29] : memref<1x1x400xi32, #tpu.memory_space<vmem>>, vector<1x1x400xi32>
    %get3A_31 = vector.shape_cast %get3A_30 : vector<1x1x400xi32> to vector<400xi32>
    %iota3A = tpu.iota {dimensions = array<i32: 0>} : vector<16x400xi32>
    %broadcast_in_dim3A_32 = vector.shape_cast %get3A_31 : vector<400xi32> to vector<1x400xi32>
    %eq3A_33 = vector.broadcast %broadcast_in_dim3A_32 : vector<1x400xi32> to vector<16x400xi32>
    %eq3A_34 = arith.cmpi eq, %iota3A, %eq3A_33 : vector<16x400xi32>
    %convert_element_type3A_35 = arith.extui %eq3A_34 : vector<16x400xi1> to vector<16x400xi32>
    %convert_element_type3A_36 = arith.sitofp %convert_element_type3A_35 : vector<16x400xi32> to vector<16x400xf32>
    %get3A_37 = arith.constant 0 : index
    %get3A_38 = arith.constant 0 : index
    %get3A_39 = vector.load %arg9[%get3A_37, %get3A_38] : memref<16x128xf32, #tpu.memory_space<vmem>>, vector<16x128xf32>
    %dot_general3A = arith.constant dense<0.000000e+00> : vector<16x128xf32>
    %dot_general3A_40 = tpu.matmul %convert_element_type3A_36, %max3A_26, %dot_general3A {dimension_numbers = #tpu.dot_dimension_numbers<[1], [0], [0], [1], [0, 0, 1, 1], [], []>, transpose_lhs_hint = false} : vector<16x400xf32>, vector<400x128xf32>, vector<16x128xf32> -> vector<16x128xf32>
    %add3A_41 = arith.addf %get3A_39, %dot_general3A_40 : vector<16x128xf32>
    %swap3A = arith.constant 0 : index
    %swap3A_42 = arith.constant 0 : index
    %swap3A_43 = vector.load %arg9[%swap3A, %swap3A_42] : memref<16x128xf32, #tpu.memory_space<vmem>>, vector<16x128xf32>
    tpu.vector_store %arg9[%swap3A, %swap3A_42], %add3A_41 {strides = array<i32>} : memref<16x128xf32, #tpu.memory_space<vmem>>, vector<16x128xf32>,
    %get3A_44 = arith.constant 0 : index
    %get3A_45 = arith.constant 0 : index
    %get3A_46 = vector.load %arg10[%get3A_44, %get3A_45] : memref<16x128xf32, #tpu.memory_space<vmem>>, vector<16x128xf32>
    %broadcast_in_dim3A_47 = arith.constant 1.000000e+00 : f32
    %broadcast_in_dim3A_48 = vector.broadcast %broadcast_in_dim3A_47 : f32 to vector<400x128xf32>
    %dot_general3A_49 = arith.constant dense<0.000000e+00> : vector<16x128xf32>
    %dot_general3A_50 = tpu.matmul %convert_element_type3A_36, %broadcast_in_dim3A_48, %dot_general3A_49 {dimension_numbers = #tpu.dot_dimension_numbers<[1], [0], [0], [1], [0, 0, 1, 1], [], []>, transpose_lhs_hint = false} : vector<16x400xf32>, vector<400x128xf32>, vector<16x128xf32> -> vector<16x128xf32>
    %add3A_51 = arith.addf %get3A_46, %dot_general3A_50 : vector<16x128xf32>
    %swap3A_52 = arith.constant 0 : index
    %swap3A_53 = arith.constant 0 : index
    %swap3A_54 = vector.load %arg10[%swap3A_52, %swap3A_53] : memref<16x128xf32, #tpu.memory_space<vmem>>, vector<16x128xf32>
    tpu.vector_store %arg10[%swap3A_52, %swap3A_53], %add3A_51 {strides = array<i32>} : memref<16x128xf32, #tpu.memory_space<vmem>>, vector<16x128xf32>,
    %eq3A_55 = arith.constant 24 : i32
    %eq3A_56 = arith.cmpi eq, %arg0, %eq3A_55 : i32
    %convert_element_type3A_57 = arith.extui %eq3A_56 : i1 to i32
    %cond3A_58 = arith.constant 0 : i32
    %cond3A_59 = arith.cmpi ne, %convert_element_type3A_57, %cond3A_58 : i32
    scf.if %cond3A_59 {
      %get3A_60 = arith.constant 0 : index
      %get3A_61 = arith.constant 0 : index
      %get3A_62 = vector.load %arg9[%get3A_60, %get3A_61] : memref<16x128xf32, #tpu.memory_space<vmem>>, vector<16x128xf32>
      %get3A_63 = arith.constant 0 : index
      %get3A_64 = arith.constant 0 : index
      %get3A_65 = vector.load %arg10[%get3A_63, %get3A_64] : memref<16x128xf32, #tpu.memory_space<vmem>>, vector<16x128xf32>
      %max3A_66 = arith.constant 1.000000e+00 : f32
      %max3A_67 = vector.broadcast %max3A_66 : f32 to vector<16x128xf32>
      %max3A_68 = arith.maximumf %get3A_65, %max3A_67 : vector<16x128xf32>
      %div3A = arith.divf %get3A_62, %max3A_68 : vector<16x128xf32>
      %get3A_69 = arith.constant 0 : index
      %get3A_70 = arith.constant 0 : index
      %get3A_71 = vector.load %arg6[%get3A_69, %get3A_70] : memref<128x10xf32, #tpu.memory_space<vmem>>, vector<128x10xf32>
      %dot_general3A_72 = arith.constant dense<0.000000e+00> : vector<16x10xf32>
      %dot_general3A_73 = tpu.matmul %div3A, %get3A_71, %dot_general3A_72 {dimension_numbers = #tpu.dot_dimension_numbers<[1], [0], [0], [1], [0, 0, 1, 1], [], []>, transpose_lhs_hint = false} : vector<16x128xf32>, vector<128x10xf32>, vector<16x10xf32> -> vector<16x10xf32>
      %get3A_74 = arith.constant 0 : index
      %get3A_75 = arith.constant 0 : index
      %get3A_76 = vector.load %arg7[%get3A_74, %get3A_75] : memref<1x10xf32, #tpu.memory_space<vmem>>, vector<1x10xf32>
      %add3A_77 = vector.broadcast %get3A_76 : vector<1x10xf32> to vector<16x10xf32>
      %add3A_78 = arith.addf %dot_general3A_73, %add3A_77 : vector<16x10xf32>
      %swap3A_79 = arith.constant 0 : index
      %swap3A_80 = arith.constant 0 : index
      %swap3A_81 = vector.load %arg8[%swap3A_79, %swap3A_80] : memref<16x10xf32, #tpu.memory_space<vmem>>, vector<16x10xf32>
      tpu.vector_store %arg8[%swap3A_79, %swap3A_80], %add3A_78 {strides = array<i32>} : memref<16x10xf32, #tpu.memory_space<vmem>>, vector<16x10xf32>,
    } else {
    }
    return
  }
  func.func @transform_0(%arg0: i32) -> (i32, i32) {
    %c0_i32 = arith.constant 0 : i32
    %c0_i32_0 = arith.constant 0 : i32
    return %arg0, %c0_i32 : i32, i32
  }
  func.func @transform_1(%arg0: i32) -> (i32, i32) {
    %c0_i32 = arith.constant 0 : i32
    %c0_i32_0 = arith.constant 0 : i32
    return %arg0, %c0_i32 : i32, i32
  }
  func.func @transform_2(%arg0: i32) -> (i32, i32) {
    %c0_i32 = arith.constant 0 : i32
    %c0_i32_0 = arith.constant 0 : i32
    return %arg0, %c0_i32 : i32, i32
  }
  func.func @transform_3(%arg0: i32) -> (i32, i32) {
    %c0_i32 = arith.constant 0 : i32
    %c0_i32_0 = arith.constant 0 : i32
    %c0_i32_1 = arith.constant 0 : i32
    return %c0_i32, %c0_i32_0 : i32, i32
  }
  func.func @transform_4(%arg0: i32) -> (i32, i32, i32) {
    %c0_i32 = arith.constant 0 : i32
    %c0_i32_0 = arith.constant 0 : i32
    %c0_i32_1 = arith.constant 0 : i32
    return %arg0, %c0_i32, %c0_i32_0 : i32, i32, i32
  }
  func.func @transform_5(%arg0: i32) -> (i32, i32) {
    %c0_i32 = arith.constant 0 : i32
    %c0_i32_0 = arith.constant 0 : i32
    %c0_i32_1 = arith.constant 0 : i32
    return %c0_i32, %c0_i32_0 : i32, i32
  }
  func.func @transform_6(%arg0: i32) -> (i32, i32) {
    %c0_i32 = arith.constant 0 : i32
    %c0_i32_0 = arith.constant 0 : i32
    %c0_i32_1 = arith.constant 0 : i32
    return %c0_i32, %c0_i32_0 : i32, i32
  }
  func.func @transform_7(%arg0: i32) -> (i32, i32) {
    %c0_i32 = arith.constant 0 : i32
    %c0_i32_0 = arith.constant 0 : i32
    %c0_i32_1 = arith.constant 0 : i32
    return %c0_i32, %c0_i32_0 : i32, i32
  }
}

</mosaic_0001>

<sc_bundles>
// kernel: kernel.11.cloned.1.call-start
scs
__scs_entry_jumppad:
0x0: {  	(pc) =	sbr.rel $0x88, $3  }
0x1: {  	(tag) =	ssettag $0x0;
	lr =	simm.s32 $0x1  }
0x2: {  	[smem:$0x3F98] =	sst lr;
	_ =	strace $0xD0000000  }
0x3: {  	_ = 	snop  }
0x4: {  	_ = 	snop  }
0x5: {  	_ = 	snop  }
0x6: {  	_ = 	snop  }
0x7: {  	_ = 	snop  }
__scs_overlays_trampoline_lowered:
0x8: {  	[smem:$0x3FA7] =	sst s0  }
0x9: {  	[smem:$0x3FA8] =	sst s1  }
0xa: {  	[smem:$0x3FA9] =	sst s2  }
0xb: {  	[smem:$0x3FAA] =	sst s3  }
0xc: {  	[smem:$0x3FAB] =	sst s4  }
0xd: {  	[smem:$0x3FAC] =	sst s5  }
0xe: {  	[smem:$0x3FAD] =	sst s6  }
0xf: {  	[smem:$0x3FAE] =	sst s7  }
0x10: {  	[smem:$0x3FAF] =	sst s8  }
0x11: {  	[smem:$0x3FB0] =	sst s9;
	s0 =	simm.s32 @!p0 $0x0  }
0x12: {  	s1 =	sld [smem:$0x3F96];
	s0 =	simm.s32 @p0 $0x1  }
0x13: {  	[smem:$0x3FB1] =	sst s0;
	s0 =	simm.s32 @!p1 $0x0  }
0x14: {  	s2 =	sld [smem:$0x3F95];
	s0 =	simm.s32 @p1 $0x1  }
0x15: {  	[smem:$0x3FB2] =	sst s0;
	s0 =	simm.s32 @!p2 $0x0  }
0x16: {  	s3 =	sld [smem:$0x3FDB];
	s0 =	simm.s32 @p2 $0x1  }
0x17: {  	s4 =	simm.s32 $0x1BF5;
	[smem:$0x3FB4] =	sst s0  }
0x18: {  	s0 =	sld [smem:$0x3F97];
	_ =	swait.ge [sflag:s4], $0x0  }
0x19: {  	s7 =	sld [smem:$0x3F98]  }
0x1a: {  	s8 =	sadd.s32 $0xFFFFE003, lr  }
0x1b: {  	s9 =	sadd.s32 $0xFFFFFEF7, lr;
	s5 =	simm.s32 $0xFFFFFFFF;
	p2 =	slt.u32 s8, $0xFFFFF086  }
0x1c: {  	p1 =	slt.u32 s9, $0xF7A;
	s5 =	simm.s32 @!p2 $0x0  }
0x1d: {  	s5 =	simm.s32 @p1 $0x1;
	p0 =	seq.s32 s7, s2  }
0x1e: {  	s7 =	smul.u32 @!p0 $0xF7A, s2;
	p2 =	seq.s32 @!p0 s5, $0x0  }
0x1f: {  	s9 =	smul.u32 $0xF7A, s1;
	s8 =	simm.s32 @!p0 $0x1BF5;
	p2 =	por !p2, p0  }
0x20: {  	[sflag:s8] =	ssyncset.s32 @!p0 $0xFFFFF086;
	s6 =	sadd.s32 @!p0 s3, s7;
	s7 =	simm.s32 @!p0 $0x108  }
0x21: {  	s3 =	sadd.s32 s3, s9;
	s6 =	sadd.s32 @!p0 $0x88, s6;
	s7 =	simm.s32 @p2 $0x1082  }
0x22: {  	[simem:s7], [sflag:s8] =	dma.local @!p0 [hbm:s6], $0xF7A  }
0x23: {  	s9 =	sor.u32 $0xD0000000, s2;
	s6 =	simm.s32 $0x108;
	_ =	swait.ge @!p0 [sflag:s8], $0x0  }
0x24: {  	s3 =	sadd.s32 $0x88, s3;
	s6 =	simm.s32 @!p1 $0x1082;
	[sflag:s4] =	ssyncset.s32 $0xFFFFF086  }
0x25: {  	[simem:s6], [sflag:s4] =	dma.local [hbm:s3], $0xF7A  }
0x26: {  	[smem:$0x3F98] =	sst s1;
	(tag) =	ssettag s2;
	_ =	strace s9  }
0x27: {  	s1 =	sld [smem:$0x3FA8]  }
0x28: {  	s2 =	sld [smem:$0x3FA9]  }
0x29: {  	s4 =	sld [smem:$0x3FAB]  }
0x2a: {  	p0 =	seq.s32 s5, $0x0;
	s5 =	sld [smem:$0x3FAC]  }
0x2b: {  	s6 =	sld [smem:$0x3FAD]  }
0x2c: {  	s7 =	sld [smem:$0x3FAE]  }
0x2d: {  	s3 =	simm.s32 $0x108;
	s8 =	sld [smem:$0x3FAF]  }
0x2e: {  	s3 =	simm.s32 @!p0 $0x1082;
	s9 =	sld [smem:$0x3FB0]  }
0x2f: {  	lr =	sadd.s32 s0, s3;
	s0 =	sld [smem:$0x3FA7]  }
0x30: {  	s3 =	sld [smem:$0x3FAA]  }
0x31: {  	[smem:$0x3FB3] =	sst s10  }
0x32: {  	s10 =	sld [smem:$0x3FB1];
	_ =	sdelay $0x3  }
0x33: {  	p0 =	seq.s32 s10, $0x1;
	s10 =	sld [smem:$0x3FB3];
	_ =	sdelay $0x3  }
0x34: {  	[smem:$0x3FB3] =	sst s10  }
0x35: {  	s10 =	sld [smem:$0x3FB2];
	_ =	sdelay $0x3  }
0x36: {  	p1 =	seq.s32 s10, $0x1;
	s10 =	sld [smem:$0x3FB3];
	_ =	sdelay $0x3  }
0x37: {  	[smem:$0x3FB3] =	sst s10  }
0x38: {  	s10 =	sld [smem:$0x3FB4]  }
0x39: {  	_ = 	snop;
	(pc) =	sbr.ind lr, $3  }
0x3a: {  	_ = 	snop  }
0x3b: {  	_ = 	snop  }
0x3c: {  	p2 =	seq.s32 s10, $0x1;
	s10 =	sld [smem:$0x3FB3]  }
0x3d: {  	_ =	shalt  }
0x3e: {  	_ =	shalt  }
0x3f: {  	_ =	shalt  }
0x40: {  	_ =	shalt  }
0x41: {  	_ =	shalt  }
0x42: {  	_ =	shalt  }
0x43: {  	_ =	shalt  }
0x44: {  	_ =	shalt  }
0x45: {  	_ =	shalt  }
0x46: {  	_ =	shalt  }
0x47: {  	_ =	shalt  }
0x48: {  	_ =	shalt  }
0x49: {  	_ =	shalt  }
0x4a: {  	_ =	shalt  }
0x4b: {  	_ =	shalt  }
0x4c: {  	_ =	shalt  }
0x4d: {  	_ =	shalt  }
0x4e: {  	_ =	shalt  }
0x4f: {  	_ =	shalt  }
0x50: {  	_ =	shalt  }
0x51: {  	_ =	shalt  }
0x52: {  	_ =	shalt  }
0x53: {  	_ =	shalt  }
0x54: {  	_ =	shalt  }
0x55: {  	_ =	shalt  }
0x56: {  	_ =	shalt  }
0x57: {  	_ =	shalt  }
0x58: {  	_ =	shalt  }
0x59: {  	_ =	shalt  }
0x5a: {  	_ =	shalt  }
0x5b: {  	_ =	shalt  }
0x5c: {  	_ =	shalt  }
0x5d: {  	_ =	shalt  }
0x5e: {  	_ =	shalt  }
0x5f: {  	_ =	shalt  }
0x60: {  	_ =	shalt  }
0x61: {  	_ =	shalt  }
0x62: {  	_ =	shalt  }
0x63: {  	_ =	shalt  }
0x64: {  	_ =	shalt  }
0x65: {  	_ =	shalt  }
0x66: {  	_ =	shalt  }
0x67: {  	_ =	shalt  }
0x68: {  	_ =	shalt  }
0x69: {  	_ =	shalt  }
0x6a: {  	_ =	shalt  }
0x6b: {  	_ =	shalt  }
0x6c: {  	_ =	shalt  }
0x6d: {  	_ =	shalt  }
0x6e: {  	_ =	shalt  }
0x6f: {  	_ =	shalt  }
0x70: {  	_ =	shalt  }
0x71: {  	_ =	shalt  }
0x72: {  	_ =	shalt  }
0x73: {  	_ =	shalt  }
0x74: {  	_ =	shalt  }
0x75: {  	_ =	shalt  }
0x76: {  	_ =	shalt  }
0x77: {  	_ =	shalt  }
0x78: {  	_ =	shalt  }
0x79: {  	_ =	shalt  }
0x7a: {  	_ =	shalt  }
0x7b: {  	_ =	shalt  }
0x7c: {  	_ =	shalt  }
0x7d: {  	_ =	shalt  }
0x7e: {  	_ =	shalt  }
0x7f: {  	_ =	shalt  }
0x80: {  	_ =	shalt  }
0x81: {  	_ =	shalt  }
0x82: {  	_ =	shalt  }
0x83: {  	_ =	shalt  }
0x84: {  	_ =	shalt  }
0x85: {  	_ =	shalt  }
0x86: {  	_ =	shalt  }
0x87: {  	_ =	shalt  }
.Lfunc_end0:
.L_simem_size_0:
called_computation.1_lowered:
.L_overlay_start_0:
0x88: {  	s2 =	sld [smem:$0x3FD9]  }
0x89: {  	s3 =	sld [smem:$0x3FFE];
	_ =	sdelay $0x1  }
0x8a: {  	s1 =	srdreg.scid  }
0x8b: {  	s0 =	sand.u32 $0x1, s1  }
0x8c: {  	s16 =	sshll.u32 s0, $0xA;
	s2 =	sadd.s32 s3, s2  }
0x8d: {  	s2 =	sadd.s32 s2, s16  }
0x8e: {  	[smem:$0x3FBF] =	sst s2  }
0x8f: {  	_ = 	snop  }
0x90: {  	(tm) =	ssettm $0x1  }
0x91: {  	s17 =	sld [smem:$0x3FFB];
	_ =	sdelay $0x3  }
0x92: {  	_ =	strace s17  }
0x93: {  	s2 =	sld [smem:$0x3FFC];
	_ =	sdelay $0x3  }
0x94: {  	_ =	strace s2  }
0x95: {  	s2 =	sld [smem:$0x3FFD];
	_ =	sdelay $0x3  }
0x96: {  	_ =	strace s2  }
0x97: {  	_ =	strace $0x8FFFFFFF  }
0x98: {  	s18 =	sld [smem:$0x3FDB];
	_ =	sdelay $0x1  }
0x99: {  	s19 =	simm.s32 $_scs_section_size  }
0x9a: {  	s4 =	simm.s32 $_size__tile_overlayer_lowered;
	s5 =	simm.s32 $_tile_overlayer_lowered  }
0x9b: {  	s22 =	simm.s32 $0x1BFF;
	s21 =	sshll.u32 s5, $0x1;
	s2 =	sadd.s32 s19, s18  }
0x9c: {  	s6 =	simm.s32 $0x0;
	s20 =	sshll.u32 s4, $0x1;
	s4 =	sadd.s32 s21, s2  }
0x9d: {  	[timem:s6], [sflag:s22] =	dma.local [hbm:s4], s20  }
0x9e: {  	_ =	swait.ge [sflag:s22], s20  }
0x9f: {  	s3 =	ssub.s32 $0x0, s20;
	[sflag:s22] =	ssyncset.done $0x0  }
0xa0: {  	[sflag:s22] =	ssyncadd.s32 s3;
	_ =	sdelay $0x1  }
0xa1: {  	s23 =	simm.s32 $0x1B8B  }
0xa2: {  	_ =	swait.ge [sflag:s23], $0x1  }
0xa3: {  	[sflag:s23] =	ssyncset.done $0x0  }
0xa4: {  	s25 =	simm.s32 $0x1B8E;
	s24 =	sld [smem:$0x3FFE];
	[sflag:s23] =	ssyncadd.s32 $0xFFFFFFFF  }
0xa5: {  	s26 =	simm.s32 $execute0_lowered;
	[smem:$0x3FD2] =	sst s25  }
0xa6: {  	s4 =	sshll.u32 s26, $0x1;
	_ =	strace $0x80000049;
	[dreg:$0x1] =	wrdreg $0xFFFFFFFF  }
0xa7: {  	s28 =	simm.s32 $_size_execute0_lowered;
	s2 =	sadd.s32 s2, s4;
	[dreg:$0x0] =	wrdreg $0x0  }
0xa8: {  	s4 =	sshll.u32 s28, $0x1;
	[dreg:$0x2] =	wrdreg s2  }
0xa9: {  	[dreg:$0x3] =	wrdreg s4  }
0xaa: {  	[dreg:$0x4] =	wrdreg $0xC0  }
0xab: {  	_ =	task [dreg:s6], $0x5FFFF  }
0xac: {  	[dreg:$0x1] =	wrdreg $0xFFFFFFFF  }
0xad: {  	[dreg:$0x0] =	wrdreg $0x60  }
0xae: {  	[dreg:$0x2] =	wrdreg s24  }
0xaf: {  	[dreg:$0x3] =	wrdreg $0x128800  }
0xb0: {  	[dreg:$0x4] =	wrdreg $0x9  }
0xb1: {  	_ =	task.clear_ibuf [dreg:s6], $0x5FFFF;
	_ =	strace $0x90000049  }
0xb2: {  	s29 =	simm.s32 $0x9;
	_ =	strace $0x8000004B  }
0xb3: {  	_ =	swait.ge [sflag:s29], $0x1  }
0xb4: {  	[sflag:s29] =	ssyncadd.s32 $0xFFFFFFFF  }
0xb5: {  	_ =	strace $0x9000004B  }
0xb6: {  	_ =	sfence  }
0xb7: {  	s30 =	sld [smem:$0x0];
	_ =	sdelay $0x2  }
0xb8: {  	s31 =	sshll.u32 s1, $0xD;
	s1 =	sshrl.u32 s1, $0x2  }
0xb9: {  	s3 =	sand.u32 $0x4000, s31;
	s1 =	sadd.s32 s1, s30  }
0xba: {  	s0 =	sor.u32 s3, s0;
	s1 =	sshll.u32 s1, $0x11  }
0xbb: {  	s0 =	sor.u32 s1, s0  }
0xbc: {  	s0 =	sadd.s32 $0x8F2B, s0  }
0xbd: {  	[sflag:s0] =	ssyncadd.remote.s32 $0x1  }
0xbe: {  	_ =	sfence.sel $0xFFFF  }
0xbf: {  	[dreg:$0x0] =	wrdreg $0xFFFFFFFF;
	(pc) =	sbr.abs _section_cstart, $3  }
0xc0: {  	[dreg:$0x1] =	wrdreg $0xFFFFFFFF  }
0xc1: {  	_ =	task.clear_ibuf [dreg:s6], $0x2FFFF;
	_ =	strace $0x9FFFFFFF  }
0xc2: {  	(tm) =	ssettm $0x7FFFFFFF  }
0xc3: {  	_ =	shalt  }
tec
execute0_lowered:
.L_overlay_start_1:
0x0: {  	(tag) =	ssettag $0x1  }
0x1: {  	s0 =	rddreg [dreg:$0x0]  }
0x2: {  	s1 =	srdreg.scid;
	s2 =	rddreg [dreg:$0x1];
	s3 =	simm.s32 $0x0  }
0x3: {  	s19 =	simm.s32 $0x80;
	s20 =	simm.s32 $0xE880;
	s12 =	sand.u32 $0x1, s1  }
0x4: {  	s21 =	simm.s32 $0x1;
	s1 =	stileid.u32;
	s4 =	smul.u32 $0x54000, s12  }
0x5: {  	s22 =	simm.s32 $0x0;
	[smem:$0x7FF] =	sst s3;
	s5 =	smul.u32 $0x5400, s1  }
0x6: {  	_ =	strace $0x8000004A;
	s6 =	sshll.u32 s1, $0x4;
	s26 =	ssub.s32 $0x2, s12  }
0x7: {  	s9 =	sshll.u32 s12, $0x8;
	s28 =	sshll.u32 s12, $0x7;
	s14 =	smul.u32 $0x1400, s12  }
0x8: {  	s29 =	sshll.u32 s1, $0xE;
	s15 =	sor.u32 $0x10, s1;
	s18 =	sor.u32 $0x20, s1  }
0x9: {  	s12 =	smul.u32 $0x14000, s12;
	p0 =	seq.s32 s1, $0x8;
	s30 =	sshll.u32 s1, $0xB  }
0xa: {  	s6 =	sadd.s32 s6, s0;
	s8 =	sshrl.u32 s26, $0x1;
	s13 =	sor.u32 $0x2800, s28  }
0xb: {  	s10 =	sshll.u32 s15, $0xE;
	s11 =	sshll.u32 s18, $0xE;
	s16 =	sshll.u32 s18, $0x7  }
0xc: {  	s15 =	sshll.u32 s15, $0xB;
	s5 =	sadd.s32 s5, s4;
	s4 =	sadd.s32 $0x40C00, s0  }
0xd: {  	s8 =	ssub.s32 s26, s8;
	s9 =	sadd.s32 s9, s6;
	s10 =	sadd.s32 s10, s2  }
0xe: {  	s11 =	sadd.s32 s11, s2;
	s14 =	sadd.s32 s14, s16;
	s31 =	sadd.s32 s12, s30  }
0xf: {  	s15 =	sadd.s32 s12, s15;
	s5 =	sshrl.u32 s5, $0x3;
	s8 =	smax.u32 s8, $0x1  }
.Ltmp0:
0x10: {  	s14 =	smov.u32 @p0 s13;
	p0 =	sgt.u32 s18, $0x28;
	(pc) =	sbr.rel .LBB2_1-.Ltmp0, $4  }
0x11: {  	s18 =	simm.s32 $0xA880;
	s7 =	sadd.s32 s5, s0;
	s0 =	sadd.s32 $0x67E00, s0  }
0x12: {  	s14 =	sshll.u32 s14, $0x4;
	s5 =	sadd.s32 $0x3400, s7;
	s6 =	sadd.s32 $0x18400, s7  }
0x13: {  	s7 =	sadd.s32 $0x40A00, s9;
	s9 =	sadd.s32 s29, s2;
	s12 =	sadd.s32 s0, s31  }
0x14: {  	v0 =	vimm.f32 $0.0e+00;
	s13 =	sadd.s32 s0, s15;
	s14 =	sadd.s32 s0, s14;
	s15 =	simm.s32 $0x3  }
.LBB2_6:
0x15: {  	[tilespmem:s0], [sflag:$0x2] =	stream.indirect.gather @!p1 [hbm4b:s4+s31], $0x80, s29, s31, $0xb8;
	[tilespmem:$0x1CC80] =	vst v63  }
.LBB2_7:
0x16: {  	s0 =	sshll.u32 s1, $0x6  }
0x17: {  	[bflag:$0x0] =	sbarrier.arrive $0xFFFF;
	s16 =	sshrl.u32 s9, $0x3;
	s0 =	sor.u32 $0x1C03, s0  }
0x18: {  	[hbm:s12], [sflag:s0] =	dma.local [spmem:s16], $0x800  }
0x19: {  	_ =	swait.ge [sflag:s15], $0x800  }
0x1a: {  	[sflag:s15] =	ssyncset.done $0x0  }
0x1b: {  	s31 =	sshrl.u32 s10, $0x3;
	[sflag:s15] =	ssyncadd.s32 $0xFFFFF800  }
0x1c: {  	[hbm:s13], [sflag:s0] =	dma.local [spmem:s31], $0x800  }
0x1d: {  	s22 =	sadd.s32 $0x1, s22;
	_ =	swait.ge [sflag:s15], $0x800  }
0x1e: {  	p1 =	sne.s32 s22, s8;
	[sflag:s15] =	ssyncset.done $0x0  }
.Ltmp1:
0x1f: {  	s16 =	sshrl.u32 @!p0 s11, $0x3;
	[sflag:s15] =	ssyncadd.s32 $0xFFFFF800;
	(pc) =	sbr.rel @!p1 .LBB2_8-.Ltmp1, $4  }
0x20: {  	[hbm:s14], [sflag:s0] =	dma.local @!p0 [spmem:s16], $0x800  }
0x21: {  	_ =	swait.ge @!p0 [sflag:s23], $0x800  }
0x22: {  	[sflag:s23] =	ssyncset.done @!p0 $0x0  }
0x23: {  	[sflag:s23] =	ssyncadd.s32 @!p0 $0xFFFFF800  }
.LBB2_1:
0x24: {  	[tilespmem:s3], [sflag:$0x3] =	stream.linear.gather [hbm4b:s5+s3], $0x5180, $0x38;
	[tilespmem:$0x1CC80] =	vst v63  }
0x25: {  	_ =	swait.ge [sflag:s15], $0x5180  }
0x26: {  	[sflag:s15] =	ssyncset.done $0x0  }
0x27: {  	s0 =	simm.s32 $0x5400;
	[sflag:s15] =	ssyncadd.s32 $0xFFFFAE80  }
0x28: {  	[tilespmem:s0], [sflag:$0x3] =	stream.linear.gather [hbm4b:s6+s3], $0x5180, $0x38;
	[tilespmem:$0x1CC80] =	vst v63  }
0x29: {  	_ =	swait.ge [sflag:s15], $0x5180  }
0x2a: {  	[sflag:s15] =	ssyncset.done $0x0  }
0x2b: {  	s31 =	simm.s32 $0xA800;
	[sflag:s15] =	ssyncadd.s32 $0xFFFFAE80  }
0x2c: {  	[tilespmem:s31], [sflag:$0x3] =	stream.linear.gather [hbm4b:s7+s3], $0x80, $0x38;
	[tilespmem:$0x1CC80] =	vst v63  }
0x2d: {  	_ =	swait.ge [sflag:s15], $0x80  }
0x2e: {  	[sflag:s15] =	ssyncset.done $0x0  }
0x2f: {  	[sflag:s15] =	ssyncadd.s32 $0xFFFFFF80  }
0x30: {  	s23 =	simm.s32 $0x0;
	s0 =	simm.s32 $0x200;
	v1 =	vld [tilespmem:$0xA800]  }
.LBB2_2:
0x31: {  	p1 =	sne.s32 s0, $0xFE00;
	[tilespmem:s23+$0xA8F0] =	vst v0  }
0x32: {  	[tilespmem:s23+$0xA880] =	vst v0  }
0x33: {  	[tilespmem:s23+$0xA890] =	vst v0  }
.Ltmp2:
0x34: {  	[tilespmem:s23+$0xA8A0] =	vst v0;
	(pc) =	sbr.rel @p1 .LBB2_2-.Ltmp2, $4  }
0x35: {  	[tilespmem:s23+$0xA8B0] =	vst v0  }
0x36: {  	[tilespmem:s23+$0xA8C0] =	vst v0  }
0x37: {  	[tilespmem:s23+$0xA8D0] =	vst v0  }
0x38: {  	[tilespmem:s23+$0xA8E0] =	vst v0;
	s23 =	sshra.s32 s0, $0x2;
	s0 =	sadd.s32 $0x200, s0  }
0x39: {  	[tilespmem:s23+$0xA8F0] =	vst v0  }
0x3a: {  	[tilespmem:s23+$0xA880] =	vst v0  }
0x3b: {  	[tilespmem:s23+$0xA890] =	vst v0  }
0x3c: {  	[tilespmem:s23+$0xA8A0] =	vst v0  }
0x3d: {  	[tilespmem:s23+$0xA8B0] =	vst v0  }
0x3e: {  	[tilespmem:s23+$0xA8C0] =	vst v0  }
0x3f: {  	[tilespmem:s23+$0xA8D0] =	vst v0  }
0x40: {  	[tilespmem:s23+$0xA8E0] =	vst v0  }
0x41: {  	[spmem:s9] =	stream.linear.scatter [tilespmem:s18], [sflag:$0x3], $0x4000, $0x38;
	[tilespmem:$0x1CC80] =	vst v63  }
0x42: {  	_ =	swait.ge [sflag:s15], $0x4000  }
0x43: {  	[sflag:s15] =	ssyncset.done $0x0  }
0x44: {  	[sflag:s15] =	ssyncadd.s32 $0xFFFFC000  }
0x45: {  	[spmem:s10] =	stream.linear.scatter [tilespmem:s18], [sflag:$0x3], $0x4000, $0x38;
	[tilespmem:$0x1CC80] =	vst v63  }
0x46: {  	_ =	swait.ge [sflag:s15], $0x4000  }
0x47: {  	[sflag:s15] =	ssyncset.done $0x0  }
0x48: {  	s0 =	simm.s32 @!p0 $0xA880;
	s23 =	simm.s32 @!p0 $0x3;
	[sflag:s15] =	ssyncadd.s32 $0xFFFFC000  }
0x49: {  	[spmem:s11] =	stream.linear.scatter @!p0 [tilespmem:s0], [sflag:$0x3], $0x4000, $0x38;
	[tilespmem:$0x1CC80] =	vst v63  }
0x4a: {  	_ =	swait.ge @!p0 [sflag:s23], $0x4000  }
0x4b: {  	(v2sf) =	vpush v1, $0x0;
	_ =	sdelay $0xe  }
0x4c: {  	s30 =	spop (v2sf)  }
0x4d: {  	s24 =	sand.u32 $0x1, s30  }
0x4e: {  	p1 =	slt.s32 s30, $0x1;
	p2 =	seq.s32 s24, $0x1  }
0x4f: {  	s31 =	sshrl.u32 s30, $0x1F;
	p1 =	por !p1, !p2  }
0x50: {  	s0 =	sadd.s32 s31, s30;
	s24 =	simm.s32 $0x1;
	p1 =	por !p1, !p1  }
0x51: {  	s0 =	sshra.s32 s0, $0x1;
	s24 =	simm.s32 @!p1 $0x0  }
0x52: {  	s24 =	ssub.s32 s0, s24  }
0x53: {  	[sflag:s23] =	ssyncset.done @!p0 $0x0;
	p1 =	slt.s32 s24, $0x1  }
.Ltmp3:
0x54: {  	[sflag:s23] =	ssyncadd.s32 @!p0 $0xFFFFC000;
	(pc) =	sbr.rel @p1 .LBB2_7-.Ltmp3, $4  }
0x55: {  	[bflag:$0x0] =	sbarrier.arrive $0xFFFF  }
0x56: {  	[tilespmem:s18], [sflag:$0x1] =	stream.indirect.gather [hbm4b:s4+s19], $0x80, s3, s19, $0xb8;
	[tilespmem:$0x1CC80] =	vst v63  }
0x57: {  	_ = 	snop  }
0x58: {  	[tilespmem:s20], [sflag:$0x2] =	stream.indirect.gather [hbm4b:s4+s19], $0x80, s19, s19, $0xb8;
	[tilespmem:$0x1CC80] =	vst v63  }
0x59: {  	_ =	swait.ge [sflag:s21], $0x4000  }
0x5a: {  	[sflag:s21] =	ssyncset.done $0x0  }
0x5b: {  	s0 =	simm.s32 $0x5400;
	[sflag:s21] =	ssyncadd.s32 $0xFFFFC000  }
0x5c: {  	[spmem:s2] =	stream.indirect.scatter.add.f32 [tilespmem:s18], [sflag:$0x3], $0x80, s0, s19, $0xb8;
	[tilespmem:$0x1CC80] =	vst v63  }
0x5d: {  	s25 =	sadd.s32 $0xFFFFFFFF, s24;
	_ =	swait.ge [sflag:s15], $0x4000  }
0x5e: {  	p1 =	sle.s32 s25, $0x0;
	[sflag:s15] =	ssyncset.done $0x0  }
0x5f: {  	s0 =	simm.s32 @p1 $0x2;
	[sflag:s15] =	ssyncadd.s32 $0xFFFFC000  }
0x60: {  	_ =	swait.ge @p1 [sflag:s0], $0x4000  }
0x61: {  	s26 =	simm.s32 $0x5480;
	s28 =	simm.s32 @p1 $0x3;
	[sflag:s0] =	ssyncset.done @p1 $0x0  }
0x62: {  	s29 =	simm.s32 @p1 $0xE880;
	[sflag:s0] =	ssyncadd.s32 @p1 $0xFFFFC000;
	s0 =	simm.s32 @p1 $0x80  }
0x63: {  	[spmem:s2] =	stream.indirect.scatter.add.f32 @p1 [tilespmem:s29], [sflag:$0x3], $0x80, s26, s0, $0xb8;
	[tilespmem:$0x1CC80] =	vst v63  }
0x64: {  	_ =	swait.ge @p1 [sflag:s28], $0x4000  }
0x65: {  	s31 =	simm.s32 @!p1 $0x80;
	s0 =	simm.s32 @!p1 $0xA880;
	[sflag:s28] =	ssyncset.done @p1 $0x0  }
0x66: {  	s29 =	simm.s32 @!p1 $0x2;
	[sflag:s28] =	ssyncadd.s32 @p1 $0xFFFFC000;
	s28 =	simm.s32 @!p1 $0x100  }
0x67: {  	[tilespmem:s0], [sflag:$0x1] =	stream.indirect.gather @!p1 [hbm4b:s4+s31], $0x80, s28, s31, $0xb8;
	[tilespmem:$0x1CC80] =	vst v63  }
0x68: {  	_ =	swait.ge @!p1 [sflag:s29], $0x4000  }
0x69: {  	p2 =	sne.s32 s24, $0x1;
	s28 =	simm.s32 @!p1 $0x3;
	[sflag:s29] =	ssyncset.done @!p1 $0x0  }
.Ltmp4:
0x6a: {  	s0 =	simm.s32 @!p1 $0xE880;
	[sflag:s29] =	ssyncadd.s32 @!p1 $0xFFFFC000;
	(pc) =	sbr.rel @!p2 .LBB2_6-.Ltmp4, $4  }
0x6b: {  	[spmem:s2] =	stream.indirect.scatter.add.f32 @!p1 [tilespmem:s0], [sflag:$0x3], $0x80, s26, s31, $0xb8;
	[tilespmem:$0x1CC80] =	vst v63  }
0x6c: {  	_ =	swait.ge @!p1 [sflag:s28], $0x4000  }
0x6d: {  	s30 =	simm.s32 $0x5580;
	s29 =	simm.s32 $0x180;
	[sflag:s28] =	ssyncset.done @!p1 $0x0  }
0x6e: {  	s26 =	simm.s32 $0x1;
	[sflag:s28] =	ssyncadd.s32 @!p1 $0xFFFFC000;
	s28 =	simm.s32 $0x280  }
.LBB2_5:
0x6f: {  	[tilespmem:s0], [sflag:$0x2] =	stream.indirect.gather @!p1 [hbm4b:s4+s31], $0x80, s29, s31, $0xb8;
	[tilespmem:$0x1CC80] =	vst v63  }
0x70: {  	s0 =	smov.u32 s26;
	s26 =	sadd.s32 $0x1, s26;
	_ =	swait.ge [sflag:s21], $0x4000  }
0x71: {  	s29 =	smov.u32 s28;
	p2 =	sne.s32 s24, s26;
	[sflag:s21] =	ssyncset.done $0x0  }
0x72: {  	s31 =	sadd.s32 $0xFFFFFF80, s30;
	[sflag:s21] =	ssyncadd.s32 $0xFFFFC000  }
0x73: {  	[spmem:s2] =	stream.indirect.scatter.add.f32 [tilespmem:s18], [sflag:$0x3], $0x80, s31, s19, $0xb8;
	[tilespmem:$0x1CC80] =	vst v63  }
0x74: {  	_ =	swait.ge [sflag:s15], $0x4000  }
0x75: {  	p1 =	sge.s32 s0, s25;
	[sflag:s15] =	ssyncset.done $0x0  }
0x76: {  	s0 =	simm.s32 @p1 $0x2;
	[sflag:s15] =	ssyncadd.s32 $0xFFFFC000  }
0x77: {  	_ =	swait.ge @p1 [sflag:s0], $0x4000  }
0x78: {  	s31 =	simm.s32 @p1 $0x3;
	[sflag:s0] =	ssyncset.done @p1 $0x0  }
0x79: {  	s16 =	simm.s32 @p1 $0xE880;
	[sflag:s0] =	ssyncadd.s32 @p1 $0xFFFFC000;
	s0 =	simm.s32 @p1 $0x80  }
0x7a: {  	[spmem:s2] =	stream.indirect.scatter.add.f32 @p1 [tilespmem:s16], [sflag:$0x3], $0x80, s30, s0, $0xb8;
	[tilespmem:$0x1CC80] =	vst v63  }
0x7b: {  	_ =	swait.ge @p1 [sflag:s31], $0x4000  }
0x7c: {  	s0 =	simm.s32 @!p1 $0xA880;
	s16 =	simm.s32 @!p1 $0x2;
	[sflag:s31] =	ssyncset.done @p1 $0x0  }
0x7d: {  	s17 =	sadd.s32 @!p1 $0xFFFFFF80, s28;
	[sflag:s31] =	ssyncadd.s32 @p1 $0xFFFFC000;
	s31 =	simm.s32 @!p1 $0x80  }
0x7e: {  	[tilespmem:s0], [sflag:$0x1] =	stream.indirect.gather @!p1 [hbm4b:s4+s31], $0x80, s17, s31, $0xb8;
	[tilespmem:$0x1CC80] =	vst v63  }
0x7f: {  	_ =	swait.ge @!p1 [sflag:s16], $0x4000  }
0x80: {  	s17 =	simm.s32 @!p1 $0x3;
	[sflag:s16] =	ssyncset.done @!p1 $0x0  }
.Ltmp5:
0x81: {  	s0 =	simm.s32 @!p1 $0xE880;
	[sflag:s16] =	ssyncadd.s32 @!p1 $0xFFFFC000;
	(pc) =	sbr.rel @p2 .LBB2_5-.Ltmp5, $4  }
0x82: {  	[spmem:s2] =	stream.indirect.scatter.add.f32 @!p1 [tilespmem:s0], [sflag:$0x3], $0x80, s30, s31, $0xb8;
	[tilespmem:$0x1CC80] =	vst v63  }
0x83: {  	_ =	swait.ge @!p1 [sflag:s17], $0x4000  }
0x84: {  	[sflag:s17] =	ssyncset.done @!p1 $0x0  }
0x85: {  	s28 =	sadd.s32 $0x100, s28;
	s30 =	sadd.s32 $0x100, s30;
	[sflag:s17] =	ssyncadd.s32 @!p1 $0xFFFFC000  }
.Ltmp6:
0x86: {  	_ = 	snop;
	(pc) =	sbr.rel .LBB2_6-.Ltmp6, $1  }
0x87: {  	_ =	sdelay $0x3  }
.LBB2_8:
0x88: {  	_ =	sfence.sel $0x180000  }
0x89: {  	[bflag:$0x0] =	sbarrier.arrive $0xFFFF  }
0x8a: {  	_ =	strace $0x9000004A  }
0x8b: {  	[bflag:$0x2] =	sbarrier.arrive $0xFFFF  }
0x8c: {  	p0 =	sne.s32 s1, $0x0;
	s0 =	rddreg [dreg:$0x2]  }
0x8d: {  	s0 =	sadd.s32 @!p0 $0x100000, s0  }
0x8e: {  	[sflag:s0] =	ssyncadd.tile.s32 @!p0 $0x1;
	_ =	shalt  }
.Lfunc_end2:
_tile_overlayer_lowered:
.L_overlay_start_2:
0x8f: {  	(tag) =	ssettag $0x2  }
0x90: {  	s0 =	rddreg [dreg:$0x0];
	s2 =	stileid.u32  }
0x91: {  	s1 =	rddreg [dreg:$0x1];
	p0 =	sne.s32 s2, $0x0  }
0x92: {  	s3 =	rddreg [dreg:$0x2];
	[bflag:$0x3] =	sbarrier.arrive $0xFFFF;
	s2 =	simm.s32 @!p0 $0x1C03  }
0x93: {  	[timem:s3], [sflag:s2] =	dma.local @!p0 [hbm:s0], s1  }
0x94: {  	s0 =	simm.s32 @!p0 $0x3  }
0x95: {  	_ =	swait.ge @!p0 [sflag:s0], s1  }
0x96: {  	s1 =	ssub.s32 @!p0 $0x0, s1;
	[sflag:s0] =	ssyncset.done @!p0 $0x0  }
0x97: {  	[sflag:s0] =	ssyncadd.s32 @!p0 s1  }
0x98: {  	[bflag:$0x3] =	sbarrier.arrive $0xFFFF  }
0x99: {  	_ =	shalt  }

// kernel: kernel.14.cloned.1.call-start
scs
__scs_entry_jumppad:
0x0: {  	(pc) =	sbr.rel $0x88, $3  }
0x1: {  	(tag) =	ssettag $0x0;
	lr =	simm.s32 $0x1  }
0x2: {  	[smem:$0x3F98] =	sst lr;
	_ =	strace $0xD0000000  }
0x3: {  	_ = 	snop  }
0x4: {  	_ = 	snop  }
0x5: {  	_ = 	snop  }
0x6: {  	_ = 	snop  }
0x7: {  	_ = 	snop  }
__scs_overlays_trampoline_lowered:
0x8: {  	[smem:$0x3FA7] =	sst s0  }
0x9: {  	[smem:$0x3FA8] =	sst s1  }
0xa: {  	[smem:$0x3FA9] =	sst s2  }
0xb: {  	[smem:$0x3FAA] =	sst s3  }
0xc: {  	[smem:$0x3FAB] =	sst s4  }
0xd: {  	[smem:$0x3FAC] =	sst s5  }
0xe: {  	[smem:$0x3FAD] =	sst s6  }
0xf: {  	[smem:$0x3FAE] =	sst s7  }
0x10: {  	[smem:$0x3FAF] =	sst s8  }
0x11: {  	[smem:$0x3FB0] =	sst s9;
	s0 =	simm.s32 @!p0 $0x0  }
0x12: {  	s1 =	sld [smem:$0x3F96];
	s0 =	simm.s32 @p0 $0x1  }
0x13: {  	[smem:$0x3FB1] =	sst s0;
	s0 =	simm.s32 @!p1 $0x0  }
0x14: {  	s2 =	sld [smem:$0x3F95];
	s0 =	simm.s32 @p1 $0x1  }
0x15: {  	[smem:$0x3FB2] =	sst s0;
	s0 =	simm.s32 @!p2 $0x0  }
0x16: {  	s3 =	sld [smem:$0x3FDB];
	s0 =	simm.s32 @p2 $0x1  }
0x17: {  	s4 =	simm.s32 $0x1BF5;
	[smem:$0x3FB4] =	sst s0  }
0x18: {  	s0 =	sld [smem:$0x3F97];
	_ =	swait.ge [sflag:s4], $0x0  }
0x19: {  	s7 =	sld [smem:$0x3F98]  }
0x1a: {  	s8 =	sadd.s32 $0xFFFFE003, lr  }
0x1b: {  	s9 =	sadd.s32 $0xFFFFFEF7, lr;
	s5 =	simm.s32 $0xFFFFFFFF;
	p2 =	slt.u32 s8, $0xFFFFF086  }
0x1c: {  	p1 =	slt.u32 s9, $0xF7A;
	s5 =	simm.s32 @!p2 $0x0  }
0x1d: {  	s5 =	simm.s32 @p1 $0x1;
	p0 =	seq.s32 s7, s2  }
0x1e: {  	s7 =	smul.u32 @!p0 $0xF7A, s2;
	p2 =	seq.s32 @!p0 s5, $0x0  }
0x1f: {  	s9 =	smul.u32 $0xF7A, s1;
	s8 =	simm.s32 @!p0 $0x1BF5;
	p2 =	por !p2, p0  }
0x20: {  	[sflag:s8] =	ssyncset.s32 @!p0 $0xFFFFF086;
	s6 =	sadd.s32 @!p0 s3, s7;
	s7 =	simm.s32 @!p0 $0x108  }
0x21: {  	s3 =	sadd.s32 s3, s9;
	s6 =	sadd.s32 @!p0 $0x88, s6;
	s7 =	simm.s32 @p2 $0x1082  }
0x22: {  	[simem:s7], [sflag:s8] =	dma.local @!p0 [hbm:s6], $0xF7A  }
0x23: {  	s9 =	sor.u32 $0xD0000000, s2;
	s6 =	simm.s32 $0x108;
	_ =	swait.ge @!p0 [sflag:s8], $0x0  }
0x24: {  	s3 =	sadd.s32 $0x88, s3;
	s6 =	simm.s32 @!p1 $0x1082;
	[sflag:s4] =	ssyncset.s32 $0xFFFFF086  }
0x25: {  	[simem:s6], [sflag:s4] =	dma.local [hbm:s3], $0xF7A  }
0x26: {  	[smem:$0x3F98] =	sst s1;
	(tag) =	ssettag s2;
	_ =	strace s9  }
0x27: {  	s1 =	sld [smem:$0x3FA8]  }
0x28: {  	s2 =	sld [smem:$0x3FA9]  }
0x29: {  	s4 =	sld [smem:$0x3FAB]  }
0x2a: {  	p0 =	seq.s32 s5, $0x0;
	s5 =	sld [smem:$0x3FAC]  }
0x2b: {  	s6 =	sld [smem:$0x3FAD]  }
0x2c: {  	s7 =	sld [smem:$0x3FAE]  }
0x2d: {  	s3 =	simm.s32 $0x108;
	s8 =	sld [smem:$0x3FAF]  }
0x2e: {  	s3 =	simm.s32 @!p0 $0x1082;
	s9 =	sld [smem:$0x3FB0]  }
0x2f: {  	lr =	sadd.s32 s0, s3;
	s0 =	sld [smem:$0x3FA7]  }
0x30: {  	s3 =	sld [smem:$0x3FAA]  }
0x31: {  	[smem:$0x3FB3] =	sst s10  }
0x32: {  	s10 =	sld [smem:$0x3FB1];
	_ =	sdelay $0x3  }
0x33: {  	p0 =	seq.s32 s10, $0x1;
	s10 =	sld [smem:$0x3FB3];
	_ =	sdelay $0x3  }
0x34: {  	[smem:$0x3FB3] =	sst s10  }
0x35: {  	s10 =	sld [smem:$0x3FB2];
	_ =	sdelay $0x3  }
0x36: {  	p1 =	seq.s32 s10, $0x1;
	s10 =	sld [smem:$0x3FB3];
	_ =	sdelay $0x3  }
0x37: {  	[smem:$0x3FB3] =	sst s10  }
0x38: {  	s10 =	sld [smem:$0x3FB4]  }
0x39: {  	_ = 	snop;
	(pc) =	sbr.ind lr, $3  }
0x3a: {  	_ = 	snop  }
0x3b: {  	_ = 	snop  }
0x3c: {  	p2 =	seq.s32 s10, $0x1;
	s10 =	sld [smem:$0x3FB3]  }
0x3d: {  	_ =	shalt  }
0x3e: {  	_ =	shalt  }
0x3f: {  	_ =	shalt  }
0x40: {  	_ =	shalt  }
0x41: {  	_ =	shalt  }
0x42: {  	_ =	shalt  }
0x43: {  	_ =	shalt  }
0x44: {  	_ =	shalt  }
0x45: {  	_ =	shalt  }
0x46: {  	_ =	shalt  }
0x47: {  	_ =	shalt  }
0x48: {  	_ =	shalt  }
0x49: {  	_ =	shalt  }
0x4a: {  	_ =	shalt  }
0x4b: {  	_ =	shalt  }
0x4c: {  	_ =	shalt  }
0x4d: {  	_ =	shalt  }
0x4e: {  	_ =	shalt  }
0x4f: {  	_ =	shalt  }
0x50: {  	_ =	shalt  }
0x51: {  	_ =	shalt  }
0x52: {  	_ =	shalt  }
0x53: {  	_ =	shalt  }
0x54: {  	_ =	shalt  }
0x55: {  	_ =	shalt  }
0x56: {  	_ =	shalt  }
0x57: {  	_ =	shalt  }
0x58: {  	_ =	shalt  }
0x59: {  	_ =	shalt  }
0x5a: {  	_ =	shalt  }
0x5b: {  	_ =	shalt  }
0x5c: {  	_ =	shalt  }
0x5d: {  	_ =	shalt  }
0x5e: {  	_ =	shalt  }
0x5f: {  	_ =	shalt  }
0x60: {  	_ =	shalt  }
0x61: {  	_ =	shalt  }
0x62: {  	_ =	shalt  }
0x63: {  	_ =	shalt  }
0x64: {  	_ =	shalt  }
0x65: {  	_ =	shalt  }
0x66: {  	_ =	shalt  }
0x67: {  	_ =	shalt  }
0x68: {  	_ =	shalt  }
0x69: {  	_ =	shalt  }
0x6a: {  	_ =	shalt  }
0x6b: {  	_ =	shalt  }
0x6c: {  	_ =	shalt  }
0x6d: {  	_ =	shalt  }
0x6e: {  	_ =	shalt  }
0x6f: {  	_ =	shalt  }
0x70: {  	_ =	shalt  }
0x71: {  	_ =	shalt  }
0x72: {  	_ =	shalt  }
0x73: {  	_ =	shalt  }
0x74: {  	_ =	shalt  }
0x75: {  	_ =	shalt  }
0x76: {  	_ =	shalt  }
0x77: {  	_ =	shalt  }
0x78: {  	_ =	shalt  }
0x79: {  	_ =	shalt  }
0x7a: {  	_ =	shalt  }
0x7b: {  	_ =	shalt  }
0x7c: {  	_ =	shalt  }
0x7d: {  	_ =	shalt  }
0x7e: {  	_ =	shalt  }
0x7f: {  	_ =	shalt  }
0x80: {  	_ =	shalt  }
0x81: {  	_ =	shalt  }
0x82: {  	_ =	shalt  }
0x83: {  	_ =	shalt  }
0x84: {  	_ =	shalt  }
0x85: {  	_ =	shalt  }
0x86: {  	_ =	shalt  }
0x87: {  	_ =	shalt  }
.Lfunc_end0:
.L_simem_size_0:
called_computation.2_lowered:
.L_overlay_start_0:
0x88: {  	s2 =	sld [smem:$0x3FD9]  }
0x89: {  	s3 =	sld [smem:$0x3FFE];
	_ =	sdelay $0x1  }
0x8a: {  	s1 =	srdreg.scid  }
0x8b: {  	s0 =	sand.u32 $0x1, s1  }
0x8c: {  	s16 =	sshll.u32 s0, $0xA;
	s2 =	sadd.s32 s3, s2  }
0x8d: {  	s2 =	sadd.s32 s2, s16  }
0x8e: {  	[smem:$0x3FBF] =	sst s2  }
0x8f: {  	_ = 	snop  }
0x90: {  	(tm) =	ssettm $0x1  }
0x91: {  	s17 =	sld [smem:$0x3FFB];
	_ =	sdelay $0x3  }
0x92: {  	_ =	strace s17  }
0x93: {  	s2 =	sld [smem:$0x3FFC];
	_ =	sdelay $0x3  }
0x94: {  	_ =	strace s2  }
0x95: {  	s2 =	sld [smem:$0x3FFD];
	_ =	sdelay $0x3  }
0x96: {  	_ =	strace s2  }
0x97: {  	_ =	strace $0x8FFFFFFF  }
0x98: {  	s18 =	sld [smem:$0x3FDB];
	_ =	sdelay $0x1  }
0x99: {  	s19 =	simm.s32 $_scs_section_size  }
0x9a: {  	s4 =	simm.s32 $_size__tile_overlayer_lowered;
	s5 =	simm.s32 $_tile_overlayer_lowered  }
0x9b: {  	s22 =	simm.s32 $0x1BFF;
	s21 =	sshll.u32 s5, $0x1;
	s2 =	sadd.s32 s19, s18  }
0x9c: {  	s6 =	simm.s32 $0x0;
	s20 =	sshll.u32 s4, $0x1;
	s4 =	sadd.s32 s21, s2  }
0x9d: {  	[timem:s6], [sflag:s22] =	dma.local [hbm:s4], s20  }
0x9e: {  	_ =	swait.ge [sflag:s22], s20  }
0x9f: {  	s3 =	ssub.s32 $0x0, s20;
	[sflag:s22] =	ssyncset.done $0x0  }
0xa0: {  	[sflag:s22] =	ssyncadd.s32 s3;
	_ =	sdelay $0x1  }
0xa1: {  	s23 =	simm.s32 $0x1B8B  }
0xa2: {  	_ =	swait.ge [sflag:s23], $0x1  }
0xa3: {  	[sflag:s23] =	ssyncset.done $0x0  }
0xa4: {  	s25 =	simm.s32 $0x1B8E;
	s24 =	sld [smem:$0x3FFE];
	[sflag:s23] =	ssyncadd.s32 $0xFFFFFFFF  }
0xa5: {  	s26 =	simm.s32 $execute0_lowered;
	[smem:$0x3FD2] =	sst s25  }
0xa6: {  	s4 =	sshll.u32 s26, $0x1;
	_ =	strace $0x8000004C;
	[dreg:$0x1] =	wrdreg $0xFFFFFFFF  }
0xa7: {  	s28 =	simm.s32 $_size_execute0_lowered;
	s2 =	sadd.s32 s2, s4;
	[dreg:$0x0] =	wrdreg $0x0  }
0xa8: {  	s4 =	sshll.u32 s28, $0x1;
	[dreg:$0x2] =	wrdreg s2  }
0xa9: {  	[dreg:$0x3] =	wrdreg s4  }
0xaa: {  	[dreg:$0x4] =	wrdreg $0xC0  }
0xab: {  	_ =	task [dreg:s6], $0x5FFFF  }
0xac: {  	[dreg:$0x1] =	wrdreg $0xFFFFFFFF  }
0xad: {  	[dreg:$0x0] =	wrdreg $0x60  }
0xae: {  	[dreg:$0x2] =	wrdreg s24  }
0xaf: {  	[dreg:$0x3] =	wrdreg $0x128800  }
0xb0: {  	[dreg:$0x4] =	wrdreg $0x9  }
0xb1: {  	_ =	task.clear_ibuf [dreg:s6], $0x5FFFF;
	_ =	strace $0x9000004C  }
0xb2: {  	s29 =	simm.s32 $0x9;
	_ =	strace $0x8000004E  }
0xb3: {  	_ =	swait.ge [sflag:s29], $0x1  }
0xb4: {  	[sflag:s29] =	ssyncadd.s32 $0xFFFFFFFF  }
0xb5: {  	_ =	strace $0x9000004E  }
0xb6: {  	_ =	sfence  }
0xb7: {  	s30 =	sld [smem:$0x0];
	_ =	sdelay $0x2  }
0xb8: {  	s31 =	sshll.u32 s1, $0xD;
	s1 =	sshrl.u32 s1, $0x2  }
0xb9: {  	s3 =	sand.u32 $0x4000, s31;
	s1 =	sadd.s32 s1, s30  }
0xba: {  	s0 =	sor.u32 s3, s0;
	s1 =	sshll.u32 s1, $0x11  }
0xbb: {  	s0 =	sor.u32 s1, s0  }
0xbc: {  	s0 =	sadd.s32 $0x8F2B, s0  }
0xbd: {  	[sflag:s0] =	ssyncadd.remote.s32 $0x1  }
0xbe: {  	_ =	sfence.sel $0xFFFF  }
0xbf: {  	[dreg:$0x0] =	wrdreg $0xFFFFFFFF;
	(pc) =	sbr.abs _section_cstart, $3  }
0xc0: {  	[dreg:$0x1] =	wrdreg $0xFFFFFFFF  }
0xc1: {  	_ =	task.clear_ibuf [dreg:s6], $0x2FFFF;
	_ =	strace $0x9FFFFFFF  }
0xc2: {  	(tm) =	ssettm $0x7FFFFFFF  }
0xc3: {  	_ =	shalt  }
tec
execute0_lowered:
.L_overlay_start_1:
0x0: {  	(tag) =	ssettag $0x1  }
0x1: {  	s0 =	rddreg [dreg:$0x0]  }
0x2: {  	s1 =	srdreg.scid;
	s2 =	rddreg [dreg:$0x1];
	s3 =	simm.s32 $0x0  }
0x3: {  	s19 =	simm.s32 $0x80;
	s20 =	simm.s32 $0xE880;
	s12 =	sand.u32 $0x1, s1  }
0x4: {  	s21 =	simm.s32 $0x1;
	s1 =	stileid.u32;
	s4 =	smul.u32 $0x54000, s12  }
0x5: {  	s22 =	simm.s32 $0x0;
	[smem:$0x7FF] =	sst s3;
	s5 =	smul.u32 $0x5400, s1  }
0x6: {  	_ =	strace $0x8000004D;
	s6 =	sshll.u32 s1, $0x4;
	s26 =	ssub.s32 $0x2, s12  }
0x7: {  	s9 =	sshll.u32 s12, $0x8;
	s28 =	sshll.u32 s12, $0x7;
	s14 =	smul.u32 $0x1400, s12  }
0x8: {  	s29 =	sshll.u32 s1, $0xE;
	s15 =	sor.u32 $0x10, s1;
	s18 =	sor.u32 $0x20, s1  }
0x9: {  	s12 =	smul.u32 $0x14000, s12;
	p0 =	seq.s32 s1, $0x8;
	s30 =	sshll.u32 s1, $0xB  }
0xa: {  	s6 =	sadd.s32 s6, s0;
	s8 =	sshrl.u32 s26, $0x1;
	s13 =	sor.u32 $0x2800, s28  }
0xb: {  	s10 =	sshll.u32 s15, $0xE;
	s11 =	sshll.u32 s18, $0xE;
	s16 =	sshll.u32 s18, $0x7  }
0xc: {  	s15 =	sshll.u32 s15, $0xB;
	s5 =	sadd.s32 s5, s4;
	s4 =	sadd.s32 $0x40C00, s0  }
0xd: {  	s8 =	ssub.s32 s26, s8;
	s9 =	sadd.s32 s9, s6;
	s10 =	sadd.s32 s10, s2  }
0xe: {  	s11 =	sadd.s32 s11, s2;
	s14 =	sadd.s32 s14, s16;
	s31 =	sadd.s32 s12, s30  }
0xf: {  	s15 =	sadd.s32 s12, s15;
	s5 =	sshrl.u32 s5, $0x3;
	s8 =	smax.u32 s8, $0x1  }
.Ltmp0:
0x10: {  	s14 =	smov.u32 @p0 s13;
	p0 =	sgt.u32 s18, $0x28;
	(pc) =	sbr.rel .LBB2_1-.Ltmp0, $4  }
0x11: {  	s18 =	simm.s32 $0xA880;
	s7 =	sadd.s32 s5, s0;
	s0 =	sadd.s32 $0x67E00, s0  }
0x12: {  	s14 =	sshll.u32 s14, $0x4;
	s5 =	sadd.s32 $0x3400, s7;
	s6 =	sadd.s32 $0x18400, s7  }
0x13: {  	s7 =	sadd.s32 $0x40A00, s9;
	s9 =	sadd.s32 s29, s2;
	s12 =	sadd.s32 s0, s31  }
0x14: {  	v0 =	vimm.f32 $0.0e+00;
	s13 =	sadd.s32 s0, s15;
	s14 =	sadd.s32 s0, s14;
	s15 =	simm.s32 $0x3  }
.LBB2_6:
0x15: {  	[tilespmem:s0], [sflag:$0x2] =	stream.indirect.gather @!p1 [hbm4b:s4+s31], $0x80, s29, s31, $0xb8;
	[tilespmem:$0x1CC80] =	vst v63  }
.LBB2_7:
0x16: {  	s0 =	sshll.u32 s1, $0x6  }
0x17: {  	[bflag:$0x0] =	sbarrier.arrive $0xFFFF;
	s16 =	sshrl.u32 s9, $0x3;
	s0 =	sor.u32 $0x1C03, s0  }
0x18: {  	[hbm:s12], [sflag:s0] =	dma.local [spmem:s16], $0x800  }
0x19: {  	_ =	swait.ge [sflag:s15], $0x800  }
0x1a: {  	[sflag:s15] =	ssyncset.done $0x0  }
0x1b: {  	s31 =	sshrl.u32 s10, $0x3;
	[sflag:s15] =	ssyncadd.s32 $0xFFFFF800  }
0x1c: {  	[hbm:s13], [sflag:s0] =	dma.local [spmem:s31], $0x800  }
0x1d: {  	s22 =	sadd.s32 $0x1, s22;
	_ =	swait.ge [sflag:s15], $0x800  }
0x1e: {  	p1 =	sne.s32 s22, s8;
	[sflag:s15] =	ssyncset.done $0x0  }
.Ltmp1:
0x1f: {  	s16 =	sshrl.u32 @!p0 s11, $0x3;
	[sflag:s15] =	ssyncadd.s32 $0xFFFFF800;
	(pc) =	sbr.rel @!p1 .LBB2_8-.Ltmp1, $4  }
0x20: {  	[hbm:s14], [sflag:s0] =	dma.local @!p0 [spmem:s16], $0x800  }
0x21: {  	_ =	swait.ge @!p0 [sflag:s23], $0x800  }
0x22: {  	[sflag:s23] =	ssyncset.done @!p0 $0x0  }
0x23: {  	[sflag:s23] =	ssyncadd.s32 @!p0 $0xFFFFF800  }
.LBB2_1:
0x24: {  	[tilespmem:s3], [sflag:$0x3] =	stream.linear.gather [hbm4b:s5+s3], $0x5180, $0x38;
	[tilespmem:$0x1CC80] =	vst v63  }
0x25: {  	_ =	swait.ge [sflag:s15], $0x5180  }
0x26: {  	[sflag:s15] =	ssyncset.done $0x0  }
0x27: {  	s0 =	simm.s32 $0x5400;
	[sflag:s15] =	ssyncadd.s32 $0xFFFFAE80  }
0x28: {  	[tilespmem:s0], [sflag:$0x3] =	stream.linear.gather [hbm4b:s6+s3], $0x5180, $0x38;
	[tilespmem:$0x1CC80] =	vst v63  }
0x29: {  	_ =	swait.ge [sflag:s15], $0x5180  }
0x2a: {  	[sflag:s15] =	ssyncset.done $0x0  }
0x2b: {  	s31 =	simm.s32 $0xA800;
	[sflag:s15] =	ssyncadd.s32 $0xFFFFAE80  }
0x2c: {  	[tilespmem:s31], [sflag:$0x3] =	stream.linear.gather [hbm4b:s7+s3], $0x80, $0x38;
	[tilespmem:$0x1CC80] =	vst v63  }
0x2d: {  	_ =	swait.ge [sflag:s15], $0x80  }
0x2e: {  	[sflag:s15] =	ssyncset.done $0x0  }
0x2f: {  	[sflag:s15] =	ssyncadd.s32 $0xFFFFFF80  }
0x30: {  	s23 =	simm.s32 $0x0;
	s0 =	simm.s32 $0x200;
	v1 =	vld [tilespmem:$0xA800]  }
.LBB2_2:
0x31: {  	p1 =	sne.s32 s0, $0xFE00;
	[tilespmem:s23+$0xA8F0] =	vst v0  }
0x32: {  	[tilespmem:s23+$0xA880] =	vst v0  }
0x33: {  	[tilespmem:s23+$0xA890] =	vst v0  }
.Ltmp2:
0x34: {  	[tilespmem:s23+$0xA8A0] =	vst v0;
	(pc) =	sbr.rel @p1 .LBB2_2-.Ltmp2, $4  }
0x35: {  	[tilespmem:s23+$0xA8B0] =	vst v0  }
0x36: {  	[tilespmem:s23+$0xA8C0] =	vst v0  }
0x37: {  	[tilespmem:s23+$0xA8D0] =	vst v0  }
0x38: {  	[tilespmem:s23+$0xA8E0] =	vst v0;
	s23 =	sshra.s32 s0, $0x2;
	s0 =	sadd.s32 $0x200, s0  }
0x39: {  	[tilespmem:s23+$0xA8F0] =	vst v0  }
0x3a: {  	[tilespmem:s23+$0xA880] =	vst v0  }
0x3b: {  	[tilespmem:s23+$0xA890] =	vst v0  }
0x3c: {  	[tilespmem:s23+$0xA8A0] =	vst v0  }
0x3d: {  	[tilespmem:s23+$0xA8B0] =	vst v0  }
0x3e: {  	[tilespmem:s23+$0xA8C0] =	vst v0  }
0x3f: {  	[tilespmem:s23+$0xA8D0] =	vst v0  }
0x40: {  	[tilespmem:s23+$0xA8E0] =	vst v0  }
0x41: {  	[spmem:s9] =	stream.linear.scatter [tilespmem:s18], [sflag:$0x3], $0x4000, $0x38;
	[tilespmem:$0x1CC80] =	vst v63  }
0x42: {  	_ =	swait.ge [sflag:s15], $0x4000  }
0x43: {  	[sflag:s15] =	ssyncset.done $0x0  }
0x44: {  	[sflag:s15] =	ssyncadd.s32 $0xFFFFC000  }
0x45: {  	[spmem:s10] =	stream.linear.scatter [tilespmem:s18], [sflag:$0x3], $0x4000, $0x38;
	[tilespmem:$0x1CC80] =	vst v63  }
0x46: {  	_ =	swait.ge [sflag:s15], $0x4000  }
0x47: {  	[sflag:s15] =	ssyncset.done $0x0  }
0x48: {  	s0 =	simm.s32 @!p0 $0xA880;
	s23 =	simm.s32 @!p0 $0x3;
	[sflag:s15] =	ssyncadd.s32 $0xFFFFC000  }
0x49: {  	[spmem:s11] =	stream.linear.scatter @!p0 [tilespmem:s0], [sflag:$0x3], $0x4000, $0x38;
	[tilespmem:$0x1CC80] =	vst v63  }
0x4a: {  	_ =	swait.ge @!p0 [sflag:s23], $0x4000  }
0x4b: {  	(v2sf) =	vpush v1, $0x0;
	_ =	sdelay $0xe  }
0x4c: {  	s30 =	spop (v2sf)  }
0x4d: {  	s24 =	sand.u32 $0x1, s30  }
0x4e: {  	p1 =	slt.s32 s30, $0x1;
	p2 =	seq.s32 s24, $0x1  }
0x4f: {  	s31 =	sshrl.u32 s30, $0x1F;
	p1 =	por !p1, !p2  }
0x50: {  	s0 =	sadd.s32 s31, s30;
	s24 =	simm.s32 $0x1;
	p1 =	por !p1, !p1  }
0x51: {  	s0 =	sshra.s32 s0, $0x1;
	s24 =	simm.s32 @!p1 $0x0  }
0x52: {  	s24 =	ssub.s32 s0, s24  }
0x53: {  	[sflag:s23] =	ssyncset.done @!p0 $0x0;
	p1 =	slt.s32 s24, $0x1  }
.Ltmp3:
0x54: {  	[sflag:s23] =	ssyncadd.s32 @!p0 $0xFFFFC000;
	(pc) =	sbr.rel @p1 .LBB2_7-.Ltmp3, $4  }
0x55: {  	[bflag:$0x0] =	sbarrier.arrive $0xFFFF  }
0x56: {  	[tilespmem:s18], [sflag:$0x1] =	stream.indirect.gather [hbm4b:s4+s19], $0x80, s3, s19, $0xb8;
	[tilespmem:$0x1CC80] =	vst v63  }
0x57: {  	_ = 	snop  }
0x58: {  	[tilespmem:s20], [sflag:$0x2] =	stream.indirect.gather [hbm4b:s4+s19], $0x80, s19, s19, $0xb8;
	[tilespmem:$0x1CC80] =	vst v63  }
0x59: {  	_ =	swait.ge [sflag:s21], $0x4000  }
0x5a: {  	[sflag:s21] =	ssyncset.done $0x0  }
0x5b: {  	s0 =	simm.s32 $0x5400;
	[sflag:s21] =	ssyncadd.s32 $0xFFFFC000  }
0x5c: {  	[spmem:s2] =	stream.indirect.scatter.add.f32 [tilespmem:s18], [sflag:$0x3], $0x80, s0, s19, $0xb8;
	[tilespmem:$0x1CC80] =	vst v63  }
0x5d: {  	s25 =	sadd.s32 $0xFFFFFFFF, s24;
	_ =	swait.ge [sflag:s15], $0x4000  }
0x5e: {  	p1 =	sle.s32 s25, $0x0;
	[sflag:s15] =	ssyncset.done $0x0  }
0x5f: {  	s0 =	simm.s32 @p1 $0x2;
	[sflag:s15] =	ssyncadd.s32 $0xFFFFC000  }
0x60: {  	_ =	swait.ge @p1 [sflag:s0], $0x4000  }
0x61: {  	s26 =	simm.s32 $0x5480;
	s28 =	simm.s32 @p1 $0x3;
	[sflag:s0] =	ssyncset.done @p1 $0x0  }
0x62: {  	s29 =	simm.s32 @p1 $0xE880;
	[sflag:s0] =	ssyncadd.s32 @p1 $0xFFFFC000;
	s0 =	simm.s32 @p1 $0x80  }
0x63: {  	[spmem:s2] =	stream.indirect.scatter.add.f32 @p1 [tilespmem:s29], [sflag:$0x3], $0x80, s26, s0, $0xb8;
	[tilespmem:$0x1CC80] =	vst v63  }
0x64: {  	_ =	swait.ge @p1 [sflag:s28], $0x4000  }
0x65: {  	s31 =	simm.s32 @!p1 $0x80;
	s0 =	simm.s32 @!p1 $0xA880;
	[sflag:s28] =	ssyncset.done @p1 $0x0  }
0x66: {  	s29 =	simm.s32 @!p1 $0x2;
	[sflag:s28] =	ssyncadd.s32 @p1 $0xFFFFC000;
	s28 =	simm.s32 @!p1 $0x100  }
0x67: {  	[tilespmem:s0], [sflag:$0x1] =	stream.indirect.gather @!p1 [hbm4b:s4+s31], $0x80, s28, s31, $0xb8;
	[tilespmem:$0x1CC80] =	vst v63  }
0x68: {  	_ =	swait.ge @!p1 [sflag:s29], $0x4000  }
0x69: {  	p2 =	sne.s32 s24, $0x1;
	s28 =	simm.s32 @!p1 $0x3;
	[sflag:s29] =	ssyncset.done @!p1 $0x0  }
.Ltmp4:
0x6a: {  	s0 =	simm.s32 @!p1 $0xE880;
	[sflag:s29] =	ssyncadd.s32 @!p1 $0xFFFFC000;
	(pc) =	sbr.rel @!p2 .LBB2_6-.Ltmp4, $4  }
0x6b: {  	[spmem:s2] =	stream.indirect.scatter.add.f32 @!p1 [tilespmem:s0], [sflag:$0x3], $0x80, s26, s31, $0xb8;
	[tilespmem:$0x1CC80] =	vst v63  }
0x6c: {  	_ =	swait.ge @!p1 [sflag:s28], $0x4000  }
0x6d: {  	s30 =	simm.s32 $0x5580;
	s29 =	simm.s32 $0x180;
	[sflag:s28] =	ssyncset.done @!p1 $0x0  }
0x6e: {  	s26 =	simm.s32 $0x1;
	[sflag:s28] =	ssyncadd.s32 @!p1 $0xFFFFC000;
	s28 =	simm.s32 $0x280  }
.LBB2_5:
0x6f: {  	[tilespmem:s0], [sflag:$0x2] =	stream.indirect.gather @!p1 [hbm4b:s4+s31], $0x80, s29, s31, $0xb8;
	[tilespmem:$0x1CC80] =	vst v63  }
0x70: {  	s0 =	smov.u32 s26;
	s26 =	sadd.s32 $0x1, s26;
	_ =	swait.ge [sflag:s21], $0x4000  }
0x71: {  	s29 =	smov.u32 s28;
	p2 =	sne.s32 s24, s26;
	[sflag:s21] =	ssyncset.done $0x0  }
0x72: {  	s31 =	sadd.s32 $0xFFFFFF80, s30;
	[sflag:s21] =	ssyncadd.s32 $0xFFFFC000  }
0x73: {  	[spmem:s2] =	stream.indirect.scatter.add.f32 [tilespmem:s18], [sflag:$0x3], $0x80, s31, s19, $0xb8;
	[tilespmem:$0x1CC80] =	vst v63  }
0x74: {  	_ =	swait.ge [sflag:s15], $0x4000  }
0x75: {  	p1 =	sge.s32 s0, s25;
	[sflag:s15] =	ssyncset.done $0x0  }
0x76: {  	s0 =	simm.s32 @p1 $0x2;
	[sflag:s15] =	ssyncadd.s32 $0xFFFFC000  }
0x77: {  	_ =	swait.ge @p1 [sflag:s0], $0x4000  }
0x78: {  	s31 =	simm.s32 @p1 $0x3;
	[sflag:s0] =	ssyncset.done @p1 $0x0  }
0x79: {  	s16 =	simm.s32 @p1 $0xE880;
	[sflag:s0] =	ssyncadd.s32 @p1 $0xFFFFC000;
	s0 =	simm.s32 @p1 $0x80  }
0x7a: {  	[spmem:s2] =	stream.indirect.scatter.add.f32 @p1 [tilespmem:s16], [sflag:$0x3], $0x80, s30, s0, $0xb8;
	[tilespmem:$0x1CC80] =	vst v63  }
0x7b: {  	_ =	swait.ge @p1 [sflag:s31], $0x4000  }
0x7c: {  	s0 =	simm.s32 @!p1 $0xA880;
	s16 =	simm.s32 @!p1 $0x2;
	[sflag:s31] =	ssyncset.done @p1 $0x0  }
0x7d: {  	s17 =	sadd.s32 @!p1 $0xFFFFFF80, s28;
	[sflag:s31] =	ssyncadd.s32 @p1 $0xFFFFC000;
	s31 =	simm.s32 @!p1 $0x80  }
0x7e: {  	[tilespmem:s0], [sflag:$0x1] =	stream.indirect.gather @!p1 [hbm4b:s4+s31], $0x80, s17, s31, $0xb8;
	[tilespmem:$0x1CC80] =	vst v63  }
0x7f: {  	_ =	swait.ge @!p1 [sflag:s16], $0x4000  }
0x80: {  	s17 =	simm.s32 @!p1 $0x3;
	[sflag:s16] =	ssyncset.done @!p1 $0x0  }
.Ltmp5:
0x81: {  	s0 =	simm.s32 @!p1 $0xE880;
	[sflag:s16] =	ssyncadd.s32 @!p1 $0xFFFFC000;
	(pc) =	sbr.rel @p2 .LBB2_5-.Ltmp5, $4  }
0x82: {  	[spmem:s2] =	stream.indirect.scatter.add.f32 @!p1 [tilespmem:s0], [sflag:$0x3], $0x80, s30, s31, $0xb8;
	[tilespmem:$0x1CC80] =	vst v63  }
0x83: {  	_ =	swait.ge @!p1 [sflag:s17], $0x4000  }
0x84: {  	[sflag:s17] =	ssyncset.done @!p1 $0x0  }
0x85: {  	s28 =	sadd.s32 $0x100, s28;
	s30 =	sadd.s32 $0x100, s30;
	[sflag:s17] =	ssyncadd.s32 @!p1 $0xFFFFC000  }
.Ltmp6:
0x86: {  	_ = 	snop;
	(pc) =	sbr.rel .LBB2_6-.Ltmp6, $1  }
0x87: {  	_ =	sdelay $0x3  }
.LBB2_8:
0x88: {  	_ =	sfence.sel $0x180000  }
0x89: {  	[bflag:$0x0] =	sbarrier.arrive $0xFFFF  }
0x8a: {  	_ =	strace $0x9000004D  }
0x8b: {  	[bflag:$0x2] =	sbarrier.arrive $0xFFFF  }
0x8c: {  	p0 =	sne.s32 s1, $0x0;
	s0 =	rddreg [dreg:$0x2]  }
0x8d: {  	s0 =	sadd.s32 @!p0 $0x100000, s0  }
0x8e: {  	[sflag:s0] =	ssyncadd.tile.s32 @!p0 $0x1;
	_ =	shalt  }
.Lfunc_end2:
_tile_overlayer_lowered:
.L_overlay_start_2:
0x8f: {  	(tag) =	ssettag $0x2  }
0x90: {  	s0 =	rddreg [dreg:$0x0];
	s2 =	stileid.u32  }
0x91: {  	s1 =	rddreg [dreg:$0x1];
	p0 =	sne.s32 s2, $0x0  }
0x92: {  	s3 =	rddreg [dreg:$0x2];
	[bflag:$0x3] =	sbarrier.arrive $0xFFFF;
	s2 =	simm.s32 @!p0 $0x1C03  }
0x93: {  	[timem:s3], [sflag:s2] =	dma.local @!p0 [hbm:s0], s1  }
0x94: {  	s0 =	simm.s32 @!p0 $0x3  }
0x95: {  	_ =	swait.ge @!p0 [sflag:s0], s1  }
0x96: {  	s1 =	ssub.s32 @!p0 $0x0, s1;
	[sflag:s0] =	ssyncset.done @!p0 $0x0  }
0x97: {  	[sflag:s0] =	ssyncadd.s32 @!p0 s1  }
0x98: {  	[bflag:$0x3] =	sbarrier.arrive $0xFFFF  }
0x99: {  	_ =	shalt  }

// kernel: kernel.8.cloned.1.call-start
scs
__scs_entry_jumppad:
0x0: {  	(pc) =	sbr.rel $0x88, $3  }
0x1: {  	(tag) =	ssettag $0x0;
	lr =	simm.s32 $0x1  }
0x2: {  	[smem:$0x3F98] =	sst lr;
	_ =	strace $0xD0000000  }
0x3: {  	_ = 	snop  }
0x4: {  	_ = 	snop  }
0x5: {  	_ = 	snop  }
0x6: {  	_ = 	snop  }
0x7: {  	_ = 	snop  }
__scs_overlays_trampoline_lowered:
0x8: {  	[smem:$0x3FA7] =	sst s0  }
0x9: {  	[smem:$0x3FA8] =	sst s1  }
0xa: {  	[smem:$0x3FA9] =	sst s2  }
0xb: {  	[smem:$0x3FAA] =	sst s3  }
0xc: {  	[smem:$0x3FAB] =	sst s4  }
0xd: {  	[smem:$0x3FAC] =	sst s5  }
0xe: {  	[smem:$0x3FAD] =	sst s6  }
0xf: {  	[smem:$0x3FAE] =	sst s7  }
0x10: {  	[smem:$0x3FAF] =	sst s8  }
0x11: {  	[smem:$0x3FB0] =	sst s9;
	s0 =	simm.s32 @!p0 $0x0  }
0x12: {  	s1 =	sld [smem:$0x3F96];
	s0 =	simm.s32 @p0 $0x1  }
0x13: {  	[smem:$0x3FB1] =	sst s0;
	s0 =	simm.s32 @!p1 $0x0  }
0x14: {  	s2 =	sld [smem:$0x3F95];
	s0 =	simm.s32 @p1 $0x1  }
0x15: {  	[smem:$0x3FB2] =	sst s0;
	s0 =	simm.s32 @!p2 $0x0  }
0x16: {  	s3 =	sld [smem:$0x3FDB];
	s0 =	simm.s32 @p2 $0x1  }
0x17: {  	s4 =	simm.s32 $0x1BF5;
	[smem:$0x3FB4] =	sst s0  }
0x18: {  	s0 =	sld [smem:$0x3F97];
	_ =	swait.ge [sflag:s4], $0x0  }
0x19: {  	s7 =	sld [smem:$0x3F98]  }
0x1a: {  	s8 =	sadd.s32 $0xFFFFE003, lr  }
0x1b: {  	s9 =	sadd.s32 $0xFFFFFEF7, lr;
	s5 =	simm.s32 $0xFFFFFFFF;
	p2 =	slt.u32 s8, $0xFFFFF086  }
0x1c: {  	p1 =	slt.u32 s9, $0xF7A;
	s5 =	simm.s32 @!p2 $0x0  }
0x1d: {  	s5 =	simm.s32 @p1 $0x1;
	p0 =	seq.s32 s7, s2  }
0x1e: {  	s7 =	smul.u32 @!p0 $0xF7A, s2;
	p2 =	seq.s32 @!p0 s5, $0x0  }
0x1f: {  	s9 =	smul.u32 $0xF7A, s1;
	s8 =	simm.s32 @!p0 $0x1BF5;
	p2 =	por !p2, p0  }
0x20: {  	[sflag:s8] =	ssyncset.s32 @!p0 $0xFFFFF086;
	s6 =	sadd.s32 @!p0 s3, s7;
	s7 =	simm.s32 @!p0 $0x108  }
0x21: {  	s3 =	sadd.s32 s3, s9;
	s6 =	sadd.s32 @!p0 $0x88, s6;
	s7 =	simm.s32 @p2 $0x1082  }
0x22: {  	[simem:s7], [sflag:s8] =	dma.local @!p0 [hbm:s6], $0xF7A  }
0x23: {  	s9 =	sor.u32 $0xD0000000, s2;
	s6 =	simm.s32 $0x108;
	_ =	swait.ge @!p0 [sflag:s8], $0x0  }
0x24: {  	s3 =	sadd.s32 $0x88, s3;
	s6 =	simm.s32 @!p1 $0x1082;
	[sflag:s4] =	ssyncset.s32 $0xFFFFF086  }
0x25: {  	[simem:s6], [sflag:s4] =	dma.local [hbm:s3], $0xF7A  }
0x26: {  	[smem:$0x3F98] =	sst s1;
	(tag) =	ssettag s2;
	_ =	strace s9  }
0x27: {  	s1 =	sld [smem:$0x3FA8]  }
0x28: {  	s2 =	sld [smem:$0x3FA9]  }
0x29: {  	s4 =	sld [smem:$0x3FAB]  }
0x2a: {  	p0 =	seq.s32 s5, $0x0;
	s5 =	sld [smem:$0x3FAC]  }
0x2b: {  	s6 =	sld [smem:$0x3FAD]  }
0x2c: {  	s7 =	sld [smem:$0x3FAE]  }
0x2d: {  	s3 =	simm.s32 $0x108;
	s8 =	sld [smem:$0x3FAF]  }
0x2e: {  	s3 =	simm.s32 @!p0 $0x1082;
	s9 =	sld [smem:$0x3FB0]  }
0x2f: {  	lr =	sadd.s32 s0, s3;
	s0 =	sld [smem:$0x3FA7]  }
0x30: {  	s3 =	sld [smem:$0x3FAA]  }
0x31: {  	[smem:$0x3FB3] =	sst s10  }
0x32: {  	s10 =	sld [smem:$0x3FB1];
	_ =	sdelay $0x3  }
0x33: {  	p0 =	seq.s32 s10, $0x1;
	s10 =	sld [smem:$0x3FB3];
	_ =	sdelay $0x3  }
0x34: {  	[smem:$0x3FB3] =	sst s10  }
0x35: {  	s10 =	sld [smem:$0x3FB2];
	_ =	sdelay $0x3  }
0x36: {  	p1 =	seq.s32 s10, $0x1;
	s10 =	sld [smem:$0x3FB3];
	_ =	sdelay $0x3  }
0x37: {  	[smem:$0x3FB3] =	sst s10  }
0x38: {  	s10 =	sld [smem:$0x3FB4]  }
0x39: {  	_ = 	snop;
	(pc) =	sbr.ind lr, $3  }
0x3a: {  	_ = 	snop  }
0x3b: {  	_ = 	snop  }
0x3c: {  	p2 =	seq.s32 s10, $0x1;
	s10 =	sld [smem:$0x3FB3]  }
0x3d: {  	_ =	shalt  }
0x3e: {  	_ =	shalt  }
0x3f: {  	_ =	shalt  }
0x40: {  	_ =	shalt  }
0x41: {  	_ =	shalt  }
0x42: {  	_ =	shalt  }
0x43: {  	_ =	shalt  }
0x44: {  	_ =	shalt  }
0x45: {  	_ =	shalt  }
0x46: {  	_ =	shalt  }
0x47: {  	_ =	shalt  }
0x48: {  	_ =	shalt  }
0x49: {  	_ =	shalt  }
0x4a: {  	_ =	shalt  }
0x4b: {  	_ =	shalt  }
0x4c: {  	_ =	shalt  }
0x4d: {  	_ =	shalt  }
0x4e: {  	_ =	shalt  }
0x4f: {  	_ =	shalt  }
0x50: {  	_ =	shalt  }
0x51: {  	_ =	shalt  }
0x52: {  	_ =	shalt  }
0x53: {  	_ =	shalt  }
0x54: {  	_ =	shalt  }
0x55: {  	_ =	shalt  }
0x56: {  	_ =	shalt  }
0x57: {  	_ =	shalt  }
0x58: {  	_ =	shalt  }
0x59: {  	_ =	shalt  }
0x5a: {  	_ =	shalt  }
0x5b: {  	_ =	shalt  }
0x5c: {  	_ =	shalt  }
0x5d: {  	_ =	shalt  }
0x5e: {  	_ =	shalt  }
0x5f: {  	_ =	shalt  }
0x60: {  	_ =	shalt  }
0x61: {  	_ =	shalt  }
0x62: {  	_ =	shalt  }
0x63: {  	_ =	shalt  }
0x64: {  	_ =	shalt  }
0x65: {  	_ =	shalt  }
0x66: {  	_ =	shalt  }
0x67: {  	_ =	shalt  }
0x68: {  	_ =	shalt  }
0x69: {  	_ =	shalt  }
0x6a: {  	_ =	shalt  }
0x6b: {  	_ =	shalt  }
0x6c: {  	_ =	shalt  }
0x6d: {  	_ =	shalt  }
0x6e: {  	_ =	shalt  }
0x6f: {  	_ =	shalt  }
0x70: {  	_ =	shalt  }
0x71: {  	_ =	shalt  }
0x72: {  	_ =	shalt  }
0x73: {  	_ =	shalt  }
0x74: {  	_ =	shalt  }
0x75: {  	_ =	shalt  }
0x76: {  	_ =	shalt  }
0x77: {  	_ =	shalt  }
0x78: {  	_ =	shalt  }
0x79: {  	_ =	shalt  }
0x7a: {  	_ =	shalt  }
0x7b: {  	_ =	shalt  }
0x7c: {  	_ =	shalt  }
0x7d: {  	_ =	shalt  }
0x7e: {  	_ =	shalt  }
0x7f: {  	_ =	shalt  }
0x80: {  	_ =	shalt  }
0x81: {  	_ =	shalt  }
0x82: {  	_ =	shalt  }
0x83: {  	_ =	shalt  }
0x84: {  	_ =	shalt  }
0x85: {  	_ =	shalt  }
0x86: {  	_ =	shalt  }
0x87: {  	_ =	shalt  }
.Lfunc_end0:
.L_simem_size_0:
called_computation_lowered:
.L_overlay_start_0:
0x88: {  	s2 =	sld [smem:$0x3FD9]  }
0x89: {  	s3 =	sld [smem:$0x3FFE];
	_ =	sdelay $0x1  }
0x8a: {  	s1 =	srdreg.scid  }
0x8b: {  	s0 =	sand.u32 $0x1, s1  }
0x8c: {  	s16 =	sshll.u32 s0, $0xA;
	s2 =	sadd.s32 s3, s2  }
0x8d: {  	s2 =	sadd.s32 s2, s16  }
0x8e: {  	[smem:$0x3FBF] =	sst s2  }
0x8f: {  	_ = 	snop  }
0x90: {  	(tm) =	ssettm $0x1  }
0x91: {  	s17 =	sld [smem:$0x3FFB];
	_ =	sdelay $0x3  }
0x92: {  	_ =	strace s17  }
0x93: {  	s2 =	sld [smem:$0x3FFC];
	_ =	sdelay $0x3  }
0x94: {  	_ =	strace s2  }
0x95: {  	s2 =	sld [smem:$0x3FFD];
	_ =	sdelay $0x3  }
0x96: {  	_ =	strace s2  }
0x97: {  	_ =	strace $0x8FFFFFFF  }
0x98: {  	s18 =	sld [smem:$0x3FDB];
	_ =	sdelay $0x1  }
0x99: {  	s19 =	simm.s32 $_scs_section_size  }
0x9a: {  	s4 =	simm.s32 $_size__tile_overlayer_lowered;
	s5 =	simm.s32 $_tile_overlayer_lowered  }
0x9b: {  	s22 =	simm.s32 $0x1BFF;
	s21 =	sshll.u32 s5, $0x1;
	s2 =	sadd.s32 s19, s18  }
0x9c: {  	s6 =	simm.s32 $0x0;
	s20 =	sshll.u32 s4, $0x1;
	s4 =	sadd.s32 s21, s2  }
0x9d: {  	[timem:s6], [sflag:s22] =	dma.local [hbm:s4], s20  }
0x9e: {  	_ =	swait.ge [sflag:s22], s20  }
0x9f: {  	s3 =	ssub.s32 $0x0, s20;
	[sflag:s22] =	ssyncset.done $0x0  }
0xa0: {  	[sflag:s22] =	ssyncadd.s32 s3;
	_ =	sdelay $0x1  }
0xa1: {  	s23 =	simm.s32 $0x1B8B  }
0xa2: {  	_ =	swait.ge [sflag:s23], $0x1  }
0xa3: {  	[sflag:s23] =	ssyncset.done $0x0  }
0xa4: {  	s25 =	simm.s32 $0x1B8E;
	s24 =	sld [smem:$0x3FFE];
	[sflag:s23] =	ssyncadd.s32 $0xFFFFFFFF  }
0xa5: {  	s26 =	simm.s32 $execute0_lowered;
	[smem:$0x3FD2] =	sst s25  }
0xa6: {  	s4 =	sshll.u32 s26, $0x1;
	_ =	strace $0x80000046;
	[dreg:$0x1] =	wrdreg $0xFFFFFFFF  }
0xa7: {  	s28 =	simm.s32 $_size_execute0_lowered;
	s2 =	sadd.s32 s2, s4;
	[dreg:$0x0] =	wrdreg $0x0  }
0xa8: {  	s4 =	sshll.u32 s28, $0x1;
	[dreg:$0x2] =	wrdreg s2  }
0xa9: {  	[dreg:$0x3] =	wrdreg s4  }
0xaa: {  	[dreg:$0x4] =	wrdreg $0xC0  }
0xab: {  	_ =	task [dreg:s6], $0x5FFFF  }
0xac: {  	[dreg:$0x1] =	wrdreg $0xFFFFFFFF  }
0xad: {  	[dreg:$0x0] =	wrdreg $0x60  }
0xae: {  	[dreg:$0x2] =	wrdreg s24  }
0xaf: {  	[dreg:$0x3] =	wrdreg $0x196000  }
0xb0: {  	[dreg:$0x4] =	wrdreg $0x9  }
0xb1: {  	_ =	task.clear_ibuf [dreg:s6], $0x5FFFF;
	_ =	strace $0x90000046  }
0xb2: {  	s29 =	simm.s32 $0x9;
	_ =	strace $0x80000048  }
0xb3: {  	_ =	swait.ge [sflag:s29], $0x1  }
0xb4: {  	[sflag:s29] =	ssyncadd.s32 $0xFFFFFFFF  }
0xb5: {  	_ =	strace $0x90000048  }
0xb6: {  	_ =	sfence  }
0xb7: {  	s30 =	sld [smem:$0x0];
	_ =	sdelay $0x2  }
0xb8: {  	s31 =	sshll.u32 s1, $0xD;
	s1 =	sshrl.u32 s1, $0x2  }
0xb9: {  	s3 =	sand.u32 $0x4000, s31;
	s1 =	sadd.s32 s1, s30  }
0xba: {  	s0 =	sor.u32 s3, s0;
	s1 =	sshll.u32 s1, $0x11  }
0xbb: {  	s0 =	sor.u32 s1, s0  }
0xbc: {  	s0 =	sadd.s32 $0x8F2B, s0  }
0xbd: {  	[sflag:s0] =	ssyncadd.remote.s32 $0x1  }
0xbe: {  	_ =	sfence.sel $0xFFFF  }
0xbf: {  	[dreg:$0x0] =	wrdreg $0xFFFFFFFF;
	(pc) =	sbr.abs _section_cstart, $3  }
0xc0: {  	[dreg:$0x1] =	wrdreg $0xFFFFFFFF  }
0xc1: {  	_ =	task.clear_ibuf [dreg:s6], $0x2FFFF;
	_ =	strace $0x9FFFFFFF  }
0xc2: {  	(tm) =	ssettm $0x7FFFFFFF  }
0xc3: {  	_ =	shalt  }
tec
execute0_lowered:
.L_overlay_start_1:
0x0: {  	(tag) =	ssettag $0x1  }
0x1: {  	s12 =	stileid.u32  }
0x2: {  	s0 =	rddreg [dreg:$0x0];
	s3 =	sshrl.u32 s12, $0x3;
	s22 =	smul.u32 $0x500, s12  }
0x3: {  	s1 =	rddreg [dreg:$0x1];
	s2 =	simm.s32 $0x0;
	s4 =	smul.u32 $0x28000, s3  }
0x4: {  	s5 =	srdreg.scid;
	s6 =	sshll.u32 s12, $0x7;
	s10 =	smul.u32 $0x28C00, s3  }
0x5: {  	s7 =	sand.u32 $0x1, s5;
	s25 =	sshll.u32 s3, $0xA;
	s3 =	smul.u32 $0x50000, s3  }
0x6: {  	[smem:$0x7FF] =	sst s2;
	s12 =	smul.u32 $0x5000, s12;
	s9 =	sshll.u32 s7, $0x7  }
0x7: {  	s8 =	sand.u32 $0x380, s6;
	s5 =	sor.u32 s9, s22;
	s3 =	sshrl.u32 s3, $0x2  }
0x8: {  	s17 =	sshrl.u32 s12, $0x2;
	s5 =	sshrl.u32 s5, $0x3;
	s3 =	sadd.s32 s3, s1  }
0x9: {  	s11 =	sadd.s32 s5, s0;
	s5 =	sadd.s32 s17, s1;
	s18 =	sadd.s32 s8, s3  }
0xa: {  	_ =	strace $0x80000047;
	s19 =	sadd.s32 $0x80, s5;
	[dreg:$0x5] =	wrdreg s18  }
0xb: {  	s23 =	smul.u32 $0x51800, s7;
	s20 =	sadd.s32 $0x100, s5;
	[dreg:$0x6] =	wrdreg s19  }
0xc: {  	s24 =	sshll.u32 s7, $0xB;
	s21 =	sadd.s32 $0x180, s5;
	[dreg:$0x7] =	wrdreg s20  }
0xd: {  	s13 =	sor.u32 s24, s25;
	s22 =	sadd.s32 $0x200, s5;
	[dreg:$0x8] =	wrdreg s21  }
0xe: {  	s6 =	sadd.s32 s23, s10;
	s23 =	sadd.s32 $0x280, s5;
	[dreg:$0x9] =	wrdreg s22  }
0xf: {  	s4 =	sor.u32 s8, s4;
	s24 =	sadd.s32 $0x300, s5;
	[dreg:$0xa] =	wrdreg s23  }
0x10: {  	s6 =	sor.u32 s8, s6;
	s25 =	sadd.s32 $0x380, s5;
	[dreg:$0xb] =	wrdreg s24  }
0x11: {  	s26 =	sshrl.u32 s6, $0x3;
	s3 =	sadd.s32 $0x14080, s5;
	[dreg:$0xc] =	wrdreg s25  }
0x12: {  	s6 =	sor.u32 s8, s13;
	s8 =	sadd.s32 $0x14180, s5;
	[dreg:$0xe] =	wrdreg s3  }
0x13: {  	s10 =	sadd.s32 $0x14200, s5;
	[dreg:$0x10] =	wrdreg s8  }
0x14: {  	s12 =	sadd.s32 $0x17400, s11;
	[dreg:$0x11] =	wrdreg s10  }
0x15: {  	s17 =	sadd.s32 $0x14280, s5;
	[dreg:$0x12] =	wrdreg s12  }
0x16: {  	s4 =	sshrl.u32 s4, $0x3;
	s1 =	sadd.s32 $0x1080, s5;
	[dreg:$0x17] =	wrdreg s17  }
0x17: {  	s4 =	sadd.s32 s4, s0;
	s11 =	sadd.s32 $0xD80, s5;
	[smem:$0x7D2] =	sst s1  }
0x18: {  	s16 =	sadd.s32 $0x3400, s4;
	[smem:$0x7D9] =	sst s11  }
0x19: {  	s4 =	sadd.s32 $0xD400, s4;
	[dreg:$0x3] =	wrdreg s16  }
0x1a: {  	s13 =	sadd.s32 s26, s0;
	s26 =	sadd.s32 $0x14000, s5;
	[dreg:$0x4] =	wrdreg s4  }
0x1b: {  	s18 =	sadd.s32 $0x14300, s5;
	[dreg:$0xd] =	wrdreg s26  }
0x1c: {  	s19 =	sadd.s32 $0x14380, s5;
	[dreg:$0x18] =	wrdreg s18  }
0x1d: {  	s20 =	sadd.s32 $0x400, s5;
	[dreg:$0x19] =	wrdreg s19  }
0x1e: {  	s21 =	sadd.s32 $0x800, s5;
	[dreg:$0x1a] =	wrdreg s20  }
0x1f: {  	s22 =	sadd.s32 $0xC00, s5;
	[dreg:$0x1b] =	wrdreg s21  }
0x20: {  	s23 =	sadd.s32 $0x1000, s5;
	[dreg:$0x1c] =	wrdreg s22  }
0x21: {  	s24 =	sadd.s32 $0x480, s5;
	[dreg:$0x1d] =	wrdreg s23  }
0x22: {  	s25 =	sadd.s32 $0x880, s5;
	[dreg:$0x1e] =	wrdreg s24  }
0x23: {  	s3 =	sadd.s32 $0x500, s5;
	[dreg:$0x1f] =	wrdreg s25  }
0x24: {  	s8 =	sadd.s32 $0x1100, s5;
	[smem:$0x7D3] =	sst s3  }
0x25: {  	s10 =	sadd.s32 $0x980, s5;
	[smem:$0x7D6] =	sst s8  }
0x26: {  	s17 =	sadd.s32 $0x1200, s5;
	[smem:$0x7D8] =	sst s10  }
0x27: {  	s1 =	sadd.s32 $0xB80, s5;
	[smem:$0x7DE] =	sst s17  }
0x28: {  	s14 =	ssub.s32 $0x2, s7;
	s11 =	sadd.s32 $0x14480, s5;
	[smem:$0x7E8] =	sst s1  }
0x29: {  	s15 =	sshrl.u32 s14, $0x1;
	s4 =	sadd.s32 $0x14100, s5;
	[smem:$0x7EF] =	sst s11  }
0x2a: {  	s9 =	ssub.s32 s14, s15;
	s14 =	sadd.s32 $0x17E00, s13;
	[dreg:$0xf] =	wrdreg s4  }
0x2b: {  	s6 =	sshrl.u32 s6, $0x3;
	s15 =	sadd.s32 $0x2C400, s13;
	[dreg:$0x13] =	wrdreg s14  }
0x2c: {  	s12 =	smul.u32 $0xFFFFEC00, s7;
	s16 =	smax.u32 s9, $0x1;
	[dreg:$0x14] =	wrdreg s15  }
0x2d: {  	s0 =	sadd.s32 s6, s0;
	s26 =	sadd.s32 $0xC80, s5;
	[dreg:$0x16] =	wrdreg s16  }
0x2e: {  	s6 =	smul.u32 $0x2800, s7;
	s7 =	sadd.s32 $0xD00, s5;
	[smem:$0x7D1] =	sst s26  }
0x2f: {  	s9 =	sadd.s32 $0x580, s5;
	[smem:$0x7D5] =	sst s7  }
0x30: {  	s13 =	sadd.s32 $0x1180, s5;
	[smem:$0x7D7] =	sst s9  }
0x31: {  	s18 =	sadd.s32 $0x680, s5;
	[smem:$0x7DA] =	sst s13  }
0x32: {  	s19 =	sadd.s32 $0xA80, s5;
	[smem:$0x7DF] =	sst s18  }
0x33: {  	s20 =	sadd.s32 $0xE80, s5;
	[smem:$0x7E0] =	sst s19  }
0x34: {  	s21 =	sadd.s32 $0x1280, s5;
	[smem:$0x7E1] =	sst s20  }
0x35: {  	s22 =	sadd.s32 $0x700, s5;
	[smem:$0x7E2] =	sst s21  }
0x36: {  	s23 =	sadd.s32 $0xB00, s5;
	[smem:$0x7E3] =	sst s22  }
0x37: {  	s24 =	sadd.s32 $0xF00, s5;
	[smem:$0x7E4] =	sst s23  }
0x38: {  	s25 =	sadd.s32 $0x1300, s5;
	[smem:$0x7E5] =	sst s24  }
0x39: {  	s3 =	sadd.s32 $0xF80, s5;
	[smem:$0x7E6] =	sst s25  }
0x3a: {  	s8 =	sadd.s32 $0x14800, s5;
	[smem:$0x7E9] =	sst s3  }
0x3b: {  	s10 =	sadd.s32 $0x15000, s5;
	[smem:$0x7EC] =	sst s8  }
0x3c: {  	s17 =	sadd.s32 $0x14900, s5;
	[smem:$0x7EE] =	sst s10  }
0x3d: {  	s0 =	sadd.s32 $0x40A00, s0;
	[smem:$0x7F4] =	sst s17  }
0x3e: {  	s4 =	sadd.s32 $0x900, s5;
	[dreg:$0x15] =	wrdreg s0  }
0x3f: {  	s14 =	sadd.s32 $0x600, s5;
	[smem:$0x7D4] =	sst s4  }
0x40: {  	s15 =	sadd.s32 $0xA00, s5;
	[smem:$0x7DB] =	sst s14  }
0x41: {  	s16 =	sadd.s32 $0xE00, s5;
	[smem:$0x7DC] =	sst s15  }
0x42: {  	s26 =	sadd.s32 $0x780, s5;
	[smem:$0x7DD] =	sst s16  }
0x43: {  	s7 =	sadd.s32 $0x14400, s5;
	[smem:$0x7E7] =	sst s26  }
0x44: {  	s9 =	sadd.s32 $0x14C00, s5;
	[smem:$0x7EB] =	sst s7  }
0x45: {  	v0 =	vimm.s32 $0x5380;
	vm0 =	vcmask $0x300;
	s28 =	sadd.s32 $0x15280, s5;
	s13 =	sadd.s32 $0x14880, s5;
	[smem:$0x7ED] =	sst s9  }
0x46: {  	vm14 =	vcmask $0x704;
	v0 =	vsel vm0, $0x0, v0;
	s29 =	sadd.s32 $0x14700, s5;
	s18 =	sadd.s32 $0x14D00, s5;
	[smem:$0x7F0] =	sst s13  }
0x47: {  	vm15 =	vcmask $0xB08;
	v0 =	vsel vm14, $0x80, v0;
	s30 =	sadd.s32 $0x14B00, s5;
	s19 =	sadd.s32 $0x15100, s5;
	[smem:$0x7F5] =	sst s18  }
0x48: {  	vm4 =	vcmask $0xF0C;
	v0 =	vsel vm15, $0x100, v0;
	s31 =	sadd.s32 $0x14F00, s5;
	s20 =	sadd.s32 $0x14580, s5;
	[smem:$0x7F6] =	sst s19  }
0x49: {  	vm5 =	vcmask $0x1310;
	vm6 =	vcmask $0x1714;
	v0 =	vsel vm4, $0x180, v0;
	s1 =	sadd.s32 $0x14780, s5;
	s21 =	sadd.s32 $0x14980, s5;
	[smem:$0x7F7] =	sst s20  }
0x4a: {  	vm7 =	vcmask $0x1B18;
	vm8 =	vcmask $0x1F1C;
	v0 =	vsel vm5, $0x200, v0;
	s11 =	simm.s32 $0xCB00;
	s22 =	sadd.s32 $0x14D80, s5;
	[smem:$0x7F8] =	sst s21  }
0x4b: {  	vm9 =	vcmask $0x2320;
	vm10 =	vcmask $0x2724;
	v0 =	vsel vm6, $0x280, v0;
	s23 =	sadd.s32 $0x15180, s5;
	s24 =	sadd.s32 $0x14600, s5;
	[smem:$0x7F9] =	sst s22  }
0x4c: {  	vm11 =	vcmask $0x2B28;
	vm12 =	vcmask $0x2F2C;
	v0 =	vsel vm7, $0x300, v0;
	s25 =	sadd.s32 $0x14A00, s5;
	s3 =	sadd.s32 $0x14B80, s5;
	[smem:$0x7FA] =	sst s23  }
0x4d: {  	vm13 =	vcmask $0x3330;
	v3 =	vimm.f32 $1.000000000e+00;
	v0 =	vsel vm8, $0x380, v0;
	s8 =	simm.s32 $0x80;
	s10 =	simm.s32 $0x1;
	[smem:$0x7FB] =	sst s24  }
0x4e: {  	v12 =	vlaneseq.u32;
	v4 =	vimm.s32 $0x0;
	v0 =	vsel vm9, $0x5000, v0;
	s4 =	sadd.s32 $0x1380, s5;
	s14 =	sadd.s32 $0x14C80, s5;
	[smem:$0x7FC] =	sst s25  }
0x4f: {  	v5 =	vor.u32 $0x1400, v12;
	v6 =	vor.u32 $0x1410, v12;
	s15 =	sadd.s32 $0x15080, s5;
	s16 =	sadd.s32 $0x14500, s5;
	v0 =	vsel vm10, $0x5080, v0;
	[smem:$0x7EA] =	sst s4  }
0x50: {  	v7 =	vor.u32 $0x1420, v12;
	v8 =	vor.u32 $0x1430, v12;
	s26 =	sadd.s32 $0x14E00, s5;
	s23 =	sadd.s32 $0x15200, s5;
	[smem:$0x7F1] =	sst s14;
	v0 =	vsel vm11, $0x5100, v0  }
0x51: {  	v9 =	vor.u32 $0x1440, v12;
	v10 =	vor.u32 $0x1450, v12;
	s24 =	sadd.s32 $0x14680, s5;
	s25 =	sadd.s32 $0x14A80, s5;
	[smem:$0x7F2] =	sst s15;
	v1 =	vsel vm12, $0x5180, v0  }
0x52: {  	v11 =	vor.u32 $0x1460, v12;
	vm14 =	vcmask $0x3734;
	s0 =	sadd.s32 $0x15300, s5;
	s7 =	sadd.s32 $0x15380, s5;
	[smem:$0x7F3] =	sst s16;
	v2 =	vsel vm13, $0x5200, v1  }
0x53: {  	v12 =	vor.u32 $0x1470, v12;
	vm15 =	vcmask $0x3B38;
	s9 =	simm.s32 $0x400;
	s20 =	simm.s32 $0x5180;
	[smem:$0x7FD] =	sst s26;
	v2 =	vsel vm14, $0x5280, v2  }
0x54: {  	s26 =	sadd.s32 $0x14E80, s5;
	s4 =	sadd.s32 $0x14F80, s5;
	v0 =	vmov s12;
	s12 =	simm.s32 $0x0;
	v1 =	vimm.f32 $0.0e+00;
	v2 =	vsel vm15, $0x5300, v2  }
.LBB2_1:
0x55: {  	s13 =	rddreg [dreg:$0x3]  }
0x56: {  	[tilespmem:s2], [sflag:$0x1] =	stream.strided.gather [hbm4b:s13+s8], $0x5000, s9, s8, $0x38;
	[tilespmem:$0x1BE00] =	vst v63  }
0x57: {  	_ =	swait.ge [sflag:s10], $0x5000  }
0x58: {  	[sflag:s10] =	ssyncset.done $0x0  }
0x59: {  	s21 =	rddreg [dreg:$0x4];
	[sflag:s10] =	ssyncadd.s32 $0xFFFFB000  }
0x5a: {  	[tilespmem:s20], [sflag:$0x1] =	stream.strided.gather [hbm4b:s21+s8], $0x5000, s9, s8, $0x38;
	[tilespmem:$0x1BE00] =	vst v63  }
0x5b: {  	_ =	swait.ge [sflag:s10], $0x5000  }
0x5c: {  	s22 =	sand.u32 $0x70, s2;
	s14 =	sand.u32 $0x7C00, s2;
	[sflag:s10] =	ssyncset.done $0x0  }
0x5d: {  	s13 =	sor.u32 s22, s14;
	[sflag:s10] =	ssyncadd.s32 $0xFFFFB000  }
0x5e: {  	[tilespmem:s13+$0xCB80] =	vst v1  }
0x5f: {  	[tilespmem:s13+$0xCC00] =	vst v1  }
0x60: {  	s17 =	sand.u32 $0x7, s2;
	[tilespmem:s13+$0xCC80] =	vst v1  }
0x61: {  	s15 =	simm.s32 $0x10;
	s16 =	simm.s32 $0x0;
	s14 =	simm.s32 $0x0;
	[tilespmem:s13+$0xCD00] =	vst v1  }
.LBB2_2:
0x62: {  	p0 =	sne.s32 s15, $0x9F0;
	s17 =	sshll.u32 s17, $0x4;
	[tilespmem:s13+$0xCD80] =	vst v1  }
0x63: {  	s17 =	sadd.s32 s17, s14;
	[tilespmem:s13+$0xCE00] =	vst v1  }
0x64: {  	[tilespmem:s13+$0xCB00] =	vst v1;
	s17 =	sor.u32 $0x380, s17  }
0x65: {  	[tilespmem:s17+$0xCB00] =	vst v1  }
0x66: {  	[tilespmem:s13+$0x11B00] =	vst v1  }
0x67: {  	[tilespmem:s13+$0x11B80] =	vst v1  }
0x68: {  	[tilespmem:s13+$0x11C00] =	vst v1  }
0x69: {  	[tilespmem:s13+$0x11C80] =	vst v1  }
0x6a: {  	[tilespmem:s13+$0x11D00] =	vst v1  }
0x6b: {  	s14 =	sadd.s32 $0x80, s14;
	[tilespmem:s13+$0x11D80] =	vst v1  }
0x6c: {  	s18 =	sand.u32 $0x7C00, s14;
	s17 =	sand.u32 $0x70, s15;
	[tilespmem:s13+$0x11E00] =	vst v1  }
.Ltmp0:
0x6d: {  	[tilespmem:s13+$0x11E80] =	vst v1;
	s13 =	sor.u32 s17, s18;
	(pc) =	sbr.rel @p0 .LBB2_2-.Ltmp0, $4  }
0x6e: {  	[tilespmem:s13+$0xCB80] =	vst v1  }
0x6f: {  	[tilespmem:s13+$0xCC00] =	vst v1  }
0x70: {  	s16 =	sadd.s32 $0x1, s16;
	[tilespmem:s13+$0xCC80] =	vst v1  }
0x71: {  	s15 =	sadd.s32 $0x10, s15;
	s17 =	sand.u32 $0x7, s16;
	[tilespmem:s13+$0xCD00] =	vst v1  }
0x72: {  	s15 =	sshll.u32 s17, $0x4;
	[tilespmem:s13+$0xCD80] =	vst v1  }
0x73: {  	[tilespmem:s13+$0xCE00] =	vst v1;
	s14 =	sadd.s32 s15, s14  }
0x74: {  	[tilespmem:s13+$0xCB00] =	vst v1;
	s14 =	sor.u32 $0x380, s14  }
0x75: {  	[tilespmem:s14+$0xCB00] =	vst v1  }
0x76: {  	[tilespmem:s13+$0x11B00] =	vst v1  }
0x77: {  	[tilespmem:s13+$0x11B80] =	vst v1  }
0x78: {  	[tilespmem:s13+$0x11C00] =	vst v1  }
0x79: {  	[tilespmem:s13+$0x11C80] =	vst v1  }
0x7a: {  	[tilespmem:s13+$0x11D00] =	vst v1  }
0x7b: {  	[tilespmem:s13+$0x11D80] =	vst v1  }
0x7c: {  	[tilespmem:s13+$0x11E00] =	vst v1  }
0x7d: {  	s14 =	simm.s32 $0x0;
	[tilespmem:s13+$0x11E80] =	vst v1;
	s13 =	simm.s32 $0x0  }
.LBB2_4:
0x7e: {  	s15 =	sadd.s32 s13, s6  }
0x7f: {  	s16 =	sand.u32 $0x70, s13;
	s15 =	sand.u32 $0x7F80, s15  }
0x80: {  	s15 =	sor.u32 s16, s15  }
0x81: {  	v13 =	vld [tilespmem:s15+$0x5180];
	_ =	sdelay $0x4  }
0x82: {  	vm0 =	vgt.s32 v13, $0x0  }
0x83: {  	v14 =	vnsel vm0, $0x0, v13  }
0x84: {  	v14 =	vmin.u32 v14, $0x9FF  }
0x85: {  	v15 =	vshll.u32 v14, $0x3  }
0x86: {  	v14 =	vand.u32 $0x7F, v14;
	v15 =	vand.u32 $0x7C00, v15  }
0x87: {  	vm15 =	vlt.u32 v13, $0xA00;
	v13 =	vor.u32 v14, v15  }
0x88: {  	p0 =	sne.s32 s13, $0x27F0;
	v13 =	vadd.s32 v2, v13  }
.Ltmp1:
0x89: {  	_ = 	snop;
	(pc) =	sbr.rel @p0 .LBB2_4-.Ltmp1, $2  }
0x8a: {  	_ =	sdelay $0x2  }
0x8b: {  	s13 =	sadd.s32 $0x10, s13;
	[tilespmem:v13+s11+$0x0] =	vst.idx.add.f32.msk vm15, v3  }
0x8c: {  	s13 =	sand.u32 $0x70, s14;
	s21 =	sand.u32 $0x7C00, s14  }
0x8d: {  	s13 =	sor.u32 s13, s21  }
0x8e: {  	v13 =	vld [tilespmem:s13+$0xCB80]  }
0x8f: {  	v14 =	vld [tilespmem:s13+$0xCB00];
	_ =	sdelay $0x1  }
0x90: {  	v15 =	vld [tilespmem:s13+$0xCC00];
	_ =	sdelay $0x1  }
0x91: {  	v16 =	vld [tilespmem:s13+$0xCC80]  }
0x92: {  	v13 =	vadd.f32 v13, v14  }
0x93: {  	v14 =	vld [tilespmem:s13+$0xCD00]  }
0x94: {  	v13 =	vadd.f32 v15, v13  }
0x95: {  	v15 =	vld [tilespmem:s13+$0xCD80]  }
0x96: {  	v13 =	vadd.f32 v16, v13  }
0x97: {  	v60 =	vld [tilespmem:s13+$0xCE00]  }
0x98: {  	v13 =	vadd.f32 v14, v13  }
0x99: {  	v14 =	vld [tilespmem:s13+$0xCE80]  }
0x9a: {  	v13 =	vadd.f32 v15, v13  }
0x9b: {  	v15 =	vld [tilespmem:s13+$0x11B00]  }
0x9c: {  	v13 =	vadd.f32 v60, v13  }
0x9d: {  	v61 =	vld [tilespmem:s13+$0x11B80]  }
0x9e: {  	v13 =	vadd.f32 v14, v13  }
0x9f: {  	v14 =	vld [tilespmem:s13+$0x11C00]  }
0xa0: {  	v13 =	vadd.f32 v15, v13  }
0xa1: {  	v15 =	vld [tilespmem:s13+$0x11C80]  }
0xa2: {  	v13 =	vadd.f32 v61, v13  }
0xa3: {  	v62 =	vld [tilespmem:s13+$0x11D00]  }
0xa4: {  	v13 =	vadd.f32 v14, v13  }
0xa5: {  	v14 =	vld [tilespmem:s13+$0x11D80]  }
0xa6: {  	v13 =	vadd.f32 v15, v13  }
0xa7: {  	v15 =	vld [tilespmem:s13+$0x11E00]  }
0xa8: {  	v13 =	vadd.f32 v62, v13  }
0xa9: {  	v63 =	vld [tilespmem:s13+$0x11E80]  }
0xaa: {  	v13 =	vadd.f32 v14, v13;
	_ =	sdelay $0x1  }
0xab: {  	v13 =	vadd.f32 v15, v13;
	_ =	sdelay $0x1  }
0xac: {  	s22 =	simm.s32 $0x10;
	s15 =	simm.s32 $0x80;
	v13 =	vadd.f32 v63, v13  }
0xad: {  	s14 =	sand.u32 $0x70, s22;
	s16 =	sand.u32 $0x7C00, s15;
	s13 =	simm.s32 $0xA300  }
0xae: {  	s14 =	sor.u32 s14, s16;
	s16 =	simm.s32 $0x20;
	[tilespmem:s13+$0x0] =	vst v13  }
.LBB2_6:
0xaf: {  	p0 =	sne.s32 s16, $0x9F0;
	v13 =	vld [tilespmem:s14+$0xCB80]  }
0xb0: {  	v14 =	vld [tilespmem:s14+$0xCB00];
	_ =	sdelay $0x1  }
0xb1: {  	v15 =	vld [tilespmem:s14+$0xCC00];
	_ =	sdelay $0x1  }
0xb2: {  	v16 =	vld [tilespmem:s14+$0xCC80]  }
0xb3: {  	v13 =	vadd.f32 v13, v14  }
0xb4: {  	v14 =	vld [tilespmem:s14+$0xCD00]  }
0xb5: {  	v13 =	vadd.f32 v15, v13  }
0xb6: {  	v15 =	vld [tilespmem:s14+$0xCD80]  }
0xb7: {  	v13 =	vadd.f32 v16, v13  }
0xb8: {  	v16 =	vld [tilespmem:s14+$0xCE00]  }
0xb9: {  	v13 =	vadd.f32 v14, v13  }
0xba: {  	v14 =	vld [tilespmem:s14+$0xCE80]  }
0xbb: {  	v13 =	vadd.f32 v15, v13  }
0xbc: {  	v15 =	vld [tilespmem:s14+$0x11B00]  }
0xbd: {  	v13 =	vadd.f32 v16, v13  }
0xbe: {  	v16 =	vld [tilespmem:s14+$0x11B80]  }
0xbf: {  	v13 =	vadd.f32 v14, v13  }
0xc0: {  	v14 =	vld [tilespmem:s14+$0x11C00]  }
0xc1: {  	v13 =	vadd.f32 v15, v13  }
0xc2: {  	v15 =	vld [tilespmem:s14+$0x11C80]  }
0xc3: {  	v13 =	vadd.f32 v16, v13  }
0xc4: {  	v16 =	vld [tilespmem:s14+$0x11D00]  }
0xc5: {  	v13 =	vadd.f32 v14, v13  }
0xc6: {  	v14 =	vld [tilespmem:s14+$0x11D80]  }
0xc7: {  	v13 =	vadd.f32 v15, v13  }
0xc8: {  	v15 =	vld [tilespmem:s14+$0x11E00]  }
0xc9: {  	v13 =	vadd.f32 v16, v13  }
0xca: {  	v16 =	vld [tilespmem:s14+$0x11E80]  }
0xcb: {  	v13 =	vadd.f32 v14, v13;
	_ =	sdelay $0x1  }
.Ltmp2:
0xcc: {  	v13 =	vadd.f32 v15, v13;
	(pc) =	sbr.rel @p0 .LBB2_6-.Ltmp2, $4  }
0xcd: {  	_ = 	snop  }
0xce: {  	s15 =	sadd.s32 $0x80, s15;
	v13 =	vadd.f32 v16, v13  }
0xcf: {  	s13 =	sadd.s32 $0x10, s13;
	s17 =	sand.u32 $0x7C00, s15;
	s14 =	sand.u32 $0x70, s16  }
0xd0: {  	s16 =	sadd.s32 $0x10, s16;
	s14 =	sor.u32 s14, s17;
	[tilespmem:s13+$0x0] =	vst v13  }
0xd1: {  	v13 =	vld [tilespmem:s14+$0xCB80]  }
0xd2: {  	v14 =	vld [tilespmem:s14+$0xCB00];
	_ =	sdelay $0x1  }
0xd3: {  	v15 =	vld [tilespmem:s14+$0xCC00];
	_ =	sdelay $0x1  }
0xd4: {  	v16 =	vld [tilespmem:s14+$0xCC80]  }
0xd5: {  	v13 =	vadd.f32 v13, v14  }
0xd6: {  	v14 =	vld [tilespmem:s14+$0xCD00]  }
0xd7: {  	v13 =	vadd.f32 v15, v13  }
0xd8: {  	v15 =	vld [tilespmem:s14+$0xCD80]  }
0xd9: {  	v13 =	vadd.f32 v16, v13  }
0xda: {  	v60 =	vld [tilespmem:s14+$0xCE00]  }
0xdb: {  	v13 =	vadd.f32 v14, v13  }
0xdc: {  	v14 =	vld [tilespmem:s14+$0xCE80]  }
0xdd: {  	v13 =	vadd.f32 v15, v13  }
0xde: {  	v15 =	vld [tilespmem:s14+$0x11B00]  }
0xdf: {  	v13 =	vadd.f32 v60, v13  }
0xe0: {  	v61 =	vld [tilespmem:s14+$0x11B80]  }
0xe1: {  	v13 =	vadd.f32 v14, v13  }
0xe2: {  	v14 =	vld [tilespmem:s14+$0x11C00]  }
0xe3: {  	v13 =	vadd.f32 v15, v13  }
0xe4: {  	v15 =	vld [tilespmem:s14+$0x11C80]  }
0xe5: {  	v13 =	vadd.f32 v61, v13  }
0xe6: {  	v62 =	vld [tilespmem:s14+$0x11D00]  }
0xe7: {  	v13 =	vadd.f32 v14, v13  }
0xe8: {  	v14 =	vld [tilespmem:s14+$0x11D80]  }
0xe9: {  	v13 =	vadd.f32 v15, v13  }
0xea: {  	v15 =	vld [tilespmem:s14+$0x11E00]  }
0xeb: {  	v13 =	vadd.f32 v62, v13  }
0xec: {  	v63 =	vld [tilespmem:s14+$0x11E80]  }
0xed: {  	v13 =	vadd.f32 v14, v13;
	_ =	sdelay $0x1  }
0xee: {  	v13 =	vadd.f32 v15, v13;
	_ =	sdelay $0x1  }
0xef: {  	s13 =	sadd.s32 $0x10, s13;
	s14 =	simm.s32 $0x0;
	v13 =	vadd.f32 v63, v13  }
0xf0: {  	p0 =	por $0x1, $0x1;
	s15 =	sand.u32 $0x70, s14;
	s16 =	sand.u32 $0x7C00, s14  }
.Ltmp3:
0xf1: {  	[tilespmem:s13+$0x0] =	vst v13;
	s13 =	sor.u32 s15, s16;
	(pc) =	sbr.rel @!p0 .LBB2_9-.Ltmp3, $4  }
0xf2: {  	[tilespmem:s13+$0xCB80] =	vst v1  }
0xf3: {  	[tilespmem:s13+$0xCC00] =	vst v1  }
0xf4: {  	s17 =	simm.s32 $0x0;
	[tilespmem:s13+$0xCC80] =	vst v1  }
0xf5: {  	s18 =	sand.u32 $0x7, s14;
	s16 =	simm.s32 $0x10;
	s15 =	simm.s32 $0x0;
	[tilespmem:s13+$0xCD00] =	vst v1  }
.LBB2_8:
0xf6: {  	p0 =	sne.s32 s16, $0x9F0;
	s18 =	sshll.u32 s18, $0x4;
	[tilespmem:s13+$0xCD80] =	vst v1  }
0xf7: {  	s18 =	sadd.s32 s18, s15;
	[tilespmem:s13+$0xCE00] =	vst v1  }
0xf8: {  	[tilespmem:s13+$0xCB00] =	vst v1;
	s18 =	sor.u32 $0x380, s18  }
0xf9: {  	[tilespmem:s18+$0xCB00] =	vst v1  }
0xfa: {  	[tilespmem:s13+$0x11B00] =	vst v1  }
0xfb: {  	[tilespmem:s13+$0x11B80] =	vst v1  }
0xfc: {  	[tilespmem:s13+$0x11C00] =	vst v1  }
0xfd: {  	[tilespmem:s13+$0x11C80] =	vst v1  }
0xfe: {  	[tilespmem:s13+$0x11D00] =	vst v1  }
0xff: {  	s15 =	sadd.s32 $0x80, s15;
	[tilespmem:s13+$0x11D80] =	vst v1  }
0x100: {  	s19 =	sand.u32 $0x7C00, s15;
	s18 =	sand.u32 $0x70, s16;
	[tilespmem:s13+$0x11E00] =	vst v1  }
.Ltmp4:
0x101: {  	[tilespmem:s13+$0x11E80] =	vst v1;
	s13 =	sor.u32 s18, s19;
	(pc) =	sbr.rel @p0 .LBB2_8-.Ltmp4, $4  }
0x102: {  	[tilespmem:s13+$0xCB80] =	vst v1  }
0x103: {  	[tilespmem:s13+$0xCC00] =	vst v1  }
0x104: {  	s17 =	sadd.s32 $0x1, s17;
	[tilespmem:s13+$0xCC80] =	vst v1  }
0x105: {  	s16 =	sadd.s32 $0x10, s16;
	s18 =	sand.u32 $0x7, s17;
	[tilespmem:s13+$0xCD00] =	vst v1  }
.LBB2_9:
0x106: {  	s16 =	sshll.u32 s18, $0x4;
	[tilespmem:s13+$0xCD80] =	vst v1  }
0x107: {  	[tilespmem:s13+$0xCE00] =	vst v1;
	s15 =	sadd.s32 s16, s15  }
0x108: {  	[tilespmem:s13+$0xCB00] =	vst v1;
	s15 =	sor.u32 $0x380, s15  }
0x109: {  	[tilespmem:s15+$0xCB00] =	vst v1  }
0x10a: {  	[tilespmem:s13+$0x11B00] =	vst v1  }
0x10b: {  	[tilespmem:s13+$0x11B80] =	vst v1  }
0x10c: {  	p1 =	por $0x1, $0x1;
	[tilespmem:s13+$0x11C00] =	vst v1  }
.Ltmp5:
0x10d: {  	[tilespmem:s13+$0x11C80] =	vst v1;
	(pc) =	sbr.rel @!p1 .LBB2_10-.Ltmp5, $4  }
0x10e: {  	[tilespmem:s13+$0x11D00] =	vst v1  }
0x10f: {  	[tilespmem:s13+$0x11D80] =	vst v1  }
0x110: {  	[tilespmem:s13+$0x11E00] =	vst v1  }
0x111: {  	p0 =	por $0x0, $0x0;
	s15 =	sadd.s32 $0x0, s6;
	[tilespmem:s13+$0x11E80] =	vst v1;
	s13 =	simm.s32 $0x10  }
0x112: {  	s15 =	sand.u32 $0x7F80, s15;
	s14 =	sand.u32 $0x70, s14  }
0x113: {  	s14 =	sor.u32 s14, s15  }
0x114: {  	v13 =	vld [tilespmem:s14+$0x5180];
	_ =	sdelay $0x4  }
0x115: {  	v13 =	vadd.s32 $0xFFFFF600, v13  }
0x116: {  	vm0 =	vgt.s32 v13, $0x0  }
0x117: {  	v14 =	vnsel vm0, $0x0, v13  }
0x118: {  	v14 =	vmin.u32 v14, $0x9FF  }
0x119: {  	v15 =	vshll.u32 v14, $0x3  }
0x11a: {  	p1 =	por $0x1, $0x1;
	v14 =	vand.u32 $0x7F, v14;
	v15 =	vand.u32 $0x7C00, v15  }
.Ltmp6:
0x11b: {  	vm0 =	vlt.u32 v13, $0xA00;
	v14 =	vor.u32 v14, v15;
	(pc) =	sbr.rel @!p1 .LBB2_12-.Ltmp6, $2  }
0x11c: {  	v13 =	vadd.s32 v2, v14;
	_ =	sdelay $0x2  }
0x11d: {  	p0 =	por $0x1, $0x1;
	s15 =	sadd.s32 $0x10, s6;
	s14 =	simm.s32 $0x20  }
.LBB2_13:
0x11e: {  	p1 =	sne.s32 s14, $0x27F0;
	s15 =	sand.u32 $0x7F80, s15;
	s13 =	sand.u32 $0x70, s13  }
0x11f: {  	s15 =	sor.u32 s13, s15;
	[tilespmem:v13+s11+$0x0] =	vst.idx.add.f32.msk vm0, v3;
	s13 =	smov.u32 s14  }
0x120: {  	v13 =	vld [tilespmem:s15+$0x5180];
	_ =	sdelay $0x4  }
0x121: {  	v13 =	vadd.s32 $0xFFFFF600, v13  }
0x122: {  	vm0 =	vgt.s32 v13, $0x0  }
0x123: {  	v14 =	vnsel vm0, $0x0, v13  }
0x124: {  	v14 =	vmin.u32 v14, $0x9FF  }
0x125: {  	v15 =	vshll.u32 v14, $0x3  }
0x126: {  	v14 =	vand.u32 $0x7F, v14;
	v15 =	vand.u32 $0x7C00, v15  }
.Ltmp7:
0x127: {  	vm0 =	vlt.u32 v13, $0xA00;
	v13 =	vor.u32 v14, v15;
	(pc) =	sbr.rel @p1 .LBB2_13-.Ltmp7, $2  }
0x128: {  	v13 =	vadd.s32 v2, v13;
	_ =	sdelay $0x2  }
0x129: {  	s14 =	sadd.s32 $0x10, s14;
	s15 =	sadd.s32 s13, s6  }
0x12a: {  	s14 =	smov.u32 s13  }
.LBB2_15:
0x12b: {  	_ =	sdelay $0x3  }
0x12c: {  	s13 =	sand.u32 $0x7F80, s15;
	s14 =	sand.u32 $0x70, s14  }
0x12d: {  	[tilespmem:v13+s11+$0x0] =	vst.idx.add.f32.msk @p0 vm0, v3;
	s13 =	sor.u32 s14, s13  }
0x12e: {  	v13 =	vld [tilespmem:s13+$0x5180];
	_ =	sdelay $0x4  }
0x12f: {  	v13 =	vadd.s32 $0xFFFFF600, v13  }
0x130: {  	vm14 =	vgt.s32 v13, $0x0  }
0x131: {  	v14 =	vnsel vm14, $0x0, v13  }
0x132: {  	v14 =	vmin.u32 v14, $0x9FF  }
0x133: {  	v15 =	vshll.u32 v14, $0x3  }
0x134: {  	v14 =	vand.u32 $0x7F, v14;
	v15 =	vand.u32 $0x7C00, v15  }
0x135: {  	vm15 =	vlt.u32 v13, $0xA00;
	v13 =	vor.u32 v14, v15  }
0x136: {  	v13 =	vadd.s32 v2, v13;
	_ =	sdelay $0x2  }
0x137: {  	s14 =	simm.s32 $0x0  }
0x138: {  	s20 =	sand.u32 $0x70, s14;
	s21 =	sand.u32 $0x7C00, s14  }
0x139: {  	s13 =	sor.u32 s20, s21;
	[tilespmem:v13+s11+$0x0] =	vst.idx.add.f32.msk vm15, v3  }
0x13a: {  	v13 =	vld [tilespmem:s13+$0xCB80]  }
0x13b: {  	v14 =	vld [tilespmem:s13+$0xCB00];
	_ =	sdelay $0x1  }
0x13c: {  	v15 =	vld [tilespmem:s13+$0xCC00];
	_ =	sdelay $0x1  }
0x13d: {  	v16 =	vld [tilespmem:s13+$0xCC80]  }
0x13e: {  	v13 =	vadd.f32 v13, v14  }
0x13f: {  	v14 =	vld [tilespmem:s13+$0xCD00]  }
0x140: {  	v13 =	vadd.f32 v15, v13  }
0x141: {  	s16 =	sand.u32 $0x7, s14;
	v15 =	vld [tilespmem:s13+$0xCD80]  }
0x142: {  	s22 =	sshll.u32 s16, $0x4;
	v13 =	vadd.f32 v16, v13  }
0x143: {  	s15 =	sadd.s32 $0x0, s22;
	v60 =	vld [tilespmem:s13+$0xCE00]  }
0x144: {  	s15 =	sor.u32 $0x380, s15;
	v13 =	vadd.f32 v14, v13  }
0x145: {  	v14 =	vld [tilespmem:s15+$0xCB00]  }
0x146: {  	v13 =	vadd.f32 v15, v13  }
0x147: {  	v15 =	vld [tilespmem:s13+$0x11B00]  }
0x148: {  	v13 =	vadd.f32 v60, v13  }
0x149: {  	v61 =	vld [tilespmem:s13+$0x11B80]  }
0x14a: {  	v13 =	vadd.f32 v14, v13  }
0x14b: {  	v14 =	vld [tilespmem:s13+$0x11C00]  }
0x14c: {  	v13 =	vadd.f32 v15, v13  }
0x14d: {  	v15 =	vld [tilespmem:s13+$0x11C80]  }
0x14e: {  	v13 =	vadd.f32 v61, v13  }
0x14f: {  	v62 =	vld [tilespmem:s13+$0x11D00]  }
0x150: {  	v13 =	vadd.f32 v14, v13  }
0x151: {  	v14 =	vld [tilespmem:s13+$0x11D80]  }
0x152: {  	v13 =	vadd.f32 v15, v13  }
0x153: {  	v15 =	vld [tilespmem:s13+$0x11E00]  }
0x154: {  	v13 =	vadd.f32 v62, v13  }
0x155: {  	v63 =	vld [tilespmem:s13+$0x11E80]  }
0x156: {  	v13 =	vadd.f32 v14, v13;
	_ =	sdelay $0x1  }
0x157: {  	v13 =	vadd.f32 v15, v13  }
0x158: {  	s19 =	simm.s32 $0x80  }
0x159: {  	s18 =	sand.u32 $0x7C00, s19;
	s15 =	simm.s32 $0x10;
	v13 =	vadd.f32 v63, v13  }
0x15a: {  	s20 =	sand.u32 $0xFF0, s14;
	s21 =	simm.s32 $0x20;
	s17 =	sand.u32 $0x70, s15  }
0x15b: {  	s18 =	sor.u32 s17, s18;
	s17 =	simm.s32 $0x10;
	[tilespmem:s20+$0xAD00] =	vst v13;
	s20 =	simm.s32 $0x0  }
.LBB2_16:
0x15c: {  	p0 =	sne.s32 s21, $0x9F0;
	v13 =	vld [tilespmem:s18+$0xCB80]  }
0x15d: {  	v14 =	vld [tilespmem:s18+$0xCB00];
	_ =	sdelay $0x1  }
0x15e: {  	v15 =	vld [tilespmem:s18+$0xCC00];
	_ =	sdelay $0x1  }
0x15f: {  	v16 =	vld [tilespmem:s18+$0xCC80]  }
0x160: {  	v13 =	vadd.f32 v13, v14  }
0x161: {  	v14 =	vld [tilespmem:s18+$0xCD00]  }
0x162: {  	s20 =	sadd.s32 $0x1, s20;
	v13 =	vadd.f32 v15, v13  }
0x163: {  	s22 =	sand.u32 $0x7, s20;
	v15 =	vld [tilespmem:s18+$0xCD80]  }
0x164: {  	s22 =	sshll.u32 s22, $0x4;
	v13 =	vadd.f32 v16, v13  }
0x165: {  	s22 =	sadd.s32 s22, s19;
	v16 =	vld [tilespmem:s18+$0xCE00]  }
0x166: {  	s22 =	sor.u32 $0x380, s22;
	v13 =	vadd.f32 v14, v13  }
0x167: {  	v14 =	vld [tilespmem:s22+$0xCB00]  }
0x168: {  	v13 =	vadd.f32 v15, v13  }
0x169: {  	v15 =	vld [tilespmem:s18+$0x11B00]  }
0x16a: {  	v13 =	vadd.f32 v16, v13  }
0x16b: {  	v16 =	vld [tilespmem:s18+$0x11B80]  }
0x16c: {  	v13 =	vadd.f32 v14, v13  }
0x16d: {  	v14 =	vld [tilespmem:s18+$0x11C00]  }
0x16e: {  	v13 =	vadd.f32 v15, v13  }
0x16f: {  	v15 =	vld [tilespmem:s18+$0x11C80]  }
0x170: {  	v13 =	vadd.f32 v16, v13  }
0x171: {  	v16 =	vld [tilespmem:s18+$0x11D00]  }
0x172: {  	v13 =	vadd.f32 v14, v13  }
0x173: {  	v14 =	vld [tilespmem:s18+$0x11D80]  }
0x174: {  	v13 =	vadd.f32 v15, v13  }
0x175: {  	v15 =	vld [tilespmem:s18+$0x11E00]  }
0x176: {  	v13 =	vadd.f32 v16, v13  }
0x177: {  	v16 =	vld [tilespmem:s18+$0x11E80]  }
0x178: {  	v13 =	vadd.f32 v14, v13;
	_ =	sdelay $0x1  }
.Ltmp8:
0x179: {  	v13 =	vadd.f32 v15, v13;
	(pc) =	sbr.rel @p0 .LBB2_16-.Ltmp8, $4  }
0x17a: {  	_ = 	snop  }
0x17b: {  	s19 =	sadd.s32 $0x80, s19;
	v13 =	vadd.f32 v16, v13  }
0x17c: {  	s17 =	sand.u32 $0xFF0, s17;
	s22 =	sand.u32 $0x7C00, s19;
	s18 =	sand.u32 $0x70, s21  }
0x17d: {  	s18 =	sor.u32 s18, s22;
	[tilespmem:s17+$0xAD00] =	vst v13;
	s17 =	smov.u32 s21;
	s21 =	sadd.s32 $0x10, s21  }
0x17e: {  	v13 =	vld [tilespmem:s18+$0xCB80]  }
0x17f: {  	v14 =	vld [tilespmem:s18+$0xCB00];
	_ =	sdelay $0x1  }
0x180: {  	v15 =	vld [tilespmem:s18+$0xCC00];
	_ =	sdelay $0x1  }
0x181: {  	v16 =	vld [tilespmem:s18+$0xCC80]  }
0x182: {  	v13 =	vadd.f32 v13, v14  }
0x183: {  	v14 =	vld [tilespmem:s18+$0xCD00]  }
0x184: {  	s20 =	sadd.s32 $0x1, s20;
	v13 =	vadd.f32 v15, v13  }
0x185: {  	s20 =	sand.u32 $0x7, s20;
	v15 =	vld [tilespmem:s18+$0xCD80]  }
0x186: {  	s20 =	sshll.u32 s20, $0x4;
	v13 =	vadd.f32 v16, v13  }
0x187: {  	v60 =	vld [tilespmem:s18+$0xCE00];
	s19 =	sadd.s32 s20, s19  }
0x188: {  	s19 =	sor.u32 $0x380, s19;
	v13 =	vadd.f32 v14, v13  }
0x189: {  	v14 =	vld [tilespmem:s19+$0xCB00]  }
0x18a: {  	v13 =	vadd.f32 v15, v13  }
0x18b: {  	v15 =	vld [tilespmem:s18+$0x11B00]  }
0x18c: {  	v13 =	vadd.f32 v60, v13  }
0x18d: {  	v61 =	vld [tilespmem:s18+$0x11B80]  }
0x18e: {  	v13 =	vadd.f32 v14, v13  }
0x18f: {  	v14 =	vld [tilespmem:s18+$0x11C00]  }
0x190: {  	v13 =	vadd.f32 v15, v13  }
0x191: {  	v15 =	vld [tilespmem:s18+$0x11C80]  }
0x192: {  	v13 =	vadd.f32 v61, v13  }
0x193: {  	v62 =	vld [tilespmem:s18+$0x11D00]  }
0x194: {  	v13 =	vadd.f32 v14, v13  }
0x195: {  	v14 =	vld [tilespmem:s18+$0x11D80]  }
0x196: {  	v13 =	vadd.f32 v15, v13  }
0x197: {  	v15 =	vld [tilespmem:s18+$0x11E00]  }
0x198: {  	v13 =	vadd.f32 v62, v13  }
0x199: {  	v63 =	vld [tilespmem:s18+$0x11E80]  }
0x19a: {  	v13 =	vadd.f32 v14, v13;
	_ =	sdelay $0x1  }
0x19b: {  	v13 =	vadd.f32 v15, v13;
	_ =	sdelay $0x1  }
0x19c: {  	v13 =	vadd.f32 v63, v13  }
0x19d: {  	s17 =	sand.u32 $0xFF0, s17  }
0x19e: {  	[tilespmem:s17+$0xAD00] =	vst v13  }
0x19f: {  	[tilespmem:s13+$0xCB80] =	vst v1  }
0x1a0: {  	[tilespmem:s13+$0xCC00] =	vst v1  }
0x1a1: {  	[tilespmem:s13+$0xCC80] =	vst v1  }
0x1a2: {  	s17 =	simm.s32 $0x0;
	[tilespmem:s13+$0xCD00] =	vst v1  }
.LBB2_18:
0x1a3: {  	p0 =	sne.s32 s15, $0x9F0;
	s16 =	sshll.u32 s16, $0x4;
	[tilespmem:s13+$0xCD80] =	vst v1  }
0x1a4: {  	s16 =	sadd.s32 s16, s14;
	[tilespmem:s13+$0xCE00] =	vst v1  }
0x1a5: {  	[tilespmem:s13+$0xCB00] =	vst v1;
	s16 =	sor.u32 $0x380, s16  }
0x1a6: {  	[tilespmem:s16+$0xCB00] =	vst v1  }
0x1a7: {  	[tilespmem:s13+$0x11B00] =	vst v1  }
0x1a8: {  	[tilespmem:s13+$0x11B80] =	vst v1  }
0x1a9: {  	[tilespmem:s13+$0x11C00] =	vst v1  }
0x1aa: {  	[tilespmem:s13+$0x11C80] =	vst v1  }
0x1ab: {  	[tilespmem:s13+$0x11D00] =	vst v1  }
0x1ac: {  	s14 =	sadd.s32 $0x80, s14;
	[tilespmem:s13+$0x11D80] =	vst v1  }
0x1ad: {  	s18 =	sand.u32 $0x7C00, s14;
	s16 =	sand.u32 $0x70, s15;
	[tilespmem:s13+$0x11E00] =	vst v1  }
.Ltmp9:
0x1ae: {  	[tilespmem:s13+$0x11E80] =	vst v1;
	s13 =	sor.u32 s16, s18;
	(pc) =	sbr.rel @p0 .LBB2_18-.Ltmp9, $4  }
0x1af: {  	[tilespmem:s13+$0xCB80] =	vst v1  }
0x1b0: {  	[tilespmem:s13+$0xCC00] =	vst v1  }
0x1b1: {  	s17 =	sadd.s32 $0x1, s17;
	[tilespmem:s13+$0xCC80] =	vst v1  }
0x1b2: {  	s15 =	sadd.s32 $0x10, s15;
	s16 =	sand.u32 $0x7, s17;
	[tilespmem:s13+$0xCD00] =	vst v1  }
0x1b3: {  	s15 =	sshll.u32 s16, $0x4;
	[tilespmem:s13+$0xCD80] =	vst v1  }
0x1b4: {  	[tilespmem:s13+$0xCE00] =	vst v1;
	s14 =	sadd.s32 s15, s14  }
0x1b5: {  	[tilespmem:s13+$0xCB00] =	vst v1;
	s14 =	sor.u32 $0x380, s14  }
0x1b6: {  	[tilespmem:s14+$0xCB00] =	vst v1  }
0x1b7: {  	[tilespmem:s13+$0x11B00] =	vst v1  }
0x1b8: {  	[tilespmem:s13+$0x11B80] =	vst v1  }
0x1b9: {  	[tilespmem:s13+$0x11C00] =	vst v1  }
0x1ba: {  	[tilespmem:s13+$0x11C80] =	vst v1  }
0x1bb: {  	[tilespmem:s13+$0x11D00] =	vst v1  }
0x1bc: {  	s20 =	sadd.s32 $0x0, s6;
	s14 =	simm.s32 $0x0;
	[tilespmem:s13+$0x11D80] =	vst v1  }
0x1bd: {  	s15 =	sand.u32 $0x7F80, s20;
	[tilespmem:s13+$0x11E00] =	vst v1;
	s21 =	sand.u32 $0x70, s14  }
0x1be: {  	[tilespmem:s13+$0x11E80] =	vst v1;
	s22 =	sor.u32 s21, s15  }
0x1bf: {  	v13 =	vld [tilespmem:s22+$0x5180];
	_ =	sdelay $0x4  }
0x1c0: {  	v13 =	vadd.s32 $0xFFFFEC00, v13  }
0x1c1: {  	vm0 =	vgt.s32 v13, $0x0  }
0x1c2: {  	v14 =	vnsel vm0, $0x0, v13  }
0x1c3: {  	v14 =	vmin.u32 v14, $0x9FF  }
0x1c4: {  	v15 =	vshll.u32 v14, $0x3  }
0x1c5: {  	v14 =	vand.u32 $0x7F, v14;
	v15 =	vand.u32 $0x7C00, v15  }
0x1c6: {  	vm0 =	vlt.u32 v13, $0xA00;
	v14 =	vor.u32 v14, v15  }
0x1c7: {  	v13 =	vadd.s32 v2, v14;
	_ =	sdelay $0x1  }
0x1c8: {  	s17 =	sadd.s32 $0x10, s6;
	s16 =	simm.s32 $0x10  }
0x1c9: {  	s20 =	simm.s32 $0x5180;
	s13 =	simm.s32 $0x10;
	s15 =	simm.s32 $0x20  }
.LBB2_20:
0x1ca: {  	p0 =	sne.s32 s15, $0x27F0;
	s17 =	sand.u32 $0x7F80, s17;
	s16 =	sand.u32 $0x70, s16  }
0x1cb: {  	s17 =	sor.u32 s16, s17;
	[tilespmem:v13+s11+$0x0] =	vst.idx.add.f32.msk vm0, v3;
	s16 =	smov.u32 s15  }
0x1cc: {  	v13 =	vld [tilespmem:s17+$0x5180];
	_ =	sdelay $0x4  }
0x1cd: {  	v13 =	vadd.s32 $0xFFFFEC00, v13  }
0x1ce: {  	vm0 =	vgt.s32 v13, $0x0  }
0x1cf: {  	v14 =	vnsel vm0, $0x0, v13  }
0x1d0: {  	v14 =	vmin.u32 v14, $0x9FF  }
0x1d1: {  	v15 =	vshll.u32 v14, $0x3  }
0x1d2: {  	v14 =	vand.u32 $0x7F, v14;
	v15 =	vand.u32 $0x7C00, v15  }
.Ltmp10:
0x1d3: {  	vm0 =	vlt.u32 v13, $0xA00;
	v13 =	vor.u32 v14, v15;
	(pc) =	sbr.rel @p0 .LBB2_20-.Ltmp10, $2  }
0x1d4: {  	v13 =	vadd.s32 v2, v13;
	_ =	sdelay $0x2  }
0x1d5: {  	s15 =	sadd.s32 $0x10, s15;
	s17 =	sadd.s32 s16, s6  }
0x1d6: {  	_ =	sdelay $0x3  }
0x1d7: {  	s15 =	sand.u32 $0x7F80, s17;
	s16 =	sand.u32 $0x70, s16  }
0x1d8: {  	[tilespmem:v13+s11+$0x0] =	vst.idx.add.f32.msk vm0, v3;
	s15 =	sor.u32 s16, s15  }
0x1d9: {  	v13 =	vld [tilespmem:s15+$0x5180];
	_ =	sdelay $0x4  }
0x1da: {  	v13 =	vadd.s32 $0xFFFFEC00, v13  }
0x1db: {  	vm14 =	vgt.s32 v13, $0x0  }
0x1dc: {  	v14 =	vnsel vm14, $0x0, v13  }
0x1dd: {  	v14 =	vmin.u32 v14, $0x9FF  }
0x1de: {  	v15 =	vshll.u32 v14, $0x3  }
0x1df: {  	v14 =	vand.u32 $0x7F, v14;
	v15 =	vand.u32 $0x7C00, v15  }
0x1e0: {  	vm15 =	vlt.u32 v13, $0xA00;
	v13 =	vor.u32 v14, v15  }
0x1e1: {  	v13 =	vadd.s32 v2, v13;
	_ =	sdelay $0x3  }
0x1e2: {  	s17 =	sand.u32 $0x70, s14;
	s18 =	sand.u32 $0x7C00, s14  }
0x1e3: {  	s15 =	sor.u32 s17, s18;
	[tilespmem:v13+s11+$0x0] =	vst.idx.add.f32.msk vm15, v3  }
0x1e4: {  	v13 =	vld [tilespmem:s15+$0xCB80]  }
0x1e5: {  	v14 =	vld [tilespmem:s15+$0xCB00];
	_ =	sdelay $0x1  }
0x1e6: {  	v15 =	vld [tilespmem:s15+$0xCC00];
	_ =	sdelay $0x1  }
0x1e7: {  	v16 =	vld [tilespmem:s15+$0xCC80]  }
0x1e8: {  	v13 =	vadd.f32 v13, v14  }
0x1e9: {  	v14 =	vld [tilespmem:s15+$0xCD00]  }
0x1ea: {  	v13 =	vadd.f32 v15, v13  }
0x1eb: {  	s19 =	sand.u32 $0x7, s14;
	v15 =	vld [tilespmem:s15+$0xCD80]  }
0x1ec: {  	s16 =	sshll.u32 s19, $0x4;
	v13 =	vadd.f32 v16, v13  }
0x1ed: {  	s16 =	sadd.s32 $0x0, s16;
	v60 =	vld [tilespmem:s15+$0xCE00]  }
0x1ee: {  	s16 =	sor.u32 $0x380, s16;
	v13 =	vadd.f32 v14, v13  }
0x1ef: {  	v14 =	vld [tilespmem:s16+$0xCB00]  }
0x1f0: {  	v13 =	vadd.f32 v15, v13  }
0x1f1: {  	v15 =	vld [tilespmem:s15+$0x11B00]  }
0x1f2: {  	v13 =	vadd.f32 v60, v13  }
0x1f3: {  	v61 =	vld [tilespmem:s15+$0x11B80]  }
0x1f4: {  	v13 =	vadd.f32 v14, v13  }
0x1f5: {  	v14 =	vld [tilespmem:s15+$0x11C00]  }
0x1f6: {  	v13 =	vadd.f32 v15, v13  }
0x1f7: {  	v15 =	vld [tilespmem:s15+$0x11C80]  }
0x1f8: {  	v13 =	vadd.f32 v61, v13  }
0x1f9: {  	v62 =	vld [tilespmem:s15+$0x11D00]  }
0x1fa: {  	v13 =	vadd.f32 v14, v13  }
0x1fb: {  	v14 =	vld [tilespmem:s15+$0x11D80]  }
0x1fc: {  	v13 =	vadd.f32 v15, v13  }
0x1fd: {  	v15 =	vld [tilespmem:s15+$0x11E00]  }
0x1fe: {  	v13 =	vadd.f32 v62, v13  }
0x1ff: {  	v63 =	vld [tilespmem:s15+$0x11E80]  }
0x200: {  	v13 =	vadd.f32 v14, v13;
	_ =	sdelay $0x1  }
0x201: {  	v13 =	vadd.f32 v15, v13;
	_ =	sdelay $0x1  }
0x202: {  	s16 =	simm.s32 $0x80;
	v13 =	vadd.f32 v63, v13  }
0x203: {  	s21 =	sand.u32 $0x70, s13;
	s18 =	sand.u32 $0xFF0, s14;
	s22 =	sand.u32 $0x7C00, s16  }
0x204: {  	s17 =	simm.s32 $0x20;
	s15 =	sor.u32 s21, s22;
	[tilespmem:s18+$0xB700] =	vst v13  }
.LBB2_22:
0x205: {  	p0 =	sne.s32 s17, $0x9F0;
	v13 =	vld [tilespmem:s15+$0xCB80];
	s18 =	smov.u32 s13;
	s13 =	smov.u32 s17  }
0x206: {  	v14 =	vld [tilespmem:s15+$0xCB00];
	_ =	sdelay $0x1  }
0x207: {  	v15 =	vld [tilespmem:s15+$0xCC00];
	_ =	sdelay $0x1  }
0x208: {  	v16 =	vld [tilespmem:s15+$0xCC80]  }
0x209: {  	v13 =	vadd.f32 v13, v14  }
0x20a: {  	v14 =	vld [tilespmem:s15+$0xCD00]  }
0x20b: {  	s14 =	sadd.s32 $0x1, s14;
	v13 =	vadd.f32 v15, v13  }
0x20c: {  	s19 =	sand.u32 $0x7, s14;
	v15 =	vld [tilespmem:s15+$0xCD80]  }
0x20d: {  	s19 =	sshll.u32 s19, $0x4;
	v13 =	vadd.f32 v16, v13  }
0x20e: {  	s19 =	sadd.s32 s19, s16;
	v16 =	vld [tilespmem:s15+$0xCE00]  }
0x20f: {  	s19 =	sor.u32 $0x380, s19;
	v13 =	vadd.f32 v14, v13  }
0x210: {  	v14 =	vld [tilespmem:s19+$0xCB00]  }
0x211: {  	v13 =	vadd.f32 v15, v13  }
0x212: {  	v15 =	vld [tilespmem:s15+$0x11B00]  }
0x213: {  	v13 =	vadd.f32 v16, v13  }
0x214: {  	v16 =	vld [tilespmem:s15+$0x11B80]  }
0x215: {  	v13 =	vadd.f32 v14, v13  }
0x216: {  	v14 =	vld [tilespmem:s15+$0x11C00]  }
0x217: {  	v13 =	vadd.f32 v15, v13  }
0x218: {  	v15 =	vld [tilespmem:s15+$0x11C80]  }
0x219: {  	v13 =	vadd.f32 v16, v13  }
0x21a: {  	v16 =	vld [tilespmem:s15+$0x11D00]  }
0x21b: {  	v13 =	vadd.f32 v14, v13  }
0x21c: {  	v14 =	vld [tilespmem:s15+$0x11D80]  }
0x21d: {  	v13 =	vadd.f32 v15, v13  }
0x21e: {  	v15 =	vld [tilespmem:s15+$0x11E00]  }
0x21f: {  	v13 =	vadd.f32 v16, v13  }
0x220: {  	v16 =	vld [tilespmem:s15+$0x11E80]  }
0x221: {  	v13 =	vadd.f32 v14, v13;
	_ =	sdelay $0x1  }
.Ltmp11:
0x222: {  	v13 =	vadd.f32 v15, v13;
	(pc) =	sbr.rel @p0 .LBB2_22-.Ltmp11, $4  }
0x223: {  	_ = 	snop  }
0x224: {  	s16 =	sadd.s32 $0x80, s16;
	v13 =	vadd.f32 v16, v13  }
0x225: {  	s18 =	sand.u32 $0xFF0, s18;
	s19 =	sand.u32 $0x7C00, s16;
	s15 =	sand.u32 $0x70, s17  }
0x226: {  	s17 =	sadd.s32 $0x10, s17;
	s15 =	sor.u32 s15, s19;
	[tilespmem:s18+$0xB700] =	vst v13  }
0x227: {  	v13 =	vld [tilespmem:s15+$0xCB80]  }
0x228: {  	v14 =	vld [tilespmem:s15+$0xCB00];
	_ =	sdelay $0x1  }
0x229: {  	v15 =	vld [tilespmem:s15+$0xCC00];
	_ =	sdelay $0x1  }
0x22a: {  	v16 =	vld [tilespmem:s15+$0xCC80]  }
0x22b: {  	v13 =	vadd.f32 v13, v14  }
0x22c: {  	v14 =	vld [tilespmem:s15+$0xCD00]  }
0x22d: {  	s14 =	sadd.s32 $0x1, s14;
	v13 =	vadd.f32 v15, v13  }
0x22e: {  	s14 =	sand.u32 $0x7, s14;
	v15 =	vld [tilespmem:s15+$0xCD80]  }
0x22f: {  	s14 =	sshll.u32 s14, $0x4;
	v13 =	vadd.f32 v16, v13  }
0x230: {  	v60 =	vld [tilespmem:s15+$0xCE00];
	s14 =	sadd.s32 s14, s16  }
0x231: {  	s14 =	sor.u32 $0x380, s14;
	v13 =	vadd.f32 v14, v13  }
0x232: {  	v14 =	vld [tilespmem:s14+$0xCB00]  }
0x233: {  	v13 =	vadd.f32 v15, v13  }
0x234: {  	v15 =	vld [tilespmem:s15+$0x11B00]  }
0x235: {  	v13 =	vadd.f32 v60, v13  }
0x236: {  	v61 =	vld [tilespmem:s15+$0x11B80]  }
0x237: {  	v13 =	vadd.f32 v14, v13  }
0x238: {  	v14 =	vld [tilespmem:s15+$0x11C00]  }
0x239: {  	v13 =	vadd.f32 v15, v13  }
0x23a: {  	v15 =	vld [tilespmem:s15+$0x11C80]  }
0x23b: {  	v13 =	vadd.f32 v61, v13  }
0x23c: {  	v62 =	vld [tilespmem:s15+$0x11D00]  }
0x23d: {  	v13 =	vadd.f32 v14, v13  }
0x23e: {  	v14 =	vld [tilespmem:s15+$0x11D80]  }
0x23f: {  	v13 =	vadd.f32 v15, v13  }
0x240: {  	v15 =	vld [tilespmem:s15+$0x11E00]  }
0x241: {  	v13 =	vadd.f32 v62, v13  }
0x242: {  	v63 =	vld [tilespmem:s15+$0x11E80]  }
0x243: {  	v13 =	vadd.f32 v14, v13;
	_ =	sdelay $0x1  }
0x244: {  	v13 =	vadd.f32 v15, v13;
	_ =	sdelay $0x1  }
0x245: {  	s13 =	sand.u32 $0xFF0, s13;
	s14 =	simm.s32 $0x0;
	v13 =	vadd.f32 v63, v13  }
0x246: {  	p0 =	por $0x1, $0x1;
	s21 =	sand.u32 $0x70, s14;
	s22 =	sand.u32 $0x7C00, s14  }
.Ltmp12:
0x247: {  	[tilespmem:s13+$0xB700] =	vst v13;
	s13 =	sor.u32 s21, s22;
	(pc) =	sbr.rel @!p0 .LBB2_25-.Ltmp12, $4  }
0x248: {  	[tilespmem:s13+$0xCB80] =	vst v1  }
0x249: {  	[tilespmem:s13+$0xCC00] =	vst v1  }
0x24a: {  	s17 =	simm.s32 $0x0;
	[tilespmem:s13+$0xCC80] =	vst v1  }
0x24b: {  	s16 =	simm.s32 $0x10;
	s18 =	sand.u32 $0x7, s14;
	s15 =	simm.s32 $0x0;
	[tilespmem:s13+$0xCD00] =	vst v1  }
.LBB2_24:
0x24c: {  	p0 =	sne.s32 s16, $0x9F0;
	s18 =	sshll.u32 s18, $0x4;
	[tilespmem:s13+$0xCD80] =	vst v1  }
0x24d: {  	s18 =	sadd.s32 s18, s15;
	[tilespmem:s13+$0xCE00] =	vst v1  }
0x24e: {  	[tilespmem:s13+$0xCB00] =	vst v1;
	s18 =	sor.u32 $0x380, s18  }
0x24f: {  	[tilespmem:s18+$0xCB00] =	vst v1  }
0x250: {  	[tilespmem:s13+$0x11B00] =	vst v1  }
0x251: {  	[tilespmem:s13+$0x11B80] =	vst v1  }
0x252: {  	[tilespmem:s13+$0x11C00] =	vst v1  }
0x253: {  	[tilespmem:s13+$0x11C80] =	vst v1  }
0x254: {  	[tilespmem:s13+$0x11D00] =	vst v1  }
0x255: {  	s15 =	sadd.s32 $0x80, s15;
	[tilespmem:s13+$0x11D80] =	vst v1  }
0x256: {  	s19 =	sand.u32 $0x7C00, s15;
	s18 =	sand.u32 $0x70, s16;
	[tilespmem:s13+$0x11E00] =	vst v1  }
.Ltmp13:
0x257: {  	[tilespmem:s13+$0x11E80] =	vst v1;
	s13 =	sor.u32 s18, s19;
	(pc) =	sbr.rel @p0 .LBB2_24-.Ltmp13, $4  }
0x258: {  	[tilespmem:s13+$0xCB80] =	vst v1  }
0x259: {  	[tilespmem:s13+$0xCC00] =	vst v1  }
0x25a: {  	s17 =	sadd.s32 $0x1, s17;
	[tilespmem:s13+$0xCC80] =	vst v1  }
0x25b: {  	s16 =	sadd.s32 $0x10, s16;
	s18 =	sand.u32 $0x7, s17;
	[tilespmem:s13+$0xCD00] =	vst v1  }
.LBB2_25:
0x25c: {  	s16 =	sshll.u32 s18, $0x4;
	[tilespmem:s13+$0xCD80] =	vst v1  }
0x25d: {  	[tilespmem:s13+$0xCE00] =	vst v1;
	s15 =	sadd.s32 s16, s15  }
0x25e: {  	[tilespmem:s13+$0xCB00] =	vst v1;
	s15 =	sor.u32 $0x380, s15  }
0x25f: {  	[tilespmem:s15+$0xCB00] =	vst v1  }
0x260: {  	[tilespmem:s13+$0x11B00] =	vst v1  }
0x261: {  	[tilespmem:s13+$0x11B80] =	vst v1  }
0x262: {  	[tilespmem:s13+$0x11C00] =	vst v1  }
0x263: {  	[tilespmem:s13+$0x11C80] =	vst v1  }
0x264: {  	[tilespmem:s13+$0x11D00] =	vst v1  }
0x265: {  	[tilespmem:s13+$0x11D80] =	vst v1  }
0x266: {  	[tilespmem:s13+$0x11E00] =	vst v1  }
0x267: {  	[tilespmem:s13+$0x11E80] =	vst v1  }
.LBB2_26:
0x268: {  	s13 =	sadd.s32 s14, s6  }
0x269: {  	s15 =	sand.u32 $0x70, s14;
	s13 =	sand.u32 $0x7F80, s13  }
0x26a: {  	s13 =	sor.u32 s15, s13  }
0x26b: {  	v13 =	vld [tilespmem:s13+$0x5180];
	_ =	sdelay $0x4  }
0x26c: {  	v13 =	vadd.s32 $0xFFFFE200, v13  }
0x26d: {  	vm0 =	vgt.s32 v13, $0x0  }
0x26e: {  	v14 =	vnsel vm0, $0x0, v13  }
0x26f: {  	v14 =	vmin.u32 v14, $0x9FF  }
0x270: {  	v15 =	vshll.u32 v14, $0x3  }
0x271: {  	v14 =	vand.u32 $0x7F, v14;
	v15 =	vand.u32 $0x7C00, v15  }
0x272: {  	vm15 =	vlt.u32 v13, $0xA00;
	v13 =	vor.u32 v14, v15  }
0x273: {  	p0 =	sne.s32 s14, $0x27F0;
	v13 =	vadd.s32 v2, v13  }
.Ltmp14:
0x274: {  	_ = 	snop;
	(pc) =	sbr.rel @p0 .LBB2_26-.Ltmp14, $2  }
0x275: {  	_ =	sdelay $0x2  }
0x276: {  	s14 =	sadd.s32 $0x10, s14;
	[tilespmem:v13+s11+$0x0] =	vst.idx.add.f32.msk vm15, v3  }
0x277: {  	s13 =	simm.s32 $0x0  }
0x278: {  	s14 =	sand.u32 $0x70, s13;
	s15 =	sand.u32 $0x7C00, s13  }
0x279: {  	s14 =	sor.u32 s14, s15  }
0x27a: {  	v13 =	vld [tilespmem:s14+$0xCB80]  }
0x27b: {  	v14 =	vld [tilespmem:s14+$0xCB00];
	_ =	sdelay $0x1  }
0x27c: {  	v15 =	vld [tilespmem:s14+$0xCC00];
	_ =	sdelay $0x1  }
0x27d: {  	v16 =	vld [tilespmem:s14+$0xCC80]  }
0x27e: {  	v13 =	vadd.f32 v13, v14  }
0x27f: {  	v14 =	vld [tilespmem:s14+$0xCD00]  }
0x280: {  	v13 =	vadd.f32 v15, v13  }
0x281: {  	s21 =	sand.u32 $0x7, s13;
	v15 =	vld [tilespmem:s14+$0xCD80]  }
0x282: {  	s15 =	sshll.u32 s21, $0x4;
	v13 =	vadd.f32 v16, v13  }
0x283: {  	s15 =	sadd.s32 $0x0, s15;
	v60 =	vld [tilespmem:s14+$0xCE00]  }
0x284: {  	s15 =	sor.u32 $0x380, s15;
	v13 =	vadd.f32 v14, v13  }
0x285: {  	v14 =	vld [tilespmem:s15+$0xCB00]  }
0x286: {  	v13 =	vadd.f32 v15, v13  }
0x287: {  	v15 =	vld [tilespmem:s14+$0x11B00]  }
0x288: {  	v13 =	vadd.f32 v60, v13  }
0x289: {  	v61 =	vld [tilespmem:s14+$0x11B80]  }
0x28a: {  	v13 =	vadd.f32 v14, v13  }
0x28b: {  	v14 =	vld [tilespmem:s14+$0x11C00]  }
0x28c: {  	v13 =	vadd.f32 v15, v13  }
0x28d: {  	v15 =	vld [tilespmem:s14+$0x11C80]  }
0x28e: {  	v13 =	vadd.f32 v61, v13  }
0x28f: {  	v62 =	vld [tilespmem:s14+$0x11D00]  }
0x290: {  	v13 =	vadd.f32 v14, v13  }
0x291: {  	v14 =	vld [tilespmem:s14+$0x11D80]  }
0x292: {  	v13 =	vadd.f32 v15, v13  }
0x293: {  	v15 =	vld [tilespmem:s14+$0x11E00]  }
0x294: {  	v13 =	vadd.f32 v62, v13  }
0x295: {  	v63 =	vld [tilespmem:s14+$0x11E80]  }
0x296: {  	v13 =	vadd.f32 v14, v13;
	_ =	sdelay $0x1  }
0x297: {  	v13 =	vadd.f32 v15, v13;
	_ =	sdelay $0x1  }
0x298: {  	s16 =	simm.s32 $0x80;
	s14 =	simm.s32 $0x10;
	v13 =	vadd.f32 v63, v13  }
0x299: {  	s17 =	sand.u32 $0x7C00, s16;
	s18 =	sand.u32 $0xFF0, s13;
	s22 =	sand.u32 $0x70, s14  }
0x29a: {  	s15 =	sor.u32 s22, s17;
	s17 =	simm.s32 $0x20;
	[tilespmem:s18+$0xC100] =	vst v13  }
.LBB2_28:
0x29b: {  	p0 =	sne.s32 s17, $0x9F0;
	v13 =	vld [tilespmem:s15+$0xCB80]  }
0x29c: {  	v14 =	vld [tilespmem:s15+$0xCB00];
	_ =	sdelay $0x1  }
0x29d: {  	v15 =	vld [tilespmem:s15+$0xCC00];
	_ =	sdelay $0x1  }
0x29e: {  	v16 =	vld [tilespmem:s15+$0xCC80]  }
0x29f: {  	v13 =	vadd.f32 v13, v14  }
0x2a0: {  	v14 =	vld [tilespmem:s15+$0xCD00]  }
0x2a1: {  	s13 =	sadd.s32 $0x1, s13;
	v13 =	vadd.f32 v15, v13  }
0x2a2: {  	s18 =	sand.u32 $0x7, s13;
	v15 =	vld [tilespmem:s15+$0xCD80]  }
0x2a3: {  	s18 =	sshll.u32 s18, $0x4;
	v13 =	vadd.f32 v16, v13  }
0x2a4: {  	s18 =	sadd.s32 s18, s16;
	v16 =	vld [tilespmem:s15+$0xCE00]  }
0x2a5: {  	s18 =	sor.u32 $0x380, s18;
	v13 =	vadd.f32 v14, v13  }
0x2a6: {  	v14 =	vld [tilespmem:s18+$0xCB00]  }
0x2a7: {  	v13 =	vadd.f32 v15, v13  }
0x2a8: {  	v15 =	vld [tilespmem:s15+$0x11B00]  }
0x2a9: {  	v13 =	vadd.f32 v16, v13  }
0x2aa: {  	v16 =	vld [tilespmem:s15+$0x11B80]  }
0x2ab: {  	v13 =	vadd.f32 v14, v13  }
0x2ac: {  	v14 =	vld [tilespmem:s15+$0x11C00]  }
0x2ad: {  	v13 =	vadd.f32 v15, v13  }
0x2ae: {  	v15 =	vld [tilespmem:s15+$0x11C80]  }
0x2af: {  	v13 =	vadd.f32 v16, v13  }
0x2b0: {  	v16 =	vld [tilespmem:s15+$0x11D00]  }
0x2b1: {  	v13 =	vadd.f32 v14, v13  }
0x2b2: {  	v14 =	vld [tilespmem:s15+$0x11D80]  }
0x2b3: {  	v13 =	vadd.f32 v15, v13  }
0x2b4: {  	v15 =	vld [tilespmem:s15+$0x11E00]  }
0x2b5: {  	v13 =	vadd.f32 v16, v13  }
0x2b6: {  	v16 =	vld [tilespmem:s15+$0x11E80]  }
0x2b7: {  	v13 =	vadd.f32 v14, v13;
	_ =	sdelay $0x1  }
.Ltmp15:
0x2b8: {  	v13 =	vadd.f32 v15, v13;
	(pc) =	sbr.rel @p0 .LBB2_28-.Ltmp15, $4  }
0x2b9: {  	_ = 	snop  }
0x2ba: {  	s16 =	sadd.s32 $0x80, s16;
	v13 =	vadd.f32 v16, v13  }
0x2bb: {  	s14 =	sand.u32 $0xFF0, s14;
	s18 =	sand.u32 $0x7C00, s16;
	s15 =	sand.u32 $0x70, s17  }
0x2bc: {  	s15 =	sor.u32 s15, s18;
	[tilespmem:s14+$0xC100] =	vst v13;
	s14 =	smov.u32 s17;
	s17 =	sadd.s32 $0x10, s17  }
0x2bd: {  	v13 =	vld [tilespmem:s15+$0xCB80]  }
0x2be: {  	v14 =	vld [tilespmem:s15+$0xCB00];
	_ =	sdelay $0x1  }
0x2bf: {  	v15 =	vld [tilespmem:s15+$0xCC00];
	_ =	sdelay $0x1  }
0x2c0: {  	v16 =	vld [tilespmem:s15+$0xCC80]  }
0x2c1: {  	v13 =	vadd.f32 v13, v14  }
0x2c2: {  	v14 =	vld [tilespmem:s15+$0xCD00]  }
0x2c3: {  	s13 =	sadd.s32 $0x1, s13;
	v13 =	vadd.f32 v15, v13  }
0x2c4: {  	s13 =	sand.u32 $0x7, s13;
	v15 =	vld [tilespmem:s15+$0xCD80]  }
0x2c5: {  	s13 =	sshll.u32 s13, $0x4;
	v13 =	vadd.f32 v16, v13  }
0x2c6: {  	v55 =	vld [tilespmem:s15+$0xCE00];
	s13 =	sadd.s32 s13, s16  }
0x2c7: {  	s13 =	sor.u32 $0x380, s13;
	v13 =	vadd.f32 v14, v13  }
0x2c8: {  	v14 =	vld [tilespmem:s13+$0xCB00]  }
0x2c9: {  	v13 =	vadd.f32 v15, v13  }
0x2ca: {  	v15 =	vld [tilespmem:s15+$0x11B00]  }
0x2cb: {  	v13 =	vadd.f32 v55, v13  }
0x2cc: {  	v56 =	vld [tilespmem:s15+$0x11B80]  }
0x2cd: {  	v13 =	vadd.f32 v14, v13  }
0x2ce: {  	v14 =	vld [tilespmem:s15+$0x11C00]  }
0x2cf: {  	v13 =	vadd.f32 v15, v13  }
0x2d0: {  	v15 =	vld [tilespmem:s15+$0x11C80]  }
0x2d1: {  	v13 =	vadd.f32 v56, v13  }
0x2d2: {  	v57 =	vld [tilespmem:s15+$0x11D00]  }
0x2d3: {  	v13 =	vadd.f32 v14, v13  }
0x2d4: {  	v14 =	vld [tilespmem:s15+$0x11D80]  }
0x2d5: {  	v13 =	vadd.f32 v15, v13  }
0x2d6: {  	v15 =	vld [tilespmem:s15+$0x11E00]  }
0x2d7: {  	v13 =	vadd.f32 v57, v13  }
0x2d8: {  	v58 =	vld [tilespmem:s15+$0x11E80]  }
0x2d9: {  	v13 =	vadd.f32 v14, v13;
	_ =	sdelay $0x1  }
0x2da: {  	v13 =	vadd.f32 v15, v13;
	_ =	sdelay $0x1  }
0x2db: {  	v13 =	vadd.f32 v58, v13  }
0x2dc: {  	s18 =	sand.u32 $0xFF0, s14  }
0x2dd: {  	s19 =	rddreg [dreg:$0x5];
	s21 =	simm.s32 $0xA300;
	[tilespmem:s18+$0xC100] =	vst v13  }
0x2de: {  	[spmem:s19] =	stream.strided.scatter [tilespmem:s21], [sflag:$0x1], $0x2800, s9, s8, $0x38;
	[tilespmem:$0x1BE00] =	vst v63  }
0x2df: {  	_ =	swait.ge [sflag:s10], $0x2800  }
0x2e0: {  	[sflag:s10] =	ssyncset.done $0x0  }
0x2e1: {  	[sflag:s10] =	ssyncadd.s32 $0xFFFFD800  }
0x2e2: {  	s22 =	simm.s32 $0x16B00;
	[bflag:$0x0] =	sbarrier.arrive $0xFFFF  }
0x2e3: {  	[tilespmem:s22], [sflag:$0x1] =	stream.linear.gather [spmem:s5], $0x80, $0x38;
	[tilespmem:$0x1BE00] =	vst v63  }
0x2e4: {  	s15 =	simm.s32 $0x16F00;
	s14 =	rddreg [dreg:$0x1a]  }
0x2e5: {  	[tilespmem:s15], [sflag:$0x1] =	stream.linear.gather [spmem:s14], $0x80, $0x38;
	[tilespmem:$0x1BE00] =	vst v63  }
0x2e6: {  	s17 =	simm.s32 $0x17300;
	s16 =	rddreg [dreg:$0x1b]  }
0x2e7: {  	[tilespmem:s17], [sflag:$0x1] =	stream.linear.gather [spmem:s16], $0x80, $0x38;
	[tilespmem:$0x1BE00] =	vst v63  }
0x2e8: {  	s19 =	simm.s32 $0x17700;
	s18 =	rddreg [dreg:$0x1c]  }
0x2e9: {  	[tilespmem:s19], [sflag:$0x1] =	stream.linear.gather [spmem:s18], $0x80, $0x38;
	[tilespmem:$0x1BE00] =	vst v63  }
0x2ea: {  	s21 =	rddreg [dreg:$0x1d];
	s22 =	simm.s32 $0x17B00  }
0x2eb: {  	[tilespmem:s22], [sflag:$0x1] =	stream.linear.gather [spmem:s21], $0x80, $0x38;
	[tilespmem:$0x1BE00] =	vst v63  }
0x2ec: {  	_ =	swait.ge [sflag:s10], $0x280  }
0x2ed: {  	[sflag:s10] =	ssyncset.done $0x0;
	s14 =	rddreg [dreg:$0x6]  }
0x2ee: {  	s15 =	simm.s32 $0x16B80;
	s16 =	rddreg [dreg:$0x1e];
	[sflag:s10] =	ssyncadd.s32 $0xFFFFFD80  }
0x2ef: {  	[tilespmem:s15], [sflag:$0x1] =	stream.linear.gather [spmem:s14], $0x80, $0x38;
	[tilespmem:$0x1BE00] =	vst v63  }
0x2f0: {  	s17 =	simm.s32 $0x16F80;
	s18 =	rddreg [dreg:$0x1f]  }
0x2f1: {  	[tilespmem:s17], [sflag:$0x1] =	stream.linear.gather [spmem:s16], $0x80, $0x38;
	[tilespmem:$0x1BE00] =	vst v63  }
0x2f2: {  	s19 =	simm.s32 $0x17380;
	s21 =	sld [smem:$0x7D1]  }
0x2f3: {  	[tilespmem:s19], [sflag:$0x1] =	stream.linear.gather [spmem:s18], $0x80, $0x38;
	[tilespmem:$0x1BE00] =	vst v63  }
0x2f4: {  	s22 =	simm.s32 $0x17780;
	s14 =	sld [smem:$0x7D2]  }
0x2f5: {  	[tilespmem:s22], [sflag:$0x1] =	stream.linear.gather [spmem:s21], $0x80, $0x38;
	[tilespmem:$0x1BE00] =	vst v63  }
0x2f6: {  	s15 =	simm.s32 $0x17B80  }
0x2f7: {  	[tilespmem:s15], [sflag:$0x1] =	stream.linear.gather [spmem:s14], $0x80, $0x38;
	[tilespmem:$0x1BE00] =	vst v63  }
0x2f8: {  	_ =	swait.ge [sflag:s10], $0x280  }
0x2f9: {  	[sflag:s10] =	ssyncset.done $0x0;
	s16 =	rddreg [dreg:$0x7]  }
0x2fa: {  	s17 =	simm.s32 $0x16C00;
	s18 =	sld [smem:$0x7D3];
	[sflag:s10] =	ssyncadd.s32 $0xFFFFFD80  }
0x2fb: {  	[tilespmem:s17], [sflag:$0x1] =	stream.linear.gather [spmem:s16], $0x80, $0x38;
	[tilespmem:$0x1BE00] =	vst v63  }
0x2fc: {  	s19 =	simm.s32 $0x17000;
	s21 =	sld [smem:$0x7D4]  }
0x2fd: {  	[tilespmem:s19], [sflag:$0x1] =	stream.linear.gather [spmem:s18], $0x80, $0x38;
	[tilespmem:$0x1BE00] =	vst v63  }
0x2fe: {  	s22 =	simm.s32 $0x17400;
	s14 =	sld [smem:$0x7D5]  }
0x2ff: {  	[tilespmem:s22], [sflag:$0x1] =	stream.linear.gather [spmem:s21], $0x80, $0x38;
	[tilespmem:$0x1BE00] =	vst v63  }
0x300: {  	s15 =	simm.s32 $0x17800;
	s16 =	sld [smem:$0x7D6]  }
0x301: {  	[tilespmem:s15], [sflag:$0x1] =	stream.linear.gather [spmem:s14], $0x80, $0x38;
	[tilespmem:$0x1BE00] =	vst v63  }
0x302: {  	s17 =	simm.s32 $0x17C00  }
0x303: {  	[tilespmem:s17], [sflag:$0x1] =	stream.linear.gather [spmem:s16], $0x80, $0x38;
	[tilespmem:$0x1BE00] =	vst v63  }
0x304: {  	_ =	swait.ge [sflag:s10], $0x280  }
0x305: {  	[sflag:s10] =	ssyncset.done $0x0;
	s18 =	rddreg [dreg:$0x8]  }
0x306: {  	s19 =	simm.s32 $0x16C80;
	s21 =	sld [smem:$0x7D7];
	[sflag:s10] =	ssyncadd.s32 $0xFFFFFD80  }
0x307: {  	[tilespmem:s19], [sflag:$0x1] =	stream.linear.gather [spmem:s18], $0x80, $0x38;
	[tilespmem:$0x1BE00] =	vst v63  }
0x308: {  	s22 =	simm.s32 $0x17080;
	s14 =	sld [smem:$0x7D8]  }
0x309: {  	[tilespmem:s22], [sflag:$0x1] =	stream.linear.gather [spmem:s21], $0x80, $0x38;
	[tilespmem:$0x1BE00] =	vst v63  }
0x30a: {  	s15 =	simm.s32 $0x17480;
	s16 =	sld [smem:$0x7D9]  }
0x30b: {  	[tilespmem:s15], [sflag:$0x1] =	stream.linear.gather [spmem:s14], $0x80, $0x38;
	[tilespmem:$0x1BE00] =	vst v63  }
0x30c: {  	s17 =	simm.s32 $0x17880;
	s18 =	sld [smem:$0x7DA]  }
0x30d: {  	[tilespmem:s17], [sflag:$0x1] =	stream.linear.gather [spmem:s16], $0x80, $0x38;
	[tilespmem:$0x1BE00] =	vst v63  }
0x30e: {  	s19 =	simm.s32 $0x17C80  }
0x30f: {  	[tilespmem:s19], [sflag:$0x1] =	stream.linear.gather [spmem:s18], $0x80, $0x38;
	[tilespmem:$0x1BE00] =	vst v63  }
0x310: {  	_ =	swait.ge [sflag:s10], $0x280  }
0x311: {  	[sflag:s10] =	ssyncset.done $0x0;
	s21 =	rddreg [dreg:$0x9]  }
0x312: {  	s22 =	simm.s32 $0x16D00;
	s14 =	sld [smem:$0x7DB];
	[sflag:s10] =	ssyncadd.s32 $0xFFFFFD80  }
0x313: {  	[tilespmem:s22], [sflag:$0x1] =	stream.linear.gather [spmem:s21], $0x80, $0x38;
	[tilespmem:$0x1BE00] =	vst v63  }
0x314: {  	s15 =	simm.s32 $0x17100;
	s16 =	sld [smem:$0x7DC]  }
0x315: {  	[tilespmem:s15], [sflag:$0x1] =	stream.linear.gather [spmem:s14], $0x80, $0x38;
	[tilespmem:$0x1BE00] =	vst v63  }
0x316: {  	s17 =	simm.s32 $0x17500;
	s18 =	sld [smem:$0x7DD]  }
0x317: {  	[tilespmem:s17], [sflag:$0x1] =	stream.linear.gather [spmem:s16], $0x80, $0x38;
	[tilespmem:$0x1BE00] =	vst v63  }
0x318: {  	s19 =	simm.s32 $0x17900;
	s21 =	sld [smem:$0x7DE]  }
0x319: {  	[tilespmem:s19], [sflag:$0x1] =	stream.linear.gather [spmem:s18], $0x80, $0x38;
	[tilespmem:$0x1BE00] =	vst v63  }
0x31a: {  	s22 =	simm.s32 $0x17D00  }
0x31b: {  	[tilespmem:s22], [sflag:$0x1] =	stream.linear.gather [spmem:s21], $0x80, $0x38;
	[tilespmem:$0x1BE00] =	vst v63  }
0x31c: {  	_ =	swait.ge [sflag:s10], $0x280  }
0x31d: {  	[sflag:s10] =	ssyncset.done $0x0;
	s14 =	rddreg [dreg:$0xa]  }
0x31e: {  	s15 =	simm.s32 $0x16D80;
	s16 =	sld [smem:$0x7DF];
	[sflag:s10] =	ssyncadd.s32 $0xFFFFFD80  }
0x31f: {  	[tilespmem:s15], [sflag:$0x1] =	stream.linear.gather [spmem:s14], $0x80, $0x38;
	[tilespmem:$0x1BE00] =	vst v63  }
0x320: {  	s17 =	simm.s32 $0x17180;
	s18 =	sld [smem:$0x7E0]  }
0x321: {  	[tilespmem:s17], [sflag:$0x1] =	stream.linear.gather [spmem:s16], $0x80, $0x38;
	[tilespmem:$0x1BE00] =	vst v63  }
0x322: {  	s19 =	simm.s32 $0x17580;
	s21 =	sld [smem:$0x7E1]  }
0x323: {  	[tilespmem:s19], [sflag:$0x1] =	stream.linear.gather [spmem:s18], $0x80, $0x38;
	[tilespmem:$0x1BE00] =	vst v63  }
0x324: {  	s22 =	simm.s32 $0x17980;
	s14 =	sld [smem:$0x7E2]  }
0x325: {  	[tilespmem:s22], [sflag:$0x1] =	stream.linear.gather [spmem:s21], $0x80, $0x38;
	[tilespmem:$0x1BE00] =	vst v63  }
0x326: {  	s15 =	simm.s32 $0x17D80  }
0x327: {  	[tilespmem:s15], [sflag:$0x1] =	stream.linear.gather [spmem:s14], $0x80, $0x38;
	[tilespmem:$0x1BE00] =	vst v63  }
0x328: {  	_ =	swait.ge [sflag:s10], $0x280  }
0x329: {  	[sflag:s10] =	ssyncset.done $0x0;
	s16 =	rddreg [dreg:$0xb]  }
0x32a: {  	s17 =	simm.s32 $0x16E00;
	s18 =	sld [smem:$0x7E3];
	[sflag:s10] =	ssyncadd.s32 $0xFFFFFD80  }
0x32b: {  	[tilespmem:s17], [sflag:$0x1] =	stream.linear.gather [spmem:s16], $0x80, $0x38;
	[tilespmem:$0x1BE00] =	vst v63  }
0x32c: {  	s19 =	simm.s32 $0x17200;
	s21 =	sld [smem:$0x7E4]  }
0x32d: {  	[tilespmem:s19], [sflag:$0x1] =	stream.linear.gather [spmem:s18], $0x80, $0x38;
	[tilespmem:$0x1BE00] =	vst v63  }
0x32e: {  	s22 =	simm.s32 $0x17600;
	s14 =	sld [smem:$0x7E5]  }
0x32f: {  	[tilespmem:s22], [sflag:$0x1] =	stream.linear.gather [spmem:s21], $0x80, $0x38;
	[tilespmem:$0x1BE00] =	vst v63  }
0x330: {  	s15 =	simm.s32 $0x17A00;
	s16 =	sld [smem:$0x7E6]  }
0x331: {  	[tilespmem:s15], [sflag:$0x1] =	stream.linear.gather [spmem:s14], $0x80, $0x38;
	[tilespmem:$0x1BE00] =	vst v63  }
0x332: {  	s17 =	simm.s32 $0x17E00  }
0x333: {  	[tilespmem:s17], [sflag:$0x1] =	stream.linear.gather [spmem:s16], $0x80, $0x38;
	[tilespmem:$0x1BE00] =	vst v63  }
0x334: {  	_ =	swait.ge [sflag:s10], $0x280  }
0x335: {  	[sflag:s10] =	ssyncset.done $0x0;
	s18 =	rddreg [dreg:$0xc]  }
0x336: {  	s19 =	simm.s32 $0x16E80;
	s21 =	sld [smem:$0x7E7];
	[sflag:s10] =	ssyncadd.s32 $0xFFFFFD80  }
0x337: {  	[tilespmem:s19], [sflag:$0x1] =	stream.linear.gather [spmem:s18], $0x80, $0x38;
	[tilespmem:$0x1BE00] =	vst v63  }
0x338: {  	s22 =	simm.s32 $0x17280;
	s14 =	sld [smem:$0x7E8]  }
0x339: {  	[tilespmem:s22], [sflag:$0x1] =	stream.linear.gather [spmem:s21], $0x80, $0x38;
	[tilespmem:$0x1BE00] =	vst v63  }
0x33a: {  	s15 =	simm.s32 $0x17680;
	s16 =	sld [smem:$0x7E9]  }
0x33b: {  	[tilespmem:s15], [sflag:$0x1] =	stream.linear.gather [spmem:s14], $0x80, $0x38;
	[tilespmem:$0x1BE00] =	vst v63  }
0x33c: {  	s17 =	simm.s32 $0x17A80;
	s18 =	sld [smem:$0x7EA]  }
0x33d: {  	[tilespmem:s17], [sflag:$0x1] =	stream.linear.gather [spmem:s16], $0x80, $0x38;
	[tilespmem:$0x1BE00] =	vst v63  }
0x33e: {  	s19 =	simm.s32 $0x17E80  }
0x33f: {  	[tilespmem:s19], [sflag:$0x1] =	stream.linear.gather [spmem:s18], $0x80, $0x38;
	[tilespmem:$0x1BE00] =	vst v63  }
0x340: {  	_ =	swait.ge [sflag:s10], $0x280  }
0x341: {  	[sflag:s10] =	ssyncset.done $0x0;
	s21 =	rddreg [dreg:$0xd]  }
0x342: {  	s22 =	simm.s32 $0x17F00;
	s14 =	sld [smem:$0x7EB];
	[sflag:s10] =	ssyncadd.s32 $0xFFFFFD80  }
0x343: {  	[tilespmem:s22], [sflag:$0x1] =	stream.linear.gather [spmem:s21], $0x80, $0x38;
	[tilespmem:$0x1BE00] =	vst v63  }
0x344: {  	s15 =	simm.s32 $0x18300;
	s16 =	sld [smem:$0x7EC]  }
0x345: {  	[tilespmem:s15], [sflag:$0x1] =	stream.linear.gather [spmem:s14], $0x80, $0x38;
	[tilespmem:$0x1BE00] =	vst v63  }
0x346: {  	s17 =	simm.s32 $0x18700;
	s18 =	sld [smem:$0x7ED]  }
0x347: {  	[tilespmem:s17], [sflag:$0x1] =	stream.linear.gather [spmem:s16], $0x80, $0x38;
	[tilespmem:$0x1BE00] =	vst v63  }
0x348: {  	s19 =	simm.s32 $0x18B00;
	s21 =	sld [smem:$0x7EE]  }
0x349: {  	[tilespmem:s19], [sflag:$0x1] =	stream.linear.gather [spmem:s18], $0x80, $0x38;
	[tilespmem:$0x1BE00] =	vst v63  }
0x34a: {  	s22 =	simm.s32 $0x18F00  }
0x34b: {  	[tilespmem:s22], [sflag:$0x1] =	stream.linear.gather [spmem:s21], $0x80, $0x38;
	[tilespmem:$0x1BE00] =	vst v63  }
0x34c: {  	_ =	swait.ge [sflag:s10], $0x280  }
0x34d: {  	[sflag:s10] =	ssyncset.done $0x0;
	s14 =	rddreg [dreg:$0xe]  }
0x34e: {  	s15 =	simm.s32 $0x17F80;
	s16 =	sld [smem:$0x7EF];
	[sflag:s10] =	ssyncadd.s32 $0xFFFFFD80  }
0x34f: {  	[tilespmem:s15], [sflag:$0x1] =	stream.linear.gather [spmem:s14], $0x80, $0x38;
	[tilespmem:$0x1BE00] =	vst v63  }
0x350: {  	s17 =	simm.s32 $0x18380;
	s18 =	sld [smem:$0x7F0]  }
0x351: {  	[tilespmem:s17], [sflag:$0x1] =	stream.linear.gather [spmem:s16], $0x80, $0x38;
	[tilespmem:$0x1BE00] =	vst v63  }
0x352: {  	s19 =	simm.s32 $0x18780;
	s21 =	sld [smem:$0x7F1]  }
0x353: {  	[tilespmem:s19], [sflag:$0x1] =	stream.linear.gather [spmem:s18], $0x80, $0x38;
	[tilespmem:$0x1BE00] =	vst v63  }
0x354: {  	s22 =	simm.s32 $0x18B80;
	s14 =	sld [smem:$0x7F2]  }
0x355: {  	[tilespmem:s22], [sflag:$0x1] =	stream.linear.gather [spmem:s21], $0x80, $0x38;
	[tilespmem:$0x1BE00] =	vst v63  }
0x356: {  	s15 =	simm.s32 $0x18F80  }
0x357: {  	[tilespmem:s15], [sflag:$0x1] =	stream.linear.gather [spmem:s14], $0x80, $0x38;
	[tilespmem:$0x1BE00] =	vst v63  }
0x358: {  	_ =	swait.ge [sflag:s10], $0x280  }
0x359: {  	[sflag:s10] =	ssyncset.done $0x0;
	s16 =	rddreg [dreg:$0xf]  }
0x35a: {  	s17 =	simm.s32 $0x18000;
	s18 =	sld [smem:$0x7F3];
	[sflag:s10] =	ssyncadd.s32 $0xFFFFFD80  }
0x35b: {  	[tilespmem:s17], [sflag:$0x1] =	stream.linear.gather [spmem:s16], $0x80, $0x38;
	[tilespmem:$0x1BE00] =	vst v63  }
0x35c: {  	s19 =	simm.s32 $0x18400;
	s21 =	sld [smem:$0x7F4]  }
0x35d: {  	[tilespmem:s19], [sflag:$0x1] =	stream.linear.gather [spmem:s18], $0x80, $0x38;
	[tilespmem:$0x1BE00] =	vst v63  }
0x35e: {  	s22 =	simm.s32 $0x18800;
	s14 =	sld [smem:$0x7F5]  }
0x35f: {  	[tilespmem:s22], [sflag:$0x1] =	stream.linear.gather [spmem:s21], $0x80, $0x38;
	[tilespmem:$0x1BE00] =	vst v63  }
0x360: {  	s15 =	simm.s32 $0x18C00;
	s16 =	sld [smem:$0x7F6]  }
0x361: {  	[tilespmem:s15], [sflag:$0x1] =	stream.linear.gather [spmem:s14], $0x80, $0x38;
	[tilespmem:$0x1BE00] =	vst v63  }
0x362: {  	s17 =	simm.s32 $0x19000  }
0x363: {  	[tilespmem:s17], [sflag:$0x1] =	stream.linear.gather [spmem:s16], $0x80, $0x38;
	[tilespmem:$0x1BE00] =	vst v63  }
0x364: {  	_ =	swait.ge [sflag:s10], $0x280  }
0x365: {  	[sflag:s10] =	ssyncset.done $0x0;
	s18 =	rddreg [dreg:$0x10]  }
0x366: {  	s19 =	simm.s32 $0x18080;
	s21 =	sld [smem:$0x7F7];
	[sflag:s10] =	ssyncadd.s32 $0xFFFFFD80  }
0x367: {  	[tilespmem:s19], [sflag:$0x1] =	stream.linear.gather [spmem:s18], $0x80, $0x38;
	[tilespmem:$0x1BE00] =	vst v63  }
0x368: {  	s22 =	simm.s32 $0x18480;
	s14 =	sld [smem:$0x7F8]  }
0x369: {  	[tilespmem:s22], [sflag:$0x1] =	stream.linear.gather [spmem:s21], $0x80, $0x38;
	[tilespmem:$0x1BE00] =	vst v63  }
0x36a: {  	s15 =	simm.s32 $0x18880;
	s16 =	sld [smem:$0x7F9]  }
0x36b: {  	[tilespmem:s15], [sflag:$0x1] =	stream.linear.gather [spmem:s14], $0x80, $0x38;
	[tilespmem:$0x1BE00] =	vst v63  }
0x36c: {  	s17 =	simm.s32 $0x18C80;
	s18 =	sld [smem:$0x7FA]  }
0x36d: {  	[tilespmem:s17], [sflag:$0x1] =	stream.linear.gather [spmem:s16], $0x80, $0x38;
	[tilespmem:$0x1BE00] =	vst v63  }
0x36e: {  	s19 =	simm.s32 $0x19080  }
0x36f: {  	[tilespmem:s19], [sflag:$0x1] =	stream.linear.gather [spmem:s18], $0x80, $0x38;
	[tilespmem:$0x1BE00] =	vst v63  }
0x370: {  	_ =	swait.ge [sflag:s10], $0x280  }
0x371: {  	[sflag:s10] =	ssyncset.done $0x0;
	s21 =	rddreg [dreg:$0x11]  }
0x372: {  	s22 =	simm.s32 $0x18100;
	s15 =	sld [smem:$0x7FB];
	[sflag:s10] =	ssyncadd.s32 $0xFFFFFD80  }
0x373: {  	[tilespmem:s22], [sflag:$0x1] =	stream.linear.gather [spmem:s21], $0x80, $0x38;
	[tilespmem:$0x1BE00] =	vst v63  }
0x374: {  	s16 =	simm.s32 $0x18500;
	s17 =	sld [smem:$0x7FC]  }
0x375: {  	[tilespmem:s16], [sflag:$0x1] =	stream.linear.gather [spmem:s15], $0x80, $0x38;
	[tilespmem:$0x1BE00] =	vst v63  }
0x376: {  	s18 =	simm.s32 $0x18900;
	s19 =	sld [smem:$0x7FD]  }
0x377: {  	[tilespmem:s18], [sflag:$0x1] =	stream.linear.gather [spmem:s17], $0x80, $0x38;
	[tilespmem:$0x1BE00] =	vst v63  }
0x378: {  	s21 =	simm.s32 $0x18D00  }
0x379: {  	[tilespmem:s21], [sflag:$0x1] =	stream.linear.gather [spmem:s19], $0x80, $0x38;
	[tilespmem:$0x1BE00] =	vst v63  }
0x37a: {  	s22 =	simm.s32 $0x19100  }
0x37b: {  	[tilespmem:s22], [sflag:$0x1] =	stream.linear.gather [spmem:s23], $0x80, $0x38;
	[tilespmem:$0x1BE00] =	vst v63  }
0x37c: {  	_ =	swait.ge [sflag:s10], $0x280  }
0x37d: {  	[sflag:s10] =	ssyncset.done $0x0  }
0x37e: {  	s15 =	simm.s32 $0x18180;
	s14 =	rddreg [dreg:$0x17];
	[sflag:s10] =	ssyncadd.s32 $0xFFFFFD80  }
0x37f: {  	[tilespmem:s15], [sflag:$0x1] =	stream.linear.gather [spmem:s14], $0x80, $0x38;
	[tilespmem:$0x1BE00] =	vst v63  }
0x380: {  	s16 =	simm.s32 $0x18580  }
0x381: {  	[tilespmem:s16], [sflag:$0x1] =	stream.linear.gather [spmem:s24], $0x80, $0x38;
	[tilespmem:$0x1BE00] =	vst v63  }
0x382: {  	s17 =	simm.s32 $0x18980  }
0x383: {  	[tilespmem:s17], [sflag:$0x1] =	stream.linear.gather [spmem:s25], $0x80, $0x38;
	[tilespmem:$0x1BE00] =	vst v63  }
0x384: {  	s18 =	simm.s32 $0x18D80  }
0x385: {  	[tilespmem:s18], [sflag:$0x1] =	stream.linear.gather [spmem:s26], $0x80, $0x38;
	[tilespmem:$0x1BE00] =	vst v63  }
0x386: {  	s19 =	simm.s32 $0x19180  }
0x387: {  	[tilespmem:s19], [sflag:$0x1] =	stream.linear.gather [spmem:s28], $0x80, $0x38;
	[tilespmem:$0x1BE00] =	vst v63  }
0x388: {  	_ =	swait.ge [sflag:s10], $0x280  }
0x389: {  	[sflag:s10] =	ssyncset.done $0x0  }
0x38a: {  	s22 =	simm.s32 $0x18200;
	s21 =	rddreg [dreg:$0x18];
	[sflag:s10] =	ssyncadd.s32 $0xFFFFFD80  }
0x38b: {  	[tilespmem:s22], [sflag:$0x1] =	stream.linear.gather [spmem:s21], $0x80, $0x38;
	[tilespmem:$0x1BE00] =	vst v63  }
0x38c: {  	s15 =	simm.s32 $0x18600  }
0x38d: {  	[tilespmem:s15], [sflag:$0x1] =	stream.linear.gather [spmem:s29], $0x80, $0x38;
	[tilespmem:$0x1BE00] =	vst v63  }
0x38e: {  	s16 =	simm.s32 $0x18A00  }
0x38f: {  	[tilespmem:s16], [sflag:$0x1] =	stream.linear.gather [spmem:s30], $0x80, $0x38;
	[tilespmem:$0x1BE00] =	vst v63  }
0x390: {  	s17 =	simm.s32 $0x18E00  }
0x391: {  	[tilespmem:s17], [sflag:$0x1] =	stream.linear.gather [spmem:s31], $0x80, $0x38;
	[tilespmem:$0x1BE00] =	vst v63  }
0x392: {  	s18 =	simm.s32 $0x19200  }
0x393: {  	[tilespmem:s18], [sflag:$0x1] =	stream.linear.gather [spmem:s0], $0x80, $0x38;
	[tilespmem:$0x1BE00] =	vst v63  }
0x394: {  	_ =	swait.ge [sflag:s10], $0x280  }
0x395: {  	[sflag:s10] =	ssyncset.done $0x0  }
0x396: {  	s21 =	simm.s32 $0x18280;
	s19 =	rddreg [dreg:$0x19];
	[sflag:s10] =	ssyncadd.s32 $0xFFFFFD80  }
0x397: {  	[tilespmem:s21], [sflag:$0x1] =	stream.linear.gather [spmem:s19], $0x80, $0x38;
	[tilespmem:$0x1BE00] =	vst v63  }
0x398: {  	s22 =	simm.s32 $0x18680  }
0x399: {  	[tilespmem:s22], [sflag:$0x1] =	stream.linear.gather [spmem:s1], $0x80, $0x38;
	[tilespmem:$0x1BE00] =	vst v63  }
0x39a: {  	s14 =	simm.s32 $0x18A80  }
0x39b: {  	[tilespmem:s14], [sflag:$0x1] =	stream.linear.gather [spmem:s3], $0x80, $0x38;
	[tilespmem:$0x1BE00] =	vst v63  }
0x39c: {  	s15 =	simm.s32 $0x18E80  }
0x39d: {  	[tilespmem:s15], [sflag:$0x1] =	stream.linear.gather [spmem:s4], $0x80, $0x38;
	[tilespmem:$0x1BE00] =	vst v63  }
0x39e: {  	s16 =	simm.s32 $0x19280;
	s17 =	simm.s32 $0x0  }
0x39f: {  	[tilespmem:s16], [sflag:$0x1] =	stream.linear.gather [spmem:s7], $0x80, $0x38;
	[tilespmem:$0x1BE00] =	vst v63  }
0x3a0: {  	s13 =	sand.u32 $0x1C00, s17;
	s18 =	sand.u32 $0x70, s17;
	_ =	swait.ge [sflag:s10], $0x280  }
0x3a1: {  	s13 =	sor.u32 s18, s13;
	[sflag:s10] =	ssyncset.done $0x0  }
0x3a2: {  	s14 =	sadd.s32 $0x16B00, s13;
	[sflag:s10] =	ssyncadd.s32 $0xFFFFFD80  }
0x3a3: {  	v13 =	vld [tilespmem:s14+$0x80]  }
0x3a4: {  	v14 =	vld [tilespmem:s13+$0x16B00];
	_ =	sdelay $0x1  }
0x3a5: {  	v15 =	vld [tilespmem:s14+$0x100];
	_ =	sdelay $0x1  }
0x3a6: {  	v59 =	vld [tilespmem:s14+$0x180]  }
0x3a7: {  	v13 =	vadd.f32 v13, v14  }
0x3a8: {  	v14 =	vld [tilespmem:s14+$0x200]  }
0x3a9: {  	v13 =	vadd.f32 v15, v13  }
0x3aa: {  	v15 =	vld [tilespmem:s14+$0x280]  }
0x3ab: {  	v13 =	vadd.f32 v59, v13  }
0x3ac: {  	v60 =	vld [tilespmem:s14+$0x300]  }
0x3ad: {  	v13 =	vadd.f32 v14, v13  }
0x3ae: {  	v14 =	vld [tilespmem:s14+$0x380]  }
0x3af: {  	v13 =	vadd.f32 v15, v13  }
0x3b0: {  	v15 =	vld [tilespmem:s13+$0x17F00]  }
0x3b1: {  	v13 =	vadd.f32 v60, v13  }
0x3b2: {  	v61 =	vld [tilespmem:s13+$0x17F80]  }
0x3b3: {  	v13 =	vadd.f32 v14, v13  }
0x3b4: {  	v14 =	vld [tilespmem:s13+$0x18000]  }
0x3b5: {  	v13 =	vadd.f32 v15, v13  }
0x3b6: {  	v15 =	vld [tilespmem:s13+$0x18080]  }
0x3b7: {  	v13 =	vadd.f32 v61, v13  }
0x3b8: {  	v62 =	vld [tilespmem:s13+$0x18100]  }
0x3b9: {  	v13 =	vadd.f32 v14, v13  }
0x3ba: {  	v14 =	vld [tilespmem:s13+$0x18180]  }
0x3bb: {  	v13 =	vadd.f32 v15, v13  }
0x3bc: {  	v15 =	vld [tilespmem:s13+$0x18200]  }
0x3bd: {  	v13 =	vadd.f32 v62, v13  }
0x3be: {  	v63 =	vld [tilespmem:s13+$0x18280]  }
0x3bf: {  	v13 =	vadd.f32 v14, v13;
	_ =	sdelay $0x1  }
0x3c0: {  	v13 =	vadd.f32 v15, v13  }
0x3c1: {  	s19 =	simm.s32 $0x10;
	s15 =	simm.s32 $0x80  }
0x3c2: {  	s21 =	sand.u32 $0x70, s19;
	s22 =	sand.u32 $0x1C00, s15;
	v13 =	vadd.f32 v63, v13  }
0x3c3: {  	s16 =	simm.s32 $0x20;
	s14 =	sor.u32 s21, s22;
	s13 =	simm.s32 $0x19300  }
.LBB2_30:
0x3c4: {  	p0 =	sne.s32 s16, $0x270;
	s17 =	sadd.s32 $0x16B00, s14;
	[tilespmem:s13+$0x0] =	vst v13  }
0x3c5: {  	v13 =	vld [tilespmem:s17+$0x80]  }
0x3c6: {  	v14 =	vld [tilespmem:s14+$0x16B00];
	_ =	sdelay $0x1  }
0x3c7: {  	v15 =	vld [tilespmem:s17+$0x100];
	_ =	sdelay $0x1  }
0x3c8: {  	v16 =	vld [tilespmem:s17+$0x180]  }
0x3c9: {  	v13 =	vadd.f32 v13, v14  }
0x3ca: {  	v14 =	vld [tilespmem:s17+$0x200]  }
0x3cb: {  	v13 =	vadd.f32 v15, v13  }
0x3cc: {  	v15 =	vld [tilespmem:s17+$0x280]  }
0x3cd: {  	v13 =	vadd.f32 v16, v13  }
0x3ce: {  	v16 =	vld [tilespmem:s17+$0x300]  }
0x3cf: {  	v13 =	vadd.f32 v14, v13  }
0x3d0: {  	v14 =	vld [tilespmem:s17+$0x380]  }
0x3d1: {  	v13 =	vadd.f32 v15, v13  }
0x3d2: {  	v15 =	vld [tilespmem:s14+$0x17F00]  }
0x3d3: {  	v13 =	vadd.f32 v16, v13  }
0x3d4: {  	v16 =	vld [tilespmem:s14+$0x17F80]  }
0x3d5: {  	v13 =	vadd.f32 v14, v13  }
0x3d6: {  	v14 =	vld [tilespmem:s14+$0x18000]  }
0x3d7: {  	v13 =	vadd.f32 v15, v13  }
0x3d8: {  	v15 =	vld [tilespmem:s14+$0x18080]  }
0x3d9: {  	v13 =	vadd.f32 v16, v13  }
0x3da: {  	v16 =	vld [tilespmem:s14+$0x18100]  }
0x3db: {  	v13 =	vadd.f32 v14, v13  }
0x3dc: {  	v14 =	vld [tilespmem:s14+$0x18180]  }
0x3dd: {  	v13 =	vadd.f32 v15, v13  }
0x3de: {  	v15 =	vld [tilespmem:s14+$0x18200]  }
0x3df: {  	v13 =	vadd.f32 v16, v13  }
0x3e0: {  	v16 =	vld [tilespmem:s14+$0x18280]  }
0x3e1: {  	v13 =	vadd.f32 v14, v13  }
.Ltmp16:
0x3e2: {  	(pc) =	sbr.rel @p0 .LBB2_30-.Ltmp16, $4  }
0x3e3: {  	v13 =	vadd.f32 v15, v13  }
0x3e4: {  	s15 =	sadd.s32 $0x80, s15  }
0x3e5: {  	s17 =	sand.u32 $0x1C00, s15;
	s14 =	sand.u32 $0x70, s16;
	v13 =	vadd.f32 v16, v13  }
0x3e6: {  	s13 =	sadd.s32 $0x10, s13;
	s16 =	sadd.s32 $0x10, s16;
	s14 =	sor.u32 s14, s17  }
0x3e7: {  	s15 =	sadd.s32 $0x16B00, s14;
	[tilespmem:s13+$0x0] =	vst v13  }
0x3e8: {  	v13 =	vld [tilespmem:s15+$0x80]  }
0x3e9: {  	v14 =	vld [tilespmem:s14+$0x16B00];
	_ =	sdelay $0x1  }
0x3ea: {  	v15 =	vld [tilespmem:s15+$0x100];
	_ =	sdelay $0x1  }
0x3eb: {  	v16 =	vld [tilespmem:s15+$0x180]  }
0x3ec: {  	v13 =	vadd.f32 v13, v14  }
0x3ed: {  	v14 =	vld [tilespmem:s15+$0x200]  }
0x3ee: {  	v13 =	vadd.f32 v15, v13  }
0x3ef: {  	v15 =	vld [tilespmem:s15+$0x280]  }
0x3f0: {  	v13 =	vadd.f32 v16, v13  }
0x3f1: {  	v60 =	vld [tilespmem:s15+$0x300]  }
0x3f2: {  	v13 =	vadd.f32 v14, v13  }
0x3f3: {  	v14 =	vld [tilespmem:s15+$0x380]  }
0x3f4: {  	v13 =	vadd.f32 v15, v13  }
0x3f5: {  	v15 =	vld [tilespmem:s14+$0x17F00]  }
0x3f6: {  	v13 =	vadd.f32 v60, v13  }
0x3f7: {  	v61 =	vld [tilespmem:s14+$0x17F80]  }
0x3f8: {  	v13 =	vadd.f32 v14, v13  }
0x3f9: {  	v14 =	vld [tilespmem:s14+$0x18000]  }
0x3fa: {  	v13 =	vadd.f32 v15, v13  }
0x3fb: {  	v15 =	vld [tilespmem:s14+$0x18080]  }
0x3fc: {  	v13 =	vadd.f32 v61, v13  }
0x3fd: {  	v62 =	vld [tilespmem:s14+$0x18100]  }
0x3fe: {  	v13 =	vadd.f32 v14, v13  }
0x3ff: {  	v14 =	vld [tilespmem:s14+$0x18180]  }
0x400: {  	v13 =	vadd.f32 v15, v13  }
0x401: {  	v15 =	vld [tilespmem:s14+$0x18200]  }
0x402: {  	v13 =	vadd.f32 v62, v13  }
0x403: {  	v63 =	vld [tilespmem:s14+$0x18280]  }
0x404: {  	v13 =	vadd.f32 v14, v13;
	_ =	sdelay $0x1  }
0x405: {  	v13 =	vadd.f32 v15, v13;
	_ =	sdelay $0x1  }
0x406: {  	v13 =	vadd.f32 v63, v13  }
0x407: {  	s17 =	sadd.s32 $0x10, s13  }
0x408: {  	s18 =	rddreg [dreg:$0x12];
	s19 =	simm.s32 $0x100;
	s21 =	simm.s32 $0x19300;
	[tilespmem:s17+$0x0] =	vst v13  }
0x409: {  	[hbm4b:s18+s8] =	stream.strided.scatter [tilespmem:s21], [sflag:$0x1], $0x280, s19, s8, $0x38;
	[tilespmem:$0x1BE00] =	vst v63  }
0x40a: {  	_ =	swait.ge [sflag:s10], $0x280  }
0x40b: {  	[sflag:s10] =	ssyncset.done $0x0  }
0x40c: {  	s22 =	simm.s32 $0x0;
	[sflag:s10] =	ssyncadd.s32 $0xFFFFFD80  }
0x40d: {  	v13 =	vld [tilespmem:s22+$0x5180];
	_ =	sdelay $0x4  }
0x40e: {  	v14 =	vadd.s32 v0, v13  }
0x40f: {  	vm1 =	vlt.s32 v13, $0x2710;
	vm0 =	vlt.u32 v14, $0x1400  }
0x410: {  	vm0 =	vmand vm1, vm0  }
0x411: {  	v13 =	vsel vm0, $0x1, v4  }
0x412: {  	(xrf0) =	vadd.scan.msk.s32 $0xffff, v13;
	_ =	sdelay $0x2  }
0x413: {  	v13 =	vld [tilespmem:s22+$0x0];
	_ =	sdelay $0x1  }
0x414: {  	s13 =	simm.s32 $0x0  }
0x415: {  	[tilespmem:s13+$0x5180] =	vst.msk vm0, v14;
	v14, _, _ =	vpop (xrf0)  }
0x416: {  	(v2sf) =	vpush v14, $0xF  }
0x417: {  	s15 =	simm.s32 $0x10;
	s14 =	simm.s32 $0x80;
	[tilespmem:s13+$0x0] =	vst.msk vm0, v13  }
.LBB2_32:
0x418: {  	p0 =	sne.s32 s14, $0x13FC0;
	v13 =	vld [tilespmem:s15+$0x5180];
	_ =	sdelay $0x4  }
0x419: {  	v14 =	vadd.s32 v0, v13  }
0x41a: {  	vm1 =	vlt.s32 v13, $0x2710;
	vm0 =	vlt.u32 v14, $0x1400  }
0x41b: {  	vm0 =	vmand vm1, vm0  }
0x41c: {  	v13 =	vsel vm0, $0x1, v4  }
0x41d: {  	(xrf0) =	vadd.scan.msk.s32 $0xffff, v13;
	_ =	sdelay $0x1  }
0x41e: {  	v13 =	vld [tilespmem:s15+$0x0];
	_ =	sdelay $0x1  }
.Ltmp17:
0x41f: {  	s15 =	spop (v2sf);
	(pc) =	sbr.rel @p0 .LBB2_32-.Ltmp17, $4  }
0x420: {  	s13 =	sadd.s32 s13, s15  }
0x421: {  	[tilespmem:s13+$0x5180] =	vst.msk vm0, v14;
	v14, _, _ =	vpop (xrf0)  }
0x422: {  	[tilespmem:s13+$0x0] =	vst.msk vm0, v13;
	(v2sf) =	vpush v14, $0xF  }
0x423: {  	s15 =	sshra.s32 s14, $0x2;
	s14 =	sadd.s32 $0x40, s14  }
0x424: {  	v13 =	vld [tilespmem:s15+$0x5180];
	_ =	sdelay $0x4  }
0x425: {  	v14 =	vadd.s32 v0, v13  }
0x426: {  	vm1 =	vlt.s32 v13, $0x2710;
	vm0 =	vlt.u32 v14, $0x1400  }
0x427: {  	vm0 =	vmand vm1, vm0  }
0x428: {  	v13 =	vsel vm0, $0x1, v4  }
0x429: {  	(xrf0) =	vadd.scan.msk.s32 $0xffff, v13;
	_ =	sdelay $0x5  }
0x42a: {  	v13, _, _ =	vpop (xrf0)  }
0x42b: {  	(v2sf) =	vpush v13, $0xF;
	_ =	sdelay $0xa  }
0x42c: {  	v13 =	vld [tilespmem:s15+$0x0];
	_ =	sdelay $0x1  }
0x42d: {  	s14 =	spop (v2sf)  }
0x42e: {  	s13 =	sadd.s32 s13, s14  }
0x42f: {  	[tilespmem:s13+$0x5180] =	vst.msk vm0, v14;
	s18 =	spop (v2sf)  }
0x430: {  	[tilespmem:s13+$0x0] =	vst.msk vm0, v13;
	s13 =	sadd.s32 s13, s18  }
0x431: {  	[tilespmem:s13+$0x5180] =	vst v5  }
0x432: {  	[tilespmem:s13+$0x0] =	vst v4  }
0x433: {  	[tilespmem:s13+$0x5190] =	vst v6  }
0x434: {  	[tilespmem:s13+$0x10] =	vst v4  }
0x435: {  	[tilespmem:s13+$0x51A0] =	vst v7  }
0x436: {  	[tilespmem:s13+$0x20] =	vst v4  }
0x437: {  	[tilespmem:s13+$0x51B0] =	vst v8  }
0x438: {  	[tilespmem:s13+$0x30] =	vst v4  }
0x439: {  	[tilespmem:s13+$0x51C0] =	vst v9  }
0x43a: {  	[tilespmem:s13+$0x40] =	vst v4  }
0x43b: {  	[tilespmem:s13+$0x51D0] =	vst v10  }
0x43c: {  	[tilespmem:s13+$0x50] =	vst v4  }
0x43d: {  	[tilespmem:s13+$0x51E0] =	vst v11  }
0x43e: {  	[tilespmem:s13+$0x60] =	vst v4  }
0x43f: {  	[tilespmem:s13+$0x51F0] =	vst v12  }
0x440: {  	[tilespmem:s13+$0x70] =	vst v4  }
0x441: {  	[tilespmem:s13+$0x5200] =	vst v5  }
0x442: {  	[tilespmem:s13+$0x80] =	vst v4  }
0x443: {  	[tilespmem:s13+$0x5210] =	vst v6  }
0x444: {  	[tilespmem:s13+$0x90] =	vst v4  }
0x445: {  	[tilespmem:s13+$0x5220] =	vst v7  }
0x446: {  	[tilespmem:s13+$0xA0] =	vst v4  }
0x447: {  	[tilespmem:s13+$0x5230] =	vst v8  }
0x448: {  	[tilespmem:s13+$0xB0] =	vst v4  }
0x449: {  	[tilespmem:s13+$0x5240] =	vst v9  }
0x44a: {  	[tilespmem:s13+$0xC0] =	vst v4  }
0x44b: {  	[tilespmem:s13+$0x5250] =	vst v10  }
0x44c: {  	[tilespmem:s13+$0xD0] =	vst v4  }
0x44d: {  	[tilespmem:s13+$0x5260] =	vst v11  }
0x44e: {  	[tilespmem:s13+$0xE0] =	vst v4  }
0x44f: {  	[tilespmem:s13+$0x5270] =	vst v12  }
0x450: {  	[tilespmem:s13+$0xF0] =	vst v4  }
0x451: {  	s16 =	rddreg [dreg:$0x13];
	s14 =	sadd.s32 $0x7F, s13;
	[tilespmem:s13+$0x5280] =	vst v5  }
0x452: {  	[tilespmem:s13+$0x100] =	vst v4;
	s19 =	sand.u32 $0x7F, s14;
	s21 =	sshra.s32 s14, $0x1F;
	p1 =	slt.s32 s14, $0x1  }
0x453: {  	[hbm4b:s16+s8] =	stream.strided.scatter [tilespmem:s2], [sflag:$0x1], $0x5180, s9, s8, $0x38;
	[tilespmem:$0x1BE00] =	vst v63  }
0x454: {  	p0 =	sne.s32 s19, $0x0;
	s15 =	sshrl.u32 s21, $0x19;
	_ =	swait.ge [sflag:s10], $0x5180  }
0x455: {  	p0 =	por !p1, !p0;
	s14 =	sadd.s32 s15, s14;
	s15 =	simm.s32 $0x1  }
0x456: {  	[sflag:s10] =	ssyncset.done $0x0;
	s18 =	rddreg [dreg:$0x14];
	p0 =	por !p0, !p0  }
0x457: {  	s22 =	sshra.s32 s14, $0x7;
	[sflag:s10] =	ssyncadd.s32 $0xFFFFAE80;
	s15 =	simm.s32 @!p0 $0x0  }
0x458: {  	[hbm4b:s18+s8] =	stream.strided.scatter [tilespmem:s20], [sflag:$0x1], $0x5180, s9, s8, $0x38;
	[tilespmem:$0x1BE00] =	vst v63  }
0x459: {  	s13 =	ssub.s32 s22, s15  }
0x45a: {  	s17 =	sand.u32 $0x1, s13  }
0x45b: {  	s13 =	sadd.s32 s13, s17  }
0x45c: {  	_ =	swait.ge [sflag:s10], $0x5180;
	p0 =	sgt.s32 s13, $0x2  }
0x45d: {  	[sflag:s10] =	ssyncset.done $0x0;
	s13 =	simm.s32 @!p0 $0x2  }
0x45e: {  	[sflag:s10] =	ssyncadd.s32 $0xFFFFAE80;
	v13 =	vmov s13  }
0x45f: {  	s21 =	simm.s32 $0x19580;
	s19 =	rddreg [dreg:$0x15];
	[tilespmem:$0x19580] =	vst v13  }
0x460: {  	[hbm4b:s19+s2] =	stream.linear.scatter [tilespmem:s21], [sflag:$0x1], $0x80, $0x38;
	[tilespmem:$0x1BE00] =	vst v63  }
0x461: {  	_ =	swait.ge [sflag:s10], $0x80  }
0x462: {  	s12 =	sadd.s32 $0x1, s12;
	s22 =	rddreg [dreg:$0x16]  }
0x463: {  	p0 =	sne.s32 s12, s22  }
.Ltmp18:
0x464: {  	_ = 	snop;
	(pc) =	sbr.rel @p0 .LBB2_1-.Ltmp18, $4  }
.Ltmp19:
0x465: {  	_ = 	snop;
	(pc) =	sbr.rel @!p0 .LBB2_34-.Ltmp19, $4  }
0x466: {  	_ = 	snop  }
0x467: {  	[sflag:s10] =	ssyncset.done $0x0  }
0x468: {  	[sflag:s10] =	ssyncadd.s32 $0xFFFFFF80  }
0x469: {  	_ = 	snop  }
.LBB2_10:
.Ltmp20:
0x46a: {  	(pc) =	sbr.rel .LBB2_15-.Ltmp20, $2  }
0x46b: {  	_ =	sdelay $0x2  }
0x46c: {  	_ = 	snop  }
.LBB2_12:
.Ltmp21:
0x46d: {  	(pc) =	sbr.rel .LBB2_15-.Ltmp21, $2  }
0x46e: {  	_ =	sdelay $0x2  }
0x46f: {  	s14 =	simm.s32 $0x10  }
.LBB2_34:
0x470: {  	_ =	sfence.sel $0x180000  }
0x471: {  	[bflag:$0x0] =	sbarrier.arrive $0xFFFF  }
0x472: {  	_ =	strace $0x90000047  }
0x473: {  	s0 =	stileid.u32;
	[bflag:$0x2] =	sbarrier.arrive $0xFFFF  }
0x474: {  	p0 =	sne.s32 s0, $0x0;
	s0 =	rddreg [dreg:$0x2]  }
0x475: {  	s0 =	sadd.s32 @!p0 $0x100000, s0  }
0x476: {  	[sflag:s0] =	ssyncadd.tile.s32 @!p0 $0x1;
	_ =	shalt  }
.Lfunc_end2:
_tile_overlayer_lowered:
.L_overlay_start_2:
0x477: {  	(tag) =	ssettag $0x2  }
0x478: {  	s0 =	rddreg [dreg:$0x0];
	s2 =	stileid.u32  }
0x479: {  	s1 =	rddreg [dreg:$0x1];
	p0 =	sne.s32 s2, $0x0  }
0x47a: {  	s3 =	rddreg [dreg:$0x2];
	[bflag:$0x3] =	sbarrier.arrive $0xFFFF;
	s2 =	simm.s32 @!p0 $0x1C01  }
0x47b: {  	[timem:s3], [sflag:s2] =	dma.local @!p0 [hbm:s0], s1  }
0x47c: {  	s0 =	simm.s32 @!p0 $0x1  }
0x47d: {  	_ =	swait.ge @!p0 [sflag:s0], s1  }
0x47e: {  	s1 =	ssub.s32 @!p0 $0x0, s1;
	[sflag:s0] =	ssyncset.done @!p0 $0x0  }
0x47f: {  	[sflag:s0] =	ssyncadd.s32 @!p0 s1  }
0x480: {  	[bflag:$0x3] =	sbarrier.arrive $0xFFFF  }
0x481: {  	_ =	shalt  }

</sc_bundles>
